<compile_context>
chip_gen: v7x
topology: tpu7x:2x2x1
jax: 0.10.2.dev20260603
libtpu: 0.0.44.dev20260713+nightly
codegen_flags: <defaults>
</compile_context>

<pallas_src>
import functools

import jax
import jax.numpy as jnp
from jax import lax
from jax.experimental import pallas as pl
from jax.experimental.pallas import tpu as pltpu
from jax.experimental.pallas import tpu_sc as plsc

B = 4
T = 8192
D = 1024
NC = 2
NS = 16
NW = NC * NS
PPW = T // NW
C = 8
CH = PPW // C
LANES = 16

_mesh = plsc.VectorSubcoreMesh(core_axis_name="c", subcore_axis_name="s")


@functools.partial(
    pl.kernel,
    out_type=jax.ShapeDtypeStruct((B * T, D), jnp.float32),
    mesh=_mesh,
    scratch_types=[
        pltpu.VMEM((B, CH, C), jnp.int32),
        pltpu.VMEM((2, C, D), jnp.float32),
        pltpu.VMEM((8, C, D), jnp.float32),
        pltpu.VMEM_SHARED((NS, B, C, D), jnp.float32),
        pltpu.SemaphoreType.DMA((8,)),
        pltpu.SemaphoreType.DMA((8,)),
        pltpu.SemaphoreType.DMA((B,)),
        pltpu.SemaphoreType.DMA((2,)),
    ],
)
def _embed(idx_hbm, tok_hbm, pos_hbm, out_hbm, idx_v, pos_v, tok_v, spm,
           sem_g, sem_ts, sem_w, sem_p):
    sid = lax.axis_index("s")
    wid = sid * NC + lax.axis_index("c")
    p0 = wid * PPW

    pltpu.async_copy(pos_hbm.at[pl.ds(p0, C), :], pos_v.at[0], sem_p.at[0])
    for b in range(B):
        pltpu.async_copy(idx_hbm.at[b, wid], idx_v.at[b], sem_ts.at[b])
    for b in range(B):
        pltpu.make_async_copy(idx_hbm.at[b, wid], idx_v.at[b],
                              sem_ts.at[b]).wait()
    for i in (0, 1):
        for b in range(B):
            buf = i * 4 + b
            pltpu.async_copy(tok_hbm.at[idx_v.at[b, i]], tok_v.at[buf],
                             sem_g.at[buf])

    def second_stage(pbuf, slot, row0):
        pltpu.make_async_copy(tok_v.at[pbuf], spm.at[sid, slot],
                              sem_ts.at[pbuf]).wait()
        pltpu.async_copy(spm.at[sid, slot], out_hbm.at[pl.ds(row0, C), :],
                         sem_w.at[slot])

    def drain_write(slot):
        pltpu.make_async_copy(spm.at[sid, slot], out_hbm.at[pl.ds(0, C), :],
                              sem_w.at[slot]).wait()

    def pair_body(ii, _):
        for parity in (0, 1):
            i = 2 * ii + parity
            pltpu.make_async_copy(pos_hbm.at[pl.ds(p0 + i * C, C), :],
                                  pos_v.at[parity], sem_p.at[parity]).wait()

            @pl.when(i <= CH - 2)
            def _():
                pltpu.async_copy(
                    pos_hbm.at[pl.ds(p0 + (i + 1) * C, C), :],
                    pos_v.at[1 - parity], sem_p.at[1 - parity])

            for b in range(B):
                buf = parity * 4 + b
                qbuf = (1 - parity) * 4 + b

                @pl.when(jnp.logical_and(i >= 1, i <= CH - 2))
                def _():
                    pltpu.async_copy(tok_hbm.at[idx_v.at[b, i + 1]],
                                     tok_v.at[qbuf], sem_g.at[qbuf])

                pltpu.make_async_copy(tok_hbm.at[idx_v.at[b, i]],
                                      tok_v.at[buf], sem_g.at[buf]).wait()

                @plsc.parallel_loop(0, D // LANES, unroll=2)
                def _(j):
                    sl = pl.ds(j * LANES, LANES)
                    for r in range(C):
                        plsc.addupdate(tok_v.at[buf, r, sl],
                                       pos_v[parity, r, sl])

                @pl.when(i >= 1)
                def _():
                    drain_write(b)

                pltpu.async_copy(tok_v.at[buf], spm.at[sid, b],
                                 sem_ts.at[buf])

                if b >= 1:
                    second_stage(parity * 4 + b - 1, b - 1,
                                 (b - 1) * T + p0 + i * C)
                else:
                    @pl.when(i >= 1)
                    def _():
                        second_stage((1 - parity) * 4 + 3, 3,
                                     3 * T + p0 + (i - 1) * C)
        return 0

    lax.fori_loop(0, CH // 2, pair_body, 0)

    second_stage(4 + 3, 3, 3 * T + p0 + (CH - 1) * C)
    for slot in range(B):
        drain_write(slot)


def kernel(input_ids, token_table, pos_table):
    ids = input_ids.astype(jnp.int32).reshape(B, NW, CH, C)
    out = _embed(ids, token_table, pos_table)
    return out.reshape(B, T, D)

# --- scband reference (transcript-rebuilt; emitter-appended) ---
"""Pipeline reference for scband-token-and-positional-embedding-45483703665076 (READ-ONLY COPY).

The authoritative reference and input builder live on the scoring server;
editing this copy changes nothing except your own understanding.
"""

import jax, jax.numpy as jnp
import numpy as np

VOCAB = 100000
D_MODEL = 1024
MAX_SEQ = 8192
BATCH = 4
SEQ = 8192


def setup_inputs(seed: int = 0) -> dict:
    key = jax.random.key(seed)
    k_ids, k_tok, k_pos = jax.random.split(key, 3)
    input_ids = jax.random.randint(k_ids, (BATCH, SEQ), 0, VOCAB, dtype=jnp.int64 if jax.config.jax_enable_x64 else jnp.int32)
    token_table = jax.random.normal(k_tok, (VOCAB, D_MODEL), dtype=jnp.float32) * 0.02
    pos_table = jax.random.normal(k_pos, (MAX_SEQ, D_MODEL), dtype=jnp.float32) * 0.02
    return {"input_ids": input_ids, "token_table": token_table, "pos_table": pos_table}


def reference(input_ids, token_table, pos_table):
    seq_len = input_ids.shape[1]
    positions = jnp.arange(seq_len)
    token_embeddings = jnp.take(token_table, input_ids, axis=0)  # [B, T, D]
    position_embeddings = jnp.take(pos_table, positions, axis=0)[None, :, :]  # [1, T, D]
    return token_embeddings + position_embeddings

if __name__ == "__main__":
    import jax
    _d = setup_inputs()
    print(jax.jit(kernel)(*tuple(_d.values())))

</pallas_src>

<mosaic_0001>
#map = affine_map<(d0, d1) -> (0, 0, 0, 0)>
#map1 = affine_map<(d0, d1) -> (0, 0)>
module attributes {stable_mosaic.version = 14 : i64} {
  func.func @_embed(%arg0: i32, %arg1: i32, %arg2: memref<4x32x32x8xi32, #tpu.memory_space<hbm>>, %arg3: memref<100000x1024xf32, #tpu.memory_space<hbm>>, %arg4: memref<8192x1024xf32, #tpu.memory_space<hbm>>, %arg5: memref<32768x1024xf32, #tpu.memory_space<hbm>>, %arg6: memref<4x32x8xi32, #tpu.memory_space<vmem>>, %arg7: memref<2x8x1024xf32, #tpu.memory_space<vmem>>, %arg8: memref<8x8x1024xf32, #tpu.memory_space<vmem>>, %arg9: memref<16x4x8x1024xf32, #tpu.memory_space<vmem_shared>>, %arg10: memref<8x!tpu.dma_semaphore, #tpu.memory_space<semaphore_mem>>, %arg11: memref<8x!tpu.dma_semaphore, #tpu.memory_space<semaphore_mem>>, %arg12: memref<4x!tpu.dma_semaphore, #tpu.memory_space<semaphore_mem>>, %arg13: memref<2x!tpu.dma_semaphore, #tpu.memory_space<semaphore_mem>>) attributes {dimension_semantics = [#tpu.dimension_semantics<core_parallel>, #tpu.dimension_semantics<subcore_parallel>], iteration_bounds = array<i64: 2, 16>, scalar_prefetch = 0 : i64, scratch_operands = 8 : i64, tpu.core_type = #tpu.core_type<sc_vector_subcore>, window_params = [{transform_indices = #map}, {transform_indices = #map1}, {transform_indices = #map1}, {transform_indices = #map1}]} {
    %mul3A = arith.constant 2 : i32
    %mul3A_0 = arith.muli %arg1, %mul3A : i32
    %add3A = arith.addi %mul3A_0, %arg0 : i32
    %mul3A_1 = arith.constant 256 : i32
    %mul3A_2 = arith.muli %add3A, %mul3A_1 : i32
    %dma_start3A = arith.constant 0 : i32
    %dma_start3A_3 = arith.constant 0 : i32
    %dma_start3A_4 = arith.constant 0 : i32
    %dma_start3A_5 = arith.constant 0 : i32
    %dma_start3A_6 = tpu.memref_slice %arg7[%dma_start3A, %dma_start3A_4, %dma_start3A_5] : memref<2x8x1024xf32, #tpu.memory_space<vmem>> -> memref<1x8x1024xf32, #tpu.memory_space<vmem>>
    %dma_start3A_7 = tpu.memref_squeeze %dma_start3A_6 : memref<1x8x1024xf32, #tpu.memory_space<vmem>> -> memref<8x1024xf32, #tpu.memory_space<vmem>>
    %dma_start3A_8 = arith.constant 0 : i32
    %dma_start3A_9 = tpu.memref_slice %arg4[%mul3A_2, %dma_start3A_8] : memref<8192x1024xf32, #tpu.memory_space<hbm>> -> memref<8x1024xf32, #tpu.memory_space<hbm>>
    %dma_start3A_10 = tpu.memref_slice %arg13[%dma_start3A_3] : memref<2x!tpu.dma_semaphore, #tpu.memory_space<semaphore_mem>> -> memref<1x!tpu.dma_semaphore, #tpu.memory_space<semaphore_mem>>
    %dma_start3A_11 = tpu.memref_squeeze %dma_start3A_10 : memref<1x!tpu.dma_semaphore, #tpu.memory_space<semaphore_mem>> -> memref<!tpu.dma_semaphore, #tpu.memory_space<semaphore_mem>>
    %dma_start3A_12 = arith.constant 0 : i32
    %dma_start3A_13 = arith.constant 0 : i32
    %dma_start3A_14 = tpu.memref_slice %arg7[%dma_start3A, %dma_start3A_12, %dma_start3A_13] : memref<2x8x1024xf32, #tpu.memory_space<vmem>> -> memref<1x8x1024xf32, #tpu.memory_space<vmem>>
    %dma_start3A_15 = tpu.memref_squeeze %dma_start3A_14 : memref<1x8x1024xf32, #tpu.memory_space<vmem>> -> memref<8x1024xf32, #tpu.memory_space<vmem>>
    %dma_start3A_16 = arith.constant 0 : i32
    %dma_start3A_17 = tpu.memref_slice %arg4[%mul3A_2, %dma_start3A_16] : memref<8192x1024xf32, #tpu.memory_space<hbm>> -> memref<8x1024xf32, #tpu.memory_space<hbm>>
    tpu.enqueue_dma source(%dma_start3A_17 : memref<8x1024xf32, #tpu.memory_space<hbm>>) target(%dma_start3A_15 : memref<8x1024xf32, #tpu.memory_space<vmem>>) target_semaphore(%dma_start3A_11 : memref<!tpu.dma_semaphore, #tpu.memory_space<semaphore_mem>>)
    %dma_start3A_18 = arith.constant 0 : i32
    %dma_start3A_19 = arith.constant 0 : i32
    %dma_start3A_20 = arith.constant 0 : i32
    %dma_start3A_21 = arith.constant 0 : i32
    %dma_start3A_22 = arith.constant 0 : i32
    %dma_start3A_23 = tpu.memref_slice %arg6[%dma_start3A_19, %dma_start3A_21, %dma_start3A_22] : memref<4x32x8xi32, #tpu.memory_space<vmem>> -> memref<1x32x8xi32, #tpu.memory_space<vmem>>
    %dma_start3A_24 = tpu.memref_squeeze %dma_start3A_23 : memref<1x32x8xi32, #tpu.memory_space<vmem>> -> memref<32x8xi32, #tpu.memory_space<vmem>>
    %dma_start3A_25 = arith.constant 0 : i32
    %dma_start3A_26 = arith.constant 0 : i32
    %dma_start3A_27 = tpu.memref_slice %arg2[%dma_start3A_18, %add3A, %dma_start3A_25, %dma_start3A_26] : memref<4x32x32x8xi32, #tpu.memory_space<hbm>> -> memref<1x1x32x8xi32, #tpu.memory_space<hbm>>
    %dma_start3A_28 = tpu.memref_squeeze %dma_start3A_27 : memref<1x1x32x8xi32, #tpu.memory_space<hbm>> -> memref<32x8xi32, #tpu.memory_space<hbm>>
    %dma_start3A_29 = tpu.memref_slice %arg11[%dma_start3A_20] : memref<8x!tpu.dma_semaphore, #tpu.memory_space<semaphore_mem>> -> memref<1x!tpu.dma_semaphore, #tpu.memory_space<semaphore_mem>>
    %dma_start3A_30 = tpu.memref_squeeze %dma_start3A_29 : memref<1x!tpu.dma_semaphore, #tpu.memory_space<semaphore_mem>> -> memref<!tpu.dma_semaphore, #tpu.memory_space<semaphore_mem>>
    %dma_start3A_31 = arith.constant 0 : i32
    %dma_start3A_32 = arith.constant 0 : i32
    %dma_start3A_33 = tpu.memref_slice %arg6[%dma_start3A_19, %dma_start3A_31, %dma_start3A_32] : memref<4x32x8xi32, #tpu.memory_space<vmem>> -> memref<1x32x8xi32, #tpu.memory_space<vmem>>
    %dma_start3A_34 = tpu.memref_squeeze %dma_start3A_33 : memref<1x32x8xi32, #tpu.memory_space<vmem>> -> memref<32x8xi32, #tpu.memory_space<vmem>>
    %dma_start3A_35 = arith.constant 0 : i32
    %dma_start3A_36 = arith.constant 0 : i32
    %dma_start3A_37 = tpu.memref_slice %arg2[%dma_start3A_18, %add3A, %dma_start3A_35, %dma_start3A_36] : memref<4x32x32x8xi32, #tpu.memory_space<hbm>> -> memref<1x1x32x8xi32, #tpu.memory_space<hbm>>
    %dma_start3A_38 = tpu.memref_squeeze %dma_start3A_37 : memref<1x1x32x8xi32, #tpu.memory_space<hbm>> -> memref<32x8xi32, #tpu.memory_space<hbm>>
    tpu.enqueue_dma source(%dma_start3A_38 : memref<32x8xi32, #tpu.memory_space<hbm>>) target(%dma_start3A_34 : memref<32x8xi32, #tpu.memory_space<vmem>>) target_semaphore(%dma_start3A_30 : memref<!tpu.dma_semaphore, #tpu.memory_space<semaphore_mem>>)
    %dma_start3A_39 = arith.constant 1 : i32
    %dma_start3A_40 = arith.constant 1 : i32
    %dma_start3A_41 = arith.constant 1 : i32
    %dma_start3A_42 = arith.constant 0 : i32
    %dma_start3A_43 = arith.constant 0 : i32
    %dma_start3A_44 = tpu.memref_slice %arg6[%dma_start3A_40, %dma_start3A_42, %dma_start3A_43] : memref<4x32x8xi32, #tpu.memory_space<vmem>> -> memref<1x32x8xi32, #tpu.memory_space<vmem>>
    %dma_start3A_45 = tpu.memref_squeeze %dma_start3A_44 : memref<1x32x8xi32, #tpu.memory_space<vmem>> -> memref<32x8xi32, #tpu.memory_space<vmem>>
    %dma_start3A_46 = arith.constant 0 : i32
    %dma_start3A_47 = arith.constant 0 : i32
    %dma_start3A_48 = tpu.memref_slice %arg2[%dma_start3A_39, %add3A, %dma_start3A_46, %dma_start3A_47] : memref<4x32x32x8xi32, #tpu.memory_space<hbm>> -> memref<1x1x32x8xi32, #tpu.memory_space<hbm>>
    %dma_start3A_49 = tpu.memref_squeeze %dma_start3A_48 : memref<1x1x32x8xi32, #tpu.memory_space<hbm>> -> memref<32x8xi32, #tpu.memory_space<hbm>>
    %dma_start3A_50 = tpu.memref_slice %arg11[%dma_start3A_41] : memref<8x!tpu.dma_semaphore, #tpu.memory_space<semaphore_mem>> -> memref<1x!tpu.dma_semaphore, #tpu.memory_space<semaphore_mem>>
    %dma_start3A_51 = tpu.memref_squeeze %dma_start3A_50 : memref<1x!tpu.dma_semaphore, #tpu.memory_space<semaphore_mem>> -> memref<!tpu.dma_semaphore, #tpu.memory_space<semaphore_mem>>
    %dma_start3A_52 = arith.constant 0 : i32
    %dma_start3A_53 = arith.constant 0 : i32
    %dma_start3A_54 = tpu.memref_slice %arg6[%dma_start3A_40, %dma_start3A_52, %dma_start3A_53] : memref<4x32x8xi32, #tpu.memory_space<vmem>> -> memref<1x32x8xi32, #tpu.memory_space<vmem>>
    %dma_start3A_55 = tpu.memref_squeeze %dma_start3A_54 : memref<1x32x8xi32, #tpu.memory_space<vmem>> -> memref<32x8xi32, #tpu.memory_space<vmem>>
    %dma_start3A_56 = arith.constant 0 : i32
    %dma_start3A_57 = arith.constant 0 : i32
    %dma_start3A_58 = tpu.memref_slice %arg2[%dma_start3A_39, %add3A, %dma_start3A_56, %dma_start3A_57] : memref<4x32x32x8xi32, #tpu.memory_space<hbm>> -> memref<1x1x32x8xi32, #tpu.memory_space<hbm>>
    %dma_start3A_59 = tpu.memref_squeeze %dma_start3A_58 : memref<1x1x32x8xi32, #tpu.memory_space<hbm>> -> memref<32x8xi32, #tpu.memory_space<hbm>>
    tpu.enqueue_dma source(%dma_start3A_59 : memref<32x8xi32, #tpu.memory_space<hbm>>) target(%dma_start3A_55 : memref<32x8xi32, #tpu.memory_space<vmem>>) target_semaphore(%dma_start3A_51 : memref<!tpu.dma_semaphore, #tpu.memory_space<semaphore_mem>>)
    %dma_start3A_60 = arith.constant 2 : i32
    %dma_start3A_61 = arith.constant 2 : i32
    %dma_start3A_62 = arith.constant 2 : i32
    %dma_start3A_63 = arith.constant 0 : i32
    %dma_start3A_64 = arith.constant 0 : i32
    %dma_start3A_65 = tpu.memref_slice %arg6[%dma_start3A_61, %dma_start3A_63, %dma_start3A_64] : memref<4x32x8xi32, #tpu.memory_space<vmem>> -> memref<1x32x8xi32, #tpu.memory_space<vmem>>
    %dma_start3A_66 = tpu.memref_squeeze %dma_start3A_65 : memref<1x32x8xi32, #tpu.memory_space<vmem>> -> memref<32x8xi32, #tpu.memory_space<vmem>>
    %dma_start3A_67 = arith.constant 0 : i32
    %dma_start3A_68 = arith.constant 0 : i32
    %dma_start3A_69 = tpu.memref_slice %arg2[%dma_start3A_60, %add3A, %dma_start3A_67, %dma_start3A_68] : memref<4x32x32x8xi32, #tpu.memory_space<hbm>> -> memref<1x1x32x8xi32, #tpu.memory_space<hbm>>
    %dma_start3A_70 = tpu.memref_squeeze %dma_start3A_69 : memref<1x1x32x8xi32, #tpu.memory_space<hbm>> -> memref<32x8xi32, #tpu.memory_space<hbm>>
    %dma_start3A_71 = tpu.memref_slice %arg11[%dma_start3A_62] : memref<8x!tpu.dma_semaphore, #tpu.memory_space<semaphore_mem>> -> memref<1x!tpu.dma_semaphore, #tpu.memory_space<semaphore_mem>>
    %dma_start3A_72 = tpu.memref_squeeze %dma_start3A_71 : memref<1x!tpu.dma_semaphore, #tpu.memory_space<semaphore_mem>> -> memref<!tpu.dma_semaphore, #tpu.memory_space<semaphore_mem>>
    %dma_start3A_73 = arith.constant 0 : i32
    %dma_start3A_74 = arith.constant 0 : i32
    %dma_start3A_75 = tpu.memref_slice %arg6[%dma_start3A_61, %dma_start3A_73, %dma_start3A_74] : memref<4x32x8xi32, #tpu.memory_space<vmem>> -> memref<1x32x8xi32, #tpu.memory_space<vmem>>
    %dma_start3A_76 = tpu.memref_squeeze %dma_start3A_75 : memref<1x32x8xi32, #tpu.memory_space<vmem>> -> memref<32x8xi32, #tpu.memory_space<vmem>>
    %dma_start3A_77 = arith.constant 0 : i32
    %dma_start3A_78 = arith.constant 0 : i32
    %dma_start3A_79 = tpu.memref_slice %arg2[%dma_start3A_60, %add3A, %dma_start3A_77, %dma_start3A_78] : memref<4x32x32x8xi32, #tpu.memory_space<hbm>> -> memref<1x1x32x8xi32, #tpu.memory_space<hbm>>
    %dma_start3A_80 = tpu.memref_squeeze %dma_start3A_79 : memref<1x1x32x8xi32, #tpu.memory_space<hbm>> -> memref<32x8xi32, #tpu.memory_space<hbm>>
    tpu.enqueue_dma source(%dma_start3A_80 : memref<32x8xi32, #tpu.memory_space<hbm>>) target(%dma_start3A_76 : memref<32x8xi32, #tpu.memory_space<vmem>>) target_semaphore(%dma_start3A_72 : memref<!tpu.dma_semaphore, #tpu.memory_space<semaphore_mem>>)
    %dma_start3A_81 = arith.constant 3 : i32
    %dma_start3A_82 = arith.constant 3 : i32
    %dma_start3A_83 = arith.constant 3 : i32
    %dma_start3A_84 = arith.constant 0 : i32
    %dma_start3A_85 = arith.constant 0 : i32
    %dma_start3A_86 = tpu.memref_slice %arg6[%dma_start3A_82, %dma_start3A_84, %dma_start3A_85] : memref<4x32x8xi32, #tpu.memory_space<vmem>> -> memref<1x32x8xi32, #tpu.memory_space<vmem>>
    %dma_start3A_87 = tpu.memref_squeeze %dma_start3A_86 : memref<1x32x8xi32, #tpu.memory_space<vmem>> -> memref<32x8xi32, #tpu.memory_space<vmem>>
    %dma_start3A_88 = arith.constant 0 : i32
    %dma_start3A_89 = arith.constant 0 : i32
    %dma_start3A_90 = tpu.memref_slice %arg2[%dma_start3A_81, %add3A, %dma_start3A_88, %dma_start3A_89] : memref<4x32x32x8xi32, #tpu.memory_space<hbm>> -> memref<1x1x32x8xi32, #tpu.memory_space<hbm>>
    %dma_start3A_91 = tpu.memref_squeeze %dma_start3A_90 : memref<1x1x32x8xi32, #tpu.memory_space<hbm>> -> memref<32x8xi32, #tpu.memory_space<hbm>>
    %dma_start3A_92 = tpu.memref_slice %arg11[%dma_start3A_83] : memref<8x!tpu.dma_semaphore, #tpu.memory_space<semaphore_mem>> -> memref<1x!tpu.dma_semaphore, #tpu.memory_space<semaphore_mem>>
    %dma_start3A_93 = tpu.memref_squeeze %dma_start3A_92 : memref<1x!tpu.dma_semaphore, #tpu.memory_space<semaphore_mem>> -> memref<!tpu.dma_semaphore, #tpu.memory_space<semaphore_mem>>
    %dma_start3A_94 = arith.constant 0 : i32
    %dma_start3A_95 = arith.constant 0 : i32
    %dma_start3A_96 = tpu.memref_slice %arg6[%dma_start3A_82, %dma_start3A_94, %dma_start3A_95] : memref<4x32x8xi32, #tpu.memory_space<vmem>> -> memref<1x32x8xi32, #tpu.memory_space<vmem>>
    %dma_start3A_97 = tpu.memref_squeeze %dma_start3A_96 : memref<1x32x8xi32, #tpu.memory_space<vmem>> -> memref<32x8xi32, #tpu.memory_space<vmem>>
    %dma_start3A_98 = arith.constant 0 : i32
    %dma_start3A_99 = arith.constant 0 : i32
    %dma_start3A_100 = tpu.memref_slice %arg2[%dma_start3A_81, %add3A, %dma_start3A_98, %dma_start3A_99] : memref<4x32x32x8xi32, #tpu.memory_space<hbm>> -> memref<1x1x32x8xi32, #tpu.memory_space<hbm>>
    %dma_start3A_101 = tpu.memref_squeeze %dma_start3A_100 : memref<1x1x32x8xi32, #tpu.memory_space<hbm>> -> memref<32x8xi32, #tpu.memory_space<hbm>>
    tpu.enqueue_dma source(%dma_start3A_101 : memref<32x8xi32, #tpu.memory_space<hbm>>) target(%dma_start3A_97 : memref<32x8xi32, #tpu.memory_space<vmem>>) target_semaphore(%dma_start3A_93 : memref<!tpu.dma_semaphore, #tpu.memory_space<semaphore_mem>>)
    %dma_wait3A = arith.constant 0 : i32
    %dma_wait3A_102 = arith.constant 0 : i32
    %dma_wait3A_103 = arith.constant 0 : i32
    %dma_wait3A_104 = arith.constant 0 : i32
    %dma_wait3A_105 = arith.constant 0 : i32
    %dma_wait3A_106 = tpu.memref_slice %arg6[%dma_wait3A_102, %dma_wait3A_104, %dma_wait3A_105] : memref<4x32x8xi32, #tpu.memory_space<vmem>> -> memref<1x32x8xi32, #tpu.memory_space<vmem>>
    %dma_wait3A_107 = tpu.memref_squeeze %dma_wait3A_106 : memref<1x32x8xi32, #tpu.memory_space<vmem>> -> memref<32x8xi32, #tpu.memory_space<vmem>>
    %dma_wait3A_108 = arith.constant 0 : i32
    %dma_wait3A_109 = arith.constant 0 : i32
    %dma_wait3A_110 = tpu.memref_slice %arg2[%dma_wait3A, %add3A, %dma_wait3A_108, %dma_wait3A_109] : memref<4x32x32x8xi32, #tpu.memory_space<hbm>> -> memref<1x1x32x8xi32, #tpu.memory_space<hbm>>
    %dma_wait3A_111 = tpu.memref_squeeze %dma_wait3A_110 : memref<1x1x32x8xi32, #tpu.memory_space<hbm>> -> memref<32x8xi32, #tpu.memory_space<hbm>>
    %dma_wait3A_112 = tpu.memref_slice %arg11[%dma_wait3A_103] : memref<8x!tpu.dma_semaphore, #tpu.memory_space<semaphore_mem>> -> memref<1x!tpu.dma_semaphore, #tpu.memory_space<semaphore_mem>>
    %dma_wait3A_113 = tpu.memref_squeeze %dma_wait3A_112 : memref<1x!tpu.dma_semaphore, #tpu.memory_space<semaphore_mem>> -> memref<!tpu.dma_semaphore, #tpu.memory_space<semaphore_mem>>
    %dma_wait3A_114 = arith.constant 0 : i32
    %dma_wait3A_115 = arith.constant 0 : i32
    %dma_wait3A_116 = tpu.memref_slice %arg6[%dma_wait3A_102, %dma_wait3A_114, %dma_wait3A_115] : memref<4x32x8xi32, #tpu.memory_space<vmem>> -> memref<1x32x8xi32, #tpu.memory_space<vmem>>
    %dma_wait3A_117 = tpu.memref_squeeze %dma_wait3A_116 : memref<1x32x8xi32, #tpu.memory_space<vmem>> -> memref<32x8xi32, #tpu.memory_space<vmem>>
    %dma_wait3A_118 = arith.constant 0 : i32
    %dma_wait3A_119 = arith.constant 0 : i32
    %dma_wait3A_120 = tpu.memref_slice %arg2[%dma_wait3A, %add3A, %dma_wait3A_118, %dma_wait3A_119] : memref<4x32x32x8xi32, #tpu.memory_space<hbm>> -> memref<1x1x32x8xi32, #tpu.memory_space<hbm>>
    %dma_wait3A_121 = tpu.memref_squeeze %dma_wait3A_120 : memref<1x1x32x8xi32, #tpu.memory_space<hbm>> -> memref<32x8xi32, #tpu.memory_space<hbm>>
    tpu.wait_dma2 semaphore(%dma_wait3A_113 : memref<!tpu.dma_semaphore, #tpu.memory_space<semaphore_mem>>) src(%dma_wait3A_121 : memref<32x8xi32, #tpu.memory_space<hbm>>) dst(%dma_wait3A_117 : memref<32x8xi32, #tpu.memory_space<vmem>>)
    %dma_wait3A_122 = arith.constant 1 : i32
    %dma_wait3A_123 = arith.constant 1 : i32
    %dma_wait3A_124 = arith.constant 1 : i32
    %dma_wait3A_125 = arith.constant 0 : i32
    %dma_wait3A_126 = arith.constant 0 : i32
    %dma_wait3A_127 = tpu.memref_slice %arg6[%dma_wait3A_123, %dma_wait3A_125, %dma_wait3A_126] : memref<4x32x8xi32, #tpu.memory_space<vmem>> -> memref<1x32x8xi32, #tpu.memory_space<vmem>>
    %dma_wait3A_128 = tpu.memref_squeeze %dma_wait3A_127 : memref<1x32x8xi32, #tpu.memory_space<vmem>> -> memref<32x8xi32, #tpu.memory_space<vmem>>
    %dma_wait3A_129 = arith.constant 0 : i32
    %dma_wait3A_130 = arith.constant 0 : i32
    %dma_wait3A_131 = tpu.memref_slice %arg2[%dma_wait3A_122, %add3A, %dma_wait3A_129, %dma_wait3A_130] : memref<4x32x32x8xi32, #tpu.memory_space<hbm>> -> memref<1x1x32x8xi32, #tpu.memory_space<hbm>>
    %dma_wait3A_132 = tpu.memref_squeeze %dma_wait3A_131 : memref<1x1x32x8xi32, #tpu.memory_space<hbm>> -> memref<32x8xi32, #tpu.memory_space<hbm>>
    %dma_wait3A_133 = tpu.memref_slice %arg11[%dma_wait3A_124] : memref<8x!tpu.dma_semaphore, #tpu.memory_space<semaphore_mem>> -> memref<1x!tpu.dma_semaphore, #tpu.memory_space<semaphore_mem>>
    %dma_wait3A_134 = tpu.memref_squeeze %dma_wait3A_133 : memref<1x!tpu.dma_semaphore, #tpu.memory_space<semaphore_mem>> -> memref<!tpu.dma_semaphore, #tpu.memory_space<semaphore_mem>>
    %dma_wait3A_135 = arith.constant 0 : i32
    %dma_wait3A_136 = arith.constant 0 : i32
    %dma_wait3A_137 = tpu.memref_slice %arg6[%dma_wait3A_123, %dma_wait3A_135, %dma_wait3A_136] : memref<4x32x8xi32, #tpu.memory_space<vmem>> -> memref<1x32x8xi32, #tpu.memory_space<vmem>>
    %dma_wait3A_138 = tpu.memref_squeeze %dma_wait3A_137 : memref<1x32x8xi32, #tpu.memory_space<vmem>> -> memref<32x8xi32, #tpu.memory_space<vmem>>
    %dma_wait3A_139 = arith.constant 0 : i32
    %dma_wait3A_140 = arith.constant 0 : i32
    %dma_wait3A_141 = tpu.memref_slice %arg2[%dma_wait3A_122, %add3A, %dma_wait3A_139, %dma_wait3A_140] : memref<4x32x32x8xi32, #tpu.memory_space<hbm>> -> memref<1x1x32x8xi32, #tpu.memory_space<hbm>>
    %dma_wait3A_142 = tpu.memref_squeeze %dma_wait3A_141 : memref<1x1x32x8xi32, #tpu.memory_space<hbm>> -> memref<32x8xi32, #tpu.memory_space<hbm>>
    tpu.wait_dma2 semaphore(%dma_wait3A_134 : memref<!tpu.dma_semaphore, #tpu.memory_space<semaphore_mem>>) src(%dma_wait3A_142 : memref<32x8xi32, #tpu.memory_space<hbm>>) dst(%dma_wait3A_138 : memref<32x8xi32, #tpu.memory_space<vmem>>)
    %dma_wait3A_143 = arith.constant 2 : i32
    %dma_wait3A_144 = arith.constant 2 : i32
    %dma_wait3A_145 = arith.constant 2 : i32
    %dma_wait3A_146 = arith.constant 0 : i32
    %dma_wait3A_147 = arith.constant 0 : i32
    %dma_wait3A_148 = tpu.memref_slice %arg6[%dma_wait3A_144, %dma_wait3A_146, %dma_wait3A_147] : memref<4x32x8xi32, #tpu.memory_space<vmem>> -> memref<1x32x8xi32, #tpu.memory_space<vmem>>
    %dma_wait3A_149 = tpu.memref_squeeze %dma_wait3A_148 : memref<1x32x8xi32, #tpu.memory_space<vmem>> -> memref<32x8xi32, #tpu.memory_space<vmem>>
    %dma_wait3A_150 = arith.constant 0 : i32
    %dma_wait3A_151 = arith.constant 0 : i32
    %dma_wait3A_152 = tpu.memref_slice %arg2[%dma_wait3A_143, %add3A, %dma_wait3A_150, %dma_wait3A_151] : memref<4x32x32x8xi32, #tpu.memory_space<hbm>> -> memref<1x1x32x8xi32, #tpu.memory_space<hbm>>
    %dma_wait3A_153 = tpu.memref_squeeze %dma_wait3A_152 : memref<1x1x32x8xi32, #tpu.memory_space<hbm>> -> memref<32x8xi32, #tpu.memory_space<hbm>>
    %dma_wait3A_154 = tpu.memref_slice %arg11[%dma_wait3A_145] : memref<8x!tpu.dma_semaphore, #tpu.memory_space<semaphore_mem>> -> memref<1x!tpu.dma_semaphore, #tpu.memory_space<semaphore_mem>>
    %dma_wait3A_155 = tpu.memref_squeeze %dma_wait3A_154 : memref<1x!tpu.dma_semaphore, #tpu.memory_space<semaphore_mem>> -> memref<!tpu.dma_semaphore, #tpu.memory_space<semaphore_mem>>
    %dma_wait3A_156 = arith.constant 0 : i32
    %dma_wait3A_157 = arith.constant 0 : i32
    %dma_wait3A_158 = tpu.memref_slice %arg6[%dma_wait3A_144, %dma_wait3A_156, %dma_wait3A_157] : memref<4x32x8xi32, #tpu.memory_space<vmem>> -> memref<1x32x8xi32, #tpu.memory_space<vmem>>
    %dma_wait3A_159 = tpu.memref_squeeze %dma_wait3A_158 : memref<1x32x8xi32, #tpu.memory_space<vmem>> -> memref<32x8xi32, #tpu.memory_space<vmem>>
    %dma_wait3A_160 = arith.constant 0 : i32
    %dma_wait3A_161 = arith.constant 0 : i32
    %dma_wait3A_162 = tpu.memref_slice %arg2[%dma_wait3A_143, %add3A, %dma_wait3A_160, %dma_wait3A_161] : memref<4x32x32x8xi32, #tpu.memory_space<hbm>> -> memref<1x1x32x8xi32, #tpu.memory_space<hbm>>
    %dma_wait3A_163 = tpu.memref_squeeze %dma_wait3A_162 : memref<1x1x32x8xi32, #tpu.memory_space<hbm>> -> memref<32x8xi32, #tpu.memory_space<hbm>>
    tpu.wait_dma2 semaphore(%dma_wait3A_155 : memref<!tpu.dma_semaphore, #tpu.memory_space<semaphore_mem>>) src(%dma_wait3A_163 : memref<32x8xi32, #tpu.memory_space<hbm>>) dst(%dma_wait3A_159 : memref<32x8xi32, #tpu.memory_space<vmem>>)
    %dma_wait3A_164 = arith.constant 3 : i32
    %dma_wait3A_165 = arith.constant 3 : i32
    %dma_wait3A_166 = arith.constant 3 : i32
    %dma_wait3A_167 = arith.constant 0 : i32
    %dma_wait3A_168 = arith.constant 0 : i32
    %dma_wait3A_169 = tpu.memref_slice %arg6[%dma_wait3A_165, %dma_wait3A_167, %dma_wait3A_168] : memref<4x32x8xi32, #tpu.memory_space<vmem>> -> memref<1x32x8xi32, #tpu.memory_space<vmem>>
    %dma_wait3A_170 = tpu.memref_squeeze %dma_wait3A_169 : memref<1x32x8xi32, #tpu.memory_space<vmem>> -> memref<32x8xi32, #tpu.memory_space<vmem>>
    %dma_wait3A_171 = arith.constant 0 : i32
    %dma_wait3A_172 = arith.constant 0 : i32
    %dma_wait3A_173 = tpu.memref_slice %arg2[%dma_wait3A_164, %add3A, %dma_wait3A_171, %dma_wait3A_172] : memref<4x32x32x8xi32, #tpu.memory_space<hbm>> -> memref<1x1x32x8xi32, #tpu.memory_space<hbm>>
    %dma_wait3A_174 = tpu.memref_squeeze %dma_wait3A_173 : memref<1x1x32x8xi32, #tpu.memory_space<hbm>> -> memref<32x8xi32, #tpu.memory_space<hbm>>
    %dma_wait3A_175 = tpu.memref_slice %arg11[%dma_wait3A_166] : memref<8x!tpu.dma_semaphore, #tpu.memory_space<semaphore_mem>> -> memref<1x!tpu.dma_semaphore, #tpu.memory_space<semaphore_mem>>
    %dma_wait3A_176 = tpu.memref_squeeze %dma_wait3A_175 : memref<1x!tpu.dma_semaphore, #tpu.memory_space<semaphore_mem>> -> memref<!tpu.dma_semaphore, #tpu.memory_space<semaphore_mem>>
    %dma_wait3A_177 = arith.constant 0 : i32
    %dma_wait3A_178 = arith.constant 0 : i32
    %dma_wait3A_179 = tpu.memref_slice %arg6[%dma_wait3A_165, %dma_wait3A_177, %dma_wait3A_178] : memref<4x32x8xi32, #tpu.memory_space<vmem>> -> memref<1x32x8xi32, #tpu.memory_space<vmem>>
    %dma_wait3A_180 = tpu.memref_squeeze %dma_wait3A_179 : memref<1x32x8xi32, #tpu.memory_space<vmem>> -> memref<32x8xi32, #tpu.memory_space<vmem>>
    %dma_wait3A_181 = arith.constant 0 : i32
    %dma_wait3A_182 = arith.constant 0 : i32
    %dma_wait3A_183 = tpu.memref_slice %arg2[%dma_wait3A_164, %add3A, %dma_wait3A_181, %dma_wait3A_182] : memref<4x32x32x8xi32, #tpu.memory_space<hbm>> -> memref<1x1x32x8xi32, #tpu.memory_space<hbm>>
    %dma_wait3A_184 = tpu.memref_squeeze %dma_wait3A_183 : memref<1x1x32x8xi32, #tpu.memory_space<hbm>> -> memref<32x8xi32, #tpu.memory_space<hbm>>
    tpu.wait_dma2 semaphore(%dma_wait3A_176 : memref<!tpu.dma_semaphore, #tpu.memory_space<semaphore_mem>>) src(%dma_wait3A_184 : memref<32x8xi32, #tpu.memory_space<hbm>>) dst(%dma_wait3A_180 : memref<32x8xi32, #tpu.memory_space<vmem>>)
    %dma_start3A_185 = arith.constant 0 : i32
    %dma_start3A_186 = arith.constant 0 : i32
    %dma_start3A_187 = arith.constant 0 : i32
    %dma_start3A_188 = arith.constant 0 : i32
    %dma_start3A_189 = arith.constant 0 : i32
    %dma_start3A_190 = arith.constant 0 : i32
    %dma_start3A_191 = tpu.memref_slice %arg8[%dma_start3A_187, %dma_start3A_189, %dma_start3A_190] : memref<8x8x1024xf32, #tpu.memory_space<vmem>> -> memref<1x8x1024xf32, #tpu.memory_space<vmem>>
    %dma_start3A_192 = tpu.memref_squeeze %dma_start3A_191 : memref<1x8x1024xf32, #tpu.memory_space<vmem>> -> memref<8x1024xf32, #tpu.memory_space<vmem>>
    %dma_start3A_193 = arith.constant 0 : i32
    %dma_start3A_194 = tpu.memref_slice %arg6[%dma_start3A_185, %dma_start3A_186, %dma_start3A_193] : memref<4x32x8xi32, #tpu.memory_space<vmem>> -> memref<1x1x8xi32, #tpu.memory_space<vmem>>
    %dma_start3A_195 = tpu.memref_squeeze %dma_start3A_194 : memref<1x1x8xi32, #tpu.memory_space<vmem>> -> memref<8xi32, #tpu.memory_space<vmem>>
    %dma_start3A_196 = arith.constant 0 : i32
    %dma_start3A_197 = arith.constant 0 : i32
    %dma_start3A_198 = tpu.memref_slice %arg3[%dma_start3A_196, %dma_start3A_197] : memref<100000x1024xf32, #tpu.memory_space<hbm>> -> memref<100000x1024xf32, #tpu.memory_space<hbm>>
    %dma_start3A_199 = tpu.memref_slice %arg10[%dma_start3A_188] : memref<8x!tpu.dma_semaphore, #tpu.memory_space<semaphore_mem>> -> memref<1x!tpu.dma_semaphore, #tpu.memory_space<semaphore_mem>>
    %dma_start3A_200 = tpu.memref_squeeze %dma_start3A_199 : memref<1x!tpu.dma_semaphore, #tpu.memory_space<semaphore_mem>> -> memref<!tpu.dma_semaphore, #tpu.memory_space<semaphore_mem>>
    tpu.enqueue_indirect_dma source(%dma_start3A_198 : memref<100000x1024xf32, #tpu.memory_space<hbm>>) target(%dma_start3A_192 : memref<8x1024xf32, #tpu.memory_space<vmem>>) offsets(%dma_start3A_195 : memref<8xi32, #tpu.memory_space<vmem>>) semaphore(%dma_start3A_200 : memref<!tpu.dma_semaphore, #tpu.memory_space<semaphore_mem>>)
    %dma_start3A_201 = arith.constant 1 : i32
    %dma_start3A_202 = arith.constant 0 : i32
    %dma_start3A_203 = arith.constant 1 : i32
    %dma_start3A_204 = arith.constant 1 : i32
    %dma_start3A_205 = arith.constant 0 : i32
    %dma_start3A_206 = arith.constant 0 : i32
    %dma_start3A_207 = tpu.memref_slice %arg8[%dma_start3A_203, %dma_start3A_205, %dma_start3A_206] : memref<8x8x1024xf32, #tpu.memory_space<vmem>> -> memref<1x8x1024xf32, #tpu.memory_space<vmem>>
    %dma_start3A_208 = tpu.memref_squeeze %dma_start3A_207 : memref<1x8x1024xf32, #tpu.memory_space<vmem>> -> memref<8x1024xf32, #tpu.memory_space<vmem>>
    %dma_start3A_209 = arith.constant 0 : i32
    %dma_start3A_210 = tpu.memref_slice %arg6[%dma_start3A_201, %dma_start3A_202, %dma_start3A_209] : memref<4x32x8xi32, #tpu.memory_space<vmem>> -> memref<1x1x8xi32, #tpu.memory_space<vmem>>
    %dma_start3A_211 = tpu.memref_squeeze %dma_start3A_210 : memref<1x1x8xi32, #tpu.memory_space<vmem>> -> memref<8xi32, #tpu.memory_space<vmem>>
    %dma_start3A_212 = arith.constant 0 : i32
    %dma_start3A_213 = arith.constant 0 : i32
    %dma_start3A_214 = tpu.memref_slice %arg3[%dma_start3A_212, %dma_start3A_213] : memref<100000x1024xf32, #tpu.memory_space<hbm>> -> memref<100000x1024xf32, #tpu.memory_space<hbm>>
    %dma_start3A_215 = tpu.memref_slice %arg10[%dma_start3A_204] : memref<8x!tpu.dma_semaphore, #tpu.memory_space<semaphore_mem>> -> memref<1x!tpu.dma_semaphore, #tpu.memory_space<semaphore_mem>>
    %dma_start3A_216 = tpu.memref_squeeze %dma_start3A_215 : memref<1x!tpu.dma_semaphore, #tpu.memory_space<semaphore_mem>> -> memref<!tpu.dma_semaphore, #tpu.memory_space<semaphore_mem>>
    tpu.enqueue_indirect_dma source(%dma_start3A_214 : memref<100000x1024xf32, #tpu.memory_space<hbm>>) target(%dma_start3A_208 : memref<8x1024xf32, #tpu.memory_space<vmem>>) offsets(%dma_start3A_211 : memref<8xi32, #tpu.memory_space<vmem>>) semaphore(%dma_start3A_216 : memref<!tpu.dma_semaphore, #tpu.memory_space<semaphore_mem>>)
    %dma_start3A_217 = arith.constant 2 : i32
    %dma_start3A_218 = arith.constant 0 : i32
    %dma_start3A_219 = arith.constant 2 : i32
    %dma_start3A_220 = arith.constant 2 : i32
    %dma_start3A_221 = arith.constant 0 : i32
    %dma_start3A_222 = arith.constant 0 : i32
    %dma_start3A_223 = tpu.memref_slice %arg8[%dma_start3A_219, %dma_start3A_221, %dma_start3A_222] : memref<8x8x1024xf32, #tpu.memory_space<vmem>> -> memref<1x8x1024xf32, #tpu.memory_space<vmem>>
    %dma_start3A_224 = tpu.memref_squeeze %dma_start3A_223 : memref<1x8x1024xf32, #tpu.memory_space<vmem>> -> memref<8x1024xf32, #tpu.memory_space<vmem>>
    %dma_start3A_225 = arith.constant 0 : i32
    %dma_start3A_226 = tpu.memref_slice %arg6[%dma_start3A_217, %dma_start3A_218, %dma_start3A_225] : memref<4x32x8xi32, #tpu.memory_space<vmem>> -> memref<1x1x8xi32, #tpu.memory_space<vmem>>
    %dma_start3A_227 = tpu.memref_squeeze %dma_start3A_226 : memref<1x1x8xi32, #tpu.memory_space<vmem>> -> memref<8xi32, #tpu.memory_space<vmem>>
    %dma_start3A_228 = arith.constant 0 : i32
    %dma_start3A_229 = arith.constant 0 : i32
    %dma_start3A_230 = tpu.memref_slice %arg3[%dma_start3A_228, %dma_start3A_229] : memref<100000x1024xf32, #tpu.memory_space<hbm>> -> memref<100000x1024xf32, #tpu.memory_space<hbm>>
    %dma_start3A_231 = tpu.memref_slice %arg10[%dma_start3A_220] : memref<8x!tpu.dma_semaphore, #tpu.memory_space<semaphore_mem>> -> memref<1x!tpu.dma_semaphore, #tpu.memory_space<semaphore_mem>>
    %dma_start3A_232 = tpu.memref_squeeze %dma_start3A_231 : memref<1x!tpu.dma_semaphore, #tpu.memory_space<semaphore_mem>> -> memref<!tpu.dma_semaphore, #tpu.memory_space<semaphore_mem>>
    tpu.enqueue_indirect_dma source(%dma_start3A_230 : memref<100000x1024xf32, #tpu.memory_space<hbm>>) target(%dma_start3A_224 : memref<8x1024xf32, #tpu.memory_space<vmem>>) offsets(%dma_start3A_227 : memref<8xi32, #tpu.memory_space<vmem>>) semaphore(%dma_start3A_232 : memref<!tpu.dma_semaphore, #tpu.memory_space<semaphore_mem>>)
    %dma_start3A_233 = arith.constant 3 : i32
    %dma_start3A_234 = arith.constant 0 : i32
    %dma_start3A_235 = arith.constant 3 : i32
    %dma_start3A_236 = arith.constant 3 : i32
    %dma_start3A_237 = arith.constant 0 : i32
    %dma_start3A_238 = arith.constant 0 : i32
    %dma_start3A_239 = tpu.memref_slice %arg8[%dma_start3A_235, %dma_start3A_237, %dma_start3A_238] : memref<8x8x1024xf32, #tpu.memory_space<vmem>> -> memref<1x8x1024xf32, #tpu.memory_space<vmem>>
    %dma_start3A_240 = tpu.memref_squeeze %dma_start3A_239 : memref<1x8x1024xf32, #tpu.memory_space<vmem>> -> memref<8x1024xf32, #tpu.memory_space<vmem>>
    %dma_start3A_241 = arith.constant 0 : i32
    %dma_start3A_242 = tpu.memref_slice %arg6[%dma_start3A_233, %dma_start3A_234, %dma_start3A_241] : memref<4x32x8xi32, #tpu.memory_space<vmem>> -> memref<1x1x8xi32, #tpu.memory_space<vmem>>
    %dma_start3A_243 = tpu.memref_squeeze %dma_start3A_242 : memref<1x1x8xi32, #tpu.memory_space<vmem>> -> memref<8xi32, #tpu.memory_space<vmem>>
    %dma_start3A_244 = arith.constant 0 : i32
    %dma_start3A_245 = arith.constant 0 : i32
    %dma_start3A_246 = tpu.memref_slice %arg3[%dma_start3A_244, %dma_start3A_245] : memref<100000x1024xf32, #tpu.memory_space<hbm>> -> memref<100000x1024xf32, #tpu.memory_space<hbm>>
    %dma_start3A_247 = tpu.memref_slice %arg10[%dma_start3A_236] : memref<8x!tpu.dma_semaphore, #tpu.memory_space<semaphore_mem>> -> memref<1x!tpu.dma_semaphore, #tpu.memory_space<semaphore_mem>>
    %dma_start3A_248 = tpu.memref_squeeze %dma_start3A_247 : memref<1x!tpu.dma_semaphore, #tpu.memory_space<semaphore_mem>> -> memref<!tpu.dma_semaphore, #tpu.memory_space<semaphore_mem>>
    tpu.enqueue_indirect_dma source(%dma_start3A_246 : memref<100000x1024xf32, #tpu.memory_space<hbm>>) target(%dma_start3A_240 : memref<8x1024xf32, #tpu.memory_space<vmem>>) offsets(%dma_start3A_243 : memref<8xi32, #tpu.memory_space<vmem>>) semaphore(%dma_start3A_248 : memref<!tpu.dma_semaphore, #tpu.memory_space<semaphore_mem>>)
    %dma_start3A_249 = arith.constant 0 : i32
    %dma_start3A_250 = arith.constant 1 : i32
    %dma_start3A_251 = arith.constant 4 : i32
    %dma_start3A_252 = arith.constant 4 : i32
    %dma_start3A_253 = arith.constant 0 : i32
    %dma_start3A_254 = arith.constant 0 : i32
    %dma_start3A_255 = tpu.memref_slice %arg8[%dma_start3A_251, %dma_start3A_253, %dma_start3A_254] : memref<8x8x1024xf32, #tpu.memory_space<vmem>> -> memref<1x8x1024xf32, #tpu.memory_space<vmem>>
    %dma_start3A_256 = tpu.memref_squeeze %dma_start3A_255 : memref<1x8x1024xf32, #tpu.memory_space<vmem>> -> memref<8x1024xf32, #tpu.memory_space<vmem>>
    %dma_start3A_257 = arith.constant 0 : i32
    %dma_start3A_258 = tpu.memref_slice %arg6[%dma_start3A_249, %dma_start3A_250, %dma_start3A_257] : memref<4x32x8xi32, #tpu.memory_space<vmem>> -> memref<1x1x8xi32, #tpu.memory_space<vmem>>
    %dma_start3A_259 = tpu.memref_squeeze %dma_start3A_258 : memref<1x1x8xi32, #tpu.memory_space<vmem>> -> memref<8xi32, #tpu.memory_space<vmem>>
    %dma_start3A_260 = arith.constant 0 : i32
    %dma_start3A_261 = arith.constant 0 : i32
    %dma_start3A_262 = tpu.memref_slice %arg3[%dma_start3A_260, %dma_start3A_261] : memref<100000x1024xf32, #tpu.memory_space<hbm>> -> memref<100000x1024xf32, #tpu.memory_space<hbm>>
    %dma_start3A_263 = tpu.memref_slice %arg10[%dma_start3A_252] : memref<8x!tpu.dma_semaphore, #tpu.memory_space<semaphore_mem>> -> memref<1x!tpu.dma_semaphore, #tpu.memory_space<semaphore_mem>>
    %dma_start3A_264 = tpu.memref_squeeze %dma_start3A_263 : memref<1x!tpu.dma_semaphore, #tpu.memory_space<semaphore_mem>> -> memref<!tpu.dma_semaphore, #tpu.memory_space<semaphore_mem>>
    tpu.enqueue_indirect_dma source(%dma_start3A_262 : memref<100000x1024xf32, #tpu.memory_space<hbm>>) target(%dma_start3A_256 : memref<8x1024xf32, #tpu.memory_space<vmem>>) offsets(%dma_start3A_259 : memref<8xi32, #tpu.memory_space<vmem>>) semaphore(%dma_start3A_264 : memref<!tpu.dma_semaphore, #tpu.memory_space<semaphore_mem>>)
    %dma_start3A_265 = arith.constant 1 : i32
    %dma_start3A_266 = arith.constant 1 : i32
    %dma_start3A_267 = arith.constant 5 : i32
    %dma_start3A_268 = arith.constant 5 : i32
    %dma_start3A_269 = arith.constant 0 : i32
    %dma_start3A_270 = arith.constant 0 : i32
    %dma_start3A_271 = tpu.memref_slice %arg8[%dma_start3A_267, %dma_start3A_269, %dma_start3A_270] : memref<8x8x1024xf32, #tpu.memory_space<vmem>> -> memref<1x8x1024xf32, #tpu.memory_space<vmem>>
    %dma_start3A_272 = tpu.memref_squeeze %dma_start3A_271 : memref<1x8x1024xf32, #tpu.memory_space<vmem>> -> memref<8x1024xf32, #tpu.memory_space<vmem>>
    %dma_start3A_273 = arith.constant 0 : i32
    %dma_start3A_274 = tpu.memref_slice %arg6[%dma_start3A_265, %dma_start3A_266, %dma_start3A_273] : memref<4x32x8xi32, #tpu.memory_space<vmem>> -> memref<1x1x8xi32, #tpu.memory_space<vmem>>
    %dma_start3A_275 = tpu.memref_squeeze %dma_start3A_274 : memref<1x1x8xi32, #tpu.memory_space<vmem>> -> memref<8xi32, #tpu.memory_space<vmem>>
    %dma_start3A_276 = arith.constant 0 : i32
    %dma_start3A_277 = arith.constant 0 : i32
    %dma_start3A_278 = tpu.memref_slice %arg3[%dma_start3A_276, %dma_start3A_277] : memref<100000x1024xf32, #tpu.memory_space<hbm>> -> memref<100000x1024xf32, #tpu.memory_space<hbm>>
    %dma_start3A_279 = tpu.memref_slice %arg10[%dma_start3A_268] : memref<8x!tpu.dma_semaphore, #tpu.memory_space<semaphore_mem>> -> memref<1x!tpu.dma_semaphore, #tpu.memory_space<semaphore_mem>>
    %dma_start3A_280 = tpu.memref_squeeze %dma_start3A_279 : memref<1x!tpu.dma_semaphore, #tpu.memory_space<semaphore_mem>> -> memref<!tpu.dma_semaphore, #tpu.memory_space<semaphore_mem>>
    tpu.enqueue_indirect_dma source(%dma_start3A_278 : memref<100000x1024xf32, #tpu.memory_space<hbm>>) target(%dma_start3A_272 : memref<8x1024xf32, #tpu.memory_space<vmem>>) offsets(%dma_start3A_275 : memref<8xi32, #tpu.memory_space<vmem>>) semaphore(%dma_start3A_280 : memref<!tpu.dma_semaphore, #tpu.memory_space<semaphore_mem>>)
    %dma_start3A_281 = arith.constant 2 : i32
    %dma_start3A_282 = arith.constant 1 : i32
    %dma_start3A_283 = arith.constant 6 : i32
    %dma_start3A_284 = arith.constant 6 : i32
    %dma_start3A_285 = arith.constant 0 : i32
    %dma_start3A_286 = arith.constant 0 : i32
    %dma_start3A_287 = tpu.memref_slice %arg8[%dma_start3A_283, %dma_start3A_285, %dma_start3A_286] : memref<8x8x1024xf32, #tpu.memory_space<vmem>> -> memref<1x8x1024xf32, #tpu.memory_space<vmem>>
    %dma_start3A_288 = tpu.memref_squeeze %dma_start3A_287 : memref<1x8x1024xf32, #tpu.memory_space<vmem>> -> memref<8x1024xf32, #tpu.memory_space<vmem>>
    %dma_start3A_289 = arith.constant 0 : i32
    %dma_start3A_290 = tpu.memref_slice %arg6[%dma_start3A_281, %dma_start3A_282, %dma_start3A_289] : memref<4x32x8xi32, #tpu.memory_space<vmem>> -> memref<1x1x8xi32, #tpu.memory_space<vmem>>
    %dma_start3A_291 = tpu.memref_squeeze %dma_start3A_290 : memref<1x1x8xi32, #tpu.memory_space<vmem>> -> memref<8xi32, #tpu.memory_space<vmem>>
    %dma_start3A_292 = arith.constant 0 : i32
    %dma_start3A_293 = arith.constant 0 : i32
    %dma_start3A_294 = tpu.memref_slice %arg3[%dma_start3A_292, %dma_start3A_293] : memref<100000x1024xf32, #tpu.memory_space<hbm>> -> memref<100000x1024xf32, #tpu.memory_space<hbm>>
    %dma_start3A_295 = tpu.memref_slice %arg10[%dma_start3A_284] : memref<8x!tpu.dma_semaphore, #tpu.memory_space<semaphore_mem>> -> memref<1x!tpu.dma_semaphore, #tpu.memory_space<semaphore_mem>>
    %dma_start3A_296 = tpu.memref_squeeze %dma_start3A_295 : memref<1x!tpu.dma_semaphore, #tpu.memory_space<semaphore_mem>> -> memref<!tpu.dma_semaphore, #tpu.memory_space<semaphore_mem>>
    tpu.enqueue_indirect_dma source(%dma_start3A_294 : memref<100000x1024xf32, #tpu.memory_space<hbm>>) target(%dma_start3A_288 : memref<8x1024xf32, #tpu.memory_space<vmem>>) offsets(%dma_start3A_291 : memref<8xi32, #tpu.memory_space<vmem>>) semaphore(%dma_start3A_296 : memref<!tpu.dma_semaphore, #tpu.memory_space<semaphore_mem>>)
    %dma_start3A_297 = arith.constant 3 : i32
    %dma_start3A_298 = arith.constant 1 : i32
    %dma_start3A_299 = arith.constant 7 : i32
    %dma_start3A_300 = arith.constant 7 : i32
    %dma_start3A_301 = arith.constant 0 : i32
    %dma_start3A_302 = arith.constant 0 : i32
    %dma_start3A_303 = tpu.memref_slice %arg8[%dma_start3A_299, %dma_start3A_301, %dma_start3A_302] : memref<8x8x1024xf32, #tpu.memory_space<vmem>> -> memref<1x8x1024xf32, #tpu.memory_space<vmem>>
    %dma_start3A_304 = tpu.memref_squeeze %dma_start3A_303 : memref<1x8x1024xf32, #tpu.memory_space<vmem>> -> memref<8x1024xf32, #tpu.memory_space<vmem>>
    %dma_start3A_305 = arith.constant 0 : i32
    %dma_start3A_306 = tpu.memref_slice %arg6[%dma_start3A_297, %dma_start3A_298, %dma_start3A_305] : memref<4x32x8xi32, #tpu.memory_space<vmem>> -> memref<1x1x8xi32, #tpu.memory_space<vmem>>
    %dma_start3A_307 = tpu.memref_squeeze %dma_start3A_306 : memref<1x1x8xi32, #tpu.memory_space<vmem>> -> memref<8xi32, #tpu.memory_space<vmem>>
    %dma_start3A_308 = arith.constant 0 : i32
    %dma_start3A_309 = arith.constant 0 : i32
    %dma_start3A_310 = tpu.memref_slice %arg3[%dma_start3A_308, %dma_start3A_309] : memref<100000x1024xf32, #tpu.memory_space<hbm>> -> memref<100000x1024xf32, #tpu.memory_space<hbm>>
    %dma_start3A_311 = tpu.memref_slice %arg10[%dma_start3A_300] : memref<8x!tpu.dma_semaphore, #tpu.memory_space<semaphore_mem>> -> memref<1x!tpu.dma_semaphore, #tpu.memory_space<semaphore_mem>>
    %dma_start3A_312 = tpu.memref_squeeze %dma_start3A_311 : memref<1x!tpu.dma_semaphore, #tpu.memory_space<semaphore_mem>> -> memref<!tpu.dma_semaphore, #tpu.memory_space<semaphore_mem>>
    tpu.enqueue_indirect_dma source(%dma_start3A_310 : memref<100000x1024xf32, #tpu.memory_space<hbm>>) target(%dma_start3A_304 : memref<8x1024xf32, #tpu.memory_space<vmem>>) offsets(%dma_start3A_307 : memref<8xi32, #tpu.memory_space<vmem>>) semaphore(%dma_start3A_312 : memref<!tpu.dma_semaphore, #tpu.memory_space<semaphore_mem>>)
    %scan3A = arith.constant 0 : i32
    %scan3A_313 = arith.constant 0 : i32
    %scan3A_314 = arith.constant 16 : i32
    %scan3A_315 = arith.addi %scan3A_313, %scan3A_314 : i32
    %scan3A_316 = arith.constant 1 : i32
    %scan3A_317 = scf.for %scan3A_398 = %scan3A_313 to %scan3A_315 step %scan3A_316 iter_args(%scan3A_399 = %scan3A) -> (i32)  : i32 {
      %mul3A_400 = arith.constant 2 : i32
      %mul3A_401 = arith.muli %mul3A_400, %scan3A_398 : i32
      %add3A_402 = arith.constant 0 : i32
      %add3A_403 = arith.addi %mul3A_401, %add3A_402 : i32
      %mul3A_404 = arith.constant 8 : i32
      %mul3A_405 = arith.muli %add3A_403, %mul3A_404 : i32
      %add3A_406 = arith.addi %mul3A_2, %mul3A_405 : i32
      %dma_wait3A_407 = arith.constant 0 : i32
      %dma_wait3A_408 = arith.constant 0 : i32
      %dma_wait3A_409 = arith.constant 0 : i32
      %dma_wait3A_410 = arith.constant 0 : i32
      %dma_wait3A_411 = tpu.memref_slice %arg7[%dma_wait3A_407, %dma_wait3A_409, %dma_wait3A_410] : memref<2x8x1024xf32, #tpu.memory_space<vmem>> -> memref<1x8x1024xf32, #tpu.memory_space<vmem>>
      %dma_wait3A_412 = tpu.memref_squeeze %dma_wait3A_411 : memref<1x8x1024xf32, #tpu.memory_space<vmem>> -> memref<8x1024xf32, #tpu.memory_space<vmem>>
      %dma_wait3A_413 = arith.constant 0 : i32
      %dma_wait3A_414 = tpu.memref_slice %arg4[%add3A_406, %dma_wait3A_413] : memref<8192x1024xf32, #tpu.memory_space<hbm>> -> memref<8x1024xf32, #tpu.memory_space<hbm>>
      %dma_wait3A_415 = tpu.memref_slice %arg13[%dma_wait3A_408] : memref<2x!tpu.dma_semaphore, #tpu.memory_space<semaphore_mem>> -> memref<1x!tpu.dma_semaphore, #tpu.memory_space<semaphore_mem>>
      %dma_wait3A_416 = tpu.memref_squeeze %dma_wait3A_415 : memref<1x!tpu.dma_semaphore, #tpu.memory_space<semaphore_mem>> -> memref<!tpu.dma_semaphore, #tpu.memory_space<semaphore_mem>>
      %dma_wait3A_417 = arith.constant 0 : i32
      %dma_wait3A_418 = arith.constant 0 : i32
      %dma_wait3A_419 = tpu.memref_slice %arg7[%dma_wait3A_407, %dma_wait3A_417, %dma_wait3A_418] : memref<2x8x1024xf32, #tpu.memory_space<vmem>> -> memref<1x8x1024xf32, #tpu.memory_space<vmem>>
      %dma_wait3A_420 = tpu.memref_squeeze %dma_wait3A_419 : memref<1x8x1024xf32, #tpu.memory_space<vmem>> -> memref<8x1024xf32, #tpu.memory_space<vmem>>
      %dma_wait3A_421 = arith.constant 0 : i32
      %dma_wait3A_422 = tpu.memref_slice %arg4[%add3A_406, %dma_wait3A_421] : memref<8192x1024xf32, #tpu.memory_space<hbm>> -> memref<8x1024xf32, #tpu.memory_space<hbm>>
      tpu.wait_dma2 semaphore(%dma_wait3A_416 : memref<!tpu.dma_semaphore, #tpu.memory_space<semaphore_mem>>) src(%dma_wait3A_422 : memref<8x1024xf32, #tpu.memory_space<hbm>>) dst(%dma_wait3A_420 : memref<8x1024xf32, #tpu.memory_space<vmem>>)
      %le3A = arith.constant 30 : i32
      %le3A_423 = arith.cmpi sle, %add3A_403, %le3A : i32
      %convert_element_type3A = arith.extui %le3A_423 : i1 to i32
      %cond3A = arith.constant 0 : i32
      %cond3A_424 = arith.cmpi ne, %convert_element_type3A, %cond3A : i32
      scf.if %cond3A_424 {
        %add3A_1093 = arith.constant 1 : i32
        %add3A_1094 = arith.addi %add3A_403, %add3A_1093 : i32
        %mul3A_1095 = arith.constant 8 : i32
        %mul3A_1096 = arith.muli %add3A_1094, %mul3A_1095 : i32
        %add3A_1097 = arith.addi %mul3A_2, %mul3A_1096 : i32
        %dma_start3A_1098 = arith.constant 1 : i32
        %dma_start3A_1099 = arith.constant 1 : i32
        %dma_start3A_1100 = arith.constant 0 : i32
        %dma_start3A_1101 = arith.constant 0 : i32
        %dma_start3A_1102 = tpu.memref_slice %arg7[%dma_start3A_1098, %dma_start3A_1100, %dma_start3A_1101] : memref<2x8x1024xf32, #tpu.memory_space<vmem>> -> memref<1x8x1024xf32, #tpu.memory_space<vmem>>
        %dma_start3A_1103 = tpu.memref_squeeze %dma_start3A_1102 : memref<1x8x1024xf32, #tpu.memory_space<vmem>> -> memref<8x1024xf32, #tpu.memory_space<vmem>>
        %dma_start3A_1104 = arith.constant 0 : i32
        %dma_start3A_1105 = tpu.memref_slice %arg4[%add3A_1097, %dma_start3A_1104] : memref<8192x1024xf32, #tpu.memory_space<hbm>> -> memref<8x1024xf32, #tpu.memory_space<hbm>>
        %dma_start3A_1106 = tpu.memref_slice %arg13[%dma_start3A_1099] : memref<2x!tpu.dma_semaphore, #tpu.memory_space<semaphore_mem>> -> memref<1x!tpu.dma_semaphore, #tpu.memory_space<semaphore_mem>>
        %dma_start3A_1107 = tpu.memref_squeeze %dma_start3A_1106 : memref<1x!tpu.dma_semaphore, #tpu.memory_space<semaphore_mem>> -> memref<!tpu.dma_semaphore, #tpu.memory_space<semaphore_mem>>
        %dma_start3A_1108 = arith.constant 0 : i32
        %dma_start3A_1109 = arith.constant 0 : i32
        %dma_start3A_1110 = tpu.memref_slice %arg7[%dma_start3A_1098, %dma_start3A_1108, %dma_start3A_1109] : memref<2x8x1024xf32, #tpu.memory_space<vmem>> -> memref<1x8x1024xf32, #tpu.memory_space<vmem>>
        %dma_start3A_1111 = tpu.memref_squeeze %dma_start3A_1110 : memref<1x8x1024xf32, #tpu.memory_space<vmem>> -> memref<8x1024xf32, #tpu.memory_space<vmem>>
        %dma_start3A_1112 = arith.constant 0 : i32
        %dma_start3A_1113 = tpu.memref_slice %arg4[%add3A_1097, %dma_start3A_1112] : memref<8192x1024xf32, #tpu.memory_space<hbm>> -> memref<8x1024xf32, #tpu.memory_space<hbm>>
        tpu.enqueue_dma source(%dma_start3A_1113 : memref<8x1024xf32, #tpu.memory_space<hbm>>) target(%dma_start3A_1111 : memref<8x1024xf32, #tpu.memory_space<vmem>>) target_semaphore(%dma_start3A_1107 : memref<!tpu.dma_semaphore, #tpu.memory_space<semaphore_mem>>)
      } else {
      }
      %ge3A = arith.constant 1 : i32
      %ge3A_425 = arith.cmpi sge, %add3A_403, %ge3A : i32
      %le3A_426 = arith.constant 30 : i32
      %le3A_427 = arith.cmpi sle, %add3A_403, %le3A_426 : i32
      %and3A = arith.andi %ge3A_425, %le3A_427 : i1
      %convert_element_type3A_428 = arith.extui %and3A : i1 to i32
      %cond3A_429 = arith.constant 0 : i32
      %cond3A_430 = arith.cmpi ne, %convert_element_type3A_428, %cond3A_429 : i32
      scf.if %cond3A_430 {
        %add3A_1093 = arith.constant 1 : i32
        %add3A_1094 = arith.addi %add3A_403, %add3A_1093 : i32
        %dma_start3A_1095 = arith.constant 0 : i32
        %dma_start3A_1096 = arith.constant 4 : i32
        %dma_start3A_1097 = arith.constant 4 : i32
        %dma_start3A_1098 = arith.constant 0 : i32
        %dma_start3A_1099 = arith.constant 0 : i32
        %dma_start3A_1100 = tpu.memref_slice %arg8[%dma_start3A_1096, %dma_start3A_1098, %dma_start3A_1099] : memref<8x8x1024xf32, #tpu.memory_space<vmem>> -> memref<1x8x1024xf32, #tpu.memory_space<vmem>>
        %dma_start3A_1101 = tpu.memref_squeeze %dma_start3A_1100 : memref<1x8x1024xf32, #tpu.memory_space<vmem>> -> memref<8x1024xf32, #tpu.memory_space<vmem>>
        %dma_start3A_1102 = arith.constant 0 : i32
        %dma_start3A_1103 = tpu.memref_slice %arg6[%dma_start3A_1095, %add3A_1094, %dma_start3A_1102] : memref<4x32x8xi32, #tpu.memory_space<vmem>> -> memref<1x1x8xi32, #tpu.memory_space<vmem>>
        %dma_start3A_1104 = tpu.memref_squeeze %dma_start3A_1103 : memref<1x1x8xi32, #tpu.memory_space<vmem>> -> memref<8xi32, #tpu.memory_space<vmem>>
        %dma_start3A_1105 = arith.constant 0 : i32
        %dma_start3A_1106 = arith.constant 0 : i32
        %dma_start3A_1107 = tpu.memref_slice %arg3[%dma_start3A_1105, %dma_start3A_1106] : memref<100000x1024xf32, #tpu.memory_space<hbm>> -> memref<100000x1024xf32, #tpu.memory_space<hbm>>
        %dma_start3A_1108 = tpu.memref_slice %arg10[%dma_start3A_1097] : memref<8x!tpu.dma_semaphore, #tpu.memory_space<semaphore_mem>> -> memref<1x!tpu.dma_semaphore, #tpu.memory_space<semaphore_mem>>
        %dma_start3A_1109 = tpu.memref_squeeze %dma_start3A_1108 : memref<1x!tpu.dma_semaphore, #tpu.memory_space<semaphore_mem>> -> memref<!tpu.dma_semaphore, #tpu.memory_space<semaphore_mem>>
        tpu.enqueue_indirect_dma source(%dma_start3A_1107 : memref<100000x1024xf32, #tpu.memory_space<hbm>>) target(%dma_start3A_1101 : memref<8x1024xf32, #tpu.memory_space<vmem>>) offsets(%dma_start3A_1104 : memref<8xi32, #tpu.memory_space<vmem>>) semaphore(%dma_start3A_1109 : memref<!tpu.dma_semaphore, #tpu.memory_space<semaphore_mem>>)
      } else {
      }
      %dma_wait3A_431 = arith.constant 0 : i32
      %dma_wait3A_432 = arith.constant 0 : i32
      %dma_wait3A_433 = arith.constant 0 : i32
      %dma_wait3A_434 = arith.constant 0 : i32
      %dma_wait3A_435 = arith.constant 0 : i32
      %dma_wait3A_436 = tpu.memref_slice %arg8[%dma_wait3A_432, %dma_wait3A_434, %dma_wait3A_435] : memref<8x8x1024xf32, #tpu.memory_space<vmem>> -> memref<1x8x1024xf32, #tpu.memory_space<vmem>>
      %dma_wait3A_437 = tpu.memref_squeeze %dma_wait3A_436 : memref<1x8x1024xf32, #tpu.memory_space<vmem>> -> memref<8x1024xf32, #tpu.memory_space<vmem>>
      %dma_wait3A_438 = arith.constant 0 : i32
      %dma_wait3A_439 = tpu.memref_slice %arg6[%dma_wait3A_431, %add3A_403, %dma_wait3A_438] : memref<4x32x8xi32, #tpu.memory_space<vmem>> -> memref<1x1x8xi32, #tpu.memory_space<vmem>>
      %dma_wait3A_440 = tpu.memref_squeeze %dma_wait3A_439 : memref<1x1x8xi32, #tpu.memory_space<vmem>> -> memref<8xi32, #tpu.memory_space<vmem>>
      %dma_wait3A_441 = arith.constant 0 : i32
      %dma_wait3A_442 = arith.constant 0 : i32
      %dma_wait3A_443 = tpu.memref_slice %arg3[%dma_wait3A_441, %dma_wait3A_442] : memref<100000x1024xf32, #tpu.memory_space<hbm>> -> memref<100000x1024xf32, #tpu.memory_space<hbm>>
      %dma_wait3A_444 = tpu.memref_slice %arg10[%dma_wait3A_433] : memref<8x!tpu.dma_semaphore, #tpu.memory_space<semaphore_mem>> -> memref<1x!tpu.dma_semaphore, #tpu.memory_space<semaphore_mem>>
      %dma_wait3A_445 = tpu.memref_squeeze %dma_wait3A_444 : memref<1x!tpu.dma_semaphore, #tpu.memory_space<semaphore_mem>> -> memref<!tpu.dma_semaphore, #tpu.memory_space<semaphore_mem>>
      tpu.wait_indirect_dma semaphore(%dma_wait3A_445 : memref<!tpu.dma_semaphore, #tpu.memory_space<semaphore_mem>>) src(%dma_wait3A_443 : memref<100000x1024xf32, #tpu.memory_space<hbm>>) dst(%dma_wait3A_437 : memref<8x1024xf32, #tpu.memory_space<vmem>>)
      %parallel_loop3A = arith.constant 0 : i32
      %parallel_loop3A_446 = arith.constant 64 : i32
      %parallel_loop3A_447 = arith.constant 1 : i32
      scf.for %parallel_loop3A_1093 = %parallel_loop3A to %parallel_loop3A_446 step %parallel_loop3A_447  : i32 {
        %parallel_loop3A_1094 = arith.constant 16 : i32
        %parallel_loop3A_1095 = arith.muli %parallel_loop3A_1093, %parallel_loop3A_1094 : i32
        %parallel_loop3A_1096 = arith.constant 0 : i32
        %parallel_loop3A_1097 = arith.constant 0 : i32
        %parallel_loop3A_1098 = arith.index_cast %parallel_loop3A_1096 : i32 to index
        %parallel_loop3A_1099 = arith.index_cast %parallel_loop3A_1097 : i32 to index
        %parallel_loop3A_1100 = arith.index_cast %parallel_loop3A_1095 : i32 to index
        %parallel_loop3A_1101 = tpu.vector_load %arg7[%parallel_loop3A_1098, %parallel_loop3A_1099, %parallel_loop3A_1100] {strides = array<i32>} : memref<2x8x1024xf32, #tpu.memory_space<vmem>>, vector<1x1x16xf32>,
        %parallel_loop3A_1102 = vector.shape_cast %parallel_loop3A_1101 : vector<1x1x16xf32> to vector<16xf32>
        %parallel_loop3A_1103 = arith.constant 0 : i32
        %parallel_loop3A_1104 = arith.constant 0 : i32
        %parallel_loop3A_1105 = arith.index_cast %parallel_loop3A_1103 : i32 to index
        %parallel_loop3A_1106 = arith.index_cast %parallel_loop3A_1104 : i32 to index
        %parallel_loop3A_1107 = arith.index_cast %parallel_loop3A_1095 : i32 to index
        %parallel_loop3A_1108 = tpu.vector_load %arg8[%parallel_loop3A_1105, %parallel_loop3A_1106, %parallel_loop3A_1107] {strides = array<i32>} : memref<8x8x1024xf32, #tpu.memory_space<vmem>>, vector<1x1x16xf32>,
        %parallel_loop3A_1109 = vector.shape_cast %parallel_loop3A_1108 : vector<1x1x16xf32> to vector<16xf32>
        %parallel_loop3A_1110 = vector.shape_cast %parallel_loop3A_1102 : vector<16xf32> to vector<1x1x16xf32>
        tpu.vector_store %arg8[%parallel_loop3A_1105, %parallel_loop3A_1106, %parallel_loop3A_1107], %parallel_loop3A_1110 {add = true, strides = array<i32>} : memref<8x8x1024xf32, #tpu.memory_space<vmem>>, vector<1x1x16xf32>,
        %parallel_loop3A_1111 = arith.constant 0 : i32
        %parallel_loop3A_1112 = arith.constant 1 : i32
        %parallel_loop3A_1113 = arith.index_cast %parallel_loop3A_1111 : i32 to index
        %parallel_loop3A_1114 = arith.index_cast %parallel_loop3A_1112 : i32 to index
        %parallel_loop3A_1115 = arith.index_cast %parallel_loop3A_1095 : i32 to index
        %parallel_loop3A_1116 = tpu.vector_load %arg7[%parallel_loop3A_1113, %parallel_loop3A_1114, %parallel_loop3A_1115] {strides = array<i32>} : memref<2x8x1024xf32, #tpu.memory_space<vmem>>, vector<1x1x16xf32>,
        %parallel_loop3A_1117 = vector.shape_cast %parallel_loop3A_1116 : vector<1x1x16xf32> to vector<16xf32>
        %parallel_loop3A_1118 = arith.constant 0 : i32
        %parallel_loop3A_1119 = arith.constant 1 : i32
        %parallel_loop3A_1120 = arith.index_cast %parallel_loop3A_1118 : i32 to index
        %parallel_loop3A_1121 = arith.index_cast %parallel_loop3A_1119 : i32 to index
        %parallel_loop3A_1122 = arith.index_cast %parallel_loop3A_1095 : i32 to index
        %parallel_loop3A_1123 = tpu.vector_load %arg8[%parallel_loop3A_1120, %parallel_loop3A_1121, %parallel_loop3A_1122] {strides = array<i32>} : memref<8x8x1024xf32, #tpu.memory_space<vmem>>, vector<1x1x16xf32>,
        %parallel_loop3A_1124 = vector.shape_cast %parallel_loop3A_1123 : vector<1x1x16xf32> to vector<16xf32>
        %parallel_loop3A_1125 = vector.shape_cast %parallel_loop3A_1117 : vector<16xf32> to vector<1x1x16xf32>
        tpu.vector_store %arg8[%parallel_loop3A_1120, %parallel_loop3A_1121, %parallel_loop3A_1122], %parallel_loop3A_1125 {add = true, strides = array<i32>} : memref<8x8x1024xf32, #tpu.memory_space<vmem>>, vector<1x1x16xf32>,
        %parallel_loop3A_1126 = arith.constant 0 : i32
        %parallel_loop3A_1127 = arith.constant 2 : i32
        %parallel_loop3A_1128 = arith.index_cast %parallel_loop3A_1126 : i32 to index
        %parallel_loop3A_1129 = arith.index_cast %parallel_loop3A_1127 : i32 to index
        %parallel_loop3A_1130 = arith.index_cast %parallel_loop3A_1095 : i32 to index
        %parallel_loop3A_1131 = tpu.vector_load %arg7[%parallel_loop3A_1128, %parallel_loop3A_1129, %parallel_loop3A_1130] {strides = array<i32>} : memref<2x8x1024xf32, #tpu.memory_space<vmem>>, vector<1x1x16xf32>,
        %parallel_loop3A_1132 = vector.shape_cast %parallel_loop3A_1131 : vector<1x1x16xf32> to vector<16xf32>
        %parallel_loop3A_1133 = arith.constant 0 : i32
        %parallel_loop3A_1134 = arith.constant 2 : i32
        %parallel_loop3A_1135 = arith.index_cast %parallel_loop3A_1133 : i32 to index
        %parallel_loop3A_1136 = arith.index_cast %parallel_loop3A_1134 : i32 to index
        %parallel_loop3A_1137 = arith.index_cast %parallel_loop3A_1095 : i32 to index
        %parallel_loop3A_1138 = tpu.vector_load %arg8[%parallel_loop3A_1135, %parallel_loop3A_1136, %parallel_loop3A_1137] {strides = array<i32>} : memref<8x8x1024xf32, #tpu.memory_space<vmem>>, vector<1x1x16xf32>,
        %parallel_loop3A_1139 = vector.shape_cast %parallel_loop3A_1138 : vector<1x1x16xf32> to vector<16xf32>
        %parallel_loop3A_1140 = vector.shape_cast %parallel_loop3A_1132 : vector<16xf32> to vector<1x1x16xf32>
        tpu.vector_store %arg8[%parallel_loop3A_1135, %parallel_loop3A_1136, %parallel_loop3A_1137], %parallel_loop3A_1140 {add = true, strides = array<i32>} : memref<8x8x1024xf32, #tpu.memory_space<vmem>>, vector<1x1x16xf32>,
        %parallel_loop3A_1141 = arith.constant 0 : i32
        %parallel_loop3A_1142 = arith.constant 3 : i32
        %parallel_loop3A_1143 = arith.index_cast %parallel_loop3A_1141 : i32 to index
        %parallel_loop3A_1144 = arith.index_cast %parallel_loop3A_1142 : i32 to index
        %parallel_loop3A_1145 = arith.index_cast %parallel_loop3A_1095 : i32 to index
        %parallel_loop3A_1146 = tpu.vector_load %arg7[%parallel_loop3A_1143, %parallel_loop3A_1144, %parallel_loop3A_1145] {strides = array<i32>} : memref<2x8x1024xf32, #tpu.memory_space<vmem>>, vector<1x1x16xf32>,
        %parallel_loop3A_1147 = vector.shape_cast %parallel_loop3A_1146 : vector<1x1x16xf32> to vector<16xf32>
        %parallel_loop3A_1148 = arith.constant 0 : i32
        %parallel_loop3A_1149 = arith.constant 3 : i32
        %parallel_loop3A_1150 = arith.index_cast %parallel_loop3A_1148 : i32 to index
        %parallel_loop3A_1151 = arith.index_cast %parallel_loop3A_1149 : i32 to index
        %parallel_loop3A_1152 = arith.index_cast %parallel_loop3A_1095 : i32 to index
        %parallel_loop3A_1153 = tpu.vector_load %arg8[%parallel_loop3A_1150, %parallel_loop3A_1151, %parallel_loop3A_1152] {strides = array<i32>} : memref<8x8x1024xf32, #tpu.memory_space<vmem>>, vector<1x1x16xf32>,
        %parallel_loop3A_1154 = vector.shape_cast %parallel_loop3A_1153 : vector<1x1x16xf32> to vector<16xf32>
        %parallel_loop3A_1155 = vector.shape_cast %parallel_loop3A_1147 : vector<16xf32> to vector<1x1x16xf32>
        tpu.vector_store %arg8[%parallel_loop3A_1150, %parallel_loop3A_1151, %parallel_loop3A_1152], %parallel_loop3A_1155 {add = true, strides = array<i32>} : memref<8x8x1024xf32, #tpu.memory_space<vmem>>, vector<1x1x16xf32>,
        %parallel_loop3A_1156 = arith.constant 0 : i32
        %parallel_loop3A_1157 = arith.constant 4 : i32
        %parallel_loop3A_1158 = arith.index_cast %parallel_loop3A_1156 : i32 to index
        %parallel_loop3A_1159 = arith.index_cast %parallel_loop3A_1157 : i32 to index
        %parallel_loop3A_1160 = arith.index_cast %parallel_loop3A_1095 : i32 to index
        %parallel_loop3A_1161 = tpu.vector_load %arg7[%parallel_loop3A_1158, %parallel_loop3A_1159, %parallel_loop3A_1160] {strides = array<i32>} : memref<2x8x1024xf32, #tpu.memory_space<vmem>>, vector<1x1x16xf32>,
        %parallel_loop3A_1162 = vector.shape_cast %parallel_loop3A_1161 : vector<1x1x16xf32> to vector<16xf32>
        %parallel_loop3A_1163 = arith.constant 0 : i32
        %parallel_loop3A_1164 = arith.constant 4 : i32
        %parallel_loop3A_1165 = arith.index_cast %parallel_loop3A_1163 : i32 to index
        %parallel_loop3A_1166 = arith.index_cast %parallel_loop3A_1164 : i32 to index
        %parallel_loop3A_1167 = arith.index_cast %parallel_loop3A_1095 : i32 to index
        %parallel_loop3A_1168 = tpu.vector_load %arg8[%parallel_loop3A_1165, %parallel_loop3A_1166, %parallel_loop3A_1167] {strides = array<i32>} : memref<8x8x1024xf32, #tpu.memory_space<vmem>>, vector<1x1x16xf32>,
        %parallel_loop3A_1169 = vector.shape_cast %parallel_loop3A_1168 : vector<1x1x16xf32> to vector<16xf32>
        %parallel_loop3A_1170 = vector.shape_cast %parallel_loop3A_1162 : vector<16xf32> to vector<1x1x16xf32>
        tpu.vector_store %arg8[%parallel_loop3A_1165, %parallel_loop3A_1166, %parallel_loop3A_1167], %parallel_loop3A_1170 {add = true, strides = array<i32>} : memref<8x8x1024xf32, #tpu.memory_space<vmem>>, vector<1x1x16xf32>,
        %parallel_loop3A_1171 = arith.constant 0 : i32
        %parallel_loop3A_1172 = arith.constant 5 : i32
        %parallel_loop3A_1173 = arith.index_cast %parallel_loop3A_1171 : i32 to index
        %parallel_loop3A_1174 = arith.index_cast %parallel_loop3A_1172 : i32 to index
        %parallel_loop3A_1175 = arith.index_cast %parallel_loop3A_1095 : i32 to index
        %parallel_loop3A_1176 = tpu.vector_load %arg7[%parallel_loop3A_1173, %parallel_loop3A_1174, %parallel_loop3A_1175] {strides = array<i32>} : memref<2x8x1024xf32, #tpu.memory_space<vmem>>, vector<1x1x16xf32>,
        %parallel_loop3A_1177 = vector.shape_cast %parallel_loop3A_1176 : vector<1x1x16xf32> to vector<16xf32>
        %parallel_loop3A_1178 = arith.constant 0 : i32
        %parallel_loop3A_1179 = arith.constant 5 : i32
        %parallel_loop3A_1180 = arith.index_cast %parallel_loop3A_1178 : i32 to index
        %parallel_loop3A_1181 = arith.index_cast %parallel_loop3A_1179 : i32 to index
        %parallel_loop3A_1182 = arith.index_cast %parallel_loop3A_1095 : i32 to index
        %parallel_loop3A_1183 = tpu.vector_load %arg8[%parallel_loop3A_1180, %parallel_loop3A_1181, %parallel_loop3A_1182] {strides = array<i32>} : memref<8x8x1024xf32, #tpu.memory_space<vmem>>, vector<1x1x16xf32>,
        %parallel_loop3A_1184 = vector.shape_cast %parallel_loop3A_1183 : vector<1x1x16xf32> to vector<16xf32>
        %parallel_loop3A_1185 = vector.shape_cast %parallel_loop3A_1177 : vector<16xf32> to vector<1x1x16xf32>
        tpu.vector_store %arg8[%parallel_loop3A_1180, %parallel_loop3A_1181, %parallel_loop3A_1182], %parallel_loop3A_1185 {add = true, strides = array<i32>} : memref<8x8x1024xf32, #tpu.memory_space<vmem>>, vector<1x1x16xf32>,
        %parallel_loop3A_1186 = arith.constant 0 : i32
        %parallel_loop3A_1187 = arith.constant 6 : i32
        %parallel_loop3A_1188 = arith.index_cast %parallel_loop3A_1186 : i32 to index
        %parallel_loop3A_1189 = arith.index_cast %parallel_loop3A_1187 : i32 to index
        %parallel_loop3A_1190 = arith.index_cast %parallel_loop3A_1095 : i32 to index
        %parallel_loop3A_1191 = tpu.vector_load %arg7[%parallel_loop3A_1188, %parallel_loop3A_1189, %parallel_loop3A_1190] {strides = array<i32>} : memref<2x8x1024xf32, #tpu.memory_space<vmem>>, vector<1x1x16xf32>,
        %parallel_loop3A_1192 = vector.shape_cast %parallel_loop3A_1191 : vector<1x1x16xf32> to vector<16xf32>
        %parallel_loop3A_1193 = arith.constant 0 : i32
        %parallel_loop3A_1194 = arith.constant 6 : i32
        %parallel_loop3A_1195 = arith.index_cast %parallel_loop3A_1193 : i32 to index
        %parallel_loop3A_1196 = arith.index_cast %parallel_loop3A_1194 : i32 to index
        %parallel_loop3A_1197 = arith.index_cast %parallel_loop3A_1095 : i32 to index
        %parallel_loop3A_1198 = tpu.vector_load %arg8[%parallel_loop3A_1195, %parallel_loop3A_1196, %parallel_loop3A_1197] {strides = array<i32>} : memref<8x8x1024xf32, #tpu.memory_space<vmem>>, vector<1x1x16xf32>,
        %parallel_loop3A_1199 = vector.shape_cast %parallel_loop3A_1198 : vector<1x1x16xf32> to vector<16xf32>
        %parallel_loop3A_1200 = vector.shape_cast %parallel_loop3A_1192 : vector<16xf32> to vector<1x1x16xf32>
        tpu.vector_store %arg8[%parallel_loop3A_1195, %parallel_loop3A_1196, %parallel_loop3A_1197], %parallel_loop3A_1200 {add = true, strides = array<i32>} : memref<8x8x1024xf32, #tpu.memory_space<vmem>>, vector<1x1x16xf32>,
        %parallel_loop3A_1201 = arith.constant 0 : i32
        %parallel_loop3A_1202 = arith.constant 7 : i32
        %parallel_loop3A_1203 = arith.index_cast %parallel_loop3A_1201 : i32 to index
        %parallel_loop3A_1204 = arith.index_cast %parallel_loop3A_1202 : i32 to index
        %parallel_loop3A_1205 = arith.index_cast %parallel_loop3A_1095 : i32 to index
        %parallel_loop3A_1206 = tpu.vector_load %arg7[%parallel_loop3A_1203, %parallel_loop3A_1204, %parallel_loop3A_1205] {strides = array<i32>} : memref<2x8x1024xf32, #tpu.memory_space<vmem>>, vector<1x1x16xf32>,
        %parallel_loop3A_1207 = vector.shape_cast %parallel_loop3A_1206 : vector<1x1x16xf32> to vector<16xf32>
        %parallel_loop3A_1208 = arith.constant 0 : i32
        %parallel_loop3A_1209 = arith.constant 7 : i32
        %parallel_loop3A_1210 = arith.index_cast %parallel_loop3A_1208 : i32 to index
        %parallel_loop3A_1211 = arith.index_cast %parallel_loop3A_1209 : i32 to index
        %parallel_loop3A_1212 = arith.index_cast %parallel_loop3A_1095 : i32 to index
        %parallel_loop3A_1213 = tpu.vector_load %arg8[%parallel_loop3A_1210, %parallel_loop3A_1211, %parallel_loop3A_1212] {strides = array<i32>} : memref<8x8x1024xf32, #tpu.memory_space<vmem>>, vector<1x1x16xf32>,
        %parallel_loop3A_1214 = vector.shape_cast %parallel_loop3A_1213 : vector<1x1x16xf32> to vector<16xf32>
        %parallel_loop3A_1215 = vector.shape_cast %parallel_loop3A_1207 : vector<16xf32> to vector<1x1x16xf32>
        tpu.vector_store %arg8[%parallel_loop3A_1210, %parallel_loop3A_1211, %parallel_loop3A_1212], %parallel_loop3A_1215 {add = true, strides = array<i32>} : memref<8x8x1024xf32, #tpu.memory_space<vmem>>, vector<1x1x16xf32>,
      } {sc.loop_unroll_factor = 2 : i64, sc.parallel_access}
      %ge3A_448 = arith.constant 1 : i32
      %ge3A_449 = arith.cmpi sge, %add3A_403, %ge3A_448 : i32
      %convert_element_type3A_450 = arith.extui %ge3A_449 : i1 to i32
      %cond3A_451 = arith.constant 0 : i32
      %cond3A_452 = arith.cmpi ne, %convert_element_type3A_450, %cond3A_451 : i32
      scf.if %cond3A_452 {
        %dma_wait3A_1093 = arith.constant 0 : i32
        %dma_wait3A_1094 = arith.constant 0 : i32
        %dma_wait3A_1095 = tpu.memref_slice %arg12[%dma_wait3A_1094] : memref<4x!tpu.dma_semaphore, #tpu.memory_space<semaphore_mem>> -> memref<1x!tpu.dma_semaphore, #tpu.memory_space<semaphore_mem>>
        %dma_wait3A_1096 = tpu.memref_squeeze %dma_wait3A_1095 : memref<1x!tpu.dma_semaphore, #tpu.memory_space<semaphore_mem>> -> memref<!tpu.dma_semaphore, #tpu.memory_space<semaphore_mem>>
        %dma_wait3A_1097 = arith.constant 0 : i32
        %dma_wait3A_1098 = arith.constant 0 : i32
        %dma_wait3A_1099 = tpu.memref_slice %arg5[%dma_wait3A_1097, %dma_wait3A_1098] : memref<32768x1024xf32, #tpu.memory_space<hbm>> -> memref<8x1024xf32, #tpu.memory_space<hbm>>
        %dma_wait3A_1100 = arith.constant 0 : i32
        %dma_wait3A_1101 = arith.constant 0 : i32
        %dma_wait3A_1102 = tpu.memref_slice %arg9[%arg1, %dma_wait3A_1093, %dma_wait3A_1100, %dma_wait3A_1101] : memref<16x4x8x1024xf32, #tpu.memory_space<vmem_shared>> -> memref<1x1x8x1024xf32, #tpu.memory_space<vmem_shared>>
        %dma_wait3A_1103 = tpu.memref_squeeze %dma_wait3A_1102 : memref<1x1x8x1024xf32, #tpu.memory_space<vmem_shared>> -> memref<8x1024xf32, #tpu.memory_space<vmem_shared>>
        tpu.wait_dma2 semaphore(%dma_wait3A_1096 : memref<!tpu.dma_semaphore, #tpu.memory_space<semaphore_mem>>) src(%dma_wait3A_1103 : memref<8x1024xf32, #tpu.memory_space<vmem_shared>>) dst(%dma_wait3A_1099 : memref<8x1024xf32, #tpu.memory_space<hbm>>)
      } else {
      }
      %dma_start3A_453 = arith.constant 0 : i32
      %dma_start3A_454 = arith.constant 0 : i32
      %dma_start3A_455 = arith.constant 0 : i32
      %dma_start3A_456 = arith.constant 0 : i32
      %dma_start3A_457 = arith.constant 0 : i32
      %dma_start3A_458 = tpu.memref_slice %arg8[%dma_start3A_453, %dma_start3A_456, %dma_start3A_457] : memref<8x8x1024xf32, #tpu.memory_space<vmem>> -> memref<1x8x1024xf32, #tpu.memory_space<vmem>>
      %dma_start3A_459 = tpu.memref_squeeze %dma_start3A_458 : memref<1x8x1024xf32, #tpu.memory_space<vmem>> -> memref<8x1024xf32, #tpu.memory_space<vmem>>
      %dma_start3A_460 = arith.constant 0 : i32
      %dma_start3A_461 = arith.constant 0 : i32
      %dma_start3A_462 = tpu.memref_slice %arg9[%arg1, %dma_start3A_454, %dma_start3A_460, %dma_start3A_461] : memref<16x4x8x1024xf32, #tpu.memory_space<vmem_shared>> -> memref<1x1x8x1024xf32, #tpu.memory_space<vmem_shared>>
      %dma_start3A_463 = tpu.memref_squeeze %dma_start3A_462 : memref<1x1x8x1024xf32, #tpu.memory_space<vmem_shared>> -> memref<8x1024xf32, #tpu.memory_space<vmem_shared>>
      %dma_start3A_464 = tpu.memref_slice %arg11[%dma_start3A_455] : memref<8x!tpu.dma_semaphore, #tpu.memory_space<semaphore_mem>> -> memref<1x!tpu.dma_semaphore, #tpu.memory_space<semaphore_mem>>
      %dma_start3A_465 = tpu.memref_squeeze %dma_start3A_464 : memref<1x!tpu.dma_semaphore, #tpu.memory_space<semaphore_mem>> -> memref<!tpu.dma_semaphore, #tpu.memory_space<semaphore_mem>>
      %dma_start3A_466 = arith.constant 0 : i32
      %dma_start3A_467 = arith.constant 0 : i32
      %dma_start3A_468 = tpu.memref_slice %arg9[%arg1, %dma_start3A_454, %dma_start3A_466, %dma_start3A_467] : memref<16x4x8x1024xf32, #tpu.memory_space<vmem_shared>> -> memref<1x1x8x1024xf32, #tpu.memory_space<vmem_shared>>
      %dma_start3A_469 = tpu.memref_squeeze %dma_start3A_468 : memref<1x1x8x1024xf32, #tpu.memory_space<vmem_shared>> -> memref<8x1024xf32, #tpu.memory_space<vmem_shared>>
      %dma_start3A_470 = arith.constant 0 : i32
      %dma_start3A_471 = arith.constant 0 : i32
      %dma_start3A_472 = tpu.memref_slice %arg8[%dma_start3A_453, %dma_start3A_470, %dma_start3A_471] : memref<8x8x1024xf32, #tpu.memory_space<vmem>> -> memref<1x8x1024xf32, #tpu.memory_space<vmem>>
      %dma_start3A_473 = tpu.memref_squeeze %dma_start3A_472 : memref<1x8x1024xf32, #tpu.memory_space<vmem>> -> memref<8x1024xf32, #tpu.memory_space<vmem>>
      tpu.enqueue_dma source(%dma_start3A_473 : memref<8x1024xf32, #tpu.memory_space<vmem>>) target(%dma_start3A_469 : memref<8x1024xf32, #tpu.memory_space<vmem_shared>>) target_semaphore(%dma_start3A_465 : memref<!tpu.dma_semaphore, #tpu.memory_space<semaphore_mem>>)
      %ge3A_474 = arith.constant 1 : i32
      %ge3A_475 = arith.cmpi sge, %add3A_403, %ge3A_474 : i32
      %convert_element_type3A_476 = arith.extui %ge3A_475 : i1 to i32
      %cond3A_477 = arith.constant 0 : i32
      %cond3A_478 = arith.cmpi ne, %convert_element_type3A_476, %cond3A_477 : i32
      scf.if %cond3A_478 {
        %add3A_1093 = arith.constant 24576 : i32
        %add3A_1094 = arith.addi %add3A_1093, %mul3A_2 : i32
        %sub3A = arith.constant 1 : i32
        %sub3A_1095 = arith.subi %add3A_403, %sub3A : i32
        %mul3A_1096 = arith.constant 8 : i32
        %mul3A_1097 = arith.muli %sub3A_1095, %mul3A_1096 : i32
        %add3A_1098 = arith.addi %add3A_1094, %mul3A_1097 : i32
        %dma_wait3A_1099 = arith.constant 7 : i32
        %dma_wait3A_1100 = arith.constant 3 : i32
        %dma_wait3A_1101 = arith.constant 7 : i32
        %dma_wait3A_1102 = arith.constant 0 : i32
        %dma_wait3A_1103 = arith.constant 0 : i32
        %dma_wait3A_1104 = tpu.memref_slice %arg8[%dma_wait3A_1099, %dma_wait3A_1102, %dma_wait3A_1103] : memref<8x8x1024xf32, #tpu.memory_space<vmem>> -> memref<1x8x1024xf32, #tpu.memory_space<vmem>>
        %dma_wait3A_1105 = tpu.memref_squeeze %dma_wait3A_1104 : memref<1x8x1024xf32, #tpu.memory_space<vmem>> -> memref<8x1024xf32, #tpu.memory_space<vmem>>
        %dma_wait3A_1106 = arith.constant 0 : i32
        %dma_wait3A_1107 = arith.constant 0 : i32
        %dma_wait3A_1108 = tpu.memref_slice %arg9[%arg1, %dma_wait3A_1100, %dma_wait3A_1106, %dma_wait3A_1107] : memref<16x4x8x1024xf32, #tpu.memory_space<vmem_shared>> -> memref<1x1x8x1024xf32, #tpu.memory_space<vmem_shared>>
        %dma_wait3A_1109 = tpu.memref_squeeze %dma_wait3A_1108 : memref<1x1x8x1024xf32, #tpu.memory_space<vmem_shared>> -> memref<8x1024xf32, #tpu.memory_space<vmem_shared>>
        %dma_wait3A_1110 = tpu.memref_slice %arg11[%dma_wait3A_1101] : memref<8x!tpu.dma_semaphore, #tpu.memory_space<semaphore_mem>> -> memref<1x!tpu.dma_semaphore, #tpu.memory_space<semaphore_mem>>
        %dma_wait3A_1111 = tpu.memref_squeeze %dma_wait3A_1110 : memref<1x!tpu.dma_semaphore, #tpu.memory_space<semaphore_mem>> -> memref<!tpu.dma_semaphore, #tpu.memory_space<semaphore_mem>>
        %dma_wait3A_1112 = arith.constant 0 : i32
        %dma_wait3A_1113 = arith.constant 0 : i32
        %dma_wait3A_1114 = tpu.memref_slice %arg9[%arg1, %dma_wait3A_1100, %dma_wait3A_1112, %dma_wait3A_1113] : memref<16x4x8x1024xf32, #tpu.memory_space<vmem_shared>> -> memref<1x1x8x1024xf32, #tpu.memory_space<vmem_shared>>
        %dma_wait3A_1115 = tpu.memref_squeeze %dma_wait3A_1114 : memref<1x1x8x1024xf32, #tpu.memory_space<vmem_shared>> -> memref<8x1024xf32, #tpu.memory_space<vmem_shared>>
        %dma_wait3A_1116 = arith.constant 0 : i32
        %dma_wait3A_1117 = arith.constant 0 : i32
        %dma_wait3A_1118 = tpu.memref_slice %arg8[%dma_wait3A_1099, %dma_wait3A_1116, %dma_wait3A_1117] : memref<8x8x1024xf32, #tpu.memory_space<vmem>> -> memref<1x8x1024xf32, #tpu.memory_space<vmem>>
        %dma_wait3A_1119 = tpu.memref_squeeze %dma_wait3A_1118 : memref<1x8x1024xf32, #tpu.memory_space<vmem>> -> memref<8x1024xf32, #tpu.memory_space<vmem>>
        tpu.wait_dma2 semaphore(%dma_wait3A_1111 : memref<!tpu.dma_semaphore, #tpu.memory_space<semaphore_mem>>) src(%dma_wait3A_1119 : memref<8x1024xf32, #tpu.memory_space<vmem>>) dst(%dma_wait3A_1115 : memref<8x1024xf32, #tpu.memory_space<vmem_shared>>)
        %dma_start3A_1120 = arith.constant 3 : i32
        %dma_start3A_1121 = arith.constant 3 : i32
        %dma_start3A_1122 = tpu.memref_slice %arg12[%dma_start3A_1121] : memref<4x!tpu.dma_semaphore, #tpu.memory_space<semaphore_mem>> -> memref<1x!tpu.dma_semaphore, #tpu.memory_space<semaphore_mem>>
        %dma_start3A_1123 = tpu.memref_squeeze %dma_start3A_1122 : memref<1x!tpu.dma_semaphore, #tpu.memory_space<semaphore_mem>> -> memref<!tpu.dma_semaphore, #tpu.memory_space<semaphore_mem>>
        %dma_start3A_1124 = arith.constant 0 : i32
        %dma_start3A_1125 = tpu.memref_slice %arg5[%add3A_1098, %dma_start3A_1124] : memref<32768x1024xf32, #tpu.memory_space<hbm>> -> memref<8x1024xf32, #tpu.memory_space<hbm>>
        %dma_start3A_1126 = arith.constant 0 : i32
        %dma_start3A_1127 = arith.constant 0 : i32
        %dma_start3A_1128 = tpu.memref_slice %arg9[%arg1, %dma_start3A_1120, %dma_start3A_1126, %dma_start3A_1127] : memref<16x4x8x1024xf32, #tpu.memory_space<vmem_shared>> -> memref<1x1x8x1024xf32, #tpu.memory_space<vmem_shared>>
        %dma_start3A_1129 = tpu.memref_squeeze %dma_start3A_1128 : memref<1x1x8x1024xf32, #tpu.memory_space<vmem_shared>> -> memref<8x1024xf32, #tpu.memory_space<vmem_shared>>
        tpu.enqueue_dma source(%dma_start3A_1129 : memref<8x1024xf32, #tpu.memory_space<vmem_shared>>) target(%dma_start3A_1125 : memref<8x1024xf32, #tpu.memory_space<hbm>>) target_semaphore(%dma_start3A_1123 : memref<!tpu.dma_semaphore, #tpu.memory_space<semaphore_mem>>)
      } else {
      }
      %ge3A_479 = arith.constant 1 : i32
      %ge3A_480 = arith.cmpi sge, %add3A_403, %ge3A_479 : i32
      %le3A_481 = arith.constant 30 : i32
      %le3A_482 = arith.cmpi sle, %add3A_403, %le3A_481 : i32
      %and3A_483 = arith.andi %ge3A_480, %le3A_482 : i1
      %convert_element_type3A_484 = arith.extui %and3A_483 : i1 to i32
      %cond3A_485 = arith.constant 0 : i32
      %cond3A_486 = arith.cmpi ne, %convert_element_type3A_484, %cond3A_485 : i32
      scf.if %cond3A_486 {
        %add3A_1093 = arith.constant 1 : i32
        %add3A_1094 = arith.addi %add3A_403, %add3A_1093 : i32
        %dma_start3A_1095 = arith.constant 1 : i32
        %dma_start3A_1096 = arith.constant 5 : i32
        %dma_start3A_1097 = arith.constant 5 : i32
        %dma_start3A_1098 = arith.constant 0 : i32
        %dma_start3A_1099 = arith.constant 0 : i32
        %dma_start3A_1100 = tpu.memref_slice %arg8[%dma_start3A_1096, %dma_start3A_1098, %dma_start3A_1099] : memref<8x8x1024xf32, #tpu.memory_space<vmem>> -> memref<1x8x1024xf32, #tpu.memory_space<vmem>>
        %dma_start3A_1101 = tpu.memref_squeeze %dma_start3A_1100 : memref<1x8x1024xf32, #tpu.memory_space<vmem>> -> memref<8x1024xf32, #tpu.memory_space<vmem>>
        %dma_start3A_1102 = arith.constant 0 : i32
        %dma_start3A_1103 = tpu.memref_slice %arg6[%dma_start3A_1095, %add3A_1094, %dma_start3A_1102] : memref<4x32x8xi32, #tpu.memory_space<vmem>> -> memref<1x1x8xi32, #tpu.memory_space<vmem>>
        %dma_start3A_1104 = tpu.memref_squeeze %dma_start3A_1103 : memref<1x1x8xi32, #tpu.memory_space<vmem>> -> memref<8xi32, #tpu.memory_space<vmem>>
        %dma_start3A_1105 = arith.constant 0 : i32
        %dma_start3A_1106 = arith.constant 0 : i32
        %dma_start3A_1107 = tpu.memref_slice %arg3[%dma_start3A_1105, %dma_start3A_1106] : memref<100000x1024xf32, #tpu.memory_space<hbm>> -> memref<100000x1024xf32, #tpu.memory_space<hbm>>
        %dma_start3A_1108 = tpu.memref_slice %arg10[%dma_start3A_1097] : memref<8x!tpu.dma_semaphore, #tpu.memory_space<semaphore_mem>> -> memref<1x!tpu.dma_semaphore, #tpu.memory_space<semaphore_mem>>
        %dma_start3A_1109 = tpu.memref_squeeze %dma_start3A_1108 : memref<1x!tpu.dma_semaphore, #tpu.memory_space<semaphore_mem>> -> memref<!tpu.dma_semaphore, #tpu.memory_space<semaphore_mem>>
        tpu.enqueue_indirect_dma source(%dma_start3A_1107 : memref<100000x1024xf32, #tpu.memory_space<hbm>>) target(%dma_start3A_1101 : memref<8x1024xf32, #tpu.memory_space<vmem>>) offsets(%dma_start3A_1104 : memref<8xi32, #tpu.memory_space<vmem>>) semaphore(%dma_start3A_1109 : memref<!tpu.dma_semaphore, #tpu.memory_space<semaphore_mem>>)
      } else {
      }
      %dma_wait3A_487 = arith.constant 1 : i32
      %dma_wait3A_488 = arith.constant 1 : i32
      %dma_wait3A_489 = arith.constant 1 : i32
      %dma_wait3A_490 = arith.constant 0 : i32
      %dma_wait3A_491 = arith.constant 0 : i32
      %dma_wait3A_492 = tpu.memref_slice %arg8[%dma_wait3A_488, %dma_wait3A_490, %dma_wait3A_491] : memref<8x8x1024xf32, #tpu.memory_space<vmem>> -> memref<1x8x1024xf32, #tpu.memory_space<vmem>>
      %dma_wait3A_493 = tpu.memref_squeeze %dma_wait3A_492 : memref<1x8x1024xf32, #tpu.memory_space<vmem>> -> memref<8x1024xf32, #tpu.memory_space<vmem>>
      %dma_wait3A_494 = arith.constant 0 : i32
      %dma_wait3A_495 = tpu.memref_slice %arg6[%dma_wait3A_487, %add3A_403, %dma_wait3A_494] : memref<4x32x8xi32, #tpu.memory_space<vmem>> -> memref<1x1x8xi32, #tpu.memory_space<vmem>>
      %dma_wait3A_496 = tpu.memref_squeeze %dma_wait3A_495 : memref<1x1x8xi32, #tpu.memory_space<vmem>> -> memref<8xi32, #tpu.memory_space<vmem>>
      %dma_wait3A_497 = arith.constant 0 : i32
      %dma_wait3A_498 = arith.constant 0 : i32
      %dma_wait3A_499 = tpu.memref_slice %arg3[%dma_wait3A_497, %dma_wait3A_498] : memref<100000x1024xf32, #tpu.memory_space<hbm>> -> memref<100000x1024xf32, #tpu.memory_space<hbm>>
      %dma_wait3A_500 = tpu.memref_slice %arg10[%dma_wait3A_489] : memref<8x!tpu.dma_semaphore, #tpu.memory_space<semaphore_mem>> -> memref<1x!tpu.dma_semaphore, #tpu.memory_space<semaphore_mem>>
      %dma_wait3A_501 = tpu.memref_squeeze %dma_wait3A_500 : memref<1x!tpu.dma_semaphore, #tpu.memory_space<semaphore_mem>> -> memref<!tpu.dma_semaphore, #tpu.memory_space<semaphore_mem>>
      tpu.wait_indirect_dma semaphore(%dma_wait3A_501 : memref<!tpu.dma_semaphore, #tpu.memory_space<semaphore_mem>>) src(%dma_wait3A_499 : memref<100000x1024xf32, #tpu.memory_space<hbm>>) dst(%dma_wait3A_493 : memref<8x1024xf32, #tpu.memory_space<vmem>>)
      %parallel_loop3A_502 = arith.constant 0 : i32
      %parallel_loop3A_503 = arith.constant 64 : i32
      %parallel_loop3A_504 = arith.constant 1 : i32
      scf.for %parallel_loop3A_1093 = %parallel_loop3A_502 to %parallel_loop3A_503 step %parallel_loop3A_504  : i32 {
        %parallel_loop3A_1094 = arith.constant 16 : i32
        %parallel_loop3A_1095 = arith.muli %parallel_loop3A_1093, %parallel_loop3A_1094 : i32
        %parallel_loop3A_1096 = arith.constant 0 : i32
        %parallel_loop3A_1097 = arith.constant 0 : i32
        %parallel_loop3A_1098 = arith.index_cast %parallel_loop3A_1096 : i32 to index
        %parallel_loop3A_1099 = arith.index_cast %parallel_loop3A_1097 : i32 to index
        %parallel_loop3A_1100 = arith.index_cast %parallel_loop3A_1095 : i32 to index
        %parallel_loop3A_1101 = tpu.vector_load %arg7[%parallel_loop3A_1098, %parallel_loop3A_1099, %parallel_loop3A_1100] {strides = array<i32>} : memref<2x8x1024xf32, #tpu.memory_space<vmem>>, vector<1x1x16xf32>,
        %parallel_loop3A_1102 = vector.shape_cast %parallel_loop3A_1101 : vector<1x1x16xf32> to vector<16xf32>
        %parallel_loop3A_1103 = arith.constant 1 : i32
        %parallel_loop3A_1104 = arith.constant 0 : i32
        %parallel_loop3A_1105 = arith.index_cast %parallel_loop3A_1103 : i32 to index
        %parallel_loop3A_1106 = arith.index_cast %parallel_loop3A_1104 : i32 to index
        %parallel_loop3A_1107 = arith.index_cast %parallel_loop3A_1095 : i32 to index
        %parallel_loop3A_1108 = tpu.vector_load %arg8[%parallel_loop3A_1105, %parallel_loop3A_1106, %parallel_loop3A_1107] {strides = array<i32>} : memref<8x8x1024xf32, #tpu.memory_space<vmem>>, vector<1x1x16xf32>,
        %parallel_loop3A_1109 = vector.shape_cast %parallel_loop3A_1108 : vector<1x1x16xf32> to vector<16xf32>
        %parallel_loop3A_1110 = vector.shape_cast %parallel_loop3A_1102 : vector<16xf32> to vector<1x1x16xf32>
        tpu.vector_store %arg8[%parallel_loop3A_1105, %parallel_loop3A_1106, %parallel_loop3A_1107], %parallel_loop3A_1110 {add = true, strides = array<i32>} : memref<8x8x1024xf32, #tpu.memory_space<vmem>>, vector<1x1x16xf32>,
        %parallel_loop3A_1111 = arith.constant 0 : i32
        %parallel_loop3A_1112 = arith.constant 1 : i32
        %parallel_loop3A_1113 = arith.index_cast %parallel_loop3A_1111 : i32 to index
        %parallel_loop3A_1114 = arith.index_cast %parallel_loop3A_1112 : i32 to index
        %parallel_loop3A_1115 = arith.index_cast %parallel_loop3A_1095 : i32 to index
        %parallel_loop3A_1116 = tpu.vector_load %arg7[%parallel_loop3A_1113, %parallel_loop3A_1114, %parallel_loop3A_1115] {strides = array<i32>} : memref<2x8x1024xf32, #tpu.memory_space<vmem>>, vector<1x1x16xf32>,
        %parallel_loop3A_1117 = vector.shape_cast %parallel_loop3A_1116 : vector<1x1x16xf32> to vector<16xf32>
        %parallel_loop3A_1118 = arith.constant 1 : i32
        %parallel_loop3A_1119 = arith.constant 1 : i32
        %parallel_loop3A_1120 = arith.index_cast %parallel_loop3A_1118 : i32 to index
        %parallel_loop3A_1121 = arith.index_cast %parallel_loop3A_1119 : i32 to index
        %parallel_loop3A_1122 = arith.index_cast %parallel_loop3A_1095 : i32 to index
        %parallel_loop3A_1123 = tpu.vector_load %arg8[%parallel_loop3A_1120, %parallel_loop3A_1121, %parallel_loop3A_1122] {strides = array<i32>} : memref<8x8x1024xf32, #tpu.memory_space<vmem>>, vector<1x1x16xf32>,
        %parallel_loop3A_1124 = vector.shape_cast %parallel_loop3A_1123 : vector<1x1x16xf32> to vector<16xf32>
        %parallel_loop3A_1125 = vector.shape_cast %parallel_loop3A_1117 : vector<16xf32> to vector<1x1x16xf32>
        tpu.vector_store %arg8[%parallel_loop3A_1120, %parallel_loop3A_1121, %parallel_loop3A_1122], %parallel_loop3A_1125 {add = true, strides = array<i32>} : memref<8x8x1024xf32, #tpu.memory_space<vmem>>, vector<1x1x16xf32>,
        %parallel_loop3A_1126 = arith.constant 0 : i32
        %parallel_loop3A_1127 = arith.constant 2 : i32
        %parallel_loop3A_1128 = arith.index_cast %parallel_loop3A_1126 : i32 to index
        %parallel_loop3A_1129 = arith.index_cast %parallel_loop3A_1127 : i32 to index
        %parallel_loop3A_1130 = arith.index_cast %parallel_loop3A_1095 : i32 to index
        %parallel_loop3A_1131 = tpu.vector_load %arg7[%parallel_loop3A_1128, %parallel_loop3A_1129, %parallel_loop3A_1130] {strides = array<i32>} : memref<2x8x1024xf32, #tpu.memory_space<vmem>>, vector<1x1x16xf32>,
        %parallel_loop3A_1132 = vector.shape_cast %parallel_loop3A_1131 : vector<1x1x16xf32> to vector<16xf32>
        %parallel_loop3A_1133 = arith.constant 1 : i32
        %parallel_loop3A_1134 = arith.constant 2 : i32
        %parallel_loop3A_1135 = arith.index_cast %parallel_loop3A_1133 : i32 to index
        %parallel_loop3A_1136 = arith.index_cast %parallel_loop3A_1134 : i32 to index
        %parallel_loop3A_1137 = arith.index_cast %parallel_loop3A_1095 : i32 to index
        %parallel_loop3A_1138 = tpu.vector_load %arg8[%parallel_loop3A_1135, %parallel_loop3A_1136, %parallel_loop3A_1137] {strides = array<i32>} : memref<8x8x1024xf32, #tpu.memory_space<vmem>>, vector<1x1x16xf32>,
        %parallel_loop3A_1139 = vector.shape_cast %parallel_loop3A_1138 : vector<1x1x16xf32> to vector<16xf32>
        %parallel_loop3A_1140 = vector.shape_cast %parallel_loop3A_1132 : vector<16xf32> to vector<1x1x16xf32>
        tpu.vector_store %arg8[%parallel_loop3A_1135, %parallel_loop3A_1136, %parallel_loop3A_1137], %parallel_loop3A_1140 {add = true, strides = array<i32>} : memref<8x8x1024xf32, #tpu.memory_space<vmem>>, vector<1x1x16xf32>,
        %parallel_loop3A_1141 = arith.constant 0 : i32
        %parallel_loop3A_1142 = arith.constant 3 : i32
        %parallel_loop3A_1143 = arith.index_cast %parallel_loop3A_1141 : i32 to index
        %parallel_loop3A_1144 = arith.index_cast %parallel_loop3A_1142 : i32 to index
        %parallel_loop3A_1145 = arith.index_cast %parallel_loop3A_1095 : i32 to index
        %parallel_loop3A_1146 = tpu.vector_load %arg7[%parallel_loop3A_1143, %parallel_loop3A_1144, %parallel_loop3A_1145] {strides = array<i32>} : memref<2x8x1024xf32, #tpu.memory_space<vmem>>, vector<1x1x16xf32>,
        %parallel_loop3A_1147 = vector.shape_cast %parallel_loop3A_1146 : vector<1x1x16xf32> to vector<16xf32>
        %parallel_loop3A_1148 = arith.constant 1 : i32
        %parallel_loop3A_1149 = arith.constant 3 : i32
        %parallel_loop3A_1150 = arith.index_cast %parallel_loop3A_1148 : i32 to index
        %parallel_loop3A_1151 = arith.index_cast %parallel_loop3A_1149 : i32 to index
        %parallel_loop3A_1152 = arith.index_cast %parallel_loop3A_1095 : i32 to index
        %parallel_loop3A_1153 = tpu.vector_load %arg8[%parallel_loop3A_1150, %parallel_loop3A_1151, %parallel_loop3A_1152] {strides = array<i32>} : memref<8x8x1024xf32, #tpu.memory_space<vmem>>, vector<1x1x16xf32>,
        %parallel_loop3A_1154 = vector.shape_cast %parallel_loop3A_1153 : vector<1x1x16xf32> to vector<16xf32>
        %parallel_loop3A_1155 = vector.shape_cast %parallel_loop3A_1147 : vector<16xf32> to vector<1x1x16xf32>
        tpu.vector_store %arg8[%parallel_loop3A_1150, %parallel_loop3A_1151, %parallel_loop3A_1152], %parallel_loop3A_1155 {add = true, strides = array<i32>} : memref<8x8x1024xf32, #tpu.memory_space<vmem>>, vector<1x1x16xf32>,
        %parallel_loop3A_1156 = arith.constant 0 : i32
        %parallel_loop3A_1157 = arith.constant 4 : i32
        %parallel_loop3A_1158 = arith.index_cast %parallel_loop3A_1156 : i32 to index
        %parallel_loop3A_1159 = arith.index_cast %parallel_loop3A_1157 : i32 to index
        %parallel_loop3A_1160 = arith.index_cast %parallel_loop3A_1095 : i32 to index
        %parallel_loop3A_1161 = tpu.vector_load %arg7[%parallel_loop3A_1158, %parallel_loop3A_1159, %parallel_loop3A_1160] {strides = array<i32>} : memref<2x8x1024xf32, #tpu.memory_space<vmem>>, vector<1x1x16xf32>,
        %parallel_loop3A_1162 = vector.shape_cast %parallel_loop3A_1161 : vector<1x1x16xf32> to vector<16xf32>
        %parallel_loop3A_1163 = arith.constant 1 : i32
        %parallel_loop3A_1164 = arith.constant 4 : i32
        %parallel_loop3A_1165 = arith.index_cast %parallel_loop3A_1163 : i32 to index
        %parallel_loop3A_1166 = arith.index_cast %parallel_loop3A_1164 : i32 to index
        %parallel_loop3A_1167 = arith.index_cast %parallel_loop3A_1095 : i32 to index
        %parallel_loop3A_1168 = tpu.vector_load %arg8[%parallel_loop3A_1165, %parallel_loop3A_1166, %parallel_loop3A_1167] {strides = array<i32>} : memref<8x8x1024xf32, #tpu.memory_space<vmem>>, vector<1x1x16xf32>,
        %parallel_loop3A_1169 = vector.shape_cast %parallel_loop3A_1168 : vector<1x1x16xf32> to vector<16xf32>
        %parallel_loop3A_1170 = vector.shape_cast %parallel_loop3A_1162 : vector<16xf32> to vector<1x1x16xf32>
        tpu.vector_store %arg8[%parallel_loop3A_1165, %parallel_loop3A_1166, %parallel_loop3A_1167], %parallel_loop3A_1170 {add = true, strides = array<i32>} : memref<8x8x1024xf32, #tpu.memory_space<vmem>>, vector<1x1x16xf32>,
        %parallel_loop3A_1171 = arith.constant 0 : i32
        %parallel_loop3A_1172 = arith.constant 5 : i32
        %parallel_loop3A_1173 = arith.index_cast %parallel_loop3A_1171 : i32 to index
        %parallel_loop3A_1174 = arith.index_cast %parallel_loop3A_1172 : i32 to index
        %parallel_loop3A_1175 = arith.index_cast %parallel_loop3A_1095 : i32 to index
        %parallel_loop3A_1176 = tpu.vector_load %arg7[%parallel_loop3A_1173, %parallel_loop3A_1174, %parallel_loop3A_1175] {strides = array<i32>} : memref<2x8x1024xf32, #tpu.memory_space<vmem>>, vector<1x1x16xf32>,
        %parallel_loop3A_1177 = vector.shape_cast %parallel_loop3A_1176 : vector<1x1x16xf32> to vector<16xf32>
        %parallel_loop3A_1178 = arith.constant 1 : i32
        %parallel_loop3A_1179 = arith.constant 5 : i32
        %parallel_loop3A_1180 = arith.index_cast %parallel_loop3A_1178 : i32 to index
        %parallel_loop3A_1181 = arith.index_cast %parallel_loop3A_1179 : i32 to index
        %parallel_loop3A_1182 = arith.index_cast %parallel_loop3A_1095 : i32 to index
        %parallel_loop3A_1183 = tpu.vector_load %arg8[%parallel_loop3A_1180, %parallel_loop3A_1181, %parallel_loop3A_1182] {strides = array<i32>} : memref<8x8x1024xf32, #tpu.memory_space<vmem>>, vector<1x1x16xf32>,
        %parallel_loop3A_1184 = vector.shape_cast %parallel_loop3A_1183 : vector<1x1x16xf32> to vector<16xf32>
        %parallel_loop3A_1185 = vector.shape_cast %parallel_loop3A_1177 : vector<16xf32> to vector<1x1x16xf32>
        tpu.vector_store %arg8[%parallel_loop3A_1180, %parallel_loop3A_1181, %parallel_loop3A_1182], %parallel_loop3A_1185 {add = true, strides = array<i32>} : memref<8x8x1024xf32, #tpu.memory_space<vmem>>, vector<1x1x16xf32>,
        %parallel_loop3A_1186 = arith.constant 0 : i32
        %parallel_loop3A_1187 = arith.constant 6 : i32
        %parallel_loop3A_1188 = arith.index_cast %parallel_loop3A_1186 : i32 to index
        %parallel_loop3A_1189 = arith.index_cast %parallel_loop3A_1187 : i32 to index
        %parallel_loop3A_1190 = arith.index_cast %parallel_loop3A_1095 : i32 to index
        %parallel_loop3A_1191 = tpu.vector_load %arg7[%parallel_loop3A_1188, %parallel_loop3A_1189, %parallel_loop3A_1190] {strides = array<i32>} : memref<2x8x1024xf32, #tpu.memory_space<vmem>>, vector<1x1x16xf32>,
        %parallel_loop3A_1192 = vector.shape_cast %parallel_loop3A_1191 : vector<1x1x16xf32> to vector<16xf32>
        %parallel_loop3A_1193 = arith.constant 1 : i32
        %parallel_loop3A_1194 = arith.constant 6 : i32
        %parallel_loop3A_1195 = arith.index_cast %parallel_loop3A_1193 : i32 to index
        %parallel_loop3A_1196 = arith.index_cast %parallel_loop3A_1194 : i32 to index
        %parallel_loop3A_1197 = arith.index_cast %parallel_loop3A_1095 : i32 to index
        %parallel_loop3A_1198 = tpu.vector_load %arg8[%parallel_loop3A_1195, %parallel_loop3A_1196, %parallel_loop3A_1197] {strides = array<i32>} : memref<8x8x1024xf32, #tpu.memory_space<vmem>>, vector<1x1x16xf32>,
        %parallel_loop3A_1199 = vector.shape_cast %parallel_loop3A_1198 : vector<1x1x16xf32> to vector<16xf32>
        %parallel_loop3A_1200 = vector.shape_cast %parallel_loop3A_1192 : vector<16xf32> to vector<1x1x16xf32>
        tpu.vector_store %arg8[%parallel_loop3A_1195, %parallel_loop3A_1196, %parallel_loop3A_1197], %parallel_loop3A_1200 {add = true, strides = array<i32>} : memref<8x8x1024xf32, #tpu.memory_space<vmem>>, vector<1x1x16xf32>,
        %parallel_loop3A_1201 = arith.constant 0 : i32
        %parallel_loop3A_1202 = arith.constant 7 : i32
        %parallel_loop3A_1203 = arith.index_cast %parallel_loop3A_1201 : i32 to index
        %parallel_loop3A_1204 = arith.index_cast %parallel_loop3A_1202 : i32 to index
        %parallel_loop3A_1205 = arith.index_cast %parallel_loop3A_1095 : i32 to index
        %parallel_loop3A_1206 = tpu.vector_load %arg7[%parallel_loop3A_1203, %parallel_loop3A_1204, %parallel_loop3A_1205] {strides = array<i32>} : memref<2x8x1024xf32, #tpu.memory_space<vmem>>, vector<1x1x16xf32>,
        %parallel_loop3A_1207 = vector.shape_cast %parallel_loop3A_1206 : vector<1x1x16xf32> to vector<16xf32>
        %parallel_loop3A_1208 = arith.constant 1 : i32
        %parallel_loop3A_1209 = arith.constant 7 : i32
        %parallel_loop3A_1210 = arith.index_cast %parallel_loop3A_1208 : i32 to index
        %parallel_loop3A_1211 = arith.index_cast %parallel_loop3A_1209 : i32 to index
        %parallel_loop3A_1212 = arith.index_cast %parallel_loop3A_1095 : i32 to index
        %parallel_loop3A_1213 = tpu.vector_load %arg8[%parallel_loop3A_1210, %parallel_loop3A_1211, %parallel_loop3A_1212] {strides = array<i32>} : memref<8x8x1024xf32, #tpu.memory_space<vmem>>, vector<1x1x16xf32>,
        %parallel_loop3A_1214 = vector.shape_cast %parallel_loop3A_1213 : vector<1x1x16xf32> to vector<16xf32>
        %parallel_loop3A_1215 = vector.shape_cast %parallel_loop3A_1207 : vector<16xf32> to vector<1x1x16xf32>
        tpu.vector_store %arg8[%parallel_loop3A_1210, %parallel_loop3A_1211, %parallel_loop3A_1212], %parallel_loop3A_1215 {add = true, strides = array<i32>} : memref<8x8x1024xf32, #tpu.memory_space<vmem>>, vector<1x1x16xf32>,
      } {sc.loop_unroll_factor = 2 : i64, sc.parallel_access}
      %ge3A_505 = arith.constant 1 : i32
      %ge3A_506 = arith.cmpi sge, %add3A_403, %ge3A_505 : i32
      %convert_element_type3A_507 = arith.extui %ge3A_506 : i1 to i32
      %cond3A_508 = arith.constant 0 : i32
      %cond3A_509 = arith.cmpi ne, %convert_element_type3A_507, %cond3A_508 : i32
      scf.if %cond3A_509 {
        %dma_wait3A_1093 = arith.constant 1 : i32
        %dma_wait3A_1094 = arith.constant 1 : i32
        %dma_wait3A_1095 = tpu.memref_slice %arg12[%dma_wait3A_1094] : memref<4x!tpu.dma_semaphore, #tpu.memory_space<semaphore_mem>> -> memref<1x!tpu.dma_semaphore, #tpu.memory_space<semaphore_mem>>
        %dma_wait3A_1096 = tpu.memref_squeeze %dma_wait3A_1095 : memref<1x!tpu.dma_semaphore, #tpu.memory_space<semaphore_mem>> -> memref<!tpu.dma_semaphore, #tpu.memory_space<semaphore_mem>>
        %dma_wait3A_1097 = arith.constant 0 : i32
        %dma_wait3A_1098 = arith.constant 0 : i32
        %dma_wait3A_1099 = tpu.memref_slice %arg5[%dma_wait3A_1097, %dma_wait3A_1098] : memref<32768x1024xf32, #tpu.memory_space<hbm>> -> memref<8x1024xf32, #tpu.memory_space<hbm>>
        %dma_wait3A_1100 = arith.constant 0 : i32
        %dma_wait3A_1101 = arith.constant 0 : i32
        %dma_wait3A_1102 = tpu.memref_slice %arg9[%arg1, %dma_wait3A_1093, %dma_wait3A_1100, %dma_wait3A_1101] : memref<16x4x8x1024xf32, #tpu.memory_space<vmem_shared>> -> memref<1x1x8x1024xf32, #tpu.memory_space<vmem_shared>>
        %dma_wait3A_1103 = tpu.memref_squeeze %dma_wait3A_1102 : memref<1x1x8x1024xf32, #tpu.memory_space<vmem_shared>> -> memref<8x1024xf32, #tpu.memory_space<vmem_shared>>
        tpu.wait_dma2 semaphore(%dma_wait3A_1096 : memref<!tpu.dma_semaphore, #tpu.memory_space<semaphore_mem>>) src(%dma_wait3A_1103 : memref<8x1024xf32, #tpu.memory_space<vmem_shared>>) dst(%dma_wait3A_1099 : memref<8x1024xf32, #tpu.memory_space<hbm>>)
      } else {
      }
      %dma_start3A_510 = arith.constant 1 : i32
      %dma_start3A_511 = arith.constant 1 : i32
      %dma_start3A_512 = arith.constant 1 : i32
      %dma_start3A_513 = arith.constant 0 : i32
      %dma_start3A_514 = arith.constant 0 : i32
      %dma_start3A_515 = tpu.memref_slice %arg8[%dma_start3A_510, %dma_start3A_513, %dma_start3A_514] : memref<8x8x1024xf32, #tpu.memory_space<vmem>> -> memref<1x8x1024xf32, #tpu.memory_space<vmem>>
      %dma_start3A_516 = tpu.memref_squeeze %dma_start3A_515 : memref<1x8x1024xf32, #tpu.memory_space<vmem>> -> memref<8x1024xf32, #tpu.memory_space<vmem>>
      %dma_start3A_517 = arith.constant 0 : i32
      %dma_start3A_518 = arith.constant 0 : i32
      %dma_start3A_519 = tpu.memref_slice %arg9[%arg1, %dma_start3A_511, %dma_start3A_517, %dma_start3A_518] : memref<16x4x8x1024xf32, #tpu.memory_space<vmem_shared>> -> memref<1x1x8x1024xf32, #tpu.memory_space<vmem_shared>>
      %dma_start3A_520 = tpu.memref_squeeze %dma_start3A_519 : memref<1x1x8x1024xf32, #tpu.memory_space<vmem_shared>> -> memref<8x1024xf32, #tpu.memory_space<vmem_shared>>
      %dma_start3A_521 = tpu.memref_slice %arg11[%dma_start3A_512] : memref<8x!tpu.dma_semaphore, #tpu.memory_space<semaphore_mem>> -> memref<1x!tpu.dma_semaphore, #tpu.memory_space<semaphore_mem>>
      %dma_start3A_522 = tpu.memref_squeeze %dma_start3A_521 : memref<1x!tpu.dma_semaphore, #tpu.memory_space<semaphore_mem>> -> memref<!tpu.dma_semaphore, #tpu.memory_space<semaphore_mem>>
      %dma_start3A_523 = arith.constant 0 : i32
      %dma_start3A_524 = arith.constant 0 : i32
      %dma_start3A_525 = tpu.memref_slice %arg9[%arg1, %dma_start3A_511, %dma_start3A_523, %dma_start3A_524] : memref<16x4x8x1024xf32, #tpu.memory_space<vmem_shared>> -> memref<1x1x8x1024xf32, #tpu.memory_space<vmem_shared>>
      %dma_start3A_526 = tpu.memref_squeeze %dma_start3A_525 : memref<1x1x8x1024xf32, #tpu.memory_space<vmem_shared>> -> memref<8x1024xf32, #tpu.memory_space<vmem_shared>>
      %dma_start3A_527 = arith.constant 0 : i32
      %dma_start3A_528 = arith.constant 0 : i32
      %dma_start3A_529 = tpu.memref_slice %arg8[%dma_start3A_510, %dma_start3A_527, %dma_start3A_528] : memref<8x8x1024xf32, #tpu.memory_space<vmem>> -> memref<1x8x1024xf32, #tpu.memory_space<vmem>>
      %dma_start3A_530 = tpu.memref_squeeze %dma_start3A_529 : memref<1x8x1024xf32, #tpu.memory_space<vmem>> -> memref<8x1024xf32, #tpu.memory_space<vmem>>
      tpu.enqueue_dma source(%dma_start3A_530 : memref<8x1024xf32, #tpu.memory_space<vmem>>) target(%dma_start3A_526 : memref<8x1024xf32, #tpu.memory_space<vmem_shared>>) target_semaphore(%dma_start3A_522 : memref<!tpu.dma_semaphore, #tpu.memory_space<semaphore_mem>>)
      %add3A_531 = arith.constant 0 : i32
      %add3A_532 = arith.addi %add3A_531, %mul3A_2 : i32
      %mul3A_533 = arith.constant 8 : i32
      %mul3A_534 = arith.muli %add3A_403, %mul3A_533 : i32
      %add3A_535 = arith.addi %add3A_532, %mul3A_534 : i32
      %dma_wait3A_536 = arith.constant 0 : i32
      %dma_wait3A_537 = arith.constant 0 : i32
      %dma_wait3A_538 = arith.constant 0 : i32
      %dma_wait3A_539 = arith.constant 0 : i32
      %dma_wait3A_540 = arith.constant 0 : i32
      %dma_wait3A_541 = tpu.memref_slice %arg8[%dma_wait3A_536, %dma_wait3A_539, %dma_wait3A_540] : memref<8x8x1024xf32, #tpu.memory_space<vmem>> -> memref<1x8x1024xf32, #tpu.memory_space<vmem>>
      %dma_wait3A_542 = tpu.memref_squeeze %dma_wait3A_541 : memref<1x8x1024xf32, #tpu.memory_space<vmem>> -> memref<8x1024xf32, #tpu.memory_space<vmem>>
      %dma_wait3A_543 = arith.constant 0 : i32
      %dma_wait3A_544 = arith.constant 0 : i32
      %dma_wait3A_545 = tpu.memref_slice %arg9[%arg1, %dma_wait3A_537, %dma_wait3A_543, %dma_wait3A_544] : memref<16x4x8x1024xf32, #tpu.memory_space<vmem_shared>> -> memref<1x1x8x1024xf32, #tpu.memory_space<vmem_shared>>
      %dma_wait3A_546 = tpu.memref_squeeze %dma_wait3A_545 : memref<1x1x8x1024xf32, #tpu.memory_space<vmem_shared>> -> memref<8x1024xf32, #tpu.memory_space<vmem_shared>>
      %dma_wait3A_547 = tpu.memref_slice %arg11[%dma_wait3A_538] : memref<8x!tpu.dma_semaphore, #tpu.memory_space<semaphore_mem>> -> memref<1x!tpu.dma_semaphore, #tpu.memory_space<semaphore_mem>>
      %dma_wait3A_548 = tpu.memref_squeeze %dma_wait3A_547 : memref<1x!tpu.dma_semaphore, #tpu.memory_space<semaphore_mem>> -> memref<!tpu.dma_semaphore, #tpu.memory_space<semaphore_mem>>
      %dma_wait3A_549 = arith.constant 0 : i32
      %dma_wait3A_550 = arith.constant 0 : i32
      %dma_wait3A_551 = tpu.memref_slice %arg9[%arg1, %dma_wait3A_537, %dma_wait3A_549, %dma_wait3A_550] : memref<16x4x8x1024xf32, #tpu.memory_space<vmem_shared>> -> memref<1x1x8x1024xf32, #tpu.memory_space<vmem_shared>>
      %dma_wait3A_552 = tpu.memref_squeeze %dma_wait3A_551 : memref<1x1x8x1024xf32, #tpu.memory_space<vmem_shared>> -> memref<8x1024xf32, #tpu.memory_space<vmem_shared>>
      %dma_wait3A_553 = arith.constant 0 : i32
      %dma_wait3A_554 = arith.constant 0 : i32
      %dma_wait3A_555 = tpu.memref_slice %arg8[%dma_wait3A_536, %dma_wait3A_553, %dma_wait3A_554] : memref<8x8x1024xf32, #tpu.memory_space<vmem>> -> memref<1x8x1024xf32, #tpu.memory_space<vmem>>
      %dma_wait3A_556 = tpu.memref_squeeze %dma_wait3A_555 : memref<1x8x1024xf32, #tpu.memory_space<vmem>> -> memref<8x1024xf32, #tpu.memory_space<vmem>>
      tpu.wait_dma2 semaphore(%dma_wait3A_548 : memref<!tpu.dma_semaphore, #tpu.memory_space<semaphore_mem>>) src(%dma_wait3A_556 : memref<8x1024xf32, #tpu.memory_space<vmem>>) dst(%dma_wait3A_552 : memref<8x1024xf32, #tpu.memory_space<vmem_shared>>)
      %dma_start3A_557 = arith.constant 0 : i32
      %dma_start3A_558 = arith.constant 0 : i32
      %dma_start3A_559 = tpu.memref_slice %arg12[%dma_start3A_558] : memref<4x!tpu.dma_semaphore, #tpu.memory_space<semaphore_mem>> -> memref<1x!tpu.dma_semaphore, #tpu.memory_space<semaphore_mem>>
      %dma_start3A_560 = tpu.memref_squeeze %dma_start3A_559 : memref<1x!tpu.dma_semaphore, #tpu.memory_space<semaphore_mem>> -> memref<!tpu.dma_semaphore, #tpu.memory_space<semaphore_mem>>
      %dma_start3A_561 = arith.constant 0 : i32
      %dma_start3A_562 = tpu.memref_slice %arg5[%add3A_535, %dma_start3A_561] : memref<32768x1024xf32, #tpu.memory_space<hbm>> -> memref<8x1024xf32, #tpu.memory_space<hbm>>
      %dma_start3A_563 = arith.constant 0 : i32
      %dma_start3A_564 = arith.constant 0 : i32
      %dma_start3A_565 = tpu.memref_slice %arg9[%arg1, %dma_start3A_557, %dma_start3A_563, %dma_start3A_564] : memref<16x4x8x1024xf32, #tpu.memory_space<vmem_shared>> -> memref<1x1x8x1024xf32, #tpu.memory_space<vmem_shared>>
      %dma_start3A_566 = tpu.memref_squeeze %dma_start3A_565 : memref<1x1x8x1024xf32, #tpu.memory_space<vmem_shared>> -> memref<8x1024xf32, #tpu.memory_space<vmem_shared>>
      tpu.enqueue_dma source(%dma_start3A_566 : memref<8x1024xf32, #tpu.memory_space<vmem_shared>>) target(%dma_start3A_562 : memref<8x1024xf32, #tpu.memory_space<hbm>>) target_semaphore(%dma_start3A_560 : memref<!tpu.dma_semaphore, #tpu.memory_space<semaphore_mem>>)
      %ge3A_567 = arith.constant 1 : i32
      %ge3A_568 = arith.cmpi sge, %add3A_403, %ge3A_567 : i32
      %le3A_569 = arith.constant 30 : i32
      %le3A_570 = arith.cmpi sle, %add3A_403, %le3A_569 : i32
      %and3A_571 = arith.andi %ge3A_568, %le3A_570 : i1
      %convert_element_type3A_572 = arith.extui %and3A_571 : i1 to i32
      %cond3A_573 = arith.constant 0 : i32
      %cond3A_574 = arith.cmpi ne, %convert_element_type3A_572, %cond3A_573 : i32
      scf.if %cond3A_574 {
        %add3A_1093 = arith.constant 1 : i32
        %add3A_1094 = arith.addi %add3A_403, %add3A_1093 : i32
        %dma_start3A_1095 = arith.constant 2 : i32
        %dma_start3A_1096 = arith.constant 6 : i32
        %dma_start3A_1097 = arith.constant 6 : i32
        %dma_start3A_1098 = arith.constant 0 : i32
        %dma_start3A_1099 = arith.constant 0 : i32
        %dma_start3A_1100 = tpu.memref_slice %arg8[%dma_start3A_1096, %dma_start3A_1098, %dma_start3A_1099] : memref<8x8x1024xf32, #tpu.memory_space<vmem>> -> memref<1x8x1024xf32, #tpu.memory_space<vmem>>
        %dma_start3A_1101 = tpu.memref_squeeze %dma_start3A_1100 : memref<1x8x1024xf32, #tpu.memory_space<vmem>> -> memref<8x1024xf32, #tpu.memory_space<vmem>>
        %dma_start3A_1102 = arith.constant 0 : i32
        %dma_start3A_1103 = tpu.memref_slice %arg6[%dma_start3A_1095, %add3A_1094, %dma_start3A_1102] : memref<4x32x8xi32, #tpu.memory_space<vmem>> -> memref<1x1x8xi32, #tpu.memory_space<vmem>>
        %dma_start3A_1104 = tpu.memref_squeeze %dma_start3A_1103 : memref<1x1x8xi32, #tpu.memory_space<vmem>> -> memref<8xi32, #tpu.memory_space<vmem>>
        %dma_start3A_1105 = arith.constant 0 : i32
        %dma_start3A_1106 = arith.constant 0 : i32
        %dma_start3A_1107 = tpu.memref_slice %arg3[%dma_start3A_1105, %dma_start3A_1106] : memref<100000x1024xf32, #tpu.memory_space<hbm>> -> memref<100000x1024xf32, #tpu.memory_space<hbm>>
        %dma_start3A_1108 = tpu.memref_slice %arg10[%dma_start3A_1097] : memref<8x!tpu.dma_semaphore, #tpu.memory_space<semaphore_mem>> -> memref<1x!tpu.dma_semaphore, #tpu.memory_space<semaphore_mem>>
        %dma_start3A_1109 = tpu.memref_squeeze %dma_start3A_1108 : memref<1x!tpu.dma_semaphore, #tpu.memory_space<semaphore_mem>> -> memref<!tpu.dma_semaphore, #tpu.memory_space<semaphore_mem>>
        tpu.enqueue_indirect_dma source(%dma_start3A_1107 : memref<100000x1024xf32, #tpu.memory_space<hbm>>) target(%dma_start3A_1101 : memref<8x1024xf32, #tpu.memory_space<vmem>>) offsets(%dma_start3A_1104 : memref<8xi32, #tpu.memory_space<vmem>>) semaphore(%dma_start3A_1109 : memref<!tpu.dma_semaphore, #tpu.memory_space<semaphore_mem>>)
      } else {
      }
      %dma_wait3A_575 = arith.constant 2 : i32
      %dma_wait3A_576 = arith.constant 2 : i32
      %dma_wait3A_577 = arith.constant 2 : i32
      %dma_wait3A_578 = arith.constant 0 : i32
      %dma_wait3A_579 = arith.constant 0 : i32
      %dma_wait3A_580 = tpu.memref_slice %arg8[%dma_wait3A_576, %dma_wait3A_578, %dma_wait3A_579] : memref<8x8x1024xf32, #tpu.memory_space<vmem>> -> memref<1x8x1024xf32, #tpu.memory_space<vmem>>
      %dma_wait3A_581 = tpu.memref_squeeze %dma_wait3A_580 : memref<1x8x1024xf32, #tpu.memory_space<vmem>> -> memref<8x1024xf32, #tpu.memory_space<vmem>>
      %dma_wait3A_582 = arith.constant 0 : i32
      %dma_wait3A_583 = tpu.memref_slice %arg6[%dma_wait3A_575, %add3A_403, %dma_wait3A_582] : memref<4x32x8xi32, #tpu.memory_space<vmem>> -> memref<1x1x8xi32, #tpu.memory_space<vmem>>
      %dma_wait3A_584 = tpu.memref_squeeze %dma_wait3A_583 : memref<1x1x8xi32, #tpu.memory_space<vmem>> -> memref<8xi32, #tpu.memory_space<vmem>>
      %dma_wait3A_585 = arith.constant 0 : i32
      %dma_wait3A_586 = arith.constant 0 : i32
      %dma_wait3A_587 = tpu.memref_slice %arg3[%dma_wait3A_585, %dma_wait3A_586] : memref<100000x1024xf32, #tpu.memory_space<hbm>> -> memref<100000x1024xf32, #tpu.memory_space<hbm>>
      %dma_wait3A_588 = tpu.memref_slice %arg10[%dma_wait3A_577] : memref<8x!tpu.dma_semaphore, #tpu.memory_space<semaphore_mem>> -> memref<1x!tpu.dma_semaphore, #tpu.memory_space<semaphore_mem>>
      %dma_wait3A_589 = tpu.memref_squeeze %dma_wait3A_588 : memref<1x!tpu.dma_semaphore, #tpu.memory_space<semaphore_mem>> -> memref<!tpu.dma_semaphore, #tpu.memory_space<semaphore_mem>>
      tpu.wait_indirect_dma semaphore(%dma_wait3A_589 : memref<!tpu.dma_semaphore, #tpu.memory_space<semaphore_mem>>) src(%dma_wait3A_587 : memref<100000x1024xf32, #tpu.memory_space<hbm>>) dst(%dma_wait3A_581 : memref<8x1024xf32, #tpu.memory_space<vmem>>)
      %parallel_loop3A_590 = arith.constant 0 : i32
      %parallel_loop3A_591 = arith.constant 64 : i32
      %parallel_loop3A_592 = arith.constant 1 : i32
      scf.for %parallel_loop3A_1093 = %parallel_loop3A_590 to %parallel_loop3A_591 step %parallel_loop3A_592  : i32 {
        %parallel_loop3A_1094 = arith.constant 16 : i32
        %parallel_loop3A_1095 = arith.muli %parallel_loop3A_1093, %parallel_loop3A_1094 : i32
        %parallel_loop3A_1096 = arith.constant 0 : i32
        %parallel_loop3A_1097 = arith.constant 0 : i32
        %parallel_loop3A_1098 = arith.index_cast %parallel_loop3A_1096 : i32 to index
        %parallel_loop3A_1099 = arith.index_cast %parallel_loop3A_1097 : i32 to index
        %parallel_loop3A_1100 = arith.index_cast %parallel_loop3A_1095 : i32 to index
        %parallel_loop3A_1101 = tpu.vector_load %arg7[%parallel_loop3A_1098, %parallel_loop3A_1099, %parallel_loop3A_1100] {strides = array<i32>} : memref<2x8x1024xf32, #tpu.memory_space<vmem>>, vector<1x1x16xf32>,
        %parallel_loop3A_1102 = vector.shape_cast %parallel_loop3A_1101 : vector<1x1x16xf32> to vector<16xf32>
        %parallel_loop3A_1103 = arith.constant 2 : i32
        %parallel_loop3A_1104 = arith.constant 0 : i32
        %parallel_loop3A_1105 = arith.index_cast %parallel_loop3A_1103 : i32 to index
        %parallel_loop3A_1106 = arith.index_cast %parallel_loop3A_1104 : i32 to index
        %parallel_loop3A_1107 = arith.index_cast %parallel_loop3A_1095 : i32 to index
        %parallel_loop3A_1108 = tpu.vector_load %arg8[%parallel_loop3A_1105, %parallel_loop3A_1106, %parallel_loop3A_1107] {strides = array<i32>} : memref<8x8x1024xf32, #tpu.memory_space<vmem>>, vector<1x1x16xf32>,
        %parallel_loop3A_1109 = vector.shape_cast %parallel_loop3A_1108 : vector<1x1x16xf32> to vector<16xf32>
        %parallel_loop3A_1110 = vector.shape_cast %parallel_loop3A_1102 : vector<16xf32> to vector<1x1x16xf32>
        tpu.vector_store %arg8[%parallel_loop3A_1105, %parallel_loop3A_1106, %parallel_loop3A_1107], %parallel_loop3A_1110 {add = true, strides = array<i32>} : memref<8x8x1024xf32, #tpu.memory_space<vmem>>, vector<1x1x16xf32>,
        %parallel_loop3A_1111 = arith.constant 0 : i32
        %parallel_loop3A_1112 = arith.constant 1 : i32
        %parallel_loop3A_1113 = arith.index_cast %parallel_loop3A_1111 : i32 to index
        %parallel_loop3A_1114 = arith.index_cast %parallel_loop3A_1112 : i32 to index
        %parallel_loop3A_1115 = arith.index_cast %parallel_loop3A_1095 : i32 to index
        %parallel_loop3A_1116 = tpu.vector_load %arg7[%parallel_loop3A_1113, %parallel_loop3A_1114, %parallel_loop3A_1115] {strides = array<i32>} : memref<2x8x1024xf32, #tpu.memory_space<vmem>>, vector<1x1x16xf32>,
        %parallel_loop3A_1117 = vector.shape_cast %parallel_loop3A_1116 : vector<1x1x16xf32> to vector<16xf32>
        %parallel_loop3A_1118 = arith.constant 2 : i32
        %parallel_loop3A_1119 = arith.constant 1 : i32
        %parallel_loop3A_1120 = arith.index_cast %parallel_loop3A_1118 : i32 to index
        %parallel_loop3A_1121 = arith.index_cast %parallel_loop3A_1119 : i32 to index
        %parallel_loop3A_1122 = arith.index_cast %parallel_loop3A_1095 : i32 to index
        %parallel_loop3A_1123 = tpu.vector_load %arg8[%parallel_loop3A_1120, %parallel_loop3A_1121, %parallel_loop3A_1122] {strides = array<i32>} : memref<8x8x1024xf32, #tpu.memory_space<vmem>>, vector<1x1x16xf32>,
        %parallel_loop3A_1124 = vector.shape_cast %parallel_loop3A_1123 : vector<1x1x16xf32> to vector<16xf32>
        %parallel_loop3A_1125 = vector.shape_cast %parallel_loop3A_1117 : vector<16xf32> to vector<1x1x16xf32>
        tpu.vector_store %arg8[%parallel_loop3A_1120, %parallel_loop3A_1121, %parallel_loop3A_1122], %parallel_loop3A_1125 {add = true, strides = array<i32>} : memref<8x8x1024xf32, #tpu.memory_space<vmem>>, vector<1x1x16xf32>,
        %parallel_loop3A_1126 = arith.constant 0 : i32
        %parallel_loop3A_1127 = arith.constant 2 : i32
        %parallel_loop3A_1128 = arith.index_cast %parallel_loop3A_1126 : i32 to index
        %parallel_loop3A_1129 = arith.index_cast %parallel_loop3A_1127 : i32 to index
        %parallel_loop3A_1130 = arith.index_cast %parallel_loop3A_1095 : i32 to index
        %parallel_loop3A_1131 = tpu.vector_load %arg7[%parallel_loop3A_1128, %parallel_loop3A_1129, %parallel_loop3A_1130] {strides = array<i32>} : memref<2x8x1024xf32, #tpu.memory_space<vmem>>, vector<1x1x16xf32>,
        %parallel_loop3A_1132 = vector.shape_cast %parallel_loop3A_1131 : vector<1x1x16xf32> to vector<16xf32>
        %parallel_loop3A_1133 = arith.constant 2 : i32
        %parallel_loop3A_1134 = arith.constant 2 : i32
        %parallel_loop3A_1135 = arith.index_cast %parallel_loop3A_1133 : i32 to index
        %parallel_loop3A_1136 = arith.index_cast %parallel_loop3A_1134 : i32 to index
        %parallel_loop3A_1137 = arith.index_cast %parallel_loop3A_1095 : i32 to index
        %parallel_loop3A_1138 = tpu.vector_load %arg8[%parallel_loop3A_1135, %parallel_loop3A_1136, %parallel_loop3A_1137] {strides = array<i32>} : memref<8x8x1024xf32, #tpu.memory_space<vmem>>, vector<1x1x16xf32>,
        %parallel_loop3A_1139 = vector.shape_cast %parallel_loop3A_1138 : vector<1x1x16xf32> to vector<16xf32>
        %parallel_loop3A_1140 = vector.shape_cast %parallel_loop3A_1132 : vector<16xf32> to vector<1x1x16xf32>
        tpu.vector_store %arg8[%parallel_loop3A_1135, %parallel_loop3A_1136, %parallel_loop3A_1137], %parallel_loop3A_1140 {add = true, strides = array<i32>} : memref<8x8x1024xf32, #tpu.memory_space<vmem>>, vector<1x1x16xf32>,
        %parallel_loop3A_1141 = arith.constant 0 : i32
        %parallel_loop3A_1142 = arith.constant 3 : i32
        %parallel_loop3A_1143 = arith.index_cast %parallel_loop3A_1141 : i32 to index
        %parallel_loop3A_1144 = arith.index_cast %parallel_loop3A_1142 : i32 to index
        %parallel_loop3A_1145 = arith.index_cast %parallel_loop3A_1095 : i32 to index
        %parallel_loop3A_1146 = tpu.vector_load %arg7[%parallel_loop3A_1143, %parallel_loop3A_1144, %parallel_loop3A_1145] {strides = array<i32>} : memref<2x8x1024xf32, #tpu.memory_space<vmem>>, vector<1x1x16xf32>,
        %parallel_loop3A_1147 = vector.shape_cast %parallel_loop3A_1146 : vector<1x1x16xf32> to vector<16xf32>
        %parallel_loop3A_1148 = arith.constant 2 : i32
        %parallel_loop3A_1149 = arith.constant 3 : i32
        %parallel_loop3A_1150 = arith.index_cast %parallel_loop3A_1148 : i32 to index
        %parallel_loop3A_1151 = arith.index_cast %parallel_loop3A_1149 : i32 to index
        %parallel_loop3A_1152 = arith.index_cast %parallel_loop3A_1095 : i32 to index
        %parallel_loop3A_1153 = tpu.vector_load %arg8[%parallel_loop3A_1150, %parallel_loop3A_1151, %parallel_loop3A_1152] {strides = array<i32>} : memref<8x8x1024xf32, #tpu.memory_space<vmem>>, vector<1x1x16xf32>,
        %parallel_loop3A_1154 = vector.shape_cast %parallel_loop3A_1153 : vector<1x1x16xf32> to vector<16xf32>
        %parallel_loop3A_1155 = vector.shape_cast %parallel_loop3A_1147 : vector<16xf32> to vector<1x1x16xf32>
        tpu.vector_store %arg8[%parallel_loop3A_1150, %parallel_loop3A_1151, %parallel_loop3A_1152], %parallel_loop3A_1155 {add = true, strides = array<i32>} : memref<8x8x1024xf32, #tpu.memory_space<vmem>>, vector<1x1x16xf32>,
        %parallel_loop3A_1156 = arith.constant 0 : i32
        %parallel_loop3A_1157 = arith.constant 4 : i32
        %parallel_loop3A_1158 = arith.index_cast %parallel_loop3A_1156 : i32 to index
        %parallel_loop3A_1159 = arith.index_cast %parallel_loop3A_1157 : i32 to index
        %parallel_loop3A_1160 = arith.index_cast %parallel_loop3A_1095 : i32 to index
        %parallel_loop3A_1161 = tpu.vector_load %arg7[%parallel_loop3A_1158, %parallel_loop3A_1159, %parallel_loop3A_1160] {strides = array<i32>} : memref<2x8x1024xf32, #tpu.memory_space<vmem>>, vector<1x1x16xf32>,
        %parallel_loop3A_1162 = vector.shape_cast %parallel_loop3A_1161 : vector<1x1x16xf32> to vector<16xf32>
        %parallel_loop3A_1163 = arith.constant 2 : i32
        %parallel_loop3A_1164 = arith.constant 4 : i32
        %parallel_loop3A_1165 = arith.index_cast %parallel_loop3A_1163 : i32 to index
        %parallel_loop3A_1166 = arith.index_cast %parallel_loop3A_1164 : i32 to index
        %parallel_loop3A_1167 = arith.index_cast %parallel_loop3A_1095 : i32 to index
        %parallel_loop3A_1168 = tpu.vector_load %arg8[%parallel_loop3A_1165, %parallel_loop3A_1166, %parallel_loop3A_1167] {strides = array<i32>} : memref<8x8x1024xf32, #tpu.memory_space<vmem>>, vector<1x1x16xf32>,
        %parallel_loop3A_1169 = vector.shape_cast %parallel_loop3A_1168 : vector<1x1x16xf32> to vector<16xf32>
        %parallel_loop3A_1170 = vector.shape_cast %parallel_loop3A_1162 : vector<16xf32> to vector<1x1x16xf32>
        tpu.vector_store %arg8[%parallel_loop3A_1165, %parallel_loop3A_1166, %parallel_loop3A_1167], %parallel_loop3A_1170 {add = true, strides = array<i32>} : memref<8x8x1024xf32, #tpu.memory_space<vmem>>, vector<1x1x16xf32>,
        %parallel_loop3A_1171 = arith.constant 0 : i32
        %parallel_loop3A_1172 = arith.constant 5 : i32
        %parallel_loop3A_1173 = arith.index_cast %parallel_loop3A_1171 : i32 to index
        %parallel_loop3A_1174 = arith.index_cast %parallel_loop3A_1172 : i32 to index
        %parallel_loop3A_1175 = arith.index_cast %parallel_loop3A_1095 : i32 to index
        %parallel_loop3A_1176 = tpu.vector_load %arg7[%parallel_loop3A_1173, %parallel_loop3A_1174, %parallel_loop3A_1175] {strides = array<i32>} : memref<2x8x1024xf32, #tpu.memory_space<vmem>>, vector<1x1x16xf32>,
        %parallel_loop3A_1177 = vector.shape_cast %parallel_loop3A_1176 : vector<1x1x16xf32> to vector<16xf32>
        %parallel_loop3A_1178 = arith.constant 2 : i32
        %parallel_loop3A_1179 = arith.constant 5 : i32
        %parallel_loop3A_1180 = arith.index_cast %parallel_loop3A_1178 : i32 to index
        %parallel_loop3A_1181 = arith.index_cast %parallel_loop3A_1179 : i32 to index
        %parallel_loop3A_1182 = arith.index_cast %parallel_loop3A_1095 : i32 to index
        %parallel_loop3A_1183 = tpu.vector_load %arg8[%parallel_loop3A_1180, %parallel_loop3A_1181, %parallel_loop3A_1182] {strides = array<i32>} : memref<8x8x1024xf32, #tpu.memory_space<vmem>>, vector<1x1x16xf32>,
        %parallel_loop3A_1184 = vector.shape_cast %parallel_loop3A_1183 : vector<1x1x16xf32> to vector<16xf32>
        %parallel_loop3A_1185 = vector.shape_cast %parallel_loop3A_1177 : vector<16xf32> to vector<1x1x16xf32>
        tpu.vector_store %arg8[%parallel_loop3A_1180, %parallel_loop3A_1181, %parallel_loop3A_1182], %parallel_loop3A_1185 {add = true, strides = array<i32>} : memref<8x8x1024xf32, #tpu.memory_space<vmem>>, vector<1x1x16xf32>,
        %parallel_loop3A_1186 = arith.constant 0 : i32
        %parallel_loop3A_1187 = arith.constant 6 : i32
        %parallel_loop3A_1188 = arith.index_cast %parallel_loop3A_1186 : i32 to index
        %parallel_loop3A_1189 = arith.index_cast %parallel_loop3A_1187 : i32 to index
        %parallel_loop3A_1190 = arith.index_cast %parallel_loop3A_1095 : i32 to index
        %parallel_loop3A_1191 = tpu.vector_load %arg7[%parallel_loop3A_1188, %parallel_loop3A_1189, %parallel_loop3A_1190] {strides = array<i32>} : memref<2x8x1024xf32, #tpu.memory_space<vmem>>, vector<1x1x16xf32>,
        %parallel_loop3A_1192 = vector.shape_cast %parallel_loop3A_1191 : vector<1x1x16xf32> to vector<16xf32>
        %parallel_loop3A_1193 = arith.constant 2 : i32
        %parallel_loop3A_1194 = arith.constant 6 : i32
        %parallel_loop3A_1195 = arith.index_cast %parallel_loop3A_1193 : i32 to index
        %parallel_loop3A_1196 = arith.index_cast %parallel_loop3A_1194 : i32 to index
        %parallel_loop3A_1197 = arith.index_cast %parallel_loop3A_1095 : i32 to index
        %parallel_loop3A_1198 = tpu.vector_load %arg8[%parallel_loop3A_1195, %parallel_loop3A_1196, %parallel_loop3A_1197] {strides = array<i32>} : memref<8x8x1024xf32, #tpu.memory_space<vmem>>, vector<1x1x16xf32>,
        %parallel_loop3A_1199 = vector.shape_cast %parallel_loop3A_1198 : vector<1x1x16xf32> to vector<16xf32>
        %parallel_loop3A_1200 = vector.shape_cast %parallel_loop3A_1192 : vector<16xf32> to vector<1x1x16xf32>
        tpu.vector_store %arg8[%parallel_loop3A_1195, %parallel_loop3A_1196, %parallel_loop3A_1197], %parallel_loop3A_1200 {add = true, strides = array<i32>} : memref<8x8x1024xf32, #tpu.memory_space<vmem>>, vector<1x1x16xf32>,
        %parallel_loop3A_1201 = arith.constant 0 : i32
        %parallel_loop3A_1202 = arith.constant 7 : i32
        %parallel_loop3A_1203 = arith.index_cast %parallel_loop3A_1201 : i32 to index
        %parallel_loop3A_1204 = arith.index_cast %parallel_loop3A_1202 : i32 to index
        %parallel_loop3A_1205 = arith.index_cast %parallel_loop3A_1095 : i32 to index
        %parallel_loop3A_1206 = tpu.vector_load %arg7[%parallel_loop3A_1203, %parallel_loop3A_1204, %parallel_loop3A_1205] {strides = array<i32>} : memref<2x8x1024xf32, #tpu.memory_space<vmem>>, vector<1x1x16xf32>,
        %parallel_loop3A_1207 = vector.shape_cast %parallel_loop3A_1206 : vector<1x1x16xf32> to vector<16xf32>
        %parallel_loop3A_1208 = arith.constant 2 : i32
        %parallel_loop3A_1209 = arith.constant 7 : i32
        %parallel_loop3A_1210 = arith.index_cast %parallel_loop3A_1208 : i32 to index
        %parallel_loop3A_1211 = arith.index_cast %parallel_loop3A_1209 : i32 to index
        %parallel_loop3A_1212 = arith.index_cast %parallel_loop3A_1095 : i32 to index
        %parallel_loop3A_1213 = tpu.vector_load %arg8[%parallel_loop3A_1210, %parallel_loop3A_1211, %parallel_loop3A_1212] {strides = array<i32>} : memref<8x8x1024xf32, #tpu.memory_space<vmem>>, vector<1x1x16xf32>,
        %parallel_loop3A_1214 = vector.shape_cast %parallel_loop3A_1213 : vector<1x1x16xf32> to vector<16xf32>
        %parallel_loop3A_1215 = vector.shape_cast %parallel_loop3A_1207 : vector<16xf32> to vector<1x1x16xf32>
        tpu.vector_store %arg8[%parallel_loop3A_1210, %parallel_loop3A_1211, %parallel_loop3A_1212], %parallel_loop3A_1215 {add = true, strides = array<i32>} : memref<8x8x1024xf32, #tpu.memory_space<vmem>>, vector<1x1x16xf32>,
      } {sc.loop_unroll_factor = 2 : i64, sc.parallel_access}
      %ge3A_593 = arith.constant 1 : i32
      %ge3A_594 = arith.cmpi sge, %add3A_403, %ge3A_593 : i32
      %convert_element_type3A_595 = arith.extui %ge3A_594 : i1 to i32
      %cond3A_596 = arith.constant 0 : i32
      %cond3A_597 = arith.cmpi ne, %convert_element_type3A_595, %cond3A_596 : i32
      scf.if %cond3A_597 {
        %dma_wait3A_1093 = arith.constant 2 : i32
        %dma_wait3A_1094 = arith.constant 2 : i32
        %dma_wait3A_1095 = tpu.memref_slice %arg12[%dma_wait3A_1094] : memref<4x!tpu.dma_semaphore, #tpu.memory_space<semaphore_mem>> -> memref<1x!tpu.dma_semaphore, #tpu.memory_space<semaphore_mem>>
        %dma_wait3A_1096 = tpu.memref_squeeze %dma_wait3A_1095 : memref<1x!tpu.dma_semaphore, #tpu.memory_space<semaphore_mem>> -> memref<!tpu.dma_semaphore, #tpu.memory_space<semaphore_mem>>
        %dma_wait3A_1097 = arith.constant 0 : i32
        %dma_wait3A_1098 = arith.constant 0 : i32
        %dma_wait3A_1099 = tpu.memref_slice %arg5[%dma_wait3A_1097, %dma_wait3A_1098] : memref<32768x1024xf32, #tpu.memory_space<hbm>> -> memref<8x1024xf32, #tpu.memory_space<hbm>>
        %dma_wait3A_1100 = arith.constant 0 : i32
        %dma_wait3A_1101 = arith.constant 0 : i32
        %dma_wait3A_1102 = tpu.memref_slice %arg9[%arg1, %dma_wait3A_1093, %dma_wait3A_1100, %dma_wait3A_1101] : memref<16x4x8x1024xf32, #tpu.memory_space<vmem_shared>> -> memref<1x1x8x1024xf32, #tpu.memory_space<vmem_shared>>
        %dma_wait3A_1103 = tpu.memref_squeeze %dma_wait3A_1102 : memref<1x1x8x1024xf32, #tpu.memory_space<vmem_shared>> -> memref<8x1024xf32, #tpu.memory_space<vmem_shared>>
        tpu.wait_dma2 semaphore(%dma_wait3A_1096 : memref<!tpu.dma_semaphore, #tpu.memory_space<semaphore_mem>>) src(%dma_wait3A_1103 : memref<8x1024xf32, #tpu.memory_space<vmem_shared>>) dst(%dma_wait3A_1099 : memref<8x1024xf32, #tpu.memory_space<hbm>>)
      } else {
      }
      %dma_start3A_598 = arith.constant 2 : i32
      %dma_start3A_599 = arith.constant 2 : i32
      %dma_start3A_600 = arith.constant 2 : i32
      %dma_start3A_601 = arith.constant 0 : i32
      %dma_start3A_602 = arith.constant 0 : i32
      %dma_start3A_603 = tpu.memref_slice %arg8[%dma_start3A_598, %dma_start3A_601, %dma_start3A_602] : memref<8x8x1024xf32, #tpu.memory_space<vmem>> -> memref<1x8x1024xf32, #tpu.memory_space<vmem>>
      %dma_start3A_604 = tpu.memref_squeeze %dma_start3A_603 : memref<1x8x1024xf32, #tpu.memory_space<vmem>> -> memref<8x1024xf32, #tpu.memory_space<vmem>>
      %dma_start3A_605 = arith.constant 0 : i32
      %dma_start3A_606 = arith.constant 0 : i32
      %dma_start3A_607 = tpu.memref_slice %arg9[%arg1, %dma_start3A_599, %dma_start3A_605, %dma_start3A_606] : memref<16x4x8x1024xf32, #tpu.memory_space<vmem_shared>> -> memref<1x1x8x1024xf32, #tpu.memory_space<vmem_shared>>
      %dma_start3A_608 = tpu.memref_squeeze %dma_start3A_607 : memref<1x1x8x1024xf32, #tpu.memory_space<vmem_shared>> -> memref<8x1024xf32, #tpu.memory_space<vmem_shared>>
      %dma_start3A_609 = tpu.memref_slice %arg11[%dma_start3A_600] : memref<8x!tpu.dma_semaphore, #tpu.memory_space<semaphore_mem>> -> memref<1x!tpu.dma_semaphore, #tpu.memory_space<semaphore_mem>>
      %dma_start3A_610 = tpu.memref_squeeze %dma_start3A_609 : memref<1x!tpu.dma_semaphore, #tpu.memory_space<semaphore_mem>> -> memref<!tpu.dma_semaphore, #tpu.memory_space<semaphore_mem>>
      %dma_start3A_611 = arith.constant 0 : i32
      %dma_start3A_612 = arith.constant 0 : i32
      %dma_start3A_613 = tpu.memref_slice %arg9[%arg1, %dma_start3A_599, %dma_start3A_611, %dma_start3A_612] : memref<16x4x8x1024xf32, #tpu.memory_space<vmem_shared>> -> memref<1x1x8x1024xf32, #tpu.memory_space<vmem_shared>>
      %dma_start3A_614 = tpu.memref_squeeze %dma_start3A_613 : memref<1x1x8x1024xf32, #tpu.memory_space<vmem_shared>> -> memref<8x1024xf32, #tpu.memory_space<vmem_shared>>
      %dma_start3A_615 = arith.constant 0 : i32
      %dma_start3A_616 = arith.constant 0 : i32
      %dma_start3A_617 = tpu.memref_slice %arg8[%dma_start3A_598, %dma_start3A_615, %dma_start3A_616] : memref<8x8x1024xf32, #tpu.memory_space<vmem>> -> memref<1x8x1024xf32, #tpu.memory_space<vmem>>
      %dma_start3A_618 = tpu.memref_squeeze %dma_start3A_617 : memref<1x8x1024xf32, #tpu.memory_space<vmem>> -> memref<8x1024xf32, #tpu.memory_space<vmem>>
      tpu.enqueue_dma source(%dma_start3A_618 : memref<8x1024xf32, #tpu.memory_space<vmem>>) target(%dma_start3A_614 : memref<8x1024xf32, #tpu.memory_space<vmem_shared>>) target_semaphore(%dma_start3A_610 : memref<!tpu.dma_semaphore, #tpu.memory_space<semaphore_mem>>)
      %add3A_619 = arith.constant 8192 : i32
      %add3A_620 = arith.addi %add3A_619, %mul3A_2 : i32
      %mul3A_621 = arith.constant 8 : i32
      %mul3A_622 = arith.muli %add3A_403, %mul3A_621 : i32
      %add3A_623 = arith.addi %add3A_620, %mul3A_622 : i32
      %dma_wait3A_624 = arith.constant 1 : i32
      %dma_wait3A_625 = arith.constant 1 : i32
      %dma_wait3A_626 = arith.constant 1 : i32
      %dma_wait3A_627 = arith.constant 0 : i32
      %dma_wait3A_628 = arith.constant 0 : i32
      %dma_wait3A_629 = tpu.memref_slice %arg8[%dma_wait3A_624, %dma_wait3A_627, %dma_wait3A_628] : memref<8x8x1024xf32, #tpu.memory_space<vmem>> -> memref<1x8x1024xf32, #tpu.memory_space<vmem>>
      %dma_wait3A_630 = tpu.memref_squeeze %dma_wait3A_629 : memref<1x8x1024xf32, #tpu.memory_space<vmem>> -> memref<8x1024xf32, #tpu.memory_space<vmem>>
      %dma_wait3A_631 = arith.constant 0 : i32
      %dma_wait3A_632 = arith.constant 0 : i32
      %dma_wait3A_633 = tpu.memref_slice %arg9[%arg1, %dma_wait3A_625, %dma_wait3A_631, %dma_wait3A_632] : memref<16x4x8x1024xf32, #tpu.memory_space<vmem_shared>> -> memref<1x1x8x1024xf32, #tpu.memory_space<vmem_shared>>
      %dma_wait3A_634 = tpu.memref_squeeze %dma_wait3A_633 : memref<1x1x8x1024xf32, #tpu.memory_space<vmem_shared>> -> memref<8x1024xf32, #tpu.memory_space<vmem_shared>>
      %dma_wait3A_635 = tpu.memref_slice %arg11[%dma_wait3A_626] : memref<8x!tpu.dma_semaphore, #tpu.memory_space<semaphore_mem>> -> memref<1x!tpu.dma_semaphore, #tpu.memory_space<semaphore_mem>>
      %dma_wait3A_636 = tpu.memref_squeeze %dma_wait3A_635 : memref<1x!tpu.dma_semaphore, #tpu.memory_space<semaphore_mem>> -> memref<!tpu.dma_semaphore, #tpu.memory_space<semaphore_mem>>
      %dma_wait3A_637 = arith.constant 0 : i32
      %dma_wait3A_638 = arith.constant 0 : i32
      %dma_wait3A_639 = tpu.memref_slice %arg9[%arg1, %dma_wait3A_625, %dma_wait3A_637, %dma_wait3A_638] : memref<16x4x8x1024xf32, #tpu.memory_space<vmem_shared>> -> memref<1x1x8x1024xf32, #tpu.memory_space<vmem_shared>>
      %dma_wait3A_640 = tpu.memref_squeeze %dma_wait3A_639 : memref<1x1x8x1024xf32, #tpu.memory_space<vmem_shared>> -> memref<8x1024xf32, #tpu.memory_space<vmem_shared>>
      %dma_wait3A_641 = arith.constant 0 : i32
      %dma_wait3A_642 = arith.constant 0 : i32
      %dma_wait3A_643 = tpu.memref_slice %arg8[%dma_wait3A_624, %dma_wait3A_641, %dma_wait3A_642] : memref<8x8x1024xf32, #tpu.memory_space<vmem>> -> memref<1x8x1024xf32, #tpu.memory_space<vmem>>
      %dma_wait3A_644 = tpu.memref_squeeze %dma_wait3A_643 : memref<1x8x1024xf32, #tpu.memory_space<vmem>> -> memref<8x1024xf32, #tpu.memory_space<vmem>>
      tpu.wait_dma2 semaphore(%dma_wait3A_636 : memref<!tpu.dma_semaphore, #tpu.memory_space<semaphore_mem>>) src(%dma_wait3A_644 : memref<8x1024xf32, #tpu.memory_space<vmem>>) dst(%dma_wait3A_640 : memref<8x1024xf32, #tpu.memory_space<vmem_shared>>)
      %dma_start3A_645 = arith.constant 1 : i32
      %dma_start3A_646 = arith.constant 1 : i32
      %dma_start3A_647 = tpu.memref_slice %arg12[%dma_start3A_646] : memref<4x!tpu.dma_semaphore, #tpu.memory_space<semaphore_mem>> -> memref<1x!tpu.dma_semaphore, #tpu.memory_space<semaphore_mem>>
      %dma_start3A_648 = tpu.memref_squeeze %dma_start3A_647 : memref<1x!tpu.dma_semaphore, #tpu.memory_space<semaphore_mem>> -> memref<!tpu.dma_semaphore, #tpu.memory_space<semaphore_mem>>
      %dma_start3A_649 = arith.constant 0 : i32
      %dma_start3A_650 = tpu.memref_slice %arg5[%add3A_623, %dma_start3A_649] : memref<32768x1024xf32, #tpu.memory_space<hbm>> -> memref<8x1024xf32, #tpu.memory_space<hbm>>
      %dma_start3A_651 = arith.constant 0 : i32
      %dma_start3A_652 = arith.constant 0 : i32
      %dma_start3A_653 = tpu.memref_slice %arg9[%arg1, %dma_start3A_645, %dma_start3A_651, %dma_start3A_652] : memref<16x4x8x1024xf32, #tpu.memory_space<vmem_shared>> -> memref<1x1x8x1024xf32, #tpu.memory_space<vmem_shared>>
      %dma_start3A_654 = tpu.memref_squeeze %dma_start3A_653 : memref<1x1x8x1024xf32, #tpu.memory_space<vmem_shared>> -> memref<8x1024xf32, #tpu.memory_space<vmem_shared>>
      tpu.enqueue_dma source(%dma_start3A_654 : memref<8x1024xf32, #tpu.memory_space<vmem_shared>>) target(%dma_start3A_650 : memref<8x1024xf32, #tpu.memory_space<hbm>>) target_semaphore(%dma_start3A_648 : memref<!tpu.dma_semaphore, #tpu.memory_space<semaphore_mem>>)
      %ge3A_655 = arith.constant 1 : i32
      %ge3A_656 = arith.cmpi sge, %add3A_403, %ge3A_655 : i32
      %le3A_657 = arith.constant 30 : i32
      %le3A_658 = arith.cmpi sle, %add3A_403, %le3A_657 : i32
      %and3A_659 = arith.andi %ge3A_656, %le3A_658 : i1
      %convert_element_type3A_660 = arith.extui %and3A_659 : i1 to i32
      %cond3A_661 = arith.constant 0 : i32
      %cond3A_662 = arith.cmpi ne, %convert_element_type3A_660, %cond3A_661 : i32
      scf.if %cond3A_662 {
        %add3A_1093 = arith.constant 1 : i32
        %add3A_1094 = arith.addi %add3A_403, %add3A_1093 : i32
        %dma_start3A_1095 = arith.constant 3 : i32
        %dma_start3A_1096 = arith.constant 7 : i32
        %dma_start3A_1097 = arith.constant 7 : i32
        %dma_start3A_1098 = arith.constant 0 : i32
        %dma_start3A_1099 = arith.constant 0 : i32
        %dma_start3A_1100 = tpu.memref_slice %arg8[%dma_start3A_1096, %dma_start3A_1098, %dma_start3A_1099] : memref<8x8x1024xf32, #tpu.memory_space<vmem>> -> memref<1x8x1024xf32, #tpu.memory_space<vmem>>
        %dma_start3A_1101 = tpu.memref_squeeze %dma_start3A_1100 : memref<1x8x1024xf32, #tpu.memory_space<vmem>> -> memref<8x1024xf32, #tpu.memory_space<vmem>>
        %dma_start3A_1102 = arith.constant 0 : i32
        %dma_start3A_1103 = tpu.memref_slice %arg6[%dma_start3A_1095, %add3A_1094, %dma_start3A_1102] : memref<4x32x8xi32, #tpu.memory_space<vmem>> -> memref<1x1x8xi32, #tpu.memory_space<vmem>>
        %dma_start3A_1104 = tpu.memref_squeeze %dma_start3A_1103 : memref<1x1x8xi32, #tpu.memory_space<vmem>> -> memref<8xi32, #tpu.memory_space<vmem>>
        %dma_start3A_1105 = arith.constant 0 : i32
        %dma_start3A_1106 = arith.constant 0 : i32
        %dma_start3A_1107 = tpu.memref_slice %arg3[%dma_start3A_1105, %dma_start3A_1106] : memref<100000x1024xf32, #tpu.memory_space<hbm>> -> memref<100000x1024xf32, #tpu.memory_space<hbm>>
        %dma_start3A_1108 = tpu.memref_slice %arg10[%dma_start3A_1097] : memref<8x!tpu.dma_semaphore, #tpu.memory_space<semaphore_mem>> -> memref<1x!tpu.dma_semaphore, #tpu.memory_space<semaphore_mem>>
        %dma_start3A_1109 = tpu.memref_squeeze %dma_start3A_1108 : memref<1x!tpu.dma_semaphore, #tpu.memory_space<semaphore_mem>> -> memref<!tpu.dma_semaphore, #tpu.memory_space<semaphore_mem>>
        tpu.enqueue_indirect_dma source(%dma_start3A_1107 : memref<100000x1024xf32, #tpu.memory_space<hbm>>) target(%dma_start3A_1101 : memref<8x1024xf32, #tpu.memory_space<vmem>>) offsets(%dma_start3A_1104 : memref<8xi32, #tpu.memory_space<vmem>>) semaphore(%dma_start3A_1109 : memref<!tpu.dma_semaphore, #tpu.memory_space<semaphore_mem>>)
      } else {
      }
      %dma_wait3A_663 = arith.constant 3 : i32
      %dma_wait3A_664 = arith.constant 3 : i32
      %dma_wait3A_665 = arith.constant 3 : i32
      %dma_wait3A_666 = arith.constant 0 : i32
      %dma_wait3A_667 = arith.constant 0 : i32
      %dma_wait3A_668 = tpu.memref_slice %arg8[%dma_wait3A_664, %dma_wait3A_666, %dma_wait3A_667] : memref<8x8x1024xf32, #tpu.memory_space<vmem>> -> memref<1x8x1024xf32, #tpu.memory_space<vmem>>
      %dma_wait3A_669 = tpu.memref_squeeze %dma_wait3A_668 : memref<1x8x1024xf32, #tpu.memory_space<vmem>> -> memref<8x1024xf32, #tpu.memory_space<vmem>>
      %dma_wait3A_670 = arith.constant 0 : i32
      %dma_wait3A_671 = tpu.memref_slice %arg6[%dma_wait3A_663, %add3A_403, %dma_wait3A_670] : memref<4x32x8xi32, #tpu.memory_space<vmem>> -> memref<1x1x8xi32, #tpu.memory_space<vmem>>
      %dma_wait3A_672 = tpu.memref_squeeze %dma_wait3A_671 : memref<1x1x8xi32, #tpu.memory_space<vmem>> -> memref<8xi32, #tpu.memory_space<vmem>>
      %dma_wait3A_673 = arith.constant 0 : i32
      %dma_wait3A_674 = arith.constant 0 : i32
      %dma_wait3A_675 = tpu.memref_slice %arg3[%dma_wait3A_673, %dma_wait3A_674] : memref<100000x1024xf32, #tpu.memory_space<hbm>> -> memref<100000x1024xf32, #tpu.memory_space<hbm>>
      %dma_wait3A_676 = tpu.memref_slice %arg10[%dma_wait3A_665] : memref<8x!tpu.dma_semaphore, #tpu.memory_space<semaphore_mem>> -> memref<1x!tpu.dma_semaphore, #tpu.memory_space<semaphore_mem>>
      %dma_wait3A_677 = tpu.memref_squeeze %dma_wait3A_676 : memref<1x!tpu.dma_semaphore, #tpu.memory_space<semaphore_mem>> -> memref<!tpu.dma_semaphore, #tpu.memory_space<semaphore_mem>>
      tpu.wait_indirect_dma semaphore(%dma_wait3A_677 : memref<!tpu.dma_semaphore, #tpu.memory_space<semaphore_mem>>) src(%dma_wait3A_675 : memref<100000x1024xf32, #tpu.memory_space<hbm>>) dst(%dma_wait3A_669 : memref<8x1024xf32, #tpu.memory_space<vmem>>)
      %parallel_loop3A_678 = arith.constant 0 : i32
      %parallel_loop3A_679 = arith.constant 64 : i32
      %parallel_loop3A_680 = arith.constant 1 : i32
      scf.for %parallel_loop3A_1093 = %parallel_loop3A_678 to %parallel_loop3A_679 step %parallel_loop3A_680  : i32 {
        %parallel_loop3A_1094 = arith.constant 16 : i32
        %parallel_loop3A_1095 = arith.muli %parallel_loop3A_1093, %parallel_loop3A_1094 : i32
        %parallel_loop3A_1096 = arith.constant 0 : i32
        %parallel_loop3A_1097 = arith.constant 0 : i32
        %parallel_loop3A_1098 = arith.index_cast %parallel_loop3A_1096 : i32 to index
        %parallel_loop3A_1099 = arith.index_cast %parallel_loop3A_1097 : i32 to index
        %parallel_loop3A_1100 = arith.index_cast %parallel_loop3A_1095 : i32 to index
        %parallel_loop3A_1101 = tpu.vector_load %arg7[%parallel_loop3A_1098, %parallel_loop3A_1099, %parallel_loop3A_1100] {strides = array<i32>} : memref<2x8x1024xf32, #tpu.memory_space<vmem>>, vector<1x1x16xf32>,
        %parallel_loop3A_1102 = vector.shape_cast %parallel_loop3A_1101 : vector<1x1x16xf32> to vector<16xf32>
        %parallel_loop3A_1103 = arith.constant 3 : i32
        %parallel_loop3A_1104 = arith.constant 0 : i32
        %parallel_loop3A_1105 = arith.index_cast %parallel_loop3A_1103 : i32 to index
        %parallel_loop3A_1106 = arith.index_cast %parallel_loop3A_1104 : i32 to index
        %parallel_loop3A_1107 = arith.index_cast %parallel_loop3A_1095 : i32 to index
        %parallel_loop3A_1108 = tpu.vector_load %arg8[%parallel_loop3A_1105, %parallel_loop3A_1106, %parallel_loop3A_1107] {strides = array<i32>} : memref<8x8x1024xf32, #tpu.memory_space<vmem>>, vector<1x1x16xf32>,
        %parallel_loop3A_1109 = vector.shape_cast %parallel_loop3A_1108 : vector<1x1x16xf32> to vector<16xf32>
        %parallel_loop3A_1110 = vector.shape_cast %parallel_loop3A_1102 : vector<16xf32> to vector<1x1x16xf32>
        tpu.vector_store %arg8[%parallel_loop3A_1105, %parallel_loop3A_1106, %parallel_loop3A_1107], %parallel_loop3A_1110 {add = true, strides = array<i32>} : memref<8x8x1024xf32, #tpu.memory_space<vmem>>, vector<1x1x16xf32>,
        %parallel_loop3A_1111 = arith.constant 0 : i32
        %parallel_loop3A_1112 = arith.constant 1 : i32
        %parallel_loop3A_1113 = arith.index_cast %parallel_loop3A_1111 : i32 to index
        %parallel_loop3A_1114 = arith.index_cast %parallel_loop3A_1112 : i32 to index
        %parallel_loop3A_1115 = arith.index_cast %parallel_loop3A_1095 : i32 to index
        %parallel_loop3A_1116 = tpu.vector_load %arg7[%parallel_loop3A_1113, %parallel_loop3A_1114, %parallel_loop3A_1115] {strides = array<i32>} : memref<2x8x1024xf32, #tpu.memory_space<vmem>>, vector<1x1x16xf32>,
        %parallel_loop3A_1117 = vector.shape_cast %parallel_loop3A_1116 : vector<1x1x16xf32> to vector<16xf32>
        %parallel_loop3A_1118 = arith.constant 3 : i32
        %parallel_loop3A_1119 = arith.constant 1 : i32
        %parallel_loop3A_1120 = arith.index_cast %parallel_loop3A_1118 : i32 to index
        %parallel_loop3A_1121 = arith.index_cast %parallel_loop3A_1119 : i32 to index
        %parallel_loop3A_1122 = arith.index_cast %parallel_loop3A_1095 : i32 to index
        %parallel_loop3A_1123 = tpu.vector_load %arg8[%parallel_loop3A_1120, %parallel_loop3A_1121, %parallel_loop3A_1122] {strides = array<i32>} : memref<8x8x1024xf32, #tpu.memory_space<vmem>>, vector<1x1x16xf32>,
        %parallel_loop3A_1124 = vector.shape_cast %parallel_loop3A_1123 : vector<1x1x16xf32> to vector<16xf32>
        %parallel_loop3A_1125 = vector.shape_cast %parallel_loop3A_1117 : vector<16xf32> to vector<1x1x16xf32>
        tpu.vector_store %arg8[%parallel_loop3A_1120, %parallel_loop3A_1121, %parallel_loop3A_1122], %parallel_loop3A_1125 {add = true, strides = array<i32>} : memref<8x8x1024xf32, #tpu.memory_space<vmem>>, vector<1x1x16xf32>,
        %parallel_loop3A_1126 = arith.constant 0 : i32
        %parallel_loop3A_1127 = arith.constant 2 : i32
        %parallel_loop3A_1128 = arith.index_cast %parallel_loop3A_1126 : i32 to index
        %parallel_loop3A_1129 = arith.index_cast %parallel_loop3A_1127 : i32 to index
        %parallel_loop3A_1130 = arith.index_cast %parallel_loop3A_1095 : i32 to index
        %parallel_loop3A_1131 = tpu.vector_load %arg7[%parallel_loop3A_1128, %parallel_loop3A_1129, %parallel_loop3A_1130] {strides = array<i32>} : memref<2x8x1024xf32, #tpu.memory_space<vmem>>, vector<1x1x16xf32>,
        %parallel_loop3A_1132 = vector.shape_cast %parallel_loop3A_1131 : vector<1x1x16xf32> to vector<16xf32>
        %parallel_loop3A_1133 = arith.constant 3 : i32
        %parallel_loop3A_1134 = arith.constant 2 : i32
        %parallel_loop3A_1135 = arith.index_cast %parallel_loop3A_1133 : i32 to index
        %parallel_loop3A_1136 = arith.index_cast %parallel_loop3A_1134 : i32 to index
        %parallel_loop3A_1137 = arith.index_cast %parallel_loop3A_1095 : i32 to index
        %parallel_loop3A_1138 = tpu.vector_load %arg8[%parallel_loop3A_1135, %parallel_loop3A_1136, %parallel_loop3A_1137] {strides = array<i32>} : memref<8x8x1024xf32, #tpu.memory_space<vmem>>, vector<1x1x16xf32>,
        %parallel_loop3A_1139 = vector.shape_cast %parallel_loop3A_1138 : vector<1x1x16xf32> to vector<16xf32>
        %parallel_loop3A_1140 = vector.shape_cast %parallel_loop3A_1132 : vector<16xf32> to vector<1x1x16xf32>
        tpu.vector_store %arg8[%parallel_loop3A_1135, %parallel_loop3A_1136, %parallel_loop3A_1137], %parallel_loop3A_1140 {add = true, strides = array<i32>} : memref<8x8x1024xf32, #tpu.memory_space<vmem>>, vector<1x1x16xf32>,
        %parallel_loop3A_1141 = arith.constant 0 : i32
        %parallel_loop3A_1142 = arith.constant 3 : i32
        %parallel_loop3A_1143 = arith.index_cast %parallel_loop3A_1141 : i32 to index
        %parallel_loop3A_1144 = arith.index_cast %parallel_loop3A_1142 : i32 to index
        %parallel_loop3A_1145 = arith.index_cast %parallel_loop3A_1095 : i32 to index
        %parallel_loop3A_1146 = tpu.vector_load %arg7[%parallel_loop3A_1143, %parallel_loop3A_1144, %parallel_loop3A_1145] {strides = array<i32>} : memref<2x8x1024xf32, #tpu.memory_space<vmem>>, vector<1x1x16xf32>,
        %parallel_loop3A_1147 = vector.shape_cast %parallel_loop3A_1146 : vector<1x1x16xf32> to vector<16xf32>
        %parallel_loop3A_1148 = arith.constant 3 : i32
        %parallel_loop3A_1149 = arith.constant 3 : i32
        %parallel_loop3A_1150 = arith.index_cast %parallel_loop3A_1148 : i32 to index
        %parallel_loop3A_1151 = arith.index_cast %parallel_loop3A_1149 : i32 to index
        %parallel_loop3A_1152 = arith.index_cast %parallel_loop3A_1095 : i32 to index
        %parallel_loop3A_1153 = tpu.vector_load %arg8[%parallel_loop3A_1150, %parallel_loop3A_1151, %parallel_loop3A_1152] {strides = array<i32>} : memref<8x8x1024xf32, #tpu.memory_space<vmem>>, vector<1x1x16xf32>,
        %parallel_loop3A_1154 = vector.shape_cast %parallel_loop3A_1153 : vector<1x1x16xf32> to vector<16xf32>
        %parallel_loop3A_1155 = vector.shape_cast %parallel_loop3A_1147 : vector<16xf32> to vector<1x1x16xf32>
        tpu.vector_store %arg8[%parallel_loop3A_1150, %parallel_loop3A_1151, %parallel_loop3A_1152], %parallel_loop3A_1155 {add = true, strides = array<i32>} : memref<8x8x1024xf32, #tpu.memory_space<vmem>>, vector<1x1x16xf32>,
        %parallel_loop3A_1156 = arith.constant 0 : i32
        %parallel_loop3A_1157 = arith.constant 4 : i32
        %parallel_loop3A_1158 = arith.index_cast %parallel_loop3A_1156 : i32 to index
        %parallel_loop3A_1159 = arith.index_cast %parallel_loop3A_1157 : i32 to index
        %parallel_loop3A_1160 = arith.index_cast %parallel_loop3A_1095 : i32 to index
        %parallel_loop3A_1161 = tpu.vector_load %arg7[%parallel_loop3A_1158, %parallel_loop3A_1159, %parallel_loop3A_1160] {strides = array<i32>} : memref<2x8x1024xf32, #tpu.memory_space<vmem>>, vector<1x1x16xf32>,
        %parallel_loop3A_1162 = vector.shape_cast %parallel_loop3A_1161 : vector<1x1x16xf32> to vector<16xf32>
        %parallel_loop3A_1163 = arith.constant 3 : i32
        %parallel_loop3A_1164 = arith.constant 4 : i32
        %parallel_loop3A_1165 = arith.index_cast %parallel_loop3A_1163 : i32 to index
        %parallel_loop3A_1166 = arith.index_cast %parallel_loop3A_1164 : i32 to index
        %parallel_loop3A_1167 = arith.index_cast %parallel_loop3A_1095 : i32 to index
        %parallel_loop3A_1168 = tpu.vector_load %arg8[%parallel_loop3A_1165, %parallel_loop3A_1166, %parallel_loop3A_1167] {strides = array<i32>} : memref<8x8x1024xf32, #tpu.memory_space<vmem>>, vector<1x1x16xf32>,
        %parallel_loop3A_1169 = vector.shape_cast %parallel_loop3A_1168 : vector<1x1x16xf32> to vector<16xf32>
        %parallel_loop3A_1170 = vector.shape_cast %parallel_loop3A_1162 : vector<16xf32> to vector<1x1x16xf32>
        tpu.vector_store %arg8[%parallel_loop3A_1165, %parallel_loop3A_1166, %parallel_loop3A_1167], %parallel_loop3A_1170 {add = true, strides = array<i32>} : memref<8x8x1024xf32, #tpu.memory_space<vmem>>, vector<1x1x16xf32>,
        %parallel_loop3A_1171 = arith.constant 0 : i32
        %parallel_loop3A_1172 = arith.constant 5 : i32
        %parallel_loop3A_1173 = arith.index_cast %parallel_loop3A_1171 : i32 to index
        %parallel_loop3A_1174 = arith.index_cast %parallel_loop3A_1172 : i32 to index
        %parallel_loop3A_1175 = arith.index_cast %parallel_loop3A_1095 : i32 to index
        %parallel_loop3A_1176 = tpu.vector_load %arg7[%parallel_loop3A_1173, %parallel_loop3A_1174, %parallel_loop3A_1175] {strides = array<i32>} : memref<2x8x1024xf32, #tpu.memory_space<vmem>>, vector<1x1x16xf32>,
        %parallel_loop3A_1177 = vector.shape_cast %parallel_loop3A_1176 : vector<1x1x16xf32> to vector<16xf32>
        %parallel_loop3A_1178 = arith.constant 3 : i32
        %parallel_loop3A_1179 = arith.constant 5 : i32
        %parallel_loop3A_1180 = arith.index_cast %parallel_loop3A_1178 : i32 to index
        %parallel_loop3A_1181 = arith.index_cast %parallel_loop3A_1179 : i32 to index
        %parallel_loop3A_1182 = arith.index_cast %parallel_loop3A_1095 : i32 to index
        %parallel_loop3A_1183 = tpu.vector_load %arg8[%parallel_loop3A_1180, %parallel_loop3A_1181, %parallel_loop3A_1182] {strides = array<i32>} : memref<8x8x1024xf32, #tpu.memory_space<vmem>>, vector<1x1x16xf32>,
        %parallel_loop3A_1184 = vector.shape_cast %parallel_loop3A_1183 : vector<1x1x16xf32> to vector<16xf32>
        %parallel_loop3A_1185 = vector.shape_cast %parallel_loop3A_1177 : vector<16xf32> to vector<1x1x16xf32>
        tpu.vector_store %arg8[%parallel_loop3A_1180, %parallel_loop3A_1181, %parallel_loop3A_1182], %parallel_loop3A_1185 {add = true, strides = array<i32>} : memref<8x8x1024xf32, #tpu.memory_space<vmem>>, vector<1x1x16xf32>,
        %parallel_loop3A_1186 = arith.constant 0 : i32
        %parallel_loop3A_1187 = arith.constant 6 : i32
        %parallel_loop3A_1188 = arith.index_cast %parallel_loop3A_1186 : i32 to index
        %parallel_loop3A_1189 = arith.index_cast %parallel_loop3A_1187 : i32 to index
        %parallel_loop3A_1190 = arith.index_cast %parallel_loop3A_1095 : i32 to index
        %parallel_loop3A_1191 = tpu.vector_load %arg7[%parallel_loop3A_1188, %parallel_loop3A_1189, %parallel_loop3A_1190] {strides = array<i32>} : memref<2x8x1024xf32, #tpu.memory_space<vmem>>, vector<1x1x16xf32>,
        %parallel_loop3A_1192 = vector.shape_cast %parallel_loop3A_1191 : vector<1x1x16xf32> to vector<16xf32>
        %parallel_loop3A_1193 = arith.constant 3 : i32
        %parallel_loop3A_1194 = arith.constant 6 : i32
        %parallel_loop3A_1195 = arith.index_cast %parallel_loop3A_1193 : i32 to index
        %parallel_loop3A_1196 = arith.index_cast %parallel_loop3A_1194 : i32 to index
        %parallel_loop3A_1197 = arith.index_cast %parallel_loop3A_1095 : i32 to index
        %parallel_loop3A_1198 = tpu.vector_load %arg8[%parallel_loop3A_1195, %parallel_loop3A_1196, %parallel_loop3A_1197] {strides = array<i32>} : memref<8x8x1024xf32, #tpu.memory_space<vmem>>, vector<1x1x16xf32>,
        %parallel_loop3A_1199 = vector.shape_cast %parallel_loop3A_1198 : vector<1x1x16xf32> to vector<16xf32>
        %parallel_loop3A_1200 = vector.shape_cast %parallel_loop3A_1192 : vector<16xf32> to vector<1x1x16xf32>
        tpu.vector_store %arg8[%parallel_loop3A_1195, %parallel_loop3A_1196, %parallel_loop3A_1197], %parallel_loop3A_1200 {add = true, strides = array<i32>} : memref<8x8x1024xf32, #tpu.memory_space<vmem>>, vector<1x1x16xf32>,
        %parallel_loop3A_1201 = arith.constant 0 : i32
        %parallel_loop3A_1202 = arith.constant 7 : i32
        %parallel_loop3A_1203 = arith.index_cast %parallel_loop3A_1201 : i32 to index
        %parallel_loop3A_1204 = arith.index_cast %parallel_loop3A_1202 : i32 to index
        %parallel_loop3A_1205 = arith.index_cast %parallel_loop3A_1095 : i32 to index
        %parallel_loop3A_1206 = tpu.vector_load %arg7[%parallel_loop3A_1203, %parallel_loop3A_1204, %parallel_loop3A_1205] {strides = array<i32>} : memref<2x8x1024xf32, #tpu.memory_space<vmem>>, vector<1x1x16xf32>,
        %parallel_loop3A_1207 = vector.shape_cast %parallel_loop3A_1206 : vector<1x1x16xf32> to vector<16xf32>
        %parallel_loop3A_1208 = arith.constant 3 : i32
        %parallel_loop3A_1209 = arith.constant 7 : i32
        %parallel_loop3A_1210 = arith.index_cast %parallel_loop3A_1208 : i32 to index
        %parallel_loop3A_1211 = arith.index_cast %parallel_loop3A_1209 : i32 to index
        %parallel_loop3A_1212 = arith.index_cast %parallel_loop3A_1095 : i32 to index
        %parallel_loop3A_1213 = tpu.vector_load %arg8[%parallel_loop3A_1210, %parallel_loop3A_1211, %parallel_loop3A_1212] {strides = array<i32>} : memref<8x8x1024xf32, #tpu.memory_space<vmem>>, vector<1x1x16xf32>,
        %parallel_loop3A_1214 = vector.shape_cast %parallel_loop3A_1213 : vector<1x1x16xf32> to vector<16xf32>
        %parallel_loop3A_1215 = vector.shape_cast %parallel_loop3A_1207 : vector<16xf32> to vector<1x1x16xf32>
        tpu.vector_store %arg8[%parallel_loop3A_1210, %parallel_loop3A_1211, %parallel_loop3A_1212], %parallel_loop3A_1215 {add = true, strides = array<i32>} : memref<8x8x1024xf32, #tpu.memory_space<vmem>>, vector<1x1x16xf32>,
      } {sc.loop_unroll_factor = 2 : i64, sc.parallel_access}
      %ge3A_681 = arith.constant 1 : i32
      %ge3A_682 = arith.cmpi sge, %add3A_403, %ge3A_681 : i32
      %convert_element_type3A_683 = arith.extui %ge3A_682 : i1 to i32
      %cond3A_684 = arith.constant 0 : i32
      %cond3A_685 = arith.cmpi ne, %convert_element_type3A_683, %cond3A_684 : i32
      scf.if %cond3A_685 {
        %dma_wait3A_1093 = arith.constant 3 : i32
        %dma_wait3A_1094 = arith.constant 3 : i32
        %dma_wait3A_1095 = tpu.memref_slice %arg12[%dma_wait3A_1094] : memref<4x!tpu.dma_semaphore, #tpu.memory_space<semaphore_mem>> -> memref<1x!tpu.dma_semaphore, #tpu.memory_space<semaphore_mem>>
        %dma_wait3A_1096 = tpu.memref_squeeze %dma_wait3A_1095 : memref<1x!tpu.dma_semaphore, #tpu.memory_space<semaphore_mem>> -> memref<!tpu.dma_semaphore, #tpu.memory_space<semaphore_mem>>
        %dma_wait3A_1097 = arith.constant 0 : i32
        %dma_wait3A_1098 = arith.constant 0 : i32
        %dma_wait3A_1099 = tpu.memref_slice %arg5[%dma_wait3A_1097, %dma_wait3A_1098] : memref<32768x1024xf32, #tpu.memory_space<hbm>> -> memref<8x1024xf32, #tpu.memory_space<hbm>>
        %dma_wait3A_1100 = arith.constant 0 : i32
        %dma_wait3A_1101 = arith.constant 0 : i32
        %dma_wait3A_1102 = tpu.memref_slice %arg9[%arg1, %dma_wait3A_1093, %dma_wait3A_1100, %dma_wait3A_1101] : memref<16x4x8x1024xf32, #tpu.memory_space<vmem_shared>> -> memref<1x1x8x1024xf32, #tpu.memory_space<vmem_shared>>
        %dma_wait3A_1103 = tpu.memref_squeeze %dma_wait3A_1102 : memref<1x1x8x1024xf32, #tpu.memory_space<vmem_shared>> -> memref<8x1024xf32, #tpu.memory_space<vmem_shared>>
        tpu.wait_dma2 semaphore(%dma_wait3A_1096 : memref<!tpu.dma_semaphore, #tpu.memory_space<semaphore_mem>>) src(%dma_wait3A_1103 : memref<8x1024xf32, #tpu.memory_space<vmem_shared>>) dst(%dma_wait3A_1099 : memref<8x1024xf32, #tpu.memory_space<hbm>>)
      } else {
      }
      %dma_start3A_686 = arith.constant 3 : i32
      %dma_start3A_687 = arith.constant 3 : i32
      %dma_start3A_688 = arith.constant 3 : i32
      %dma_start3A_689 = arith.constant 0 : i32
      %dma_start3A_690 = arith.constant 0 : i32
      %dma_start3A_691 = tpu.memref_slice %arg8[%dma_start3A_686, %dma_start3A_689, %dma_start3A_690] : memref<8x8x1024xf32, #tpu.memory_space<vmem>> -> memref<1x8x1024xf32, #tpu.memory_space<vmem>>
      %dma_start3A_692 = tpu.memref_squeeze %dma_start3A_691 : memref<1x8x1024xf32, #tpu.memory_space<vmem>> -> memref<8x1024xf32, #tpu.memory_space<vmem>>
      %dma_start3A_693 = arith.constant 0 : i32
      %dma_start3A_694 = arith.constant 0 : i32
      %dma_start3A_695 = tpu.memref_slice %arg9[%arg1, %dma_start3A_687, %dma_start3A_693, %dma_start3A_694] : memref<16x4x8x1024xf32, #tpu.memory_space<vmem_shared>> -> memref<1x1x8x1024xf32, #tpu.memory_space<vmem_shared>>
      %dma_start3A_696 = tpu.memref_squeeze %dma_start3A_695 : memref<1x1x8x1024xf32, #tpu.memory_space<vmem_shared>> -> memref<8x1024xf32, #tpu.memory_space<vmem_shared>>
      %dma_start3A_697 = tpu.memref_slice %arg11[%dma_start3A_688] : memref<8x!tpu.dma_semaphore, #tpu.memory_space<semaphore_mem>> -> memref<1x!tpu.dma_semaphore, #tpu.memory_space<semaphore_mem>>
      %dma_start3A_698 = tpu.memref_squeeze %dma_start3A_697 : memref<1x!tpu.dma_semaphore, #tpu.memory_space<semaphore_mem>> -> memref<!tpu.dma_semaphore, #tpu.memory_space<semaphore_mem>>
      %dma_start3A_699 = arith.constant 0 : i32
      %dma_start3A_700 = arith.constant 0 : i32
      %dma_start3A_701 = tpu.memref_slice %arg9[%arg1, %dma_start3A_687, %dma_start3A_699, %dma_start3A_700] : memref<16x4x8x1024xf32, #tpu.memory_space<vmem_shared>> -> memref<1x1x8x1024xf32, #tpu.memory_space<vmem_shared>>
      %dma_start3A_702 = tpu.memref_squeeze %dma_start3A_701 : memref<1x1x8x1024xf32, #tpu.memory_space<vmem_shared>> -> memref<8x1024xf32, #tpu.memory_space<vmem_shared>>
      %dma_start3A_703 = arith.constant 0 : i32
      %dma_start3A_704 = arith.constant 0 : i32
      %dma_start3A_705 = tpu.memref_slice %arg8[%dma_start3A_686, %dma_start3A_703, %dma_start3A_704] : memref<8x8x1024xf32, #tpu.memory_space<vmem>> -> memref<1x8x1024xf32, #tpu.memory_space<vmem>>
      %dma_start3A_706 = tpu.memref_squeeze %dma_start3A_705 : memref<1x8x1024xf32, #tpu.memory_space<vmem>> -> memref<8x1024xf32, #tpu.memory_space<vmem>>
      tpu.enqueue_dma source(%dma_start3A_706 : memref<8x1024xf32, #tpu.memory_space<vmem>>) target(%dma_start3A_702 : memref<8x1024xf32, #tpu.memory_space<vmem_shared>>) target_semaphore(%dma_start3A_698 : memref<!tpu.dma_semaphore, #tpu.memory_space<semaphore_mem>>)
      %add3A_707 = arith.constant 16384 : i32
      %add3A_708 = arith.addi %add3A_707, %mul3A_2 : i32
      %mul3A_709 = arith.constant 8 : i32
      %mul3A_710 = arith.muli %add3A_403, %mul3A_709 : i32
      %add3A_711 = arith.addi %add3A_708, %mul3A_710 : i32
      %dma_wait3A_712 = arith.constant 2 : i32
      %dma_wait3A_713 = arith.constant 2 : i32
      %dma_wait3A_714 = arith.constant 2 : i32
      %dma_wait3A_715 = arith.constant 0 : i32
      %dma_wait3A_716 = arith.constant 0 : i32
      %dma_wait3A_717 = tpu.memref_slice %arg8[%dma_wait3A_712, %dma_wait3A_715, %dma_wait3A_716] : memref<8x8x1024xf32, #tpu.memory_space<vmem>> -> memref<1x8x1024xf32, #tpu.memory_space<vmem>>
      %dma_wait3A_718 = tpu.memref_squeeze %dma_wait3A_717 : memref<1x8x1024xf32, #tpu.memory_space<vmem>> -> memref<8x1024xf32, #tpu.memory_space<vmem>>
      %dma_wait3A_719 = arith.constant 0 : i32
      %dma_wait3A_720 = arith.constant 0 : i32
      %dma_wait3A_721 = tpu.memref_slice %arg9[%arg1, %dma_wait3A_713, %dma_wait3A_719, %dma_wait3A_720] : memref<16x4x8x1024xf32, #tpu.memory_space<vmem_shared>> -> memref<1x1x8x1024xf32, #tpu.memory_space<vmem_shared>>
      %dma_wait3A_722 = tpu.memref_squeeze %dma_wait3A_721 : memref<1x1x8x1024xf32, #tpu.memory_space<vmem_shared>> -> memref<8x1024xf32, #tpu.memory_space<vmem_shared>>
      %dma_wait3A_723 = tpu.memref_slice %arg11[%dma_wait3A_714] : memref<8x!tpu.dma_semaphore, #tpu.memory_space<semaphore_mem>> -> memref<1x!tpu.dma_semaphore, #tpu.memory_space<semaphore_mem>>
      %dma_wait3A_724 = tpu.memref_squeeze %dma_wait3A_723 : memref<1x!tpu.dma_semaphore, #tpu.memory_space<semaphore_mem>> -> memref<!tpu.dma_semaphore, #tpu.memory_space<semaphore_mem>>
      %dma_wait3A_725 = arith.constant 0 : i32
      %dma_wait3A_726 = arith.constant 0 : i32
      %dma_wait3A_727 = tpu.memref_slice %arg9[%arg1, %dma_wait3A_713, %dma_wait3A_725, %dma_wait3A_726] : memref<16x4x8x1024xf32, #tpu.memory_space<vmem_shared>> -> memref<1x1x8x1024xf32, #tpu.memory_space<vmem_shared>>
      %dma_wait3A_728 = tpu.memref_squeeze %dma_wait3A_727 : memref<1x1x8x1024xf32, #tpu.memory_space<vmem_shared>> -> memref<8x1024xf32, #tpu.memory_space<vmem_shared>>
      %dma_wait3A_729 = arith.constant 0 : i32
      %dma_wait3A_730 = arith.constant 0 : i32
      %dma_wait3A_731 = tpu.memref_slice %arg8[%dma_wait3A_712, %dma_wait3A_729, %dma_wait3A_730] : memref<8x8x1024xf32, #tpu.memory_space<vmem>> -> memref<1x8x1024xf32, #tpu.memory_space<vmem>>
      %dma_wait3A_732 = tpu.memref_squeeze %dma_wait3A_731 : memref<1x8x1024xf32, #tpu.memory_space<vmem>> -> memref<8x1024xf32, #tpu.memory_space<vmem>>
      tpu.wait_dma2 semaphore(%dma_wait3A_724 : memref<!tpu.dma_semaphore, #tpu.memory_space<semaphore_mem>>) src(%dma_wait3A_732 : memref<8x1024xf32, #tpu.memory_space<vmem>>) dst(%dma_wait3A_728 : memref<8x1024xf32, #tpu.memory_space<vmem_shared>>)
      %dma_start3A_733 = arith.constant 2 : i32
      %dma_start3A_734 = arith.constant 2 : i32
      %dma_start3A_735 = tpu.memref_slice %arg12[%dma_start3A_734] : memref<4x!tpu.dma_semaphore, #tpu.memory_space<semaphore_mem>> -> memref<1x!tpu.dma_semaphore, #tpu.memory_space<semaphore_mem>>
      %dma_start3A_736 = tpu.memref_squeeze %dma_start3A_735 : memref<1x!tpu.dma_semaphore, #tpu.memory_space<semaphore_mem>> -> memref<!tpu.dma_semaphore, #tpu.memory_space<semaphore_mem>>
      %dma_start3A_737 = arith.constant 0 : i32
      %dma_start3A_738 = tpu.memref_slice %arg5[%add3A_711, %dma_start3A_737] : memref<32768x1024xf32, #tpu.memory_space<hbm>> -> memref<8x1024xf32, #tpu.memory_space<hbm>>
      %dma_start3A_739 = arith.constant 0 : i32
      %dma_start3A_740 = arith.constant 0 : i32
      %dma_start3A_741 = tpu.memref_slice %arg9[%arg1, %dma_start3A_733, %dma_start3A_739, %dma_start3A_740] : memref<16x4x8x1024xf32, #tpu.memory_space<vmem_shared>> -> memref<1x1x8x1024xf32, #tpu.memory_space<vmem_shared>>
      %dma_start3A_742 = tpu.memref_squeeze %dma_start3A_741 : memref<1x1x8x1024xf32, #tpu.memory_space<vmem_shared>> -> memref<8x1024xf32, #tpu.memory_space<vmem_shared>>
      tpu.enqueue_dma source(%dma_start3A_742 : memref<8x1024xf32, #tpu.memory_space<vmem_shared>>) target(%dma_start3A_738 : memref<8x1024xf32, #tpu.memory_space<hbm>>) target_semaphore(%dma_start3A_736 : memref<!tpu.dma_semaphore, #tpu.memory_space<semaphore_mem>>)
      %mul3A_743 = arith.constant 2 : i32
      %mul3A_744 = arith.muli %mul3A_743, %scan3A_398 : i32
      %add3A_745 = arith.constant 1 : i32
      %add3A_746 = arith.addi %mul3A_744, %add3A_745 : i32
      %mul3A_747 = arith.constant 8 : i32
      %mul3A_748 = arith.muli %add3A_746, %mul3A_747 : i32
      %add3A_749 = arith.addi %mul3A_2, %mul3A_748 : i32
      %dma_wait3A_750 = arith.constant 1 : i32
      %dma_wait3A_751 = arith.constant 1 : i32
      %dma_wait3A_752 = arith.constant 0 : i32
      %dma_wait3A_753 = arith.constant 0 : i32
      %dma_wait3A_754 = tpu.memref_slice %arg7[%dma_wait3A_750, %dma_wait3A_752, %dma_wait3A_753] : memref<2x8x1024xf32, #tpu.memory_space<vmem>> -> memref<1x8x1024xf32, #tpu.memory_space<vmem>>
      %dma_wait3A_755 = tpu.memref_squeeze %dma_wait3A_754 : memref<1x8x1024xf32, #tpu.memory_space<vmem>> -> memref<8x1024xf32, #tpu.memory_space<vmem>>
      %dma_wait3A_756 = arith.constant 0 : i32
      %dma_wait3A_757 = tpu.memref_slice %arg4[%add3A_749, %dma_wait3A_756] : memref<8192x1024xf32, #tpu.memory_space<hbm>> -> memref<8x1024xf32, #tpu.memory_space<hbm>>
      %dma_wait3A_758 = tpu.memref_slice %arg13[%dma_wait3A_751] : memref<2x!tpu.dma_semaphore, #tpu.memory_space<semaphore_mem>> -> memref<1x!tpu.dma_semaphore, #tpu.memory_space<semaphore_mem>>
      %dma_wait3A_759 = tpu.memref_squeeze %dma_wait3A_758 : memref<1x!tpu.dma_semaphore, #tpu.memory_space<semaphore_mem>> -> memref<!tpu.dma_semaphore, #tpu.memory_space<semaphore_mem>>
      %dma_wait3A_760 = arith.constant 0 : i32
      %dma_wait3A_761 = arith.constant 0 : i32
      %dma_wait3A_762 = tpu.memref_slice %arg7[%dma_wait3A_750, %dma_wait3A_760, %dma_wait3A_761] : memref<2x8x1024xf32, #tpu.memory_space<vmem>> -> memref<1x8x1024xf32, #tpu.memory_space<vmem>>
      %dma_wait3A_763 = tpu.memref_squeeze %dma_wait3A_762 : memref<1x8x1024xf32, #tpu.memory_space<vmem>> -> memref<8x1024xf32, #tpu.memory_space<vmem>>
      %dma_wait3A_764 = arith.constant 0 : i32
      %dma_wait3A_765 = tpu.memref_slice %arg4[%add3A_749, %dma_wait3A_764] : memref<8192x1024xf32, #tpu.memory_space<hbm>> -> memref<8x1024xf32, #tpu.memory_space<hbm>>
      tpu.wait_dma2 semaphore(%dma_wait3A_759 : memref<!tpu.dma_semaphore, #tpu.memory_space<semaphore_mem>>) src(%dma_wait3A_765 : memref<8x1024xf32, #tpu.memory_space<hbm>>) dst(%dma_wait3A_763 : memref<8x1024xf32, #tpu.memory_space<vmem>>)
      %le3A_766 = arith.constant 30 : i32
      %le3A_767 = arith.cmpi sle, %add3A_746, %le3A_766 : i32
      %convert_element_type3A_768 = arith.extui %le3A_767 : i1 to i32
      %cond3A_769 = arith.constant 0 : i32
      %cond3A_770 = arith.cmpi ne, %convert_element_type3A_768, %cond3A_769 : i32
      scf.if %cond3A_770 {
        %add3A_1093 = arith.constant 1 : i32
        %add3A_1094 = arith.addi %add3A_746, %add3A_1093 : i32
        %mul3A_1095 = arith.constant 8 : i32
        %mul3A_1096 = arith.muli %add3A_1094, %mul3A_1095 : i32
        %add3A_1097 = arith.addi %mul3A_2, %mul3A_1096 : i32
        %dma_start3A_1098 = arith.constant 0 : i32
        %dma_start3A_1099 = arith.constant 0 : i32
        %dma_start3A_1100 = arith.constant 0 : i32
        %dma_start3A_1101 = arith.constant 0 : i32
        %dma_start3A_1102 = tpu.memref_slice %arg7[%dma_start3A_1098, %dma_start3A_1100, %dma_start3A_1101] : memref<2x8x1024xf32, #tpu.memory_space<vmem>> -> memref<1x8x1024xf32, #tpu.memory_space<vmem>>
        %dma_start3A_1103 = tpu.memref_squeeze %dma_start3A_1102 : memref<1x8x1024xf32, #tpu.memory_space<vmem>> -> memref<8x1024xf32, #tpu.memory_space<vmem>>
        %dma_start3A_1104 = arith.constant 0 : i32
        %dma_start3A_1105 = tpu.memref_slice %arg4[%add3A_1097, %dma_start3A_1104] : memref<8192x1024xf32, #tpu.memory_space<hbm>> -> memref<8x1024xf32, #tpu.memory_space<hbm>>
        %dma_start3A_1106 = tpu.memref_slice %arg13[%dma_start3A_1099] : memref<2x!tpu.dma_semaphore, #tpu.memory_space<semaphore_mem>> -> memref<1x!tpu.dma_semaphore, #tpu.memory_space<semaphore_mem>>
        %dma_start3A_1107 = tpu.memref_squeeze %dma_start3A_1106 : memref<1x!tpu.dma_semaphore, #tpu.memory_space<semaphore_mem>> -> memref<!tpu.dma_semaphore, #tpu.memory_space<semaphore_mem>>
        %dma_start3A_1108 = arith.constant 0 : i32
        %dma_start3A_1109 = arith.constant 0 : i32
        %dma_start3A_1110 = tpu.memref_slice %arg7[%dma_start3A_1098, %dma_start3A_1108, %dma_start3A_1109] : memref<2x8x1024xf32, #tpu.memory_space<vmem>> -> memref<1x8x1024xf32, #tpu.memory_space<vmem>>
        %dma_start3A_1111 = tpu.memref_squeeze %dma_start3A_1110 : memref<1x8x1024xf32, #tpu.memory_space<vmem>> -> memref<8x1024xf32, #tpu.memory_space<vmem>>
        %dma_start3A_1112 = arith.constant 0 : i32
        %dma_start3A_1113 = tpu.memref_slice %arg4[%add3A_1097, %dma_start3A_1112] : memref<8192x1024xf32, #tpu.memory_space<hbm>> -> memref<8x1024xf32, #tpu.memory_space<hbm>>
        tpu.enqueue_dma source(%dma_start3A_1113 : memref<8x1024xf32, #tpu.memory_space<hbm>>) target(%dma_start3A_1111 : memref<8x1024xf32, #tpu.memory_space<vmem>>) target_semaphore(%dma_start3A_1107 : memref<!tpu.dma_semaphore, #tpu.memory_space<semaphore_mem>>)
      } else {
      }
      %ge3A_771 = arith.constant 1 : i32
      %ge3A_772 = arith.cmpi sge, %add3A_746, %ge3A_771 : i32
      %le3A_773 = arith.constant 30 : i32
      %le3A_774 = arith.cmpi sle, %add3A_746, %le3A_773 : i32
      %and3A_775 = arith.andi %ge3A_772, %le3A_774 : i1
      %convert_element_type3A_776 = arith.extui %and3A_775 : i1 to i32
      %cond3A_777 = arith.constant 0 : i32
      %cond3A_778 = arith.cmpi ne, %convert_element_type3A_776, %cond3A_777 : i32
      scf.if %cond3A_778 {
        %add3A_1093 = arith.constant 1 : i32
        %add3A_1094 = arith.addi %add3A_746, %add3A_1093 : i32
        %dma_start3A_1095 = arith.constant 0 : i32
        %dma_start3A_1096 = arith.constant 0 : i32
        %dma_start3A_1097 = arith.constant 0 : i32
        %dma_start3A_1098 = arith.constant 0 : i32
        %dma_start3A_1099 = arith.constant 0 : i32
        %dma_start3A_1100 = tpu.memref_slice %arg8[%dma_start3A_1096, %dma_start3A_1098, %dma_start3A_1099] : memref<8x8x1024xf32, #tpu.memory_space<vmem>> -> memref<1x8x1024xf32, #tpu.memory_space<vmem>>
        %dma_start3A_1101 = tpu.memref_squeeze %dma_start3A_1100 : memref<1x8x1024xf32, #tpu.memory_space<vmem>> -> memref<8x1024xf32, #tpu.memory_space<vmem>>
        %dma_start3A_1102 = arith.constant 0 : i32
        %dma_start3A_1103 = tpu.memref_slice %arg6[%dma_start3A_1095, %add3A_1094, %dma_start3A_1102] : memref<4x32x8xi32, #tpu.memory_space<vmem>> -> memref<1x1x8xi32, #tpu.memory_space<vmem>>
        %dma_start3A_1104 = tpu.memref_squeeze %dma_start3A_1103 : memref<1x1x8xi32, #tpu.memory_space<vmem>> -> memref<8xi32, #tpu.memory_space<vmem>>
        %dma_start3A_1105 = arith.constant 0 : i32
        %dma_start3A_1106 = arith.constant 0 : i32
        %dma_start3A_1107 = tpu.memref_slice %arg3[%dma_start3A_1105, %dma_start3A_1106] : memref<100000x1024xf32, #tpu.memory_space<hbm>> -> memref<100000x1024xf32, #tpu.memory_space<hbm>>
        %dma_start3A_1108 = tpu.memref_slice %arg10[%dma_start3A_1097] : memref<8x!tpu.dma_semaphore, #tpu.memory_space<semaphore_mem>> -> memref<1x!tpu.dma_semaphore, #tpu.memory_space<semaphore_mem>>
        %dma_start3A_1109 = tpu.memref_squeeze %dma_start3A_1108 : memref<1x!tpu.dma_semaphore, #tpu.memory_space<semaphore_mem>> -> memref<!tpu.dma_semaphore, #tpu.memory_space<semaphore_mem>>
        tpu.enqueue_indirect_dma source(%dma_start3A_1107 : memref<100000x1024xf32, #tpu.memory_space<hbm>>) target(%dma_start3A_1101 : memref<8x1024xf32, #tpu.memory_space<vmem>>) offsets(%dma_start3A_1104 : memref<8xi32, #tpu.memory_space<vmem>>) semaphore(%dma_start3A_1109 : memref<!tpu.dma_semaphore, #tpu.memory_space<semaphore_mem>>)
      } else {
      }
      %dma_wait3A_779 = arith.constant 0 : i32
      %dma_wait3A_780 = arith.constant 4 : i32
      %dma_wait3A_781 = arith.constant 4 : i32
      %dma_wait3A_782 = arith.constant 0 : i32
      %dma_wait3A_783 = arith.constant 0 : i32
      %dma_wait3A_784 = tpu.memref_slice %arg8[%dma_wait3A_780, %dma_wait3A_782, %dma_wait3A_783] : memref<8x8x1024xf32, #tpu.memory_space<vmem>> -> memref<1x8x1024xf32, #tpu.memory_space<vmem>>
      %dma_wait3A_785 = tpu.memref_squeeze %dma_wait3A_784 : memref<1x8x1024xf32, #tpu.memory_space<vmem>> -> memref<8x1024xf32, #tpu.memory_space<vmem>>
      %dma_wait3A_786 = arith.constant 0 : i32
      %dma_wait3A_787 = tpu.memref_slice %arg6[%dma_wait3A_779, %add3A_746, %dma_wait3A_786] : memref<4x32x8xi32, #tpu.memory_space<vmem>> -> memref<1x1x8xi32, #tpu.memory_space<vmem>>
      %dma_wait3A_788 = tpu.memref_squeeze %dma_wait3A_787 : memref<1x1x8xi32, #tpu.memory_space<vmem>> -> memref<8xi32, #tpu.memory_space<vmem>>
      %dma_wait3A_789 = arith.constant 0 : i32
      %dma_wait3A_790 = arith.constant 0 : i32
      %dma_wait3A_791 = tpu.memref_slice %arg3[%dma_wait3A_789, %dma_wait3A_790] : memref<100000x1024xf32, #tpu.memory_space<hbm>> -> memref<100000x1024xf32, #tpu.memory_space<hbm>>
      %dma_wait3A_792 = tpu.memref_slice %arg10[%dma_wait3A_781] : memref<8x!tpu.dma_semaphore, #tpu.memory_space<semaphore_mem>> -> memref<1x!tpu.dma_semaphore, #tpu.memory_space<semaphore_mem>>
      %dma_wait3A_793 = tpu.memref_squeeze %dma_wait3A_792 : memref<1x!tpu.dma_semaphore, #tpu.memory_space<semaphore_mem>> -> memref<!tpu.dma_semaphore, #tpu.memory_space<semaphore_mem>>
      tpu.wait_indirect_dma semaphore(%dma_wait3A_793 : memref<!tpu.dma_semaphore, #tpu.memory_space<semaphore_mem>>) src(%dma_wait3A_791 : memref<100000x1024xf32, #tpu.memory_space<hbm>>) dst(%dma_wait3A_785 : memref<8x1024xf32, #tpu.memory_space<vmem>>)
      %parallel_loop3A_794 = arith.constant 0 : i32
      %parallel_loop3A_795 = arith.constant 64 : i32
      %parallel_loop3A_796 = arith.constant 1 : i32
      scf.for %parallel_loop3A_1093 = %parallel_loop3A_794 to %parallel_loop3A_795 step %parallel_loop3A_796  : i32 {
        %parallel_loop3A_1094 = arith.constant 16 : i32
        %parallel_loop3A_1095 = arith.muli %parallel_loop3A_1093, %parallel_loop3A_1094 : i32
        %parallel_loop3A_1096 = arith.constant 1 : i32
        %parallel_loop3A_1097 = arith.constant 0 : i32
        %parallel_loop3A_1098 = arith.index_cast %parallel_loop3A_1096 : i32 to index
        %parallel_loop3A_1099 = arith.index_cast %parallel_loop3A_1097 : i32 to index
        %parallel_loop3A_1100 = arith.index_cast %parallel_loop3A_1095 : i32 to index
        %parallel_loop3A_1101 = tpu.vector_load %arg7[%parallel_loop3A_1098, %parallel_loop3A_1099, %parallel_loop3A_1100] {strides = array<i32>} : memref<2x8x1024xf32, #tpu.memory_space<vmem>>, vector<1x1x16xf32>,
        %parallel_loop3A_1102 = vector.shape_cast %parallel_loop3A_1101 : vector<1x1x16xf32> to vector<16xf32>
        %parallel_loop3A_1103 = arith.constant 4 : i32
        %parallel_loop3A_1104 = arith.constant 0 : i32
        %parallel_loop3A_1105 = arith.index_cast %parallel_loop3A_1103 : i32 to index
        %parallel_loop3A_1106 = arith.index_cast %parallel_loop3A_1104 : i32 to index
        %parallel_loop3A_1107 = arith.index_cast %parallel_loop3A_1095 : i32 to index
        %parallel_loop3A_1108 = tpu.vector_load %arg8[%parallel_loop3A_1105, %parallel_loop3A_1106, %parallel_loop3A_1107] {strides = array<i32>} : memref<8x8x1024xf32, #tpu.memory_space<vmem>>, vector<1x1x16xf32>,
        %parallel_loop3A_1109 = vector.shape_cast %parallel_loop3A_1108 : vector<1x1x16xf32> to vector<16xf32>
        %parallel_loop3A_1110 = vector.shape_cast %parallel_loop3A_1102 : vector<16xf32> to vector<1x1x16xf32>
        tpu.vector_store %arg8[%parallel_loop3A_1105, %parallel_loop3A_1106, %parallel_loop3A_1107], %parallel_loop3A_1110 {add = true, strides = array<i32>} : memref<8x8x1024xf32, #tpu.memory_space<vmem>>, vector<1x1x16xf32>,
        %parallel_loop3A_1111 = arith.constant 1 : i32
        %parallel_loop3A_1112 = arith.constant 1 : i32
        %parallel_loop3A_1113 = arith.index_cast %parallel_loop3A_1111 : i32 to index
        %parallel_loop3A_1114 = arith.index_cast %parallel_loop3A_1112 : i32 to index
        %parallel_loop3A_1115 = arith.index_cast %parallel_loop3A_1095 : i32 to index
        %parallel_loop3A_1116 = tpu.vector_load %arg7[%parallel_loop3A_1113, %parallel_loop3A_1114, %parallel_loop3A_1115] {strides = array<i32>} : memref<2x8x1024xf32, #tpu.memory_space<vmem>>, vector<1x1x16xf32>,
        %parallel_loop3A_1117 = vector.shape_cast %parallel_loop3A_1116 : vector<1x1x16xf32> to vector<16xf32>
        %parallel_loop3A_1118 = arith.constant 4 : i32
        %parallel_loop3A_1119 = arith.constant 1 : i32
        %parallel_loop3A_1120 = arith.index_cast %parallel_loop3A_1118 : i32 to index
        %parallel_loop3A_1121 = arith.index_cast %parallel_loop3A_1119 : i32 to index
        %parallel_loop3A_1122 = arith.index_cast %parallel_loop3A_1095 : i32 to index
        %parallel_loop3A_1123 = tpu.vector_load %arg8[%parallel_loop3A_1120, %parallel_loop3A_1121, %parallel_loop3A_1122] {strides = array<i32>} : memref<8x8x1024xf32, #tpu.memory_space<vmem>>, vector<1x1x16xf32>,
        %parallel_loop3A_1124 = vector.shape_cast %parallel_loop3A_1123 : vector<1x1x16xf32> to vector<16xf32>
        %parallel_loop3A_1125 = vector.shape_cast %parallel_loop3A_1117 : vector<16xf32> to vector<1x1x16xf32>
        tpu.vector_store %arg8[%parallel_loop3A_1120, %parallel_loop3A_1121, %parallel_loop3A_1122], %parallel_loop3A_1125 {add = true, strides = array<i32>} : memref<8x8x1024xf32, #tpu.memory_space<vmem>>, vector<1x1x16xf32>,
        %parallel_loop3A_1126 = arith.constant 1 : i32
        %parallel_loop3A_1127 = arith.constant 2 : i32
        %parallel_loop3A_1128 = arith.index_cast %parallel_loop3A_1126 : i32 to index
        %parallel_loop3A_1129 = arith.index_cast %parallel_loop3A_1127 : i32 to index
        %parallel_loop3A_1130 = arith.index_cast %parallel_loop3A_1095 : i32 to index
        %parallel_loop3A_1131 = tpu.vector_load %arg7[%parallel_loop3A_1128, %parallel_loop3A_1129, %parallel_loop3A_1130] {strides = array<i32>} : memref<2x8x1024xf32, #tpu.memory_space<vmem>>, vector<1x1x16xf32>,
        %parallel_loop3A_1132 = vector.shape_cast %parallel_loop3A_1131 : vector<1x1x16xf32> to vector<16xf32>
        %parallel_loop3A_1133 = arith.constant 4 : i32
        %parallel_loop3A_1134 = arith.constant 2 : i32
        %parallel_loop3A_1135 = arith.index_cast %parallel_loop3A_1133 : i32 to index
        %parallel_loop3A_1136 = arith.index_cast %parallel_loop3A_1134 : i32 to index
        %parallel_loop3A_1137 = arith.index_cast %parallel_loop3A_1095 : i32 to index
        %parallel_loop3A_1138 = tpu.vector_load %arg8[%parallel_loop3A_1135, %parallel_loop3A_1136, %parallel_loop3A_1137] {strides = array<i32>} : memref<8x8x1024xf32, #tpu.memory_space<vmem>>, vector<1x1x16xf32>,
        %parallel_loop3A_1139 = vector.shape_cast %parallel_loop3A_1138 : vector<1x1x16xf32> to vector<16xf32>
        %parallel_loop3A_1140 = vector.shape_cast %parallel_loop3A_1132 : vector<16xf32> to vector<1x1x16xf32>
        tpu.vector_store %arg8[%parallel_loop3A_1135, %parallel_loop3A_1136, %parallel_loop3A_1137], %parallel_loop3A_1140 {add = true, strides = array<i32>} : memref<8x8x1024xf32, #tpu.memory_space<vmem>>, vector<1x1x16xf32>,
        %parallel_loop3A_1141 = arith.constant 1 : i32
        %parallel_loop3A_1142 = arith.constant 3 : i32
        %parallel_loop3A_1143 = arith.index_cast %parallel_loop3A_1141 : i32 to index
        %parallel_loop3A_1144 = arith.index_cast %parallel_loop3A_1142 : i32 to index
        %parallel_loop3A_1145 = arith.index_cast %parallel_loop3A_1095 : i32 to index
        %parallel_loop3A_1146 = tpu.vector_load %arg7[%parallel_loop3A_1143, %parallel_loop3A_1144, %parallel_loop3A_1145] {strides = array<i32>} : memref<2x8x1024xf32, #tpu.memory_space<vmem>>, vector<1x1x16xf32>,
        %parallel_loop3A_1147 = vector.shape_cast %parallel_loop3A_1146 : vector<1x1x16xf32> to vector<16xf32>
        %parallel_loop3A_1148 = arith.constant 4 : i32
        %parallel_loop3A_1149 = arith.constant 3 : i32
        %parallel_loop3A_1150 = arith.index_cast %parallel_loop3A_1148 : i32 to index
        %parallel_loop3A_1151 = arith.index_cast %parallel_loop3A_1149 : i32 to index
        %parallel_loop3A_1152 = arith.index_cast %parallel_loop3A_1095 : i32 to index
        %parallel_loop3A_1153 = tpu.vector_load %arg8[%parallel_loop3A_1150, %parallel_loop3A_1151, %parallel_loop3A_1152] {strides = array<i32>} : memref<8x8x1024xf32, #tpu.memory_space<vmem>>, vector<1x1x16xf32>,
        %parallel_loop3A_1154 = vector.shape_cast %parallel_loop3A_1153 : vector<1x1x16xf32> to vector<16xf32>
        %parallel_loop3A_1155 = vector.shape_cast %parallel_loop3A_1147 : vector<16xf32> to vector<1x1x16xf32>
        tpu.vector_store %arg8[%parallel_loop3A_1150, %parallel_loop3A_1151, %parallel_loop3A_1152], %parallel_loop3A_1155 {add = true, strides = array<i32>} : memref<8x8x1024xf32, #tpu.memory_space<vmem>>, vector<1x1x16xf32>,
        %parallel_loop3A_1156 = arith.constant 1 : i32
        %parallel_loop3A_1157 = arith.constant 4 : i32
        %parallel_loop3A_1158 = arith.index_cast %parallel_loop3A_1156 : i32 to index
        %parallel_loop3A_1159 = arith.index_cast %parallel_loop3A_1157 : i32 to index
        %parallel_loop3A_1160 = arith.index_cast %parallel_loop3A_1095 : i32 to index
        %parallel_loop3A_1161 = tpu.vector_load %arg7[%parallel_loop3A_1158, %parallel_loop3A_1159, %parallel_loop3A_1160] {strides = array<i32>} : memref<2x8x1024xf32, #tpu.memory_space<vmem>>, vector<1x1x16xf32>,
        %parallel_loop3A_1162 = vector.shape_cast %parallel_loop3A_1161 : vector<1x1x16xf32> to vector<16xf32>
        %parallel_loop3A_1163 = arith.constant 4 : i32
        %parallel_loop3A_1164 = arith.constant 4 : i32
        %parallel_loop3A_1165 = arith.index_cast %parallel_loop3A_1163 : i32 to index
        %parallel_loop3A_1166 = arith.index_cast %parallel_loop3A_1164 : i32 to index
        %parallel_loop3A_1167 = arith.index_cast %parallel_loop3A_1095 : i32 to index
        %parallel_loop3A_1168 = tpu.vector_load %arg8[%parallel_loop3A_1165, %parallel_loop3A_1166, %parallel_loop3A_1167] {strides = array<i32>} : memref<8x8x1024xf32, #tpu.memory_space<vmem>>, vector<1x1x16xf32>,
        %parallel_loop3A_1169 = vector.shape_cast %parallel_loop3A_1168 : vector<1x1x16xf32> to vector<16xf32>
        %parallel_loop3A_1170 = vector.shape_cast %parallel_loop3A_1162 : vector<16xf32> to vector<1x1x16xf32>
        tpu.vector_store %arg8[%parallel_loop3A_1165, %parallel_loop3A_1166, %parallel_loop3A_1167], %parallel_loop3A_1170 {add = true, strides = array<i32>} : memref<8x8x1024xf32, #tpu.memory_space<vmem>>, vector<1x1x16xf32>,
        %parallel_loop3A_1171 = arith.constant 1 : i32
        %parallel_loop3A_1172 = arith.constant 5 : i32
        %parallel_loop3A_1173 = arith.index_cast %parallel_loop3A_1171 : i32 to index
        %parallel_loop3A_1174 = arith.index_cast %parallel_loop3A_1172 : i32 to index
        %parallel_loop3A_1175 = arith.index_cast %parallel_loop3A_1095 : i32 to index
        %parallel_loop3A_1176 = tpu.vector_load %arg7[%parallel_loop3A_1173, %parallel_loop3A_1174, %parallel_loop3A_1175] {strides = array<i32>} : memref<2x8x1024xf32, #tpu.memory_space<vmem>>, vector<1x1x16xf32>,
        %parallel_loop3A_1177 = vector.shape_cast %parallel_loop3A_1176 : vector<1x1x16xf32> to vector<16xf32>
        %parallel_loop3A_1178 = arith.constant 4 : i32
        %parallel_loop3A_1179 = arith.constant 5 : i32
        %parallel_loop3A_1180 = arith.index_cast %parallel_loop3A_1178 : i32 to index
        %parallel_loop3A_1181 = arith.index_cast %parallel_loop3A_1179 : i32 to index
        %parallel_loop3A_1182 = arith.index_cast %parallel_loop3A_1095 : i32 to index
        %parallel_loop3A_1183 = tpu.vector_load %arg8[%parallel_loop3A_1180, %parallel_loop3A_1181, %parallel_loop3A_1182] {strides = array<i32>} : memref<8x8x1024xf32, #tpu.memory_space<vmem>>, vector<1x1x16xf32>,
        %parallel_loop3A_1184 = vector.shape_cast %parallel_loop3A_1183 : vector<1x1x16xf32> to vector<16xf32>
        %parallel_loop3A_1185 = vector.shape_cast %parallel_loop3A_1177 : vector<16xf32> to vector<1x1x16xf32>
        tpu.vector_store %arg8[%parallel_loop3A_1180, %parallel_loop3A_1181, %parallel_loop3A_1182], %parallel_loop3A_1185 {add = true, strides = array<i32>} : memref<8x8x1024xf32, #tpu.memory_space<vmem>>, vector<1x1x16xf32>,
        %parallel_loop3A_1186 = arith.constant 1 : i32
        %parallel_loop3A_1187 = arith.constant 6 : i32
        %parallel_loop3A_1188 = arith.index_cast %parallel_loop3A_1186 : i32 to index
        %parallel_loop3A_1189 = arith.index_cast %parallel_loop3A_1187 : i32 to index
        %parallel_loop3A_1190 = arith.index_cast %parallel_loop3A_1095 : i32 to index
        %parallel_loop3A_1191 = tpu.vector_load %arg7[%parallel_loop3A_1188, %parallel_loop3A_1189, %parallel_loop3A_1190] {strides = array<i32>} : memref<2x8x1024xf32, #tpu.memory_space<vmem>>, vector<1x1x16xf32>,
        %parallel_loop3A_1192 = vector.shape_cast %parallel_loop3A_1191 : vector<1x1x16xf32> to vector<16xf32>
        %parallel_loop3A_1193 = arith.constant 4 : i32
        %parallel_loop3A_1194 = arith.constant 6 : i32
        %parallel_loop3A_1195 = arith.index_cast %parallel_loop3A_1193 : i32 to index
        %parallel_loop3A_1196 = arith.index_cast %parallel_loop3A_1194 : i32 to index
        %parallel_loop3A_1197 = arith.index_cast %parallel_loop3A_1095 : i32 to index
        %parallel_loop3A_1198 = tpu.vector_load %arg8[%parallel_loop3A_1195, %parallel_loop3A_1196, %parallel_loop3A_1197] {strides = array<i32>} : memref<8x8x1024xf32, #tpu.memory_space<vmem>>, vector<1x1x16xf32>,
        %parallel_loop3A_1199 = vector.shape_cast %parallel_loop3A_1198 : vector<1x1x16xf32> to vector<16xf32>
        %parallel_loop3A_1200 = vector.shape_cast %parallel_loop3A_1192 : vector<16xf32> to vector<1x1x16xf32>
        tpu.vector_store %arg8[%parallel_loop3A_1195, %parallel_loop3A_1196, %parallel_loop3A_1197], %parallel_loop3A_1200 {add = true, strides = array<i32>} : memref<8x8x1024xf32, #tpu.memory_space<vmem>>, vector<1x1x16xf32>,
        %parallel_loop3A_1201 = arith.constant 1 : i32
        %parallel_loop3A_1202 = arith.constant 7 : i32
        %parallel_loop3A_1203 = arith.index_cast %parallel_loop3A_1201 : i32 to index
        %parallel_loop3A_1204 = arith.index_cast %parallel_loop3A_1202 : i32 to index
        %parallel_loop3A_1205 = arith.index_cast %parallel_loop3A_1095 : i32 to index
        %parallel_loop3A_1206 = tpu.vector_load %arg7[%parallel_loop3A_1203, %parallel_loop3A_1204, %parallel_loop3A_1205] {strides = array<i32>} : memref<2x8x1024xf32, #tpu.memory_space<vmem>>, vector<1x1x16xf32>,
        %parallel_loop3A_1207 = vector.shape_cast %parallel_loop3A_1206 : vector<1x1x16xf32> to vector<16xf32>
        %parallel_loop3A_1208 = arith.constant 4 : i32
        %parallel_loop3A_1209 = arith.constant 7 : i32
        %parallel_loop3A_1210 = arith.index_cast %parallel_loop3A_1208 : i32 to index
        %parallel_loop3A_1211 = arith.index_cast %parallel_loop3A_1209 : i32 to index
        %parallel_loop3A_1212 = arith.index_cast %parallel_loop3A_1095 : i32 to index
        %parallel_loop3A_1213 = tpu.vector_load %arg8[%parallel_loop3A_1210, %parallel_loop3A_1211, %parallel_loop3A_1212] {strides = array<i32>} : memref<8x8x1024xf32, #tpu.memory_space<vmem>>, vector<1x1x16xf32>,
        %parallel_loop3A_1214 = vector.shape_cast %parallel_loop3A_1213 : vector<1x1x16xf32> to vector<16xf32>
        %parallel_loop3A_1215 = vector.shape_cast %parallel_loop3A_1207 : vector<16xf32> to vector<1x1x16xf32>
        tpu.vector_store %arg8[%parallel_loop3A_1210, %parallel_loop3A_1211, %parallel_loop3A_1212], %parallel_loop3A_1215 {add = true, strides = array<i32>} : memref<8x8x1024xf32, #tpu.memory_space<vmem>>, vector<1x1x16xf32>,
      } {sc.loop_unroll_factor = 2 : i64, sc.parallel_access}
      %ge3A_797 = arith.constant 1 : i32
      %ge3A_798 = arith.cmpi sge, %add3A_746, %ge3A_797 : i32
      %convert_element_type3A_799 = arith.extui %ge3A_798 : i1 to i32
      %cond3A_800 = arith.constant 0 : i32
      %cond3A_801 = arith.cmpi ne, %convert_element_type3A_799, %cond3A_800 : i32
      scf.if %cond3A_801 {
        %dma_wait3A_1093 = arith.constant 0 : i32
        %dma_wait3A_1094 = arith.constant 0 : i32
        %dma_wait3A_1095 = tpu.memref_slice %arg12[%dma_wait3A_1094] : memref<4x!tpu.dma_semaphore, #tpu.memory_space<semaphore_mem>> -> memref<1x!tpu.dma_semaphore, #tpu.memory_space<semaphore_mem>>
        %dma_wait3A_1096 = tpu.memref_squeeze %dma_wait3A_1095 : memref<1x!tpu.dma_semaphore, #tpu.memory_space<semaphore_mem>> -> memref<!tpu.dma_semaphore, #tpu.memory_space<semaphore_mem>>
        %dma_wait3A_1097 = arith.constant 0 : i32
        %dma_wait3A_1098 = arith.constant 0 : i32
        %dma_wait3A_1099 = tpu.memref_slice %arg5[%dma_wait3A_1097, %dma_wait3A_1098] : memref<32768x1024xf32, #tpu.memory_space<hbm>> -> memref<8x1024xf32, #tpu.memory_space<hbm>>
        %dma_wait3A_1100 = arith.constant 0 : i32
        %dma_wait3A_1101 = arith.constant 0 : i32
        %dma_wait3A_1102 = tpu.memref_slice %arg9[%arg1, %dma_wait3A_1093, %dma_wait3A_1100, %dma_wait3A_1101] : memref<16x4x8x1024xf32, #tpu.memory_space<vmem_shared>> -> memref<1x1x8x1024xf32, #tpu.memory_space<vmem_shared>>
        %dma_wait3A_1103 = tpu.memref_squeeze %dma_wait3A_1102 : memref<1x1x8x1024xf32, #tpu.memory_space<vmem_shared>> -> memref<8x1024xf32, #tpu.memory_space<vmem_shared>>
        tpu.wait_dma2 semaphore(%dma_wait3A_1096 : memref<!tpu.dma_semaphore, #tpu.memory_space<semaphore_mem>>) src(%dma_wait3A_1103 : memref<8x1024xf32, #tpu.memory_space<vmem_shared>>) dst(%dma_wait3A_1099 : memref<8x1024xf32, #tpu.memory_space<hbm>>)
      } else {
      }
      %dma_start3A_802 = arith.constant 4 : i32
      %dma_start3A_803 = arith.constant 0 : i32
      %dma_start3A_804 = arith.constant 4 : i32
      %dma_start3A_805 = arith.constant 0 : i32
      %dma_start3A_806 = arith.constant 0 : i32
      %dma_start3A_807 = tpu.memref_slice %arg8[%dma_start3A_802, %dma_start3A_805, %dma_start3A_806] : memref<8x8x1024xf32, #tpu.memory_space<vmem>> -> memref<1x8x1024xf32, #tpu.memory_space<vmem>>
      %dma_start3A_808 = tpu.memref_squeeze %dma_start3A_807 : memref<1x8x1024xf32, #tpu.memory_space<vmem>> -> memref<8x1024xf32, #tpu.memory_space<vmem>>
      %dma_start3A_809 = arith.constant 0 : i32
      %dma_start3A_810 = arith.constant 0 : i32
      %dma_start3A_811 = tpu.memref_slice %arg9[%arg1, %dma_start3A_803, %dma_start3A_809, %dma_start3A_810] : memref<16x4x8x1024xf32, #tpu.memory_space<vmem_shared>> -> memref<1x1x8x1024xf32, #tpu.memory_space<vmem_shared>>
      %dma_start3A_812 = tpu.memref_squeeze %dma_start3A_811 : memref<1x1x8x1024xf32, #tpu.memory_space<vmem_shared>> -> memref<8x1024xf32, #tpu.memory_space<vmem_shared>>
      %dma_start3A_813 = tpu.memref_slice %arg11[%dma_start3A_804] : memref<8x!tpu.dma_semaphore, #tpu.memory_space<semaphore_mem>> -> memref<1x!tpu.dma_semaphore, #tpu.memory_space<semaphore_mem>>
      %dma_start3A_814 = tpu.memref_squeeze %dma_start3A_813 : memref<1x!tpu.dma_semaphore, #tpu.memory_space<semaphore_mem>> -> memref<!tpu.dma_semaphore, #tpu.memory_space<semaphore_mem>>
      %dma_start3A_815 = arith.constant 0 : i32
      %dma_start3A_816 = arith.constant 0 : i32
      %dma_start3A_817 = tpu.memref_slice %arg9[%arg1, %dma_start3A_803, %dma_start3A_815, %dma_start3A_816] : memref<16x4x8x1024xf32, #tpu.memory_space<vmem_shared>> -> memref<1x1x8x1024xf32, #tpu.memory_space<vmem_shared>>
      %dma_start3A_818 = tpu.memref_squeeze %dma_start3A_817 : memref<1x1x8x1024xf32, #tpu.memory_space<vmem_shared>> -> memref<8x1024xf32, #tpu.memory_space<vmem_shared>>
      %dma_start3A_819 = arith.constant 0 : i32
      %dma_start3A_820 = arith.constant 0 : i32
      %dma_start3A_821 = tpu.memref_slice %arg8[%dma_start3A_802, %dma_start3A_819, %dma_start3A_820] : memref<8x8x1024xf32, #tpu.memory_space<vmem>> -> memref<1x8x1024xf32, #tpu.memory_space<vmem>>
      %dma_start3A_822 = tpu.memref_squeeze %dma_start3A_821 : memref<1x8x1024xf32, #tpu.memory_space<vmem>> -> memref<8x1024xf32, #tpu.memory_space<vmem>>
      tpu.enqueue_dma source(%dma_start3A_822 : memref<8x1024xf32, #tpu.memory_space<vmem>>) target(%dma_start3A_818 : memref<8x1024xf32, #tpu.memory_space<vmem_shared>>) target_semaphore(%dma_start3A_814 : memref<!tpu.dma_semaphore, #tpu.memory_space<semaphore_mem>>)
      %ge3A_823 = arith.constant 1 : i32
      %ge3A_824 = arith.cmpi sge, %add3A_746, %ge3A_823 : i32
      %convert_element_type3A_825 = arith.extui %ge3A_824 : i1 to i32
      %cond3A_826 = arith.constant 0 : i32
      %cond3A_827 = arith.cmpi ne, %convert_element_type3A_825, %cond3A_826 : i32
      scf.if %cond3A_827 {
        %add3A_1093 = arith.constant 24576 : i32
        %add3A_1094 = arith.addi %add3A_1093, %mul3A_2 : i32
        %sub3A = arith.constant 1 : i32
        %sub3A_1095 = arith.subi %add3A_746, %sub3A : i32
        %mul3A_1096 = arith.constant 8 : i32
        %mul3A_1097 = arith.muli %sub3A_1095, %mul3A_1096 : i32
        %add3A_1098 = arith.addi %add3A_1094, %mul3A_1097 : i32
        %dma_wait3A_1099 = arith.constant 3 : i32
        %dma_wait3A_1100 = arith.constant 3 : i32
        %dma_wait3A_1101 = arith.constant 3 : i32
        %dma_wait3A_1102 = arith.constant 0 : i32
        %dma_wait3A_1103 = arith.constant 0 : i32
        %dma_wait3A_1104 = tpu.memref_slice %arg8[%dma_wait3A_1099, %dma_wait3A_1102, %dma_wait3A_1103] : memref<8x8x1024xf32, #tpu.memory_space<vmem>> -> memref<1x8x1024xf32, #tpu.memory_space<vmem>>
        %dma_wait3A_1105 = tpu.memref_squeeze %dma_wait3A_1104 : memref<1x8x1024xf32, #tpu.memory_space<vmem>> -> memref<8x1024xf32, #tpu.memory_space<vmem>>
        %dma_wait3A_1106 = arith.constant 0 : i32
        %dma_wait3A_1107 = arith.constant 0 : i32
        %dma_wait3A_1108 = tpu.memref_slice %arg9[%arg1, %dma_wait3A_1100, %dma_wait3A_1106, %dma_wait3A_1107] : memref<16x4x8x1024xf32, #tpu.memory_space<vmem_shared>> -> memref<1x1x8x1024xf32, #tpu.memory_space<vmem_shared>>
        %dma_wait3A_1109 = tpu.memref_squeeze %dma_wait3A_1108 : memref<1x1x8x1024xf32, #tpu.memory_space<vmem_shared>> -> memref<8x1024xf32, #tpu.memory_space<vmem_shared>>
        %dma_wait3A_1110 = tpu.memref_slice %arg11[%dma_wait3A_1101] : memref<8x!tpu.dma_semaphore, #tpu.memory_space<semaphore_mem>> -> memref<1x!tpu.dma_semaphore, #tpu.memory_space<semaphore_mem>>
        %dma_wait3A_1111 = tpu.memref_squeeze %dma_wait3A_1110 : memref<1x!tpu.dma_semaphore, #tpu.memory_space<semaphore_mem>> -> memref<!tpu.dma_semaphore, #tpu.memory_space<semaphore_mem>>
        %dma_wait3A_1112 = arith.constant 0 : i32
        %dma_wait3A_1113 = arith.constant 0 : i32
        %dma_wait3A_1114 = tpu.memref_slice %arg9[%arg1, %dma_wait3A_1100, %dma_wait3A_1112, %dma_wait3A_1113] : memref<16x4x8x1024xf32, #tpu.memory_space<vmem_shared>> -> memref<1x1x8x1024xf32, #tpu.memory_space<vmem_shared>>
        %dma_wait3A_1115 = tpu.memref_squeeze %dma_wait3A_1114 : memref<1x1x8x1024xf32, #tpu.memory_space<vmem_shared>> -> memref<8x1024xf32, #tpu.memory_space<vmem_shared>>
        %dma_wait3A_1116 = arith.constant 0 : i32
        %dma_wait3A_1117 = arith.constant 0 : i32
        %dma_wait3A_1118 = tpu.memref_slice %arg8[%dma_wait3A_1099, %dma_wait3A_1116, %dma_wait3A_1117] : memref<8x8x1024xf32, #tpu.memory_space<vmem>> -> memref<1x8x1024xf32, #tpu.memory_space<vmem>>
        %dma_wait3A_1119 = tpu.memref_squeeze %dma_wait3A_1118 : memref<1x8x1024xf32, #tpu.memory_space<vmem>> -> memref<8x1024xf32, #tpu.memory_space<vmem>>
        tpu.wait_dma2 semaphore(%dma_wait3A_1111 : memref<!tpu.dma_semaphore, #tpu.memory_space<semaphore_mem>>) src(%dma_wait3A_1119 : memref<8x1024xf32, #tpu.memory_space<vmem>>) dst(%dma_wait3A_1115 : memref<8x1024xf32, #tpu.memory_space<vmem_shared>>)
        %dma_start3A_1120 = arith.constant 3 : i32
        %dma_start3A_1121 = arith.constant 3 : i32
        %dma_start3A_1122 = tpu.memref_slice %arg12[%dma_start3A_1121] : memref<4x!tpu.dma_semaphore, #tpu.memory_space<semaphore_mem>> -> memref<1x!tpu.dma_semaphore, #tpu.memory_space<semaphore_mem>>
        %dma_start3A_1123 = tpu.memref_squeeze %dma_start3A_1122 : memref<1x!tpu.dma_semaphore, #tpu.memory_space<semaphore_mem>> -> memref<!tpu.dma_semaphore, #tpu.memory_space<semaphore_mem>>
        %dma_start3A_1124 = arith.constant 0 : i32
        %dma_start3A_1125 = tpu.memref_slice %arg5[%add3A_1098, %dma_start3A_1124] : memref<32768x1024xf32, #tpu.memory_space<hbm>> -> memref<8x1024xf32, #tpu.memory_space<hbm>>
        %dma_start3A_1126 = arith.constant 0 : i32
        %dma_start3A_1127 = arith.constant 0 : i32
        %dma_start3A_1128 = tpu.memref_slice %arg9[%arg1, %dma_start3A_1120, %dma_start3A_1126, %dma_start3A_1127] : memref<16x4x8x1024xf32, #tpu.memory_space<vmem_shared>> -> memref<1x1x8x1024xf32, #tpu.memory_space<vmem_shared>>
        %dma_start3A_1129 = tpu.memref_squeeze %dma_start3A_1128 : memref<1x1x8x1024xf32, #tpu.memory_space<vmem_shared>> -> memref<8x1024xf32, #tpu.memory_space<vmem_shared>>
        tpu.enqueue_dma source(%dma_start3A_1129 : memref<8x1024xf32, #tpu.memory_space<vmem_shared>>) target(%dma_start3A_1125 : memref<8x1024xf32, #tpu.memory_space<hbm>>) target_semaphore(%dma_start3A_1123 : memref<!tpu.dma_semaphore, #tpu.memory_space<semaphore_mem>>)
      } else {
      }
      %ge3A_828 = arith.constant 1 : i32
      %ge3A_829 = arith.cmpi sge, %add3A_746, %ge3A_828 : i32
      %le3A_830 = arith.constant 30 : i32
      %le3A_831 = arith.cmpi sle, %add3A_746, %le3A_830 : i32
      %and3A_832 = arith.andi %ge3A_829, %le3A_831 : i1
      %convert_element_type3A_833 = arith.extui %and3A_832 : i1 to i32
      %cond3A_834 = arith.constant 0 : i32
      %cond3A_835 = arith.cmpi ne, %convert_element_type3A_833, %cond3A_834 : i32
      scf.if %cond3A_835 {
        %add3A_1093 = arith.constant 1 : i32
        %add3A_1094 = arith.addi %add3A_746, %add3A_1093 : i32
        %dma_start3A_1095 = arith.constant 1 : i32
        %dma_start3A_1096 = arith.constant 1 : i32
        %dma_start3A_1097 = arith.constant 1 : i32
        %dma_start3A_1098 = arith.constant 0 : i32
        %dma_start3A_1099 = arith.constant 0 : i32
        %dma_start3A_1100 = tpu.memref_slice %arg8[%dma_start3A_1096, %dma_start3A_1098, %dma_start3A_1099] : memref<8x8x1024xf32, #tpu.memory_space<vmem>> -> memref<1x8x1024xf32, #tpu.memory_space<vmem>>
        %dma_start3A_1101 = tpu.memref_squeeze %dma_start3A_1100 : memref<1x8x1024xf32, #tpu.memory_space<vmem>> -> memref<8x1024xf32, #tpu.memory_space<vmem>>
        %dma_start3A_1102 = arith.constant 0 : i32
        %dma_start3A_1103 = tpu.memref_slice %arg6[%dma_start3A_1095, %add3A_1094, %dma_start3A_1102] : memref<4x32x8xi32, #tpu.memory_space<vmem>> -> memref<1x1x8xi32, #tpu.memory_space<vmem>>
        %dma_start3A_1104 = tpu.memref_squeeze %dma_start3A_1103 : memref<1x1x8xi32, #tpu.memory_space<vmem>> -> memref<8xi32, #tpu.memory_space<vmem>>
        %dma_start3A_1105 = arith.constant 0 : i32
        %dma_start3A_1106 = arith.constant 0 : i32
        %dma_start3A_1107 = tpu.memref_slice %arg3[%dma_start3A_1105, %dma_start3A_1106] : memref<100000x1024xf32, #tpu.memory_space<hbm>> -> memref<100000x1024xf32, #tpu.memory_space<hbm>>
        %dma_start3A_1108 = tpu.memref_slice %arg10[%dma_start3A_1097] : memref<8x!tpu.dma_semaphore, #tpu.memory_space<semaphore_mem>> -> memref<1x!tpu.dma_semaphore, #tpu.memory_space<semaphore_mem>>
        %dma_start3A_1109 = tpu.memref_squeeze %dma_start3A_1108 : memref<1x!tpu.dma_semaphore, #tpu.memory_space<semaphore_mem>> -> memref<!tpu.dma_semaphore, #tpu.memory_space<semaphore_mem>>
        tpu.enqueue_indirect_dma source(%dma_start3A_1107 : memref<100000x1024xf32, #tpu.memory_space<hbm>>) target(%dma_start3A_1101 : memref<8x1024xf32, #tpu.memory_space<vmem>>) offsets(%dma_start3A_1104 : memref<8xi32, #tpu.memory_space<vmem>>) semaphore(%dma_start3A_1109 : memref<!tpu.dma_semaphore, #tpu.memory_space<semaphore_mem>>)
      } else {
      }
      %dma_wait3A_836 = arith.constant 1 : i32
      %dma_wait3A_837 = arith.constant 5 : i32
      %dma_wait3A_838 = arith.constant 5 : i32
      %dma_wait3A_839 = arith.constant 0 : i32
      %dma_wait3A_840 = arith.constant 0 : i32
      %dma_wait3A_841 = tpu.memref_slice %arg8[%dma_wait3A_837, %dma_wait3A_839, %dma_wait3A_840] : memref<8x8x1024xf32, #tpu.memory_space<vmem>> -> memref<1x8x1024xf32, #tpu.memory_space<vmem>>
      %dma_wait3A_842 = tpu.memref_squeeze %dma_wait3A_841 : memref<1x8x1024xf32, #tpu.memory_space<vmem>> -> memref<8x1024xf32, #tpu.memory_space<vmem>>
      %dma_wait3A_843 = arith.constant 0 : i32
      %dma_wait3A_844 = tpu.memref_slice %arg6[%dma_wait3A_836, %add3A_746, %dma_wait3A_843] : memref<4x32x8xi32, #tpu.memory_space<vmem>> -> memref<1x1x8xi32, #tpu.memory_space<vmem>>
      %dma_wait3A_845 = tpu.memref_squeeze %dma_wait3A_844 : memref<1x1x8xi32, #tpu.memory_space<vmem>> -> memref<8xi32, #tpu.memory_space<vmem>>
      %dma_wait3A_846 = arith.constant 0 : i32
      %dma_wait3A_847 = arith.constant 0 : i32
      %dma_wait3A_848 = tpu.memref_slice %arg3[%dma_wait3A_846, %dma_wait3A_847] : memref<100000x1024xf32, #tpu.memory_space<hbm>> -> memref<100000x1024xf32, #tpu.memory_space<hbm>>
      %dma_wait3A_849 = tpu.memref_slice %arg10[%dma_wait3A_838] : memref<8x!tpu.dma_semaphore, #tpu.memory_space<semaphore_mem>> -> memref<1x!tpu.dma_semaphore, #tpu.memory_space<semaphore_mem>>
      %dma_wait3A_850 = tpu.memref_squeeze %dma_wait3A_849 : memref<1x!tpu.dma_semaphore, #tpu.memory_space<semaphore_mem>> -> memref<!tpu.dma_semaphore, #tpu.memory_space<semaphore_mem>>
      tpu.wait_indirect_dma semaphore(%dma_wait3A_850 : memref<!tpu.dma_semaphore, #tpu.memory_space<semaphore_mem>>) src(%dma_wait3A_848 : memref<100000x1024xf32, #tpu.memory_space<hbm>>) dst(%dma_wait3A_842 : memref<8x1024xf32, #tpu.memory_space<vmem>>)
      %parallel_loop3A_851 = arith.constant 0 : i32
      %parallel_loop3A_852 = arith.constant 64 : i32
      %parallel_loop3A_853 = arith.constant 1 : i32
      scf.for %parallel_loop3A_1093 = %parallel_loop3A_851 to %parallel_loop3A_852 step %parallel_loop3A_853  : i32 {
        %parallel_loop3A_1094 = arith.constant 16 : i32
        %parallel_loop3A_1095 = arith.muli %parallel_loop3A_1093, %parallel_loop3A_1094 : i32
        %parallel_loop3A_1096 = arith.constant 1 : i32
        %parallel_loop3A_1097 = arith.constant 0 : i32
        %parallel_loop3A_1098 = arith.index_cast %parallel_loop3A_1096 : i32 to index
        %parallel_loop3A_1099 = arith.index_cast %parallel_loop3A_1097 : i32 to index
        %parallel_loop3A_1100 = arith.index_cast %parallel_loop3A_1095 : i32 to index
        %parallel_loop3A_1101 = tpu.vector_load %arg7[%parallel_loop3A_1098, %parallel_loop3A_1099, %parallel_loop3A_1100] {strides = array<i32>} : memref<2x8x1024xf32, #tpu.memory_space<vmem>>, vector<1x1x16xf32>,
        %parallel_loop3A_1102 = vector.shape_cast %parallel_loop3A_1101 : vector<1x1x16xf32> to vector<16xf32>
        %parallel_loop3A_1103 = arith.constant 5 : i32
        %parallel_loop3A_1104 = arith.constant 0 : i32
        %parallel_loop3A_1105 = arith.index_cast %parallel_loop3A_1103 : i32 to index
        %parallel_loop3A_1106 = arith.index_cast %parallel_loop3A_1104 : i32 to index
        %parallel_loop3A_1107 = arith.index_cast %parallel_loop3A_1095 : i32 to index
        %parallel_loop3A_1108 = tpu.vector_load %arg8[%parallel_loop3A_1105, %parallel_loop3A_1106, %parallel_loop3A_1107] {strides = array<i32>} : memref<8x8x1024xf32, #tpu.memory_space<vmem>>, vector<1x1x16xf32>,
        %parallel_loop3A_1109 = vector.shape_cast %parallel_loop3A_1108 : vector<1x1x16xf32> to vector<16xf32>
        %parallel_loop3A_1110 = vector.shape_cast %parallel_loop3A_1102 : vector<16xf32> to vector<1x1x16xf32>
        tpu.vector_store %arg8[%parallel_loop3A_1105, %parallel_loop3A_1106, %parallel_loop3A_1107], %parallel_loop3A_1110 {add = true, strides = array<i32>} : memref<8x8x1024xf32, #tpu.memory_space<vmem>>, vector<1x1x16xf32>,
        %parallel_loop3A_1111 = arith.constant 1 : i32
        %parallel_loop3A_1112 = arith.constant 1 : i32
        %parallel_loop3A_1113 = arith.index_cast %parallel_loop3A_1111 : i32 to index
        %parallel_loop3A_1114 = arith.index_cast %parallel_loop3A_1112 : i32 to index
        %parallel_loop3A_1115 = arith.index_cast %parallel_loop3A_1095 : i32 to index
        %parallel_loop3A_1116 = tpu.vector_load %arg7[%parallel_loop3A_1113, %parallel_loop3A_1114, %parallel_loop3A_1115] {strides = array<i32>} : memref<2x8x1024xf32, #tpu.memory_space<vmem>>, vector<1x1x16xf32>,
        %parallel_loop3A_1117 = vector.shape_cast %parallel_loop3A_1116 : vector<1x1x16xf32> to vector<16xf32>
        %parallel_loop3A_1118 = arith.constant 5 : i32
        %parallel_loop3A_1119 = arith.constant 1 : i32
        %parallel_loop3A_1120 = arith.index_cast %parallel_loop3A_1118 : i32 to index
        %parallel_loop3A_1121 = arith.index_cast %parallel_loop3A_1119 : i32 to index
        %parallel_loop3A_1122 = arith.index_cast %parallel_loop3A_1095 : i32 to index
        %parallel_loop3A_1123 = tpu.vector_load %arg8[%parallel_loop3A_1120, %parallel_loop3A_1121, %parallel_loop3A_1122] {strides = array<i32>} : memref<8x8x1024xf32, #tpu.memory_space<vmem>>, vector<1x1x16xf32>,
        %parallel_loop3A_1124 = vector.shape_cast %parallel_loop3A_1123 : vector<1x1x16xf32> to vector<16xf32>
        %parallel_loop3A_1125 = vector.shape_cast %parallel_loop3A_1117 : vector<16xf32> to vector<1x1x16xf32>
        tpu.vector_store %arg8[%parallel_loop3A_1120, %parallel_loop3A_1121, %parallel_loop3A_1122], %parallel_loop3A_1125 {add = true, strides = array<i32>} : memref<8x8x1024xf32, #tpu.memory_space<vmem>>, vector<1x1x16xf32>,
        %parallel_loop3A_1126 = arith.constant 1 : i32
        %parallel_loop3A_1127 = arith.constant 2 : i32
        %parallel_loop3A_1128 = arith.index_cast %parallel_loop3A_1126 : i32 to index
        %parallel_loop3A_1129 = arith.index_cast %parallel_loop3A_1127 : i32 to index
        %parallel_loop3A_1130 = arith.index_cast %parallel_loop3A_1095 : i32 to index
        %parallel_loop3A_1131 = tpu.vector_load %arg7[%parallel_loop3A_1128, %parallel_loop3A_1129, %parallel_loop3A_1130] {strides = array<i32>} : memref<2x8x1024xf32, #tpu.memory_space<vmem>>, vector<1x1x16xf32>,
        %parallel_loop3A_1132 = vector.shape_cast %parallel_loop3A_1131 : vector<1x1x16xf32> to vector<16xf32>
        %parallel_loop3A_1133 = arith.constant 5 : i32
        %parallel_loop3A_1134 = arith.constant 2 : i32
        %parallel_loop3A_1135 = arith.index_cast %parallel_loop3A_1133 : i32 to index
        %parallel_loop3A_1136 = arith.index_cast %parallel_loop3A_1134 : i32 to index
        %parallel_loop3A_1137 = arith.index_cast %parallel_loop3A_1095 : i32 to index
        %parallel_loop3A_1138 = tpu.vector_load %arg8[%parallel_loop3A_1135, %parallel_loop3A_1136, %parallel_loop3A_1137] {strides = array<i32>} : memref<8x8x1024xf32, #tpu.memory_space<vmem>>, vector<1x1x16xf32>,
        %parallel_loop3A_1139 = vector.shape_cast %parallel_loop3A_1138 : vector<1x1x16xf32> to vector<16xf32>
        %parallel_loop3A_1140 = vector.shape_cast %parallel_loop3A_1132 : vector<16xf32> to vector<1x1x16xf32>
        tpu.vector_store %arg8[%parallel_loop3A_1135, %parallel_loop3A_1136, %parallel_loop3A_1137], %parallel_loop3A_1140 {add = true, strides = array<i32>} : memref<8x8x1024xf32, #tpu.memory_space<vmem>>, vector<1x1x16xf32>,
        %parallel_loop3A_1141 = arith.constant 1 : i32
        %parallel_loop3A_1142 = arith.constant 3 : i32
        %parallel_loop3A_1143 = arith.index_cast %parallel_loop3A_1141 : i32 to index
        %parallel_loop3A_1144 = arith.index_cast %parallel_loop3A_1142 : i32 to index
        %parallel_loop3A_1145 = arith.index_cast %parallel_loop3A_1095 : i32 to index
        %parallel_loop3A_1146 = tpu.vector_load %arg7[%parallel_loop3A_1143, %parallel_loop3A_1144, %parallel_loop3A_1145] {strides = array<i32>} : memref<2x8x1024xf32, #tpu.memory_space<vmem>>, vector<1x1x16xf32>,
        %parallel_loop3A_1147 = vector.shape_cast %parallel_loop3A_1146 : vector<1x1x16xf32> to vector<16xf32>
        %parallel_loop3A_1148 = arith.constant 5 : i32
        %parallel_loop3A_1149 = arith.constant 3 : i32
        %parallel_loop3A_1150 = arith.index_cast %parallel_loop3A_1148 : i32 to index
        %parallel_loop3A_1151 = arith.index_cast %parallel_loop3A_1149 : i32 to index
        %parallel_loop3A_1152 = arith.index_cast %parallel_loop3A_1095 : i32 to index
        %parallel_loop3A_1153 = tpu.vector_load %arg8[%parallel_loop3A_1150, %parallel_loop3A_1151, %parallel_loop3A_1152] {strides = array<i32>} : memref<8x8x1024xf32, #tpu.memory_space<vmem>>, vector<1x1x16xf32>,
        %parallel_loop3A_1154 = vector.shape_cast %parallel_loop3A_1153 : vector<1x1x16xf32> to vector<16xf32>
        %parallel_loop3A_1155 = vector.shape_cast %parallel_loop3A_1147 : vector<16xf32> to vector<1x1x16xf32>
        tpu.vector_store %arg8[%parallel_loop3A_1150, %parallel_loop3A_1151, %parallel_loop3A_1152], %parallel_loop3A_1155 {add = true, strides = array<i32>} : memref<8x8x1024xf32, #tpu.memory_space<vmem>>, vector<1x1x16xf32>,
        %parallel_loop3A_1156 = arith.constant 1 : i32
        %parallel_loop3A_1157 = arith.constant 4 : i32
        %parallel_loop3A_1158 = arith.index_cast %parallel_loop3A_1156 : i32 to index
        %parallel_loop3A_1159 = arith.index_cast %parallel_loop3A_1157 : i32 to index
        %parallel_loop3A_1160 = arith.index_cast %parallel_loop3A_1095 : i32 to index
        %parallel_loop3A_1161 = tpu.vector_load %arg7[%parallel_loop3A_1158, %parallel_loop3A_1159, %parallel_loop3A_1160] {strides = array<i32>} : memref<2x8x1024xf32, #tpu.memory_space<vmem>>, vector<1x1x16xf32>,
        %parallel_loop3A_1162 = vector.shape_cast %parallel_loop3A_1161 : vector<1x1x16xf32> to vector<16xf32>
        %parallel_loop3A_1163 = arith.constant 5 : i32
        %parallel_loop3A_1164 = arith.constant 4 : i32
        %parallel_loop3A_1165 = arith.index_cast %parallel_loop3A_1163 : i32 to index
        %parallel_loop3A_1166 = arith.index_cast %parallel_loop3A_1164 : i32 to index
        %parallel_loop3A_1167 = arith.index_cast %parallel_loop3A_1095 : i32 to index
        %parallel_loop3A_1168 = tpu.vector_load %arg8[%parallel_loop3A_1165, %parallel_loop3A_1166, %parallel_loop3A_1167] {strides = array<i32>} : memref<8x8x1024xf32, #tpu.memory_space<vmem>>, vector<1x1x16xf32>,
        %parallel_loop3A_1169 = vector.shape_cast %parallel_loop3A_1168 : vector<1x1x16xf32> to vector<16xf32>
        %parallel_loop3A_1170 = vector.shape_cast %parallel_loop3A_1162 : vector<16xf32> to vector<1x1x16xf32>
        tpu.vector_store %arg8[%parallel_loop3A_1165, %parallel_loop3A_1166, %parallel_loop3A_1167], %parallel_loop3A_1170 {add = true, strides = array<i32>} : memref<8x8x1024xf32, #tpu.memory_space<vmem>>, vector<1x1x16xf32>,
        %parallel_loop3A_1171 = arith.constant 1 : i32
        %parallel_loop3A_1172 = arith.constant 5 : i32
        %parallel_loop3A_1173 = arith.index_cast %parallel_loop3A_1171 : i32 to index
        %parallel_loop3A_1174 = arith.index_cast %parallel_loop3A_1172 : i32 to index
        %parallel_loop3A_1175 = arith.index_cast %parallel_loop3A_1095 : i32 to index
        %parallel_loop3A_1176 = tpu.vector_load %arg7[%parallel_loop3A_1173, %parallel_loop3A_1174, %parallel_loop3A_1175] {strides = array<i32>} : memref<2x8x1024xf32, #tpu.memory_space<vmem>>, vector<1x1x16xf32>,
        %parallel_loop3A_1177 = vector.shape_cast %parallel_loop3A_1176 : vector<1x1x16xf32> to vector<16xf32>
        %parallel_loop3A_1178 = arith.constant 5 : i32
        %parallel_loop3A_1179 = arith.constant 5 : i32
        %parallel_loop3A_1180 = arith.index_cast %parallel_loop3A_1178 : i32 to index
        %parallel_loop3A_1181 = arith.index_cast %parallel_loop3A_1179 : i32 to index
        %parallel_loop3A_1182 = arith.index_cast %parallel_loop3A_1095 : i32 to index
        %parallel_loop3A_1183 = tpu.vector_load %arg8[%parallel_loop3A_1180, %parallel_loop3A_1181, %parallel_loop3A_1182] {strides = array<i32>} : memref<8x8x1024xf32, #tpu.memory_space<vmem>>, vector<1x1x16xf32>,
        %parallel_loop3A_1184 = vector.shape_cast %parallel_loop3A_1183 : vector<1x1x16xf32> to vector<16xf32>
        %parallel_loop3A_1185 = vector.shape_cast %parallel_loop3A_1177 : vector<16xf32> to vector<1x1x16xf32>
        tpu.vector_store %arg8[%parallel_loop3A_1180, %parallel_loop3A_1181, %parallel_loop3A_1182], %parallel_loop3A_1185 {add = true, strides = array<i32>} : memref<8x8x1024xf32, #tpu.memory_space<vmem>>, vector<1x1x16xf32>,
        %parallel_loop3A_1186 = arith.constant 1 : i32
        %parallel_loop3A_1187 = arith.constant 6 : i32
        %parallel_loop3A_1188 = arith.index_cast %parallel_loop3A_1186 : i32 to index
        %parallel_loop3A_1189 = arith.index_cast %parallel_loop3A_1187 : i32 to index
        %parallel_loop3A_1190 = arith.index_cast %parallel_loop3A_1095 : i32 to index
        %parallel_loop3A_1191 = tpu.vector_load %arg7[%parallel_loop3A_1188, %parallel_loop3A_1189, %parallel_loop3A_1190] {strides = array<i32>} : memref<2x8x1024xf32, #tpu.memory_space<vmem>>, vector<1x1x16xf32>,
        %parallel_loop3A_1192 = vector.shape_cast %parallel_loop3A_1191 : vector<1x1x16xf32> to vector<16xf32>
        %parallel_loop3A_1193 = arith.constant 5 : i32
        %parallel_loop3A_1194 = arith.constant 6 : i32
        %parallel_loop3A_1195 = arith.index_cast %parallel_loop3A_1193 : i32 to index
        %parallel_loop3A_1196 = arith.index_cast %parallel_loop3A_1194 : i32 to index
        %parallel_loop3A_1197 = arith.index_cast %parallel_loop3A_1095 : i32 to index
        %parallel_loop3A_1198 = tpu.vector_load %arg8[%parallel_loop3A_1195, %parallel_loop3A_1196, %parallel_loop3A_1197] {strides = array<i32>} : memref<8x8x1024xf32, #tpu.memory_space<vmem>>, vector<1x1x16xf32>,
        %parallel_loop3A_1199 = vector.shape_cast %parallel_loop3A_1198 : vector<1x1x16xf32> to vector<16xf32>
        %parallel_loop3A_1200 = vector.shape_cast %parallel_loop3A_1192 : vector<16xf32> to vector<1x1x16xf32>
        tpu.vector_store %arg8[%parallel_loop3A_1195, %parallel_loop3A_1196, %parallel_loop3A_1197], %parallel_loop3A_1200 {add = true, strides = array<i32>} : memref<8x8x1024xf32, #tpu.memory_space<vmem>>, vector<1x1x16xf32>,
        %parallel_loop3A_1201 = arith.constant 1 : i32
        %parallel_loop3A_1202 = arith.constant 7 : i32
        %parallel_loop3A_1203 = arith.index_cast %parallel_loop3A_1201 : i32 to index
        %parallel_loop3A_1204 = arith.index_cast %parallel_loop3A_1202 : i32 to index
        %parallel_loop3A_1205 = arith.index_cast %parallel_loop3A_1095 : i32 to index
        %parallel_loop3A_1206 = tpu.vector_load %arg7[%parallel_loop3A_1203, %parallel_loop3A_1204, %parallel_loop3A_1205] {strides = array<i32>} : memref<2x8x1024xf32, #tpu.memory_space<vmem>>, vector<1x1x16xf32>,
        %parallel_loop3A_1207 = vector.shape_cast %parallel_loop3A_1206 : vector<1x1x16xf32> to vector<16xf32>
        %parallel_loop3A_1208 = arith.constant 5 : i32
        %parallel_loop3A_1209 = arith.constant 7 : i32
        %parallel_loop3A_1210 = arith.index_cast %parallel_loop3A_1208 : i32 to index
        %parallel_loop3A_1211 = arith.index_cast %parallel_loop3A_1209 : i32 to index
        %parallel_loop3A_1212 = arith.index_cast %parallel_loop3A_1095 : i32 to index
        %parallel_loop3A_1213 = tpu.vector_load %arg8[%parallel_loop3A_1210, %parallel_loop3A_1211, %parallel_loop3A_1212] {strides = array<i32>} : memref<8x8x1024xf32, #tpu.memory_space<vmem>>, vector<1x1x16xf32>,
        %parallel_loop3A_1214 = vector.shape_cast %parallel_loop3A_1213 : vector<1x1x16xf32> to vector<16xf32>
        %parallel_loop3A_1215 = vector.shape_cast %parallel_loop3A_1207 : vector<16xf32> to vector<1x1x16xf32>
        tpu.vector_store %arg8[%parallel_loop3A_1210, %parallel_loop3A_1211, %parallel_loop3A_1212], %parallel_loop3A_1215 {add = true, strides = array<i32>} : memref<8x8x1024xf32, #tpu.memory_space<vmem>>, vector<1x1x16xf32>,
      } {sc.loop_unroll_factor = 2 : i64, sc.parallel_access}
      %ge3A_854 = arith.constant 1 : i32
      %ge3A_855 = arith.cmpi sge, %add3A_746, %ge3A_854 : i32
      %convert_element_type3A_856 = arith.extui %ge3A_855 : i1 to i32
      %cond3A_857 = arith.constant 0 : i32
      %cond3A_858 = arith.cmpi ne, %convert_element_type3A_856, %cond3A_857 : i32
      scf.if %cond3A_858 {
        %dma_wait3A_1093 = arith.constant 1 : i32
        %dma_wait3A_1094 = arith.constant 1 : i32
        %dma_wait3A_1095 = tpu.memref_slice %arg12[%dma_wait3A_1094] : memref<4x!tpu.dma_semaphore, #tpu.memory_space<semaphore_mem>> -> memref<1x!tpu.dma_semaphore, #tpu.memory_space<semaphore_mem>>
        %dma_wait3A_1096 = tpu.memref_squeeze %dma_wait3A_1095 : memref<1x!tpu.dma_semaphore, #tpu.memory_space<semaphore_mem>> -> memref<!tpu.dma_semaphore, #tpu.memory_space<semaphore_mem>>
        %dma_wait3A_1097 = arith.constant 0 : i32
        %dma_wait3A_1098 = arith.constant 0 : i32
        %dma_wait3A_1099 = tpu.memref_slice %arg5[%dma_wait3A_1097, %dma_wait3A_1098] : memref<32768x1024xf32, #tpu.memory_space<hbm>> -> memref<8x1024xf32, #tpu.memory_space<hbm>>
        %dma_wait3A_1100 = arith.constant 0 : i32
        %dma_wait3A_1101 = arith.constant 0 : i32
        %dma_wait3A_1102 = tpu.memref_slice %arg9[%arg1, %dma_wait3A_1093, %dma_wait3A_1100, %dma_wait3A_1101] : memref<16x4x8x1024xf32, #tpu.memory_space<vmem_shared>> -> memref<1x1x8x1024xf32, #tpu.memory_space<vmem_shared>>
        %dma_wait3A_1103 = tpu.memref_squeeze %dma_wait3A_1102 : memref<1x1x8x1024xf32, #tpu.memory_space<vmem_shared>> -> memref<8x1024xf32, #tpu.memory_space<vmem_shared>>
        tpu.wait_dma2 semaphore(%dma_wait3A_1096 : memref<!tpu.dma_semaphore, #tpu.memory_space<semaphore_mem>>) src(%dma_wait3A_1103 : memref<8x1024xf32, #tpu.memory_space<vmem_shared>>) dst(%dma_wait3A_1099 : memref<8x1024xf32, #tpu.memory_space<hbm>>)
      } else {
      }
      %dma_start3A_859 = arith.constant 5 : i32
      %dma_start3A_860 = arith.constant 1 : i32
      %dma_start3A_861 = arith.constant 5 : i32
      %dma_start3A_862 = arith.constant 0 : i32
      %dma_start3A_863 = arith.constant 0 : i32
      %dma_start3A_864 = tpu.memref_slice %arg8[%dma_start3A_859, %dma_start3A_862, %dma_start3A_863] : memref<8x8x1024xf32, #tpu.memory_space<vmem>> -> memref<1x8x1024xf32, #tpu.memory_space<vmem>>
      %dma_start3A_865 = tpu.memref_squeeze %dma_start3A_864 : memref<1x8x1024xf32, #tpu.memory_space<vmem>> -> memref<8x1024xf32, #tpu.memory_space<vmem>>
      %dma_start3A_866 = arith.constant 0 : i32
      %dma_start3A_867 = arith.constant 0 : i32
      %dma_start3A_868 = tpu.memref_slice %arg9[%arg1, %dma_start3A_860, %dma_start3A_866, %dma_start3A_867] : memref<16x4x8x1024xf32, #tpu.memory_space<vmem_shared>> -> memref<1x1x8x1024xf32, #tpu.memory_space<vmem_shared>>
      %dma_start3A_869 = tpu.memref_squeeze %dma_start3A_868 : memref<1x1x8x1024xf32, #tpu.memory_space<vmem_shared>> -> memref<8x1024xf32, #tpu.memory_space<vmem_shared>>
      %dma_start3A_870 = tpu.memref_slice %arg11[%dma_start3A_861] : memref<8x!tpu.dma_semaphore, #tpu.memory_space<semaphore_mem>> -> memref<1x!tpu.dma_semaphore, #tpu.memory_space<semaphore_mem>>
      %dma_start3A_871 = tpu.memref_squeeze %dma_start3A_870 : memref<1x!tpu.dma_semaphore, #tpu.memory_space<semaphore_mem>> -> memref<!tpu.dma_semaphore, #tpu.memory_space<semaphore_mem>>
      %dma_start3A_872 = arith.constant 0 : i32
      %dma_start3A_873 = arith.constant 0 : i32
      %dma_start3A_874 = tpu.memref_slice %arg9[%arg1, %dma_start3A_860, %dma_start3A_872, %dma_start3A_873] : memref<16x4x8x1024xf32, #tpu.memory_space<vmem_shared>> -> memref<1x1x8x1024xf32, #tpu.memory_space<vmem_shared>>
      %dma_start3A_875 = tpu.memref_squeeze %dma_start3A_874 : memref<1x1x8x1024xf32, #tpu.memory_space<vmem_shared>> -> memref<8x1024xf32, #tpu.memory_space<vmem_shared>>
      %dma_start3A_876 = arith.constant 0 : i32
      %dma_start3A_877 = arith.constant 0 : i32
      %dma_start3A_878 = tpu.memref_slice %arg8[%dma_start3A_859, %dma_start3A_876, %dma_start3A_877] : memref<8x8x1024xf32, #tpu.memory_space<vmem>> -> memref<1x8x1024xf32, #tpu.memory_space<vmem>>
      %dma_start3A_879 = tpu.memref_squeeze %dma_start3A_878 : memref<1x8x1024xf32, #tpu.memory_space<vmem>> -> memref<8x1024xf32, #tpu.memory_space<vmem>>
      tpu.enqueue_dma source(%dma_start3A_879 : memref<8x1024xf32, #tpu.memory_space<vmem>>) target(%dma_start3A_875 : memref<8x1024xf32, #tpu.memory_space<vmem_shared>>) target_semaphore(%dma_start3A_871 : memref<!tpu.dma_semaphore, #tpu.memory_space<semaphore_mem>>)
      %add3A_880 = arith.constant 0 : i32
      %add3A_881 = arith.addi %add3A_880, %mul3A_2 : i32
      %mul3A_882 = arith.constant 8 : i32
      %mul3A_883 = arith.muli %add3A_746, %mul3A_882 : i32
      %add3A_884 = arith.addi %add3A_881, %mul3A_883 : i32
      %dma_wait3A_885 = arith.constant 4 : i32
      %dma_wait3A_886 = arith.constant 0 : i32
      %dma_wait3A_887 = arith.constant 4 : i32
      %dma_wait3A_888 = arith.constant 0 : i32
      %dma_wait3A_889 = arith.constant 0 : i32
      %dma_wait3A_890 = tpu.memref_slice %arg8[%dma_wait3A_885, %dma_wait3A_888, %dma_wait3A_889] : memref<8x8x1024xf32, #tpu.memory_space<vmem>> -> memref<1x8x1024xf32, #tpu.memory_space<vmem>>
      %dma_wait3A_891 = tpu.memref_squeeze %dma_wait3A_890 : memref<1x8x1024xf32, #tpu.memory_space<vmem>> -> memref<8x1024xf32, #tpu.memory_space<vmem>>
      %dma_wait3A_892 = arith.constant 0 : i32
      %dma_wait3A_893 = arith.constant 0 : i32
      %dma_wait3A_894 = tpu.memref_slice %arg9[%arg1, %dma_wait3A_886, %dma_wait3A_892, %dma_wait3A_893] : memref<16x4x8x1024xf32, #tpu.memory_space<vmem_shared>> -> memref<1x1x8x1024xf32, #tpu.memory_space<vmem_shared>>
      %dma_wait3A_895 = tpu.memref_squeeze %dma_wait3A_894 : memref<1x1x8x1024xf32, #tpu.memory_space<vmem_shared>> -> memref<8x1024xf32, #tpu.memory_space<vmem_shared>>
      %dma_wait3A_896 = tpu.memref_slice %arg11[%dma_wait3A_887] : memref<8x!tpu.dma_semaphore, #tpu.memory_space<semaphore_mem>> -> memref<1x!tpu.dma_semaphore, #tpu.memory_space<semaphore_mem>>
      %dma_wait3A_897 = tpu.memref_squeeze %dma_wait3A_896 : memref<1x!tpu.dma_semaphore, #tpu.memory_space<semaphore_mem>> -> memref<!tpu.dma_semaphore, #tpu.memory_space<semaphore_mem>>
      %dma_wait3A_898 = arith.constant 0 : i32
      %dma_wait3A_899 = arith.constant 0 : i32
      %dma_wait3A_900 = tpu.memref_slice %arg9[%arg1, %dma_wait3A_886, %dma_wait3A_898, %dma_wait3A_899] : memref<16x4x8x1024xf32, #tpu.memory_space<vmem_shared>> -> memref<1x1x8x1024xf32, #tpu.memory_space<vmem_shared>>
      %dma_wait3A_901 = tpu.memref_squeeze %dma_wait3A_900 : memref<1x1x8x1024xf32, #tpu.memory_space<vmem_shared>> -> memref<8x1024xf32, #tpu.memory_space<vmem_shared>>
      %dma_wait3A_902 = arith.constant 0 : i32
      %dma_wait3A_903 = arith.constant 0 : i32
      %dma_wait3A_904 = tpu.memref_slice %arg8[%dma_wait3A_885, %dma_wait3A_902, %dma_wait3A_903] : memref<8x8x1024xf32, #tpu.memory_space<vmem>> -> memref<1x8x1024xf32, #tpu.memory_space<vmem>>
      %dma_wait3A_905 = tpu.memref_squeeze %dma_wait3A_904 : memref<1x8x1024xf32, #tpu.memory_space<vmem>> -> memref<8x1024xf32, #tpu.memory_space<vmem>>
      tpu.wait_dma2 semaphore(%dma_wait3A_897 : memref<!tpu.dma_semaphore, #tpu.memory_space<semaphore_mem>>) src(%dma_wait3A_905 : memref<8x1024xf32, #tpu.memory_space<vmem>>) dst(%dma_wait3A_901 : memref<8x1024xf32, #tpu.memory_space<vmem_shared>>)
      %dma_start3A_906 = arith.constant 0 : i32
      %dma_start3A_907 = arith.constant 0 : i32
      %dma_start3A_908 = tpu.memref_slice %arg12[%dma_start3A_907] : memref<4x!tpu.dma_semaphore, #tpu.memory_space<semaphore_mem>> -> memref<1x!tpu.dma_semaphore, #tpu.memory_space<semaphore_mem>>
      %dma_start3A_909 = tpu.memref_squeeze %dma_start3A_908 : memref<1x!tpu.dma_semaphore, #tpu.memory_space<semaphore_mem>> -> memref<!tpu.dma_semaphore, #tpu.memory_space<semaphore_mem>>
      %dma_start3A_910 = arith.constant 0 : i32
      %dma_start3A_911 = tpu.memref_slice %arg5[%add3A_884, %dma_start3A_910] : memref<32768x1024xf32, #tpu.memory_space<hbm>> -> memref<8x1024xf32, #tpu.memory_space<hbm>>
      %dma_start3A_912 = arith.constant 0 : i32
      %dma_start3A_913 = arith.constant 0 : i32
      %dma_start3A_914 = tpu.memref_slice %arg9[%arg1, %dma_start3A_906, %dma_start3A_912, %dma_start3A_913] : memref<16x4x8x1024xf32, #tpu.memory_space<vmem_shared>> -> memref<1x1x8x1024xf32, #tpu.memory_space<vmem_shared>>
      %dma_start3A_915 = tpu.memref_squeeze %dma_start3A_914 : memref<1x1x8x1024xf32, #tpu.memory_space<vmem_shared>> -> memref<8x1024xf32, #tpu.memory_space<vmem_shared>>
      tpu.enqueue_dma source(%dma_start3A_915 : memref<8x1024xf32, #tpu.memory_space<vmem_shared>>) target(%dma_start3A_911 : memref<8x1024xf32, #tpu.memory_space<hbm>>) target_semaphore(%dma_start3A_909 : memref<!tpu.dma_semaphore, #tpu.memory_space<semaphore_mem>>)
      %ge3A_916 = arith.constant 1 : i32
      %ge3A_917 = arith.cmpi sge, %add3A_746, %ge3A_916 : i32
      %le3A_918 = arith.constant 30 : i32
      %le3A_919 = arith.cmpi sle, %add3A_746, %le3A_918 : i32
      %and3A_920 = arith.andi %ge3A_917, %le3A_919 : i1
      %convert_element_type3A_921 = arith.extui %and3A_920 : i1 to i32
      %cond3A_922 = arith.constant 0 : i32
      %cond3A_923 = arith.cmpi ne, %convert_element_type3A_921, %cond3A_922 : i32
      scf.if %cond3A_923 {
        %add3A_1093 = arith.constant 1 : i32
        %add3A_1094 = arith.addi %add3A_746, %add3A_1093 : i32
        %dma_start3A_1095 = arith.constant 2 : i32
        %dma_start3A_1096 = arith.constant 2 : i32
        %dma_start3A_1097 = arith.constant 2 : i32
        %dma_start3A_1098 = arith.constant 0 : i32
        %dma_start3A_1099 = arith.constant 0 : i32
        %dma_start3A_1100 = tpu.memref_slice %arg8[%dma_start3A_1096, %dma_start3A_1098, %dma_start3A_1099] : memref<8x8x1024xf32, #tpu.memory_space<vmem>> -> memref<1x8x1024xf32, #tpu.memory_space<vmem>>
        %dma_start3A_1101 = tpu.memref_squeeze %dma_start3A_1100 : memref<1x8x1024xf32, #tpu.memory_space<vmem>> -> memref<8x1024xf32, #tpu.memory_space<vmem>>
        %dma_start3A_1102 = arith.constant 0 : i32
        %dma_start3A_1103 = tpu.memref_slice %arg6[%dma_start3A_1095, %add3A_1094, %dma_start3A_1102] : memref<4x32x8xi32, #tpu.memory_space<vmem>> -> memref<1x1x8xi32, #tpu.memory_space<vmem>>
        %dma_start3A_1104 = tpu.memref_squeeze %dma_start3A_1103 : memref<1x1x8xi32, #tpu.memory_space<vmem>> -> memref<8xi32, #tpu.memory_space<vmem>>
        %dma_start3A_1105 = arith.constant 0 : i32
        %dma_start3A_1106 = arith.constant 0 : i32
        %dma_start3A_1107 = tpu.memref_slice %arg3[%dma_start3A_1105, %dma_start3A_1106] : memref<100000x1024xf32, #tpu.memory_space<hbm>> -> memref<100000x1024xf32, #tpu.memory_space<hbm>>
        %dma_start3A_1108 = tpu.memref_slice %arg10[%dma_start3A_1097] : memref<8x!tpu.dma_semaphore, #tpu.memory_space<semaphore_mem>> -> memref<1x!tpu.dma_semaphore, #tpu.memory_space<semaphore_mem>>
        %dma_start3A_1109 = tpu.memref_squeeze %dma_start3A_1108 : memref<1x!tpu.dma_semaphore, #tpu.memory_space<semaphore_mem>> -> memref<!tpu.dma_semaphore, #tpu.memory_space<semaphore_mem>>
        tpu.enqueue_indirect_dma source(%dma_start3A_1107 : memref<100000x1024xf32, #tpu.memory_space<hbm>>) target(%dma_start3A_1101 : memref<8x1024xf32, #tpu.memory_space<vmem>>) offsets(%dma_start3A_1104 : memref<8xi32, #tpu.memory_space<vmem>>) semaphore(%dma_start3A_1109 : memref<!tpu.dma_semaphore, #tpu.memory_space<semaphore_mem>>)
      } else {
      }
      %dma_wait3A_924 = arith.constant 2 : i32
      %dma_wait3A_925 = arith.constant 6 : i32
      %dma_wait3A_926 = arith.constant 6 : i32
      %dma_wait3A_927 = arith.constant 0 : i32
      %dma_wait3A_928 = arith.constant 0 : i32
      %dma_wait3A_929 = tpu.memref_slice %arg8[%dma_wait3A_925, %dma_wait3A_927, %dma_wait3A_928] : memref<8x8x1024xf32, #tpu.memory_space<vmem>> -> memref<1x8x1024xf32, #tpu.memory_space<vmem>>
      %dma_wait3A_930 = tpu.memref_squeeze %dma_wait3A_929 : memref<1x8x1024xf32, #tpu.memory_space<vmem>> -> memref<8x1024xf32, #tpu.memory_space<vmem>>
      %dma_wait3A_931 = arith.constant 0 : i32
      %dma_wait3A_932 = tpu.memref_slice %arg6[%dma_wait3A_924, %add3A_746, %dma_wait3A_931] : memref<4x32x8xi32, #tpu.memory_space<vmem>> -> memref<1x1x8xi32, #tpu.memory_space<vmem>>
      %dma_wait3A_933 = tpu.memref_squeeze %dma_wait3A_932 : memref<1x1x8xi32, #tpu.memory_space<vmem>> -> memref<8xi32, #tpu.memory_space<vmem>>
      %dma_wait3A_934 = arith.constant 0 : i32
      %dma_wait3A_935 = arith.constant 0 : i32
      %dma_wait3A_936 = tpu.memref_slice %arg3[%dma_wait3A_934, %dma_wait3A_935] : memref<100000x1024xf32, #tpu.memory_space<hbm>> -> memref<100000x1024xf32, #tpu.memory_space<hbm>>
      %dma_wait3A_937 = tpu.memref_slice %arg10[%dma_wait3A_926] : memref<8x!tpu.dma_semaphore, #tpu.memory_space<semaphore_mem>> -> memref<1x!tpu.dma_semaphore, #tpu.memory_space<semaphore_mem>>
      %dma_wait3A_938 = tpu.memref_squeeze %dma_wait3A_937 : memref<1x!tpu.dma_semaphore, #tpu.memory_space<semaphore_mem>> -> memref<!tpu.dma_semaphore, #tpu.memory_space<semaphore_mem>>
      tpu.wait_indirect_dma semaphore(%dma_wait3A_938 : memref<!tpu.dma_semaphore, #tpu.memory_space<semaphore_mem>>) src(%dma_wait3A_936 : memref<100000x1024xf32, #tpu.memory_space<hbm>>) dst(%dma_wait3A_930 : memref<8x1024xf32, #tpu.memory_space<vmem>>)
      %parallel_loop3A_939 = arith.constant 0 : i32
      %parallel_loop3A_940 = arith.constant 64 : i32
      %parallel_loop3A_941 = arith.constant 1 : i32
      scf.for %parallel_loop3A_1093 = %parallel_loop3A_939 to %parallel_loop3A_940 step %parallel_loop3A_941  : i32 {
        %parallel_loop3A_1094 = arith.constant 16 : i32
        %parallel_loop3A_1095 = arith.muli %parallel_loop3A_1093, %parallel_loop3A_1094 : i32
        %parallel_loop3A_1096 = arith.constant 1 : i32
        %parallel_loop3A_1097 = arith.constant 0 : i32
        %parallel_loop3A_1098 = arith.index_cast %parallel_loop3A_1096 : i32 to index
        %parallel_loop3A_1099 = arith.index_cast %parallel_loop3A_1097 : i32 to index
        %parallel_loop3A_1100 = arith.index_cast %parallel_loop3A_1095 : i32 to index
        %parallel_loop3A_1101 = tpu.vector_load %arg7[%parallel_loop3A_1098, %parallel_loop3A_1099, %parallel_loop3A_1100] {strides = array<i32>} : memref<2x8x1024xf32, #tpu.memory_space<vmem>>, vector<1x1x16xf32>,
        %parallel_loop3A_1102 = vector.shape_cast %parallel_loop3A_1101 : vector<1x1x16xf32> to vector<16xf32>
        %parallel_loop3A_1103 = arith.constant 6 : i32
        %parallel_loop3A_1104 = arith.constant 0 : i32
        %parallel_loop3A_1105 = arith.index_cast %parallel_loop3A_1103 : i32 to index
        %parallel_loop3A_1106 = arith.index_cast %parallel_loop3A_1104 : i32 to index
        %parallel_loop3A_1107 = arith.index_cast %parallel_loop3A_1095 : i32 to index
        %parallel_loop3A_1108 = tpu.vector_load %arg8[%parallel_loop3A_1105, %parallel_loop3A_1106, %parallel_loop3A_1107] {strides = array<i32>} : memref<8x8x1024xf32, #tpu.memory_space<vmem>>, vector<1x1x16xf32>,
        %parallel_loop3A_1109 = vector.shape_cast %parallel_loop3A_1108 : vector<1x1x16xf32> to vector<16xf32>
        %parallel_loop3A_1110 = vector.shape_cast %parallel_loop3A_1102 : vector<16xf32> to vector<1x1x16xf32>
        tpu.vector_store %arg8[%parallel_loop3A_1105, %parallel_loop3A_1106, %parallel_loop3A_1107], %parallel_loop3A_1110 {add = true, strides = array<i32>} : memref<8x8x1024xf32, #tpu.memory_space<vmem>>, vector<1x1x16xf32>,
        %parallel_loop3A_1111 = arith.constant 1 : i32
        %parallel_loop3A_1112 = arith.constant 1 : i32
        %parallel_loop3A_1113 = arith.index_cast %parallel_loop3A_1111 : i32 to index
        %parallel_loop3A_1114 = arith.index_cast %parallel_loop3A_1112 : i32 to index
        %parallel_loop3A_1115 = arith.index_cast %parallel_loop3A_1095 : i32 to index
        %parallel_loop3A_1116 = tpu.vector_load %arg7[%parallel_loop3A_1113, %parallel_loop3A_1114, %parallel_loop3A_1115] {strides = array<i32>} : memref<2x8x1024xf32, #tpu.memory_space<vmem>>, vector<1x1x16xf32>,
        %parallel_loop3A_1117 = vector.shape_cast %parallel_loop3A_1116 : vector<1x1x16xf32> to vector<16xf32>
        %parallel_loop3A_1118 = arith.constant 6 : i32
        %parallel_loop3A_1119 = arith.constant 1 : i32
        %parallel_loop3A_1120 = arith.index_cast %parallel_loop3A_1118 : i32 to index
        %parallel_loop3A_1121 = arith.index_cast %parallel_loop3A_1119 : i32 to index
        %parallel_loop3A_1122 = arith.index_cast %parallel_loop3A_1095 : i32 to index
        %parallel_loop3A_1123 = tpu.vector_load %arg8[%parallel_loop3A_1120, %parallel_loop3A_1121, %parallel_loop3A_1122] {strides = array<i32>} : memref<8x8x1024xf32, #tpu.memory_space<vmem>>, vector<1x1x16xf32>,
        %parallel_loop3A_1124 = vector.shape_cast %parallel_loop3A_1123 : vector<1x1x16xf32> to vector<16xf32>
        %parallel_loop3A_1125 = vector.shape_cast %parallel_loop3A_1117 : vector<16xf32> to vector<1x1x16xf32>
        tpu.vector_store %arg8[%parallel_loop3A_1120, %parallel_loop3A_1121, %parallel_loop3A_1122], %parallel_loop3A_1125 {add = true, strides = array<i32>} : memref<8x8x1024xf32, #tpu.memory_space<vmem>>, vector<1x1x16xf32>,
        %parallel_loop3A_1126 = arith.constant 1 : i32
        %parallel_loop3A_1127 = arith.constant 2 : i32
        %parallel_loop3A_1128 = arith.index_cast %parallel_loop3A_1126 : i32 to index
        %parallel_loop3A_1129 = arith.index_cast %parallel_loop3A_1127 : i32 to index
        %parallel_loop3A_1130 = arith.index_cast %parallel_loop3A_1095 : i32 to index
        %parallel_loop3A_1131 = tpu.vector_load %arg7[%parallel_loop3A_1128, %parallel_loop3A_1129, %parallel_loop3A_1130] {strides = array<i32>} : memref<2x8x1024xf32, #tpu.memory_space<vmem>>, vector<1x1x16xf32>,
        %parallel_loop3A_1132 = vector.shape_cast %parallel_loop3A_1131 : vector<1x1x16xf32> to vector<16xf32>
        %parallel_loop3A_1133 = arith.constant 6 : i32
        %parallel_loop3A_1134 = arith.constant 2 : i32
        %parallel_loop3A_1135 = arith.index_cast %parallel_loop3A_1133 : i32 to index
        %parallel_loop3A_1136 = arith.index_cast %parallel_loop3A_1134 : i32 to index
        %parallel_loop3A_1137 = arith.index_cast %parallel_loop3A_1095 : i32 to index
        %parallel_loop3A_1138 = tpu.vector_load %arg8[%parallel_loop3A_1135, %parallel_loop3A_1136, %parallel_loop3A_1137] {strides = array<i32>} : memref<8x8x1024xf32, #tpu.memory_space<vmem>>, vector<1x1x16xf32>,
        %parallel_loop3A_1139 = vector.shape_cast %parallel_loop3A_1138 : vector<1x1x16xf32> to vector<16xf32>
        %parallel_loop3A_1140 = vector.shape_cast %parallel_loop3A_1132 : vector<16xf32> to vector<1x1x16xf32>
        tpu.vector_store %arg8[%parallel_loop3A_1135, %parallel_loop3A_1136, %parallel_loop3A_1137], %parallel_loop3A_1140 {add = true, strides = array<i32>} : memref<8x8x1024xf32, #tpu.memory_space<vmem>>, vector<1x1x16xf32>,
        %parallel_loop3A_1141 = arith.constant 1 : i32
        %parallel_loop3A_1142 = arith.constant 3 : i32
        %parallel_loop3A_1143 = arith.index_cast %parallel_loop3A_1141 : i32 to index
        %parallel_loop3A_1144 = arith.index_cast %parallel_loop3A_1142 : i32 to index
        %parallel_loop3A_1145 = arith.index_cast %parallel_loop3A_1095 : i32 to index
        %parallel_loop3A_1146 = tpu.vector_load %arg7[%parallel_loop3A_1143, %parallel_loop3A_1144, %parallel_loop3A_1145] {strides = array<i32>} : memref<2x8x1024xf32, #tpu.memory_space<vmem>>, vector<1x1x16xf32>,
        %parallel_loop3A_1147 = vector.shape_cast %parallel_loop3A_1146 : vector<1x1x16xf32> to vector<16xf32>
        %parallel_loop3A_1148 = arith.constant 6 : i32
        %parallel_loop3A_1149 = arith.constant 3 : i32
        %parallel_loop3A_1150 = arith.index_cast %parallel_loop3A_1148 : i32 to index
        %parallel_loop3A_1151 = arith.index_cast %parallel_loop3A_1149 : i32 to index
        %parallel_loop3A_1152 = arith.index_cast %parallel_loop3A_1095 : i32 to index
        %parallel_loop3A_1153 = tpu.vector_load %arg8[%parallel_loop3A_1150, %parallel_loop3A_1151, %parallel_loop3A_1152] {strides = array<i32>} : memref<8x8x1024xf32, #tpu.memory_space<vmem>>, vector<1x1x16xf32>,
        %parallel_loop3A_1154 = vector.shape_cast %parallel_loop3A_1153 : vector<1x1x16xf32> to vector<16xf32>
        %parallel_loop3A_1155 = vector.shape_cast %parallel_loop3A_1147 : vector<16xf32> to vector<1x1x16xf32>
        tpu.vector_store %arg8[%parallel_loop3A_1150, %parallel_loop3A_1151, %parallel_loop3A_1152], %parallel_loop3A_1155 {add = true, strides = array<i32>} : memref<8x8x1024xf32, #tpu.memory_space<vmem>>, vector<1x1x16xf32>,
        %parallel_loop3A_1156 = arith.constant 1 : i32
        %parallel_loop3A_1157 = arith.constant 4 : i32
        %parallel_loop3A_1158 = arith.index_cast %parallel_loop3A_1156 : i32 to index
        %parallel_loop3A_1159 = arith.index_cast %parallel_loop3A_1157 : i32 to index
        %parallel_loop3A_1160 = arith.index_cast %parallel_loop3A_1095 : i32 to index
        %parallel_loop3A_1161 = tpu.vector_load %arg7[%parallel_loop3A_1158, %parallel_loop3A_1159, %parallel_loop3A_1160] {strides = array<i32>} : memref<2x8x1024xf32, #tpu.memory_space<vmem>>, vector<1x1x16xf32>,
        %parallel_loop3A_1162 = vector.shape_cast %parallel_loop3A_1161 : vector<1x1x16xf32> to vector<16xf32>
        %parallel_loop3A_1163 = arith.constant 6 : i32
        %parallel_loop3A_1164 = arith.constant 4 : i32
        %parallel_loop3A_1165 = arith.index_cast %parallel_loop3A_1163 : i32 to index
        %parallel_loop3A_1166 = arith.index_cast %parallel_loop3A_1164 : i32 to index
        %parallel_loop3A_1167 = arith.index_cast %parallel_loop3A_1095 : i32 to index
        %parallel_loop3A_1168 = tpu.vector_load %arg8[%parallel_loop3A_1165, %parallel_loop3A_1166, %parallel_loop3A_1167] {strides = array<i32>} : memref<8x8x1024xf32, #tpu.memory_space<vmem>>, vector<1x1x16xf32>,
        %parallel_loop3A_1169 = vector.shape_cast %parallel_loop3A_1168 : vector<1x1x16xf32> to vector<16xf32>
        %parallel_loop3A_1170 = vector.shape_cast %parallel_loop3A_1162 : vector<16xf32> to vector<1x1x16xf32>
        tpu.vector_store %arg8[%parallel_loop3A_1165, %parallel_loop3A_1166, %parallel_loop3A_1167], %parallel_loop3A_1170 {add = true, strides = array<i32>} : memref<8x8x1024xf32, #tpu.memory_space<vmem>>, vector<1x1x16xf32>,
        %parallel_loop3A_1171 = arith.constant 1 : i32
        %parallel_loop3A_1172 = arith.constant 5 : i32
        %parallel_loop3A_1173 = arith.index_cast %parallel_loop3A_1171 : i32 to index
        %parallel_loop3A_1174 = arith.index_cast %parallel_loop3A_1172 : i32 to index
        %parallel_loop3A_1175 = arith.index_cast %parallel_loop3A_1095 : i32 to index
        %parallel_loop3A_1176 = tpu.vector_load %arg7[%parallel_loop3A_1173, %parallel_loop3A_1174, %parallel_loop3A_1175] {strides = array<i32>} : memref<2x8x1024xf32, #tpu.memory_space<vmem>>, vector<1x1x16xf32>,
        %parallel_loop3A_1177 = vector.shape_cast %parallel_loop3A_1176 : vector<1x1x16xf32> to vector<16xf32>
        %parallel_loop3A_1178 = arith.constant 6 : i32
        %parallel_loop3A_1179 = arith.constant 5 : i32
        %parallel_loop3A_1180 = arith.index_cast %parallel_loop3A_1178 : i32 to index
        %parallel_loop3A_1181 = arith.index_cast %parallel_loop3A_1179 : i32 to index
        %parallel_loop3A_1182 = arith.index_cast %parallel_loop3A_1095 : i32 to index
        %parallel_loop3A_1183 = tpu.vector_load %arg8[%parallel_loop3A_1180, %parallel_loop3A_1181, %parallel_loop3A_1182] {strides = array<i32>} : memref<8x8x1024xf32, #tpu.memory_space<vmem>>, vector<1x1x16xf32>,
        %parallel_loop3A_1184 = vector.shape_cast %parallel_loop3A_1183 : vector<1x1x16xf32> to vector<16xf32>
        %parallel_loop3A_1185 = vector.shape_cast %parallel_loop3A_1177 : vector<16xf32> to vector<1x1x16xf32>
        tpu.vector_store %arg8[%parallel_loop3A_1180, %parallel_loop3A_1181, %parallel_loop3A_1182], %parallel_loop3A_1185 {add = true, strides = array<i32>} : memref<8x8x1024xf32, #tpu.memory_space<vmem>>, vector<1x1x16xf32>,
        %parallel_loop3A_1186 = arith.constant 1 : i32
        %parallel_loop3A_1187 = arith.constant 6 : i32
        %parallel_loop3A_1188 = arith.index_cast %parallel_loop3A_1186 : i32 to index
        %parallel_loop3A_1189 = arith.index_cast %parallel_loop3A_1187 : i32 to index
        %parallel_loop3A_1190 = arith.index_cast %parallel_loop3A_1095 : i32 to index
        %parallel_loop3A_1191 = tpu.vector_load %arg7[%parallel_loop3A_1188, %parallel_loop3A_1189, %parallel_loop3A_1190] {strides = array<i32>} : memref<2x8x1024xf32, #tpu.memory_space<vmem>>, vector<1x1x16xf32>,
        %parallel_loop3A_1192 = vector.shape_cast %parallel_loop3A_1191 : vector<1x1x16xf32> to vector<16xf32>
        %parallel_loop3A_1193 = arith.constant 6 : i32
        %parallel_loop3A_1194 = arith.constant 6 : i32
        %parallel_loop3A_1195 = arith.index_cast %parallel_loop3A_1193 : i32 to index
        %parallel_loop3A_1196 = arith.index_cast %parallel_loop3A_1194 : i32 to index
        %parallel_loop3A_1197 = arith.index_cast %parallel_loop3A_1095 : i32 to index
        %parallel_loop3A_1198 = tpu.vector_load %arg8[%parallel_loop3A_1195, %parallel_loop3A_1196, %parallel_loop3A_1197] {strides = array<i32>} : memref<8x8x1024xf32, #tpu.memory_space<vmem>>, vector<1x1x16xf32>,
        %parallel_loop3A_1199 = vector.shape_cast %parallel_loop3A_1198 : vector<1x1x16xf32> to vector<16xf32>
        %parallel_loop3A_1200 = vector.shape_cast %parallel_loop3A_1192 : vector<16xf32> to vector<1x1x16xf32>
        tpu.vector_store %arg8[%parallel_loop3A_1195, %parallel_loop3A_1196, %parallel_loop3A_1197], %parallel_loop3A_1200 {add = true, strides = array<i32>} : memref<8x8x1024xf32, #tpu.memory_space<vmem>>, vector<1x1x16xf32>,
        %parallel_loop3A_1201 = arith.constant 1 : i32
        %parallel_loop3A_1202 = arith.constant 7 : i32
        %parallel_loop3A_1203 = arith.index_cast %parallel_loop3A_1201 : i32 to index
        %parallel_loop3A_1204 = arith.index_cast %parallel_loop3A_1202 : i32 to index
        %parallel_loop3A_1205 = arith.index_cast %parallel_loop3A_1095 : i32 to index
        %parallel_loop3A_1206 = tpu.vector_load %arg7[%parallel_loop3A_1203, %parallel_loop3A_1204, %parallel_loop3A_1205] {strides = array<i32>} : memref<2x8x1024xf32, #tpu.memory_space<vmem>>, vector<1x1x16xf32>,
        %parallel_loop3A_1207 = vector.shape_cast %parallel_loop3A_1206 : vector<1x1x16xf32> to vector<16xf32>
        %parallel_loop3A_1208 = arith.constant 6 : i32
        %parallel_loop3A_1209 = arith.constant 7 : i32
        %parallel_loop3A_1210 = arith.index_cast %parallel_loop3A_1208 : i32 to index
        %parallel_loop3A_1211 = arith.index_cast %parallel_loop3A_1209 : i32 to index
        %parallel_loop3A_1212 = arith.index_cast %parallel_loop3A_1095 : i32 to index
        %parallel_loop3A_1213 = tpu.vector_load %arg8[%parallel_loop3A_1210, %parallel_loop3A_1211, %parallel_loop3A_1212] {strides = array<i32>} : memref<8x8x1024xf32, #tpu.memory_space<vmem>>, vector<1x1x16xf32>,
        %parallel_loop3A_1214 = vector.shape_cast %parallel_loop3A_1213 : vector<1x1x16xf32> to vector<16xf32>
        %parallel_loop3A_1215 = vector.shape_cast %parallel_loop3A_1207 : vector<16xf32> to vector<1x1x16xf32>
        tpu.vector_store %arg8[%parallel_loop3A_1210, %parallel_loop3A_1211, %parallel_loop3A_1212], %parallel_loop3A_1215 {add = true, strides = array<i32>} : memref<8x8x1024xf32, #tpu.memory_space<vmem>>, vector<1x1x16xf32>,
      } {sc.loop_unroll_factor = 2 : i64, sc.parallel_access}
      %ge3A_942 = arith.constant 1 : i32
      %ge3A_943 = arith.cmpi sge, %add3A_746, %ge3A_942 : i32
      %convert_element_type3A_944 = arith.extui %ge3A_943 : i1 to i32
      %cond3A_945 = arith.constant 0 : i32
      %cond3A_946 = arith.cmpi ne, %convert_element_type3A_944, %cond3A_945 : i32
      scf.if %cond3A_946 {
        %dma_wait3A_1093 = arith.constant 2 : i32
        %dma_wait3A_1094 = arith.constant 2 : i32
        %dma_wait3A_1095 = tpu.memref_slice %arg12[%dma_wait3A_1094] : memref<4x!tpu.dma_semaphore, #tpu.memory_space<semaphore_mem>> -> memref<1x!tpu.dma_semaphore, #tpu.memory_space<semaphore_mem>>
        %dma_wait3A_1096 = tpu.memref_squeeze %dma_wait3A_1095 : memref<1x!tpu.dma_semaphore, #tpu.memory_space<semaphore_mem>> -> memref<!tpu.dma_semaphore, #tpu.memory_space<semaphore_mem>>
        %dma_wait3A_1097 = arith.constant 0 : i32
        %dma_wait3A_1098 = arith.constant 0 : i32
        %dma_wait3A_1099 = tpu.memref_slice %arg5[%dma_wait3A_1097, %dma_wait3A_1098] : memref<32768x1024xf32, #tpu.memory_space<hbm>> -> memref<8x1024xf32, #tpu.memory_space<hbm>>
        %dma_wait3A_1100 = arith.constant 0 : i32
        %dma_wait3A_1101 = arith.constant 0 : i32
        %dma_wait3A_1102 = tpu.memref_slice %arg9[%arg1, %dma_wait3A_1093, %dma_wait3A_1100, %dma_wait3A_1101] : memref<16x4x8x1024xf32, #tpu.memory_space<vmem_shared>> -> memref<1x1x8x1024xf32, #tpu.memory_space<vmem_shared>>
        %dma_wait3A_1103 = tpu.memref_squeeze %dma_wait3A_1102 : memref<1x1x8x1024xf32, #tpu.memory_space<vmem_shared>> -> memref<8x1024xf32, #tpu.memory_space<vmem_shared>>
        tpu.wait_dma2 semaphore(%dma_wait3A_1096 : memref<!tpu.dma_semaphore, #tpu.memory_space<semaphore_mem>>) src(%dma_wait3A_1103 : memref<8x1024xf32, #tpu.memory_space<vmem_shared>>) dst(%dma_wait3A_1099 : memref<8x1024xf32, #tpu.memory_space<hbm>>)
      } else {
      }
      %dma_start3A_947 = arith.constant 6 : i32
      %dma_start3A_948 = arith.constant 2 : i32
      %dma_start3A_949 = arith.constant 6 : i32
      %dma_start3A_950 = arith.constant 0 : i32
      %dma_start3A_951 = arith.constant 0 : i32
      %dma_start3A_952 = tpu.memref_slice %arg8[%dma_start3A_947, %dma_start3A_950, %dma_start3A_951] : memref<8x8x1024xf32, #tpu.memory_space<vmem>> -> memref<1x8x1024xf32, #tpu.memory_space<vmem>>
      %dma_start3A_953 = tpu.memref_squeeze %dma_start3A_952 : memref<1x8x1024xf32, #tpu.memory_space<vmem>> -> memref<8x1024xf32, #tpu.memory_space<vmem>>
      %dma_start3A_954 = arith.constant 0 : i32
      %dma_start3A_955 = arith.constant 0 : i32
      %dma_start3A_956 = tpu.memref_slice %arg9[%arg1, %dma_start3A_948, %dma_start3A_954, %dma_start3A_955] : memref<16x4x8x1024xf32, #tpu.memory_space<vmem_shared>> -> memref<1x1x8x1024xf32, #tpu.memory_space<vmem_shared>>
      %dma_start3A_957 = tpu.memref_squeeze %dma_start3A_956 : memref<1x1x8x1024xf32, #tpu.memory_space<vmem_shared>> -> memref<8x1024xf32, #tpu.memory_space<vmem_shared>>
      %dma_start3A_958 = tpu.memref_slice %arg11[%dma_start3A_949] : memref<8x!tpu.dma_semaphore, #tpu.memory_space<semaphore_mem>> -> memref<1x!tpu.dma_semaphore, #tpu.memory_space<semaphore_mem>>
      %dma_start3A_959 = tpu.memref_squeeze %dma_start3A_958 : memref<1x!tpu.dma_semaphore, #tpu.memory_space<semaphore_mem>> -> memref<!tpu.dma_semaphore, #tpu.memory_space<semaphore_mem>>
      %dma_start3A_960 = arith.constant 0 : i32
      %dma_start3A_961 = arith.constant 0 : i32
      %dma_start3A_962 = tpu.memref_slice %arg9[%arg1, %dma_start3A_948, %dma_start3A_960, %dma_start3A_961] : memref<16x4x8x1024xf32, #tpu.memory_space<vmem_shared>> -> memref<1x1x8x1024xf32, #tpu.memory_space<vmem_shared>>
      %dma_start3A_963 = tpu.memref_squeeze %dma_start3A_962 : memref<1x1x8x1024xf32, #tpu.memory_space<vmem_shared>> -> memref<8x1024xf32, #tpu.memory_space<vmem_shared>>
      %dma_start3A_964 = arith.constant 0 : i32
      %dma_start3A_965 = arith.constant 0 : i32
      %dma_start3A_966 = tpu.memref_slice %arg8[%dma_start3A_947, %dma_start3A_964, %dma_start3A_965] : memref<8x8x1024xf32, #tpu.memory_space<vmem>> -> memref<1x8x1024xf32, #tpu.memory_space<vmem>>
      %dma_start3A_967 = tpu.memref_squeeze %dma_start3A_966 : memref<1x8x1024xf32, #tpu.memory_space<vmem>> -> memref<8x1024xf32, #tpu.memory_space<vmem>>
      tpu.enqueue_dma source(%dma_start3A_967 : memref<8x1024xf32, #tpu.memory_space<vmem>>) target(%dma_start3A_963 : memref<8x1024xf32, #tpu.memory_space<vmem_shared>>) target_semaphore(%dma_start3A_959 : memref<!tpu.dma_semaphore, #tpu.memory_space<semaphore_mem>>)
      %add3A_968 = arith.constant 8192 : i32
      %add3A_969 = arith.addi %add3A_968, %mul3A_2 : i32
      %mul3A_970 = arith.constant 8 : i32
      %mul3A_971 = arith.muli %add3A_746, %mul3A_970 : i32
      %add3A_972 = arith.addi %add3A_969, %mul3A_971 : i32
      %dma_wait3A_973 = arith.constant 5 : i32
      %dma_wait3A_974 = arith.constant 1 : i32
      %dma_wait3A_975 = arith.constant 5 : i32
      %dma_wait3A_976 = arith.constant 0 : i32
      %dma_wait3A_977 = arith.constant 0 : i32
      %dma_wait3A_978 = tpu.memref_slice %arg8[%dma_wait3A_973, %dma_wait3A_976, %dma_wait3A_977] : memref<8x8x1024xf32, #tpu.memory_space<vmem>> -> memref<1x8x1024xf32, #tpu.memory_space<vmem>>
      %dma_wait3A_979 = tpu.memref_squeeze %dma_wait3A_978 : memref<1x8x1024xf32, #tpu.memory_space<vmem>> -> memref<8x1024xf32, #tpu.memory_space<vmem>>
      %dma_wait3A_980 = arith.constant 0 : i32
      %dma_wait3A_981 = arith.constant 0 : i32
      %dma_wait3A_982 = tpu.memref_slice %arg9[%arg1, %dma_wait3A_974, %dma_wait3A_980, %dma_wait3A_981] : memref<16x4x8x1024xf32, #tpu.memory_space<vmem_shared>> -> memref<1x1x8x1024xf32, #tpu.memory_space<vmem_shared>>
      %dma_wait3A_983 = tpu.memref_squeeze %dma_wait3A_982 : memref<1x1x8x1024xf32, #tpu.memory_space<vmem_shared>> -> memref<8x1024xf32, #tpu.memory_space<vmem_shared>>
      %dma_wait3A_984 = tpu.memref_slice %arg11[%dma_wait3A_975] : memref<8x!tpu.dma_semaphore, #tpu.memory_space<semaphore_mem>> -> memref<1x!tpu.dma_semaphore, #tpu.memory_space<semaphore_mem>>
      %dma_wait3A_985 = tpu.memref_squeeze %dma_wait3A_984 : memref<1x!tpu.dma_semaphore, #tpu.memory_space<semaphore_mem>> -> memref<!tpu.dma_semaphore, #tpu.memory_space<semaphore_mem>>
      %dma_wait3A_986 = arith.constant 0 : i32
      %dma_wait3A_987 = arith.constant 0 : i32
      %dma_wait3A_988 = tpu.memref_slice %arg9[%arg1, %dma_wait3A_974, %dma_wait3A_986, %dma_wait3A_987] : memref<16x4x8x1024xf32, #tpu.memory_space<vmem_shared>> -> memref<1x1x8x1024xf32, #tpu.memory_space<vmem_shared>>
      %dma_wait3A_989 = tpu.memref_squeeze %dma_wait3A_988 : memref<1x1x8x1024xf32, #tpu.memory_space<vmem_shared>> -> memref<8x1024xf32, #tpu.memory_space<vmem_shared>>
      %dma_wait3A_990 = arith.constant 0 : i32
      %dma_wait3A_991 = arith.constant 0 : i32
      %dma_wait3A_992 = tpu.memref_slice %arg8[%dma_wait3A_973, %dma_wait3A_990, %dma_wait3A_991] : memref<8x8x1024xf32, #tpu.memory_space<vmem>> -> memref<1x8x1024xf32, #tpu.memory_space<vmem>>
      %dma_wait3A_993 = tpu.memref_squeeze %dma_wait3A_992 : memref<1x8x1024xf32, #tpu.memory_space<vmem>> -> memref<8x1024xf32, #tpu.memory_space<vmem>>
      tpu.wait_dma2 semaphore(%dma_wait3A_985 : memref<!tpu.dma_semaphore, #tpu.memory_space<semaphore_mem>>) src(%dma_wait3A_993 : memref<8x1024xf32, #tpu.memory_space<vmem>>) dst(%dma_wait3A_989 : memref<8x1024xf32, #tpu.memory_space<vmem_shared>>)
      %dma_start3A_994 = arith.constant 1 : i32
      %dma_start3A_995 = arith.constant 1 : i32
      %dma_start3A_996 = tpu.memref_slice %arg12[%dma_start3A_995] : memref<4x!tpu.dma_semaphore, #tpu.memory_space<semaphore_mem>> -> memref<1x!tpu.dma_semaphore, #tpu.memory_space<semaphore_mem>>
      %dma_start3A_997 = tpu.memref_squeeze %dma_start3A_996 : memref<1x!tpu.dma_semaphore, #tpu.memory_space<semaphore_mem>> -> memref<!tpu.dma_semaphore, #tpu.memory_space<semaphore_mem>>
      %dma_start3A_998 = arith.constant 0 : i32
      %dma_start3A_999 = tpu.memref_slice %arg5[%add3A_972, %dma_start3A_998] : memref<32768x1024xf32, #tpu.memory_space<hbm>> -> memref<8x1024xf32, #tpu.memory_space<hbm>>
      %dma_start3A_1000 = arith.constant 0 : i32
      %dma_start3A_1001 = arith.constant 0 : i32
      %dma_start3A_1002 = tpu.memref_slice %arg9[%arg1, %dma_start3A_994, %dma_start3A_1000, %dma_start3A_1001] : memref<16x4x8x1024xf32, #tpu.memory_space<vmem_shared>> -> memref<1x1x8x1024xf32, #tpu.memory_space<vmem_shared>>
      %dma_start3A_1003 = tpu.memref_squeeze %dma_start3A_1002 : memref<1x1x8x1024xf32, #tpu.memory_space<vmem_shared>> -> memref<8x1024xf32, #tpu.memory_space<vmem_shared>>
      tpu.enqueue_dma source(%dma_start3A_1003 : memref<8x1024xf32, #tpu.memory_space<vmem_shared>>) target(%dma_start3A_999 : memref<8x1024xf32, #tpu.memory_space<hbm>>) target_semaphore(%dma_start3A_997 : memref<!tpu.dma_semaphore, #tpu.memory_space<semaphore_mem>>)
      %ge3A_1004 = arith.constant 1 : i32
      %ge3A_1005 = arith.cmpi sge, %add3A_746, %ge3A_1004 : i32
      %le3A_1006 = arith.constant 30 : i32
      %le3A_1007 = arith.cmpi sle, %add3A_746, %le3A_1006 : i32
      %and3A_1008 = arith.andi %ge3A_1005, %le3A_1007 : i1
      %convert_element_type3A_1009 = arith.extui %and3A_1008 : i1 to i32
      %cond3A_1010 = arith.constant 0 : i32
      %cond3A_1011 = arith.cmpi ne, %convert_element_type3A_1009, %cond3A_1010 : i32
      scf.if %cond3A_1011 {
        %add3A_1093 = arith.constant 1 : i32
        %add3A_1094 = arith.addi %add3A_746, %add3A_1093 : i32
        %dma_start3A_1095 = arith.constant 3 : i32
        %dma_start3A_1096 = arith.constant 3 : i32
        %dma_start3A_1097 = arith.constant 3 : i32
        %dma_start3A_1098 = arith.constant 0 : i32
        %dma_start3A_1099 = arith.constant 0 : i32
        %dma_start3A_1100 = tpu.memref_slice %arg8[%dma_start3A_1096, %dma_start3A_1098, %dma_start3A_1099] : memref<8x8x1024xf32, #tpu.memory_space<vmem>> -> memref<1x8x1024xf32, #tpu.memory_space<vmem>>
        %dma_start3A_1101 = tpu.memref_squeeze %dma_start3A_1100 : memref<1x8x1024xf32, #tpu.memory_space<vmem>> -> memref<8x1024xf32, #tpu.memory_space<vmem>>
        %dma_start3A_1102 = arith.constant 0 : i32
        %dma_start3A_1103 = tpu.memref_slice %arg6[%dma_start3A_1095, %add3A_1094, %dma_start3A_1102] : memref<4x32x8xi32, #tpu.memory_space<vmem>> -> memref<1x1x8xi32, #tpu.memory_space<vmem>>
        %dma_start3A_1104 = tpu.memref_squeeze %dma_start3A_1103 : memref<1x1x8xi32, #tpu.memory_space<vmem>> -> memref<8xi32, #tpu.memory_space<vmem>>
        %dma_start3A_1105 = arith.constant 0 : i32
        %dma_start3A_1106 = arith.constant 0 : i32
        %dma_start3A_1107 = tpu.memref_slice %arg3[%dma_start3A_1105, %dma_start3A_1106] : memref<100000x1024xf32, #tpu.memory_space<hbm>> -> memref<100000x1024xf32, #tpu.memory_space<hbm>>
        %dma_start3A_1108 = tpu.memref_slice %arg10[%dma_start3A_1097] : memref<8x!tpu.dma_semaphore, #tpu.memory_space<semaphore_mem>> -> memref<1x!tpu.dma_semaphore, #tpu.memory_space<semaphore_mem>>
        %dma_start3A_1109 = tpu.memref_squeeze %dma_start3A_1108 : memref<1x!tpu.dma_semaphore, #tpu.memory_space<semaphore_mem>> -> memref<!tpu.dma_semaphore, #tpu.memory_space<semaphore_mem>>
        tpu.enqueue_indirect_dma source(%dma_start3A_1107 : memref<100000x1024xf32, #tpu.memory_space<hbm>>) target(%dma_start3A_1101 : memref<8x1024xf32, #tpu.memory_space<vmem>>) offsets(%dma_start3A_1104 : memref<8xi32, #tpu.memory_space<vmem>>) semaphore(%dma_start3A_1109 : memref<!tpu.dma_semaphore, #tpu.memory_space<semaphore_mem>>)
      } else {
      }
      %dma_wait3A_1012 = arith.constant 3 : i32
      %dma_wait3A_1013 = arith.constant 7 : i32
      %dma_wait3A_1014 = arith.constant 7 : i32
      %dma_wait3A_1015 = arith.constant 0 : i32
      %dma_wait3A_1016 = arith.constant 0 : i32
      %dma_wait3A_1017 = tpu.memref_slice %arg8[%dma_wait3A_1013, %dma_wait3A_1015, %dma_wait3A_1016] : memref<8x8x1024xf32, #tpu.memory_space<vmem>> -> memref<1x8x1024xf32, #tpu.memory_space<vmem>>
      %dma_wait3A_1018 = tpu.memref_squeeze %dma_wait3A_1017 : memref<1x8x1024xf32, #tpu.memory_space<vmem>> -> memref<8x1024xf32, #tpu.memory_space<vmem>>
      %dma_wait3A_1019 = arith.constant 0 : i32
      %dma_wait3A_1020 = tpu.memref_slice %arg6[%dma_wait3A_1012, %add3A_746, %dma_wait3A_1019] : memref<4x32x8xi32, #tpu.memory_space<vmem>> -> memref<1x1x8xi32, #tpu.memory_space<vmem>>
      %dma_wait3A_1021 = tpu.memref_squeeze %dma_wait3A_1020 : memref<1x1x8xi32, #tpu.memory_space<vmem>> -> memref<8xi32, #tpu.memory_space<vmem>>
      %dma_wait3A_1022 = arith.constant 0 : i32
      %dma_wait3A_1023 = arith.constant 0 : i32
      %dma_wait3A_1024 = tpu.memref_slice %arg3[%dma_wait3A_1022, %dma_wait3A_1023] : memref<100000x1024xf32, #tpu.memory_space<hbm>> -> memref<100000x1024xf32, #tpu.memory_space<hbm>>
      %dma_wait3A_1025 = tpu.memref_slice %arg10[%dma_wait3A_1014] : memref<8x!tpu.dma_semaphore, #tpu.memory_space<semaphore_mem>> -> memref<1x!tpu.dma_semaphore, #tpu.memory_space<semaphore_mem>>
      %dma_wait3A_1026 = tpu.memref_squeeze %dma_wait3A_1025 : memref<1x!tpu.dma_semaphore, #tpu.memory_space<semaphore_mem>> -> memref<!tpu.dma_semaphore, #tpu.memory_space<semaphore_mem>>
      tpu.wait_indirect_dma semaphore(%dma_wait3A_1026 : memref<!tpu.dma_semaphore, #tpu.memory_space<semaphore_mem>>) src(%dma_wait3A_1024 : memref<100000x1024xf32, #tpu.memory_space<hbm>>) dst(%dma_wait3A_1018 : memref<8x1024xf32, #tpu.memory_space<vmem>>)
      %parallel_loop3A_1027 = arith.constant 0 : i32
      %parallel_loop3A_1028 = arith.constant 64 : i32
      %parallel_loop3A_1029 = arith.constant 1 : i32
      scf.for %parallel_loop3A_1093 = %parallel_loop3A_1027 to %parallel_loop3A_1028 step %parallel_loop3A_1029  : i32 {
        %parallel_loop3A_1094 = arith.constant 16 : i32
        %parallel_loop3A_1095 = arith.muli %parallel_loop3A_1093, %parallel_loop3A_1094 : i32
        %parallel_loop3A_1096 = arith.constant 1 : i32
        %parallel_loop3A_1097 = arith.constant 0 : i32
        %parallel_loop3A_1098 = arith.index_cast %parallel_loop3A_1096 : i32 to index
        %parallel_loop3A_1099 = arith.index_cast %parallel_loop3A_1097 : i32 to index
        %parallel_loop3A_1100 = arith.index_cast %parallel_loop3A_1095 : i32 to index
        %parallel_loop3A_1101 = tpu.vector_load %arg7[%parallel_loop3A_1098, %parallel_loop3A_1099, %parallel_loop3A_1100] {strides = array<i32>} : memref<2x8x1024xf32, #tpu.memory_space<vmem>>, vector<1x1x16xf32>,
        %parallel_loop3A_1102 = vector.shape_cast %parallel_loop3A_1101 : vector<1x1x16xf32> to vector<16xf32>
        %parallel_loop3A_1103 = arith.constant 7 : i32
        %parallel_loop3A_1104 = arith.constant 0 : i32
        %parallel_loop3A_1105 = arith.index_cast %parallel_loop3A_1103 : i32 to index
        %parallel_loop3A_1106 = arith.index_cast %parallel_loop3A_1104 : i32 to index
        %parallel_loop3A_1107 = arith.index_cast %parallel_loop3A_1095 : i32 to index
        %parallel_loop3A_1108 = tpu.vector_load %arg8[%parallel_loop3A_1105, %parallel_loop3A_1106, %parallel_loop3A_1107] {strides = array<i32>} : memref<8x8x1024xf32, #tpu.memory_space<vmem>>, vector<1x1x16xf32>,
        %parallel_loop3A_1109 = vector.shape_cast %parallel_loop3A_1108 : vector<1x1x16xf32> to vector<16xf32>
        %parallel_loop3A_1110 = vector.shape_cast %parallel_loop3A_1102 : vector<16xf32> to vector<1x1x16xf32>
        tpu.vector_store %arg8[%parallel_loop3A_1105, %parallel_loop3A_1106, %parallel_loop3A_1107], %parallel_loop3A_1110 {add = true, strides = array<i32>} : memref<8x8x1024xf32, #tpu.memory_space<vmem>>, vector<1x1x16xf32>,
        %parallel_loop3A_1111 = arith.constant 1 : i32
        %parallel_loop3A_1112 = arith.constant 1 : i32
        %parallel_loop3A_1113 = arith.index_cast %parallel_loop3A_1111 : i32 to index
        %parallel_loop3A_1114 = arith.index_cast %parallel_loop3A_1112 : i32 to index
        %parallel_loop3A_1115 = arith.index_cast %parallel_loop3A_1095 : i32 to index
        %parallel_loop3A_1116 = tpu.vector_load %arg7[%parallel_loop3A_1113, %parallel_loop3A_1114, %parallel_loop3A_1115] {strides = array<i32>} : memref<2x8x1024xf32, #tpu.memory_space<vmem>>, vector<1x1x16xf32>,
        %parallel_loop3A_1117 = vector.shape_cast %parallel_loop3A_1116 : vector<1x1x16xf32> to vector<16xf32>
        %parallel_loop3A_1118 = arith.constant 7 : i32
        %parallel_loop3A_1119 = arith.constant 1 : i32
        %parallel_loop3A_1120 = arith.index_cast %parallel_loop3A_1118 : i32 to index
        %parallel_loop3A_1121 = arith.index_cast %parallel_loop3A_1119 : i32 to index
        %parallel_loop3A_1122 = arith.index_cast %parallel_loop3A_1095 : i32 to index
        %parallel_loop3A_1123 = tpu.vector_load %arg8[%parallel_loop3A_1120, %parallel_loop3A_1121, %parallel_loop3A_1122] {strides = array<i32>} : memref<8x8x1024xf32, #tpu.memory_space<vmem>>, vector<1x1x16xf32>,
        %parallel_loop3A_1124 = vector.shape_cast %parallel_loop3A_1123 : vector<1x1x16xf32> to vector<16xf32>
        %parallel_loop3A_1125 = vector.shape_cast %parallel_loop3A_1117 : vector<16xf32> to vector<1x1x16xf32>
        tpu.vector_store %arg8[%parallel_loop3A_1120, %parallel_loop3A_1121, %parallel_loop3A_1122], %parallel_loop3A_1125 {add = true, strides = array<i32>} : memref<8x8x1024xf32, #tpu.memory_space<vmem>>, vector<1x1x16xf32>,
        %parallel_loop3A_1126 = arith.constant 1 : i32
        %parallel_loop3A_1127 = arith.constant 2 : i32
        %parallel_loop3A_1128 = arith.index_cast %parallel_loop3A_1126 : i32 to index
        %parallel_loop3A_1129 = arith.index_cast %parallel_loop3A_1127 : i32 to index
        %parallel_loop3A_1130 = arith.index_cast %parallel_loop3A_1095 : i32 to index
        %parallel_loop3A_1131 = tpu.vector_load %arg7[%parallel_loop3A_1128, %parallel_loop3A_1129, %parallel_loop3A_1130] {strides = array<i32>} : memref<2x8x1024xf32, #tpu.memory_space<vmem>>, vector<1x1x16xf32>,
        %parallel_loop3A_1132 = vector.shape_cast %parallel_loop3A_1131 : vector<1x1x16xf32> to vector<16xf32>
        %parallel_loop3A_1133 = arith.constant 7 : i32
        %parallel_loop3A_1134 = arith.constant 2 : i32
        %parallel_loop3A_1135 = arith.index_cast %parallel_loop3A_1133 : i32 to index
        %parallel_loop3A_1136 = arith.index_cast %parallel_loop3A_1134 : i32 to index
        %parallel_loop3A_1137 = arith.index_cast %parallel_loop3A_1095 : i32 to index
        %parallel_loop3A_1138 = tpu.vector_load %arg8[%parallel_loop3A_1135, %parallel_loop3A_1136, %parallel_loop3A_1137] {strides = array<i32>} : memref<8x8x1024xf32, #tpu.memory_space<vmem>>, vector<1x1x16xf32>,
        %parallel_loop3A_1139 = vector.shape_cast %parallel_loop3A_1138 : vector<1x1x16xf32> to vector<16xf32>
        %parallel_loop3A_1140 = vector.shape_cast %parallel_loop3A_1132 : vector<16xf32> to vector<1x1x16xf32>
        tpu.vector_store %arg8[%parallel_loop3A_1135, %parallel_loop3A_1136, %parallel_loop3A_1137], %parallel_loop3A_1140 {add = true, strides = array<i32>} : memref<8x8x1024xf32, #tpu.memory_space<vmem>>, vector<1x1x16xf32>,
        %parallel_loop3A_1141 = arith.constant 1 : i32
        %parallel_loop3A_1142 = arith.constant 3 : i32
        %parallel_loop3A_1143 = arith.index_cast %parallel_loop3A_1141 : i32 to index
        %parallel_loop3A_1144 = arith.index_cast %parallel_loop3A_1142 : i32 to index
        %parallel_loop3A_1145 = arith.index_cast %parallel_loop3A_1095 : i32 to index
        %parallel_loop3A_1146 = tpu.vector_load %arg7[%parallel_loop3A_1143, %parallel_loop3A_1144, %parallel_loop3A_1145] {strides = array<i32>} : memref<2x8x1024xf32, #tpu.memory_space<vmem>>, vector<1x1x16xf32>,
        %parallel_loop3A_1147 = vector.shape_cast %parallel_loop3A_1146 : vector<1x1x16xf32> to vector<16xf32>
        %parallel_loop3A_1148 = arith.constant 7 : i32
        %parallel_loop3A_1149 = arith.constant 3 : i32
        %parallel_loop3A_1150 = arith.index_cast %parallel_loop3A_1148 : i32 to index
        %parallel_loop3A_1151 = arith.index_cast %parallel_loop3A_1149 : i32 to index
        %parallel_loop3A_1152 = arith.index_cast %parallel_loop3A_1095 : i32 to index
        %parallel_loop3A_1153 = tpu.vector_load %arg8[%parallel_loop3A_1150, %parallel_loop3A_1151, %parallel_loop3A_1152] {strides = array<i32>} : memref<8x8x1024xf32, #tpu.memory_space<vmem>>, vector<1x1x16xf32>,
        %parallel_loop3A_1154 = vector.shape_cast %parallel_loop3A_1153 : vector<1x1x16xf32> to vector<16xf32>
        %parallel_loop3A_1155 = vector.shape_cast %parallel_loop3A_1147 : vector<16xf32> to vector<1x1x16xf32>
        tpu.vector_store %arg8[%parallel_loop3A_1150, %parallel_loop3A_1151, %parallel_loop3A_1152], %parallel_loop3A_1155 {add = true, strides = array<i32>} : memref<8x8x1024xf32, #tpu.memory_space<vmem>>, vector<1x1x16xf32>,
        %parallel_loop3A_1156 = arith.constant 1 : i32
        %parallel_loop3A_1157 = arith.constant 4 : i32
        %parallel_loop3A_1158 = arith.index_cast %parallel_loop3A_1156 : i32 to index
        %parallel_loop3A_1159 = arith.index_cast %parallel_loop3A_1157 : i32 to index
        %parallel_loop3A_1160 = arith.index_cast %parallel_loop3A_1095 : i32 to index
        %parallel_loop3A_1161 = tpu.vector_load %arg7[%parallel_loop3A_1158, %parallel_loop3A_1159, %parallel_loop3A_1160] {strides = array<i32>} : memref<2x8x1024xf32, #tpu.memory_space<vmem>>, vector<1x1x16xf32>,
        %parallel_loop3A_1162 = vector.shape_cast %parallel_loop3A_1161 : vector<1x1x16xf32> to vector<16xf32>
        %parallel_loop3A_1163 = arith.constant 7 : i32
        %parallel_loop3A_1164 = arith.constant 4 : i32
        %parallel_loop3A_1165 = arith.index_cast %parallel_loop3A_1163 : i32 to index
        %parallel_loop3A_1166 = arith.index_cast %parallel_loop3A_1164 : i32 to index
        %parallel_loop3A_1167 = arith.index_cast %parallel_loop3A_1095 : i32 to index
        %parallel_loop3A_1168 = tpu.vector_load %arg8[%parallel_loop3A_1165, %parallel_loop3A_1166, %parallel_loop3A_1167] {strides = array<i32>} : memref<8x8x1024xf32, #tpu.memory_space<vmem>>, vector<1x1x16xf32>,
        %parallel_loop3A_1169 = vector.shape_cast %parallel_loop3A_1168 : vector<1x1x16xf32> to vector<16xf32>
        %parallel_loop3A_1170 = vector.shape_cast %parallel_loop3A_1162 : vector<16xf32> to vector<1x1x16xf32>
        tpu.vector_store %arg8[%parallel_loop3A_1165, %parallel_loop3A_1166, %parallel_loop3A_1167], %parallel_loop3A_1170 {add = true, strides = array<i32>} : memref<8x8x1024xf32, #tpu.memory_space<vmem>>, vector<1x1x16xf32>,
        %parallel_loop3A_1171 = arith.constant 1 : i32
        %parallel_loop3A_1172 = arith.constant 5 : i32
        %parallel_loop3A_1173 = arith.index_cast %parallel_loop3A_1171 : i32 to index
        %parallel_loop3A_1174 = arith.index_cast %parallel_loop3A_1172 : i32 to index
        %parallel_loop3A_1175 = arith.index_cast %parallel_loop3A_1095 : i32 to index
        %parallel_loop3A_1176 = tpu.vector_load %arg7[%parallel_loop3A_1173, %parallel_loop3A_1174, %parallel_loop3A_1175] {strides = array<i32>} : memref<2x8x1024xf32, #tpu.memory_space<vmem>>, vector<1x1x16xf32>,
        %parallel_loop3A_1177 = vector.shape_cast %parallel_loop3A_1176 : vector<1x1x16xf32> to vector<16xf32>
        %parallel_loop3A_1178 = arith.constant 7 : i32
        %parallel_loop3A_1179 = arith.constant 5 : i32
        %parallel_loop3A_1180 = arith.index_cast %parallel_loop3A_1178 : i32 to index
        %parallel_loop3A_1181 = arith.index_cast %parallel_loop3A_1179 : i32 to index
        %parallel_loop3A_1182 = arith.index_cast %parallel_loop3A_1095 : i32 to index
        %parallel_loop3A_1183 = tpu.vector_load %arg8[%parallel_loop3A_1180, %parallel_loop3A_1181, %parallel_loop3A_1182] {strides = array<i32>} : memref<8x8x1024xf32, #tpu.memory_space<vmem>>, vector<1x1x16xf32>,
        %parallel_loop3A_1184 = vector.shape_cast %parallel_loop3A_1183 : vector<1x1x16xf32> to vector<16xf32>
        %parallel_loop3A_1185 = vector.shape_cast %parallel_loop3A_1177 : vector<16xf32> to vector<1x1x16xf32>
        tpu.vector_store %arg8[%parallel_loop3A_1180, %parallel_loop3A_1181, %parallel_loop3A_1182], %parallel_loop3A_1185 {add = true, strides = array<i32>} : memref<8x8x1024xf32, #tpu.memory_space<vmem>>, vector<1x1x16xf32>,
        %parallel_loop3A_1186 = arith.constant 1 : i32
        %parallel_loop3A_1187 = arith.constant 6 : i32
        %parallel_loop3A_1188 = arith.index_cast %parallel_loop3A_1186 : i32 to index
        %parallel_loop3A_1189 = arith.index_cast %parallel_loop3A_1187 : i32 to index
        %parallel_loop3A_1190 = arith.index_cast %parallel_loop3A_1095 : i32 to index
        %parallel_loop3A_1191 = tpu.vector_load %arg7[%parallel_loop3A_1188, %parallel_loop3A_1189, %parallel_loop3A_1190] {strides = array<i32>} : memref<2x8x1024xf32, #tpu.memory_space<vmem>>, vector<1x1x16xf32>,
        %parallel_loop3A_1192 = vector.shape_cast %parallel_loop3A_1191 : vector<1x1x16xf32> to vector<16xf32>
        %parallel_loop3A_1193 = arith.constant 7 : i32
        %parallel_loop3A_1194 = arith.constant 6 : i32
        %parallel_loop3A_1195 = arith.index_cast %parallel_loop3A_1193 : i32 to index
        %parallel_loop3A_1196 = arith.index_cast %parallel_loop3A_1194 : i32 to index
        %parallel_loop3A_1197 = arith.index_cast %parallel_loop3A_1095 : i32 to index
        %parallel_loop3A_1198 = tpu.vector_load %arg8[%parallel_loop3A_1195, %parallel_loop3A_1196, %parallel_loop3A_1197] {strides = array<i32>} : memref<8x8x1024xf32, #tpu.memory_space<vmem>>, vector<1x1x16xf32>,
        %parallel_loop3A_1199 = vector.shape_cast %parallel_loop3A_1198 : vector<1x1x16xf32> to vector<16xf32>
        %parallel_loop3A_1200 = vector.shape_cast %parallel_loop3A_1192 : vector<16xf32> to vector<1x1x16xf32>
        tpu.vector_store %arg8[%parallel_loop3A_1195, %parallel_loop3A_1196, %parallel_loop3A_1197], %parallel_loop3A_1200 {add = true, strides = array<i32>} : memref<8x8x1024xf32, #tpu.memory_space<vmem>>, vector<1x1x16xf32>,
        %parallel_loop3A_1201 = arith.constant 1 : i32
        %parallel_loop3A_1202 = arith.constant 7 : i32
        %parallel_loop3A_1203 = arith.index_cast %parallel_loop3A_1201 : i32 to index
        %parallel_loop3A_1204 = arith.index_cast %parallel_loop3A_1202 : i32 to index
        %parallel_loop3A_1205 = arith.index_cast %parallel_loop3A_1095 : i32 to index
        %parallel_loop3A_1206 = tpu.vector_load %arg7[%parallel_loop3A_1203, %parallel_loop3A_1204, %parallel_loop3A_1205] {strides = array<i32>} : memref<2x8x1024xf32, #tpu.memory_space<vmem>>, vector<1x1x16xf32>,
        %parallel_loop3A_1207 = vector.shape_cast %parallel_loop3A_1206 : vector<1x1x16xf32> to vector<16xf32>
        %parallel_loop3A_1208 = arith.constant 7 : i32
        %parallel_loop3A_1209 = arith.constant 7 : i32
        %parallel_loop3A_1210 = arith.index_cast %parallel_loop3A_1208 : i32 to index
        %parallel_loop3A_1211 = arith.index_cast %parallel_loop3A_1209 : i32 to index
        %parallel_loop3A_1212 = arith.index_cast %parallel_loop3A_1095 : i32 to index
        %parallel_loop3A_1213 = tpu.vector_load %arg8[%parallel_loop3A_1210, %parallel_loop3A_1211, %parallel_loop3A_1212] {strides = array<i32>} : memref<8x8x1024xf32, #tpu.memory_space<vmem>>, vector<1x1x16xf32>,
        %parallel_loop3A_1214 = vector.shape_cast %parallel_loop3A_1213 : vector<1x1x16xf32> to vector<16xf32>
        %parallel_loop3A_1215 = vector.shape_cast %parallel_loop3A_1207 : vector<16xf32> to vector<1x1x16xf32>
        tpu.vector_store %arg8[%parallel_loop3A_1210, %parallel_loop3A_1211, %parallel_loop3A_1212], %parallel_loop3A_1215 {add = true, strides = array<i32>} : memref<8x8x1024xf32, #tpu.memory_space<vmem>>, vector<1x1x16xf32>,
      } {sc.loop_unroll_factor = 2 : i64, sc.parallel_access}
      %ge3A_1030 = arith.constant 1 : i32
      %ge3A_1031 = arith.cmpi sge, %add3A_746, %ge3A_1030 : i32
      %convert_element_type3A_1032 = arith.extui %ge3A_1031 : i1 to i32
      %cond3A_1033 = arith.constant 0 : i32
      %cond3A_1034 = arith.cmpi ne, %convert_element_type3A_1032, %cond3A_1033 : i32
      scf.if %cond3A_1034 {
        %dma_wait3A_1093 = arith.constant 3 : i32
        %dma_wait3A_1094 = arith.constant 3 : i32
        %dma_wait3A_1095 = tpu.memref_slice %arg12[%dma_wait3A_1094] : memref<4x!tpu.dma_semaphore, #tpu.memory_space<semaphore_mem>> -> memref<1x!tpu.dma_semaphore, #tpu.memory_space<semaphore_mem>>
        %dma_wait3A_1096 = tpu.memref_squeeze %dma_wait3A_1095 : memref<1x!tpu.dma_semaphore, #tpu.memory_space<semaphore_mem>> -> memref<!tpu.dma_semaphore, #tpu.memory_space<semaphore_mem>>
        %dma_wait3A_1097 = arith.constant 0 : i32
        %dma_wait3A_1098 = arith.constant 0 : i32
        %dma_wait3A_1099 = tpu.memref_slice %arg5[%dma_wait3A_1097, %dma_wait3A_1098] : memref<32768x1024xf32, #tpu.memory_space<hbm>> -> memref<8x1024xf32, #tpu.memory_space<hbm>>
        %dma_wait3A_1100 = arith.constant 0 : i32
        %dma_wait3A_1101 = arith.constant 0 : i32
        %dma_wait3A_1102 = tpu.memref_slice %arg9[%arg1, %dma_wait3A_1093, %dma_wait3A_1100, %dma_wait3A_1101] : memref<16x4x8x1024xf32, #tpu.memory_space<vmem_shared>> -> memref<1x1x8x1024xf32, #tpu.memory_space<vmem_shared>>
        %dma_wait3A_1103 = tpu.memref_squeeze %dma_wait3A_1102 : memref<1x1x8x1024xf32, #tpu.memory_space<vmem_shared>> -> memref<8x1024xf32, #tpu.memory_space<vmem_shared>>
        tpu.wait_dma2 semaphore(%dma_wait3A_1096 : memref<!tpu.dma_semaphore, #tpu.memory_space<semaphore_mem>>) src(%dma_wait3A_1103 : memref<8x1024xf32, #tpu.memory_space<vmem_shared>>) dst(%dma_wait3A_1099 : memref<8x1024xf32, #tpu.memory_space<hbm>>)
      } else {
      }
      %dma_start3A_1035 = arith.constant 7 : i32
      %dma_start3A_1036 = arith.constant 3 : i32
      %dma_start3A_1037 = arith.constant 7 : i32
      %dma_start3A_1038 = arith.constant 0 : i32
      %dma_start3A_1039 = arith.constant 0 : i32
      %dma_start3A_1040 = tpu.memref_slice %arg8[%dma_start3A_1035, %dma_start3A_1038, %dma_start3A_1039] : memref<8x8x1024xf32, #tpu.memory_space<vmem>> -> memref<1x8x1024xf32, #tpu.memory_space<vmem>>
      %dma_start3A_1041 = tpu.memref_squeeze %dma_start3A_1040 : memref<1x8x1024xf32, #tpu.memory_space<vmem>> -> memref<8x1024xf32, #tpu.memory_space<vmem>>
      %dma_start3A_1042 = arith.constant 0 : i32
      %dma_start3A_1043 = arith.constant 0 : i32
      %dma_start3A_1044 = tpu.memref_slice %arg9[%arg1, %dma_start3A_1036, %dma_start3A_1042, %dma_start3A_1043] : memref<16x4x8x1024xf32, #tpu.memory_space<vmem_shared>> -> memref<1x1x8x1024xf32, #tpu.memory_space<vmem_shared>>
      %dma_start3A_1045 = tpu.memref_squeeze %dma_start3A_1044 : memref<1x1x8x1024xf32, #tpu.memory_space<vmem_shared>> -> memref<8x1024xf32, #tpu.memory_space<vmem_shared>>
      %dma_start3A_1046 = tpu.memref_slice %arg11[%dma_start3A_1037] : memref<8x!tpu.dma_semaphore, #tpu.memory_space<semaphore_mem>> -> memref<1x!tpu.dma_semaphore, #tpu.memory_space<semaphore_mem>>
      %dma_start3A_1047 = tpu.memref_squeeze %dma_start3A_1046 : memref<1x!tpu.dma_semaphore, #tpu.memory_space<semaphore_mem>> -> memref<!tpu.dma_semaphore, #tpu.memory_space<semaphore_mem>>
      %dma_start3A_1048 = arith.constant 0 : i32
      %dma_start3A_1049 = arith.constant 0 : i32
      %dma_start3A_1050 = tpu.memref_slice %arg9[%arg1, %dma_start3A_1036, %dma_start3A_1048, %dma_start3A_1049] : memref<16x4x8x1024xf32, #tpu.memory_space<vmem_shared>> -> memref<1x1x8x1024xf32, #tpu.memory_space<vmem_shared>>
      %dma_start3A_1051 = tpu.memref_squeeze %dma_start3A_1050 : memref<1x1x8x1024xf32, #tpu.memory_space<vmem_shared>> -> memref<8x1024xf32, #tpu.memory_space<vmem_shared>>
      %dma_start3A_1052 = arith.constant 0 : i32
      %dma_start3A_1053 = arith.constant 0 : i32
      %dma_start3A_1054 = tpu.memref_slice %arg8[%dma_start3A_1035, %dma_start3A_1052, %dma_start3A_1053] : memref<8x8x1024xf32, #tpu.memory_space<vmem>> -> memref<1x8x1024xf32, #tpu.memory_space<vmem>>
      %dma_start3A_1055 = tpu.memref_squeeze %dma_start3A_1054 : memref<1x8x1024xf32, #tpu.memory_space<vmem>> -> memref<8x1024xf32, #tpu.memory_space<vmem>>
      tpu.enqueue_dma source(%dma_start3A_1055 : memref<8x1024xf32, #tpu.memory_space<vmem>>) target(%dma_start3A_1051 : memref<8x1024xf32, #tpu.memory_space<vmem_shared>>) target_semaphore(%dma_start3A_1047 : memref<!tpu.dma_semaphore, #tpu.memory_space<semaphore_mem>>)
      %add3A_1056 = arith.constant 16384 : i32
      %add3A_1057 = arith.addi %add3A_1056, %mul3A_2 : i32
      %mul3A_1058 = arith.constant 8 : i32
      %mul3A_1059 = arith.muli %add3A_746, %mul3A_1058 : i32
      %add3A_1060 = arith.addi %add3A_1057, %mul3A_1059 : i32
      %dma_wait3A_1061 = arith.constant 6 : i32
      %dma_wait3A_1062 = arith.constant 2 : i32
      %dma_wait3A_1063 = arith.constant 6 : i32
      %dma_wait3A_1064 = arith.constant 0 : i32
      %dma_wait3A_1065 = arith.constant 0 : i32
      %dma_wait3A_1066 = tpu.memref_slice %arg8[%dma_wait3A_1061, %dma_wait3A_1064, %dma_wait3A_1065] : memref<8x8x1024xf32, #tpu.memory_space<vmem>> -> memref<1x8x1024xf32, #tpu.memory_space<vmem>>
      %dma_wait3A_1067 = tpu.memref_squeeze %dma_wait3A_1066 : memref<1x8x1024xf32, #tpu.memory_space<vmem>> -> memref<8x1024xf32, #tpu.memory_space<vmem>>
      %dma_wait3A_1068 = arith.constant 0 : i32
      %dma_wait3A_1069 = arith.constant 0 : i32
      %dma_wait3A_1070 = tpu.memref_slice %arg9[%arg1, %dma_wait3A_1062, %dma_wait3A_1068, %dma_wait3A_1069] : memref<16x4x8x1024xf32, #tpu.memory_space<vmem_shared>> -> memref<1x1x8x1024xf32, #tpu.memory_space<vmem_shared>>
      %dma_wait3A_1071 = tpu.memref_squeeze %dma_wait3A_1070 : memref<1x1x8x1024xf32, #tpu.memory_space<vmem_shared>> -> memref<8x1024xf32, #tpu.memory_space<vmem_shared>>
      %dma_wait3A_1072 = tpu.memref_slice %arg11[%dma_wait3A_1063] : memref<8x!tpu.dma_semaphore, #tpu.memory_space<semaphore_mem>> -> memref<1x!tpu.dma_semaphore, #tpu.memory_space<semaphore_mem>>
      %dma_wait3A_1073 = tpu.memref_squeeze %dma_wait3A_1072 : memref<1x!tpu.dma_semaphore, #tpu.memory_space<semaphore_mem>> -> memref<!tpu.dma_semaphore, #tpu.memory_space<semaphore_mem>>
      %dma_wait3A_1074 = arith.constant 0 : i32
      %dma_wait3A_1075 = arith.constant 0 : i32
      %dma_wait3A_1076 = tpu.memref_slice %arg9[%arg1, %dma_wait3A_1062, %dma_wait3A_1074, %dma_wait3A_1075] : memref<16x4x8x1024xf32, #tpu.memory_space<vmem_shared>> -> memref<1x1x8x1024xf32, #tpu.memory_space<vmem_shared>>
      %dma_wait3A_1077 = tpu.memref_squeeze %dma_wait3A_1076 : memref<1x1x8x1024xf32, #tpu.memory_space<vmem_shared>> -> memref<8x1024xf32, #tpu.memory_space<vmem_shared>>
      %dma_wait3A_1078 = arith.constant 0 : i32
      %dma_wait3A_1079 = arith.constant 0 : i32
      %dma_wait3A_1080 = tpu.memref_slice %arg8[%dma_wait3A_1061, %dma_wait3A_1078, %dma_wait3A_1079] : memref<8x8x1024xf32, #tpu.memory_space<vmem>> -> memref<1x8x1024xf32, #tpu.memory_space<vmem>>
      %dma_wait3A_1081 = tpu.memref_squeeze %dma_wait3A_1080 : memref<1x8x1024xf32, #tpu.memory_space<vmem>> -> memref<8x1024xf32, #tpu.memory_space<vmem>>
      tpu.wait_dma2 semaphore(%dma_wait3A_1073 : memref<!tpu.dma_semaphore, #tpu.memory_space<semaphore_mem>>) src(%dma_wait3A_1081 : memref<8x1024xf32, #tpu.memory_space<vmem>>) dst(%dma_wait3A_1077 : memref<8x1024xf32, #tpu.memory_space<vmem_shared>>)
      %dma_start3A_1082 = arith.constant 2 : i32
      %dma_start3A_1083 = arith.constant 2 : i32
      %dma_start3A_1084 = tpu.memref_slice %arg12[%dma_start3A_1083] : memref<4x!tpu.dma_semaphore, #tpu.memory_space<semaphore_mem>> -> memref<1x!tpu.dma_semaphore, #tpu.memory_space<semaphore_mem>>
      %dma_start3A_1085 = tpu.memref_squeeze %dma_start3A_1084 : memref<1x!tpu.dma_semaphore, #tpu.memory_space<semaphore_mem>> -> memref<!tpu.dma_semaphore, #tpu.memory_space<semaphore_mem>>
      %dma_start3A_1086 = arith.constant 0 : i32
      %dma_start3A_1087 = tpu.memref_slice %arg5[%add3A_1060, %dma_start3A_1086] : memref<32768x1024xf32, #tpu.memory_space<hbm>> -> memref<8x1024xf32, #tpu.memory_space<hbm>>
      %dma_start3A_1088 = arith.constant 0 : i32
      %dma_start3A_1089 = arith.constant 0 : i32
      %dma_start3A_1090 = tpu.memref_slice %arg9[%arg1, %dma_start3A_1082, %dma_start3A_1088, %dma_start3A_1089] : memref<16x4x8x1024xf32, #tpu.memory_space<vmem_shared>> -> memref<1x1x8x1024xf32, #tpu.memory_space<vmem_shared>>
      %dma_start3A_1091 = tpu.memref_squeeze %dma_start3A_1090 : memref<1x1x8x1024xf32, #tpu.memory_space<vmem_shared>> -> memref<8x1024xf32, #tpu.memory_space<vmem_shared>>
      tpu.enqueue_dma source(%dma_start3A_1091 : memref<8x1024xf32, #tpu.memory_space<vmem_shared>>) target(%dma_start3A_1087 : memref<8x1024xf32, #tpu.memory_space<hbm>>) target_semaphore(%dma_start3A_1085 : memref<!tpu.dma_semaphore, #tpu.memory_space<semaphore_mem>>)
      %scan3A_1092 = arith.constant 0 : i32
      scf.yield %scan3A_1092 : i32
    }
    %scan3A_318 = arith.constant 16 : i32
    %add3A_319 = arith.constant 24576 : i32
    %add3A_320 = arith.addi %add3A_319, %mul3A_2 : i32
    %add3A_321 = arith.constant 248 : i32
    %add3A_322 = arith.addi %add3A_320, %add3A_321 : i32
    %dma_wait3A_323 = arith.constant 7 : i32
    %dma_wait3A_324 = arith.constant 3 : i32
    %dma_wait3A_325 = arith.constant 7 : i32
    %dma_wait3A_326 = arith.constant 0 : i32
    %dma_wait3A_327 = arith.constant 0 : i32
    %dma_wait3A_328 = tpu.memref_slice %arg8[%dma_wait3A_323, %dma_wait3A_326, %dma_wait3A_327] : memref<8x8x1024xf32, #tpu.memory_space<vmem>> -> memref<1x8x1024xf32, #tpu.memory_space<vmem>>
    %dma_wait3A_329 = tpu.memref_squeeze %dma_wait3A_328 : memref<1x8x1024xf32, #tpu.memory_space<vmem>> -> memref<8x1024xf32, #tpu.memory_space<vmem>>
    %dma_wait3A_330 = arith.constant 0 : i32
    %dma_wait3A_331 = arith.constant 0 : i32
    %dma_wait3A_332 = tpu.memref_slice %arg9[%arg1, %dma_wait3A_324, %dma_wait3A_330, %dma_wait3A_331] : memref<16x4x8x1024xf32, #tpu.memory_space<vmem_shared>> -> memref<1x1x8x1024xf32, #tpu.memory_space<vmem_shared>>
    %dma_wait3A_333 = tpu.memref_squeeze %dma_wait3A_332 : memref<1x1x8x1024xf32, #tpu.memory_space<vmem_shared>> -> memref<8x1024xf32, #tpu.memory_space<vmem_shared>>
    %dma_wait3A_334 = tpu.memref_slice %arg11[%dma_wait3A_325] : memref<8x!tpu.dma_semaphore, #tpu.memory_space<semaphore_mem>> -> memref<1x!tpu.dma_semaphore, #tpu.memory_space<semaphore_mem>>
    %dma_wait3A_335 = tpu.memref_squeeze %dma_wait3A_334 : memref<1x!tpu.dma_semaphore, #tpu.memory_space<semaphore_mem>> -> memref<!tpu.dma_semaphore, #tpu.memory_space<semaphore_mem>>
    %dma_wait3A_336 = arith.constant 0 : i32
    %dma_wait3A_337 = arith.constant 0 : i32
    %dma_wait3A_338 = tpu.memref_slice %arg9[%arg1, %dma_wait3A_324, %dma_wait3A_336, %dma_wait3A_337] : memref<16x4x8x1024xf32, #tpu.memory_space<vmem_shared>> -> memref<1x1x8x1024xf32, #tpu.memory_space<vmem_shared>>
    %dma_wait3A_339 = tpu.memref_squeeze %dma_wait3A_338 : memref<1x1x8x1024xf32, #tpu.memory_space<vmem_shared>> -> memref<8x1024xf32, #tpu.memory_space<vmem_shared>>
    %dma_wait3A_340 = arith.constant 0 : i32
    %dma_wait3A_341 = arith.constant 0 : i32
    %dma_wait3A_342 = tpu.memref_slice %arg8[%dma_wait3A_323, %dma_wait3A_340, %dma_wait3A_341] : memref<8x8x1024xf32, #tpu.memory_space<vmem>> -> memref<1x8x1024xf32, #tpu.memory_space<vmem>>
    %dma_wait3A_343 = tpu.memref_squeeze %dma_wait3A_342 : memref<1x8x1024xf32, #tpu.memory_space<vmem>> -> memref<8x1024xf32, #tpu.memory_space<vmem>>
    tpu.wait_dma2 semaphore(%dma_wait3A_335 : memref<!tpu.dma_semaphore, #tpu.memory_space<semaphore_mem>>) src(%dma_wait3A_343 : memref<8x1024xf32, #tpu.memory_space<vmem>>) dst(%dma_wait3A_339 : memref<8x1024xf32, #tpu.memory_space<vmem_shared>>)
    %dma_start3A_344 = arith.constant 3 : i32
    %dma_start3A_345 = arith.constant 3 : i32
    %dma_start3A_346 = tpu.memref_slice %arg12[%dma_start3A_345] : memref<4x!tpu.dma_semaphore, #tpu.memory_space<semaphore_mem>> -> memref<1x!tpu.dma_semaphore, #tpu.memory_space<semaphore_mem>>
    %dma_start3A_347 = tpu.memref_squeeze %dma_start3A_346 : memref<1x!tpu.dma_semaphore, #tpu.memory_space<semaphore_mem>> -> memref<!tpu.dma_semaphore, #tpu.memory_space<semaphore_mem>>
    %dma_start3A_348 = arith.constant 0 : i32
    %dma_start3A_349 = tpu.memref_slice %arg5[%add3A_322, %dma_start3A_348] : memref<32768x1024xf32, #tpu.memory_space<hbm>> -> memref<8x1024xf32, #tpu.memory_space<hbm>>
    %dma_start3A_350 = arith.constant 0 : i32
    %dma_start3A_351 = arith.constant 0 : i32
    %dma_start3A_352 = tpu.memref_slice %arg9[%arg1, %dma_start3A_344, %dma_start3A_350, %dma_start3A_351] : memref<16x4x8x1024xf32, #tpu.memory_space<vmem_shared>> -> memref<1x1x8x1024xf32, #tpu.memory_space<vmem_shared>>
    %dma_start3A_353 = tpu.memref_squeeze %dma_start3A_352 : memref<1x1x8x1024xf32, #tpu.memory_space<vmem_shared>> -> memref<8x1024xf32, #tpu.memory_space<vmem_shared>>
    tpu.enqueue_dma source(%dma_start3A_353 : memref<8x1024xf32, #tpu.memory_space<vmem_shared>>) target(%dma_start3A_349 : memref<8x1024xf32, #tpu.memory_space<hbm>>) target_semaphore(%dma_start3A_347 : memref<!tpu.dma_semaphore, #tpu.memory_space<semaphore_mem>>)
    %dma_wait3A_354 = arith.constant 0 : i32
    %dma_wait3A_355 = arith.constant 0 : i32
    %dma_wait3A_356 = tpu.memref_slice %arg12[%dma_wait3A_355] : memref<4x!tpu.dma_semaphore, #tpu.memory_space<semaphore_mem>> -> memref<1x!tpu.dma_semaphore, #tpu.memory_space<semaphore_mem>>
    %dma_wait3A_357 = tpu.memref_squeeze %dma_wait3A_356 : memref<1x!tpu.dma_semaphore, #tpu.memory_space<semaphore_mem>> -> memref<!tpu.dma_semaphore, #tpu.memory_space<semaphore_mem>>
    %dma_wait3A_358 = arith.constant 0 : i32
    %dma_wait3A_359 = arith.constant 0 : i32
    %dma_wait3A_360 = tpu.memref_slice %arg5[%dma_wait3A_358, %dma_wait3A_359] : memref<32768x1024xf32, #tpu.memory_space<hbm>> -> memref<8x1024xf32, #tpu.memory_space<hbm>>
    %dma_wait3A_361 = arith.constant 0 : i32
    %dma_wait3A_362 = arith.constant 0 : i32
    %dma_wait3A_363 = tpu.memref_slice %arg9[%arg1, %dma_wait3A_354, %dma_wait3A_361, %dma_wait3A_362] : memref<16x4x8x1024xf32, #tpu.memory_space<vmem_shared>> -> memref<1x1x8x1024xf32, #tpu.memory_space<vmem_shared>>
    %dma_wait3A_364 = tpu.memref_squeeze %dma_wait3A_363 : memref<1x1x8x1024xf32, #tpu.memory_space<vmem_shared>> -> memref<8x1024xf32, #tpu.memory_space<vmem_shared>>
    tpu.wait_dma2 semaphore(%dma_wait3A_357 : memref<!tpu.dma_semaphore, #tpu.memory_space<semaphore_mem>>) src(%dma_wait3A_364 : memref<8x1024xf32, #tpu.memory_space<vmem_shared>>) dst(%dma_wait3A_360 : memref<8x1024xf32, #tpu.memory_space<hbm>>)
    %dma_wait3A_365 = arith.constant 1 : i32
    %dma_wait3A_366 = arith.constant 1 : i32
    %dma_wait3A_367 = tpu.memref_slice %arg12[%dma_wait3A_366] : memref<4x!tpu.dma_semaphore, #tpu.memory_space<semaphore_mem>> -> memref<1x!tpu.dma_semaphore, #tpu.memory_space<semaphore_mem>>
    %dma_wait3A_368 = tpu.memref_squeeze %dma_wait3A_367 : memref<1x!tpu.dma_semaphore, #tpu.memory_space<semaphore_mem>> -> memref<!tpu.dma_semaphore, #tpu.memory_space<semaphore_mem>>
    %dma_wait3A_369 = arith.constant 0 : i32
    %dma_wait3A_370 = arith.constant 0 : i32
    %dma_wait3A_371 = tpu.memref_slice %arg5[%dma_wait3A_369, %dma_wait3A_370] : memref<32768x1024xf32, #tpu.memory_space<hbm>> -> memref<8x1024xf32, #tpu.memory_space<hbm>>
    %dma_wait3A_372 = arith.constant 0 : i32
    %dma_wait3A_373 = arith.constant 0 : i32
    %dma_wait3A_374 = tpu.memref_slice %arg9[%arg1, %dma_wait3A_365, %dma_wait3A_372, %dma_wait3A_373] : memref<16x4x8x1024xf32, #tpu.memory_space<vmem_shared>> -> memref<1x1x8x1024xf32, #tpu.memory_space<vmem_shared>>
    %dma_wait3A_375 = tpu.memref_squeeze %dma_wait3A_374 : memref<1x1x8x1024xf32, #tpu.memory_space<vmem_shared>> -> memref<8x1024xf32, #tpu.memory_space<vmem_shared>>
    tpu.wait_dma2 semaphore(%dma_wait3A_368 : memref<!tpu.dma_semaphore, #tpu.memory_space<semaphore_mem>>) src(%dma_wait3A_375 : memref<8x1024xf32, #tpu.memory_space<vmem_shared>>) dst(%dma_wait3A_371 : memref<8x1024xf32, #tpu.memory_space<hbm>>)
    %dma_wait3A_376 = arith.constant 2 : i32
    %dma_wait3A_377 = arith.constant 2 : i32
    %dma_wait3A_378 = tpu.memref_slice %arg12[%dma_wait3A_377] : memref<4x!tpu.dma_semaphore, #tpu.memory_space<semaphore_mem>> -> memref<1x!tpu.dma_semaphore, #tpu.memory_space<semaphore_mem>>
    %dma_wait3A_379 = tpu.memref_squeeze %dma_wait3A_378 : memref<1x!tpu.dma_semaphore, #tpu.memory_space<semaphore_mem>> -> memref<!tpu.dma_semaphore, #tpu.memory_space<semaphore_mem>>
    %dma_wait3A_380 = arith.constant 0 : i32
    %dma_wait3A_381 = arith.constant 0 : i32
    %dma_wait3A_382 = tpu.memref_slice %arg5[%dma_wait3A_380, %dma_wait3A_381] : memref<32768x1024xf32, #tpu.memory_space<hbm>> -> memref<8x1024xf32, #tpu.memory_space<hbm>>
    %dma_wait3A_383 = arith.constant 0 : i32
    %dma_wait3A_384 = arith.constant 0 : i32
    %dma_wait3A_385 = tpu.memref_slice %arg9[%arg1, %dma_wait3A_376, %dma_wait3A_383, %dma_wait3A_384] : memref<16x4x8x1024xf32, #tpu.memory_space<vmem_shared>> -> memref<1x1x8x1024xf32, #tpu.memory_space<vmem_shared>>
    %dma_wait3A_386 = tpu.memref_squeeze %dma_wait3A_385 : memref<1x1x8x1024xf32, #tpu.memory_space<vmem_shared>> -> memref<8x1024xf32, #tpu.memory_space<vmem_shared>>
    tpu.wait_dma2 semaphore(%dma_wait3A_379 : memref<!tpu.dma_semaphore, #tpu.memory_space<semaphore_mem>>) src(%dma_wait3A_386 : memref<8x1024xf32, #tpu.memory_space<vmem_shared>>) dst(%dma_wait3A_382 : memref<8x1024xf32, #tpu.memory_space<hbm>>)
    %dma_wait3A_387 = arith.constant 3 : i32
    %dma_wait3A_388 = arith.constant 3 : i32
    %dma_wait3A_389 = tpu.memref_slice %arg12[%dma_wait3A_388] : memref<4x!tpu.dma_semaphore, #tpu.memory_space<semaphore_mem>> -> memref<1x!tpu.dma_semaphore, #tpu.memory_space<semaphore_mem>>
    %dma_wait3A_390 = tpu.memref_squeeze %dma_wait3A_389 : memref<1x!tpu.dma_semaphore, #tpu.memory_space<semaphore_mem>> -> memref<!tpu.dma_semaphore, #tpu.memory_space<semaphore_mem>>
    %dma_wait3A_391 = arith.constant 0 : i32
    %dma_wait3A_392 = arith.constant 0 : i32
    %dma_wait3A_393 = tpu.memref_slice %arg5[%dma_wait3A_391, %dma_wait3A_392] : memref<32768x1024xf32, #tpu.memory_space<hbm>> -> memref<8x1024xf32, #tpu.memory_space<hbm>>
    %dma_wait3A_394 = arith.constant 0 : i32
    %dma_wait3A_395 = arith.constant 0 : i32
    %dma_wait3A_396 = tpu.memref_slice %arg9[%arg1, %dma_wait3A_387, %dma_wait3A_394, %dma_wait3A_395] : memref<16x4x8x1024xf32, #tpu.memory_space<vmem_shared>> -> memref<1x1x8x1024xf32, #tpu.memory_space<vmem_shared>>
    %dma_wait3A_397 = tpu.memref_squeeze %dma_wait3A_396 : memref<1x1x8x1024xf32, #tpu.memory_space<vmem_shared>> -> memref<8x1024xf32, #tpu.memory_space<vmem_shared>>
    tpu.wait_dma2 semaphore(%dma_wait3A_390 : memref<!tpu.dma_semaphore, #tpu.memory_space<semaphore_mem>>) src(%dma_wait3A_397 : memref<8x1024xf32, #tpu.memory_space<vmem_shared>>) dst(%dma_wait3A_393 : memref<8x1024xf32, #tpu.memory_space<hbm>>)
    return
  }
}

</mosaic_0001>

<sc_bundles>
// kernel: kernel.3.cloned.1.call-start
scs
__scs_entry_jumppad:
0x0: {  	(pc) =	sbr.rel $0x88, $3  }
0x1: {  	(tag) =	ssettag $0x0;
	lr =	simm.s32 $0x1  }
0x2: {  	[smem:$0x3F9E] =	sst lr;
	_ =	strace $0xD0000000  }
0x3: {  	_ = 	snop  }
0x4: {  	_ = 	snop  }
0x5: {  	_ = 	snop  }
0x6: {  	_ = 	snop  }
0x7: {  	_ = 	snop  }
__scs_overlays_trampoline_lowered:
0x8: {  	[smem:$0x3FAD] =	sst s0  }
0x9: {  	[smem:$0x3FAE] =	sst s1  }
0xa: {  	[smem:$0x3FAF] =	sst s2  }
0xb: {  	[smem:$0x3FB0] =	sst s3  }
0xc: {  	[smem:$0x3FB1] =	sst s4  }
0xd: {  	[smem:$0x3FB2] =	sst s5  }
0xe: {  	[smem:$0x3FB3] =	sst s6  }
0xf: {  	[smem:$0x3FB4] =	sst s7  }
0x10: {  	[smem:$0x3FB5] =	sst s8  }
0x11: {  	[smem:$0x3FB6] =	sst s9;
	s0 =	simm.s32 @!p0 $0x0  }
0x12: {  	s1 =	sld [smem:$0x3F9C];
	s0 =	simm.s32 @p0 $0x1  }
0x13: {  	[smem:$0x3FB7] =	sst s0;
	s0 =	simm.s32 @!p1 $0x0  }
0x14: {  	s2 =	sld [smem:$0x3F9B];
	s0 =	simm.s32 @p1 $0x1  }
0x15: {  	[smem:$0x3FB8] =	sst s0;
	s0 =	simm.s32 @!p2 $0x0  }
0x16: {  	s3 =	sld [smem:$0x3FDB];
	s0 =	simm.s32 @p2 $0x1  }
0x17: {  	s4 =	simm.s32 $0x1BF5;
	[smem:$0x3FBA] =	sst s0  }
0x18: {  	s0 =	sld [smem:$0x3F9D];
	_ =	swait.ge [sflag:s4], $0x0  }
0x19: {  	s7 =	sld [smem:$0x3F9E]  }
0x1a: {  	s8 =	sadd.s32 $0xFFFFE003, lr  }
0x1b: {  	s9 =	sadd.s32 $0xFFFFFEF7, lr;
	s5 =	simm.s32 $0xFFFFFFFF;
	p2 =	slt.u32 s8, $0xFFFFF086  }
0x1c: {  	p1 =	slt.u32 s9, $0xF7A;
	s5 =	simm.s32 @!p2 $0x0  }
0x1d: {  	s5 =	simm.s32 @p1 $0x1;
	p0 =	seq.s32 s7, s2  }
0x1e: {  	s7 =	smul.u32 @!p0 $0xF7A, s2;
	p2 =	seq.s32 @!p0 s5, $0x0  }
0x1f: {  	s9 =	smul.u32 $0xF7A, s1;
	s8 =	simm.s32 @!p0 $0x1BF5;
	p2 =	por !p2, p0  }
0x20: {  	[sflag:s8] =	ssyncset.s32 @!p0 $0xFFFFF086;
	s6 =	sadd.s32 @!p0 s3, s7;
	s7 =	simm.s32 @!p0 $0x108  }
0x21: {  	s3 =	sadd.s32 s3, s9;
	s6 =	sadd.s32 @!p0 $0x88, s6;
	s7 =	simm.s32 @p2 $0x1082  }
0x22: {  	[simem:s7], [sflag:s8] =	dma.local @!p0 [hbm:s6], $0xF7A  }
0x23: {  	s9 =	sor.u32 $0xD0000000, s2;
	s6 =	simm.s32 $0x108;
	_ =	swait.ge @!p0 [sflag:s8], $0x0  }
0x24: {  	s3 =	sadd.s32 $0x88, s3;
	s6 =	simm.s32 @!p1 $0x1082;
	[sflag:s4] =	ssyncset.s32 $0xFFFFF086  }
0x25: {  	[simem:s6], [sflag:s4] =	dma.local [hbm:s3], $0xF7A  }
0x26: {  	[smem:$0x3F9E] =	sst s1;
	(tag) =	ssettag s2;
	_ =	strace s9  }
0x27: {  	s1 =	sld [smem:$0x3FAE]  }
0x28: {  	s2 =	sld [smem:$0x3FAF]  }
0x29: {  	s4 =	sld [smem:$0x3FB1]  }
0x2a: {  	p0 =	seq.s32 s5, $0x0;
	s5 =	sld [smem:$0x3FB2]  }
0x2b: {  	s6 =	sld [smem:$0x3FB3]  }
0x2c: {  	s7 =	sld [smem:$0x3FB4]  }
0x2d: {  	s3 =	simm.s32 $0x108;
	s8 =	sld [smem:$0x3FB5]  }
0x2e: {  	s3 =	simm.s32 @!p0 $0x1082;
	s9 =	sld [smem:$0x3FB6]  }
0x2f: {  	lr =	sadd.s32 s0, s3;
	s0 =	sld [smem:$0x3FAD]  }
0x30: {  	s3 =	sld [smem:$0x3FB0]  }
0x31: {  	[smem:$0x3FB9] =	sst s10  }
0x32: {  	s10 =	sld [smem:$0x3FB7];
	_ =	sdelay $0x3  }
0x33: {  	p0 =	seq.s32 s10, $0x1;
	s10 =	sld [smem:$0x3FB9];
	_ =	sdelay $0x3  }
0x34: {  	[smem:$0x3FB9] =	sst s10  }
0x35: {  	s10 =	sld [smem:$0x3FB8];
	_ =	sdelay $0x3  }
0x36: {  	p1 =	seq.s32 s10, $0x1;
	s10 =	sld [smem:$0x3FB9];
	_ =	sdelay $0x3  }
0x37: {  	[smem:$0x3FB9] =	sst s10  }
0x38: {  	s10 =	sld [smem:$0x3FBA]  }
0x39: {  	_ = 	snop;
	(pc) =	sbr.ind lr, $3  }
0x3a: {  	_ = 	snop  }
0x3b: {  	_ = 	snop  }
0x3c: {  	p2 =	seq.s32 s10, $0x1;
	s10 =	sld [smem:$0x3FB9]  }
0x3d: {  	_ =	shalt  }
0x3e: {  	_ =	shalt  }
0x3f: {  	_ =	shalt  }
0x40: {  	_ =	shalt  }
0x41: {  	_ =	shalt  }
0x42: {  	_ =	shalt  }
0x43: {  	_ =	shalt  }
0x44: {  	_ =	shalt  }
0x45: {  	_ =	shalt  }
0x46: {  	_ =	shalt  }
0x47: {  	_ =	shalt  }
0x48: {  	_ =	shalt  }
0x49: {  	_ =	shalt  }
0x4a: {  	_ =	shalt  }
0x4b: {  	_ =	shalt  }
0x4c: {  	_ =	shalt  }
0x4d: {  	_ =	shalt  }
0x4e: {  	_ =	shalt  }
0x4f: {  	_ =	shalt  }
0x50: {  	_ =	shalt  }
0x51: {  	_ =	shalt  }
0x52: {  	_ =	shalt  }
0x53: {  	_ =	shalt  }
0x54: {  	_ =	shalt  }
0x55: {  	_ =	shalt  }
0x56: {  	_ =	shalt  }
0x57: {  	_ =	shalt  }
0x58: {  	_ =	shalt  }
0x59: {  	_ =	shalt  }
0x5a: {  	_ =	shalt  }
0x5b: {  	_ =	shalt  }
0x5c: {  	_ =	shalt  }
0x5d: {  	_ =	shalt  }
0x5e: {  	_ =	shalt  }
0x5f: {  	_ =	shalt  }
0x60: {  	_ =	shalt  }
0x61: {  	_ =	shalt  }
0x62: {  	_ =	shalt  }
0x63: {  	_ =	shalt  }
0x64: {  	_ =	shalt  }
0x65: {  	_ =	shalt  }
0x66: {  	_ =	shalt  }
0x67: {  	_ =	shalt  }
0x68: {  	_ =	shalt  }
0x69: {  	_ =	shalt  }
0x6a: {  	_ =	shalt  }
0x6b: {  	_ =	shalt  }
0x6c: {  	_ =	shalt  }
0x6d: {  	_ =	shalt  }
0x6e: {  	_ =	shalt  }
0x6f: {  	_ =	shalt  }
0x70: {  	_ =	shalt  }
0x71: {  	_ =	shalt  }
0x72: {  	_ =	shalt  }
0x73: {  	_ =	shalt  }
0x74: {  	_ =	shalt  }
0x75: {  	_ =	shalt  }
0x76: {  	_ =	shalt  }
0x77: {  	_ =	shalt  }
0x78: {  	_ =	shalt  }
0x79: {  	_ =	shalt  }
0x7a: {  	_ =	shalt  }
0x7b: {  	_ =	shalt  }
0x7c: {  	_ =	shalt  }
0x7d: {  	_ =	shalt  }
0x7e: {  	_ =	shalt  }
0x7f: {  	_ =	shalt  }
0x80: {  	_ =	shalt  }
0x81: {  	_ =	shalt  }
0x82: {  	_ =	shalt  }
0x83: {  	_ =	shalt  }
0x84: {  	_ =	shalt  }
0x85: {  	_ =	shalt  }
0x86: {  	_ =	shalt  }
0x87: {  	_ =	shalt  }
.Lfunc_end0:
.L_simem_size_0:
called_computation_lowered:
.L_overlay_start_0:
0x88: {  	s2 =	sld [smem:$0x3FD9]  }
0x89: {  	s3 =	sld [smem:$0x3FFE];
	_ =	sdelay $0x1  }
0x8a: {  	s1 =	srdreg.scid  }
0x8b: {  	s0 =	sand.u32 $0x1, s1  }
0x8c: {  	s17 =	sshll.u32 s0, $0xA;
	s2 =	sadd.s32 s3, s2  }
0x8d: {  	s2 =	sadd.s32 s2, s17  }
0x8e: {  	[smem:$0x3FC5] =	sst s2  }
0x8f: {  	_ = 	snop  }
0x90: {  	s2 =	sld [smem:$0x3FC8]  }
0x91: {  	s18 =	sld [smem:$0x3FC7]  }
0x92: {  	s4 =	sld [smem:$0x3FD0];
	(tm) =	ssettm $0x1  }
0x93: {  	s5 =	sld [smem:$0x3FFB];
	_ =	sdelay $0x3  }
0x94: {  	_ =	strace s5  }
0x95: {  	s5 =	sld [smem:$0x3FFC];
	_ =	sdelay $0x3  }
0x96: {  	_ =	strace s5  }
0x97: {  	s5 =	sld [smem:$0x3FFD];
	_ =	sdelay $0x3  }
0x98: {  	_ =	strace s5  }
0x99: {  	_ =	strace $0x8FFFFFFF  }
0x9a: {  	s19 =	sld [smem:$0x3FDB];
	_ =	sdelay $0x1  }
0x9b: {  	s6 =	simm.s32 $_scs_section_size  }
0x9c: {  	s7 =	simm.s32 $_size__tile_overlayer_lowered;
	s8 =	simm.s32 $_tile_overlayer_lowered  }
0x9d: {  	s22 =	simm.s32 $0x1BFF;
	s21 =	sshll.u32 s8, $0x1;
	s5 =	sadd.s32 s6, s19  }
0x9e: {  	s9 =	simm.s32 $0x0;
	s20 =	sshll.u32 s7, $0x1;
	s7 =	sadd.s32 s21, s5  }
0x9f: {  	[timem:s9], [sflag:s22] =	dma.local [hbm:s7], s20  }
0xa0: {  	_ =	swait.ge [sflag:s22], s20  }
0xa1: {  	s6 =	ssub.s32 $0x0, s20;
	[sflag:s22] =	ssyncset.done $0x0  }
0xa2: {  	[sflag:s22] =	ssyncadd.s32 s6;
	_ =	sdelay $0x1  }
0xa3: {  	s23 =	simm.s32 $0x1B8B  }
0xa4: {  	_ =	swait.ge [sflag:s23], $0x1  }
0xa5: {  	[sflag:s23] =	ssyncset.done $0x0  }
0xa6: {  	s25 =	simm.s32 $0x1B8E;
	s24 =	sld [smem:$0x3FFE];
	[sflag:s23] =	ssyncadd.s32 $0xFFFFFFFF  }
0xa7: {  	s26 =	simm.s32 $execute0_lowered;
	[smem:$0x3FD2] =	sst s25  }
0xa8: {  	s7 =	sshll.u32 s26, $0x1;
	_ =	strace $0x80000046;
	[dreg:$0x1] =	wrdreg $0xFFFFFFFF  }
0xa9: {  	s28 =	simm.s32 $_size_execute0_lowered;
	s5 =	sadd.s32 s5, s7;
	[dreg:$0x0] =	wrdreg $0x0  }
0xaa: {  	s7 =	sshll.u32 s28, $0x1;
	[dreg:$0x2] =	wrdreg s5  }
0xab: {  	[dreg:$0x3] =	wrdreg s7  }
0xac: {  	[dreg:$0x4] =	wrdreg $0xC0  }
0xad: {  	_ =	task [dreg:s9], $0x5FFFF  }
0xae: {  	[dreg:$0x1] =	wrdreg $0xFFFFFFFF  }
0xaf: {  	[dreg:$0x0] =	wrdreg $0x60  }
0xb0: {  	[dreg:$0x2] =	wrdreg s24  }
0xb1: {  	[dreg:$0x3] =	wrdreg s2  }
0xb2: {  	[dreg:$0x4] =	wrdreg s18  }
0xb3: {  	[dreg:$0x5] =	wrdreg s4  }
0xb4: {  	[dreg:$0x6] =	wrdreg $0x180000  }
0xb5: {  	[dreg:$0x7] =	wrdreg $0x9  }
0xb6: {  	_ =	task.clear_ibuf [dreg:s9], $0x8FFFF;
	_ =	strace $0x90000046  }
0xb7: {  	s29 =	simm.s32 $0x9;
	_ =	strace $0x80000048  }
0xb8: {  	_ =	swait.ge [sflag:s29], $0x1  }
0xb9: {  	[sflag:s29] =	ssyncadd.s32 $0xFFFFFFFF  }
0xba: {  	_ =	strace $0x90000048  }
0xbb: {  	_ =	sfence  }
0xbc: {  	s30 =	sld [smem:$0x0];
	_ =	sdelay $0x2  }
0xbd: {  	s31 =	sshll.u32 s1, $0xD;
	s1 =	sshrl.u32 s1, $0x2  }
0xbe: {  	s3 =	sand.u32 $0x4000, s31;
	s1 =	sadd.s32 s1, s30  }
0xbf: {  	s0 =	sor.u32 s3, s0;
	s1 =	sshll.u32 s1, $0x11  }
0xc0: {  	s0 =	sor.u32 s1, s0  }
0xc1: {  	s0 =	sadd.s32 $0x8F2B, s0  }
0xc2: {  	[sflag:s0] =	ssyncadd.remote.s32 $0x1  }
0xc3: {  	_ =	sfence.sel $0xFFFF  }
0xc4: {  	[dreg:$0x0] =	wrdreg $0xFFFFFFFF;
	(pc) =	sbr.abs _section_cstart, $3  }
0xc5: {  	[dreg:$0x1] =	wrdreg $0xFFFFFFFF  }
0xc6: {  	_ =	task.clear_ibuf [dreg:s9], $0x2FFFF;
	_ =	strace $0x9FFFFFFF  }
0xc7: {  	(tm) =	ssettm $0x7FFFFFFF  }
tec
execute0_lowered:
.L_overlay_start_1:
0x0: {  	(tag) =	ssettag $0x1  }
0x1: {  	s0 =	rddreg [dreg:$0x0]  }
0x2: {  	s29 =	rddreg [dreg:$0x1]  }
0x3: {  	s6 =	rddreg [dreg:$0x2]  }
0x4: {  	s8 =	rddreg [dreg:$0x3]  }
0x5: {  	s1 =	rddreg [dreg:$0x4];
	s2 =	srdreg.scid  }
0x6: {  	s7 =	stileid.u32;
	s4 =	simm.s32 $0x0;
	s2 =	sand.u32 $0x1, s2  }
0x7: {  	s3 =	sshll.u32 s7, $0x1;
	[smem:$0x7FF] =	sst s4;
	s21 =	sshll.u32 s7, $0xF  }
0x8: {  	s3 =	sor.u32 s2, s3;
	_ =	strace $0x80000047;
	s1 =	sadd.s32 s21, s1  }
0x9: {  	s15 =	sshll.u32 s3, $0x9;
	s23 =	sadd.s32 $0x6000, s1;
	[dreg:$0xc] =	wrdreg s1  }
0xa: {  	s16 =	sshll.u32 s3, $0xF;
	s3 =	sshll.u32 s3, $0x8;
	[dreg:$0xd] =	wrdreg s23  }
0xb: {  	s30 =	sadd.s32 $0x2000, s1;
	[dreg:$0x6] =	wrdreg s3  }
0xc: {  	s31 =	sadd.s32 $0x4000, s1;
	[dreg:$0x14] =	wrdreg s30  }
0xd: {  	s17 =	sadd.s32 s6, s16;
	[dreg:$0x15] =	wrdreg s31  }
0xe: {  	s25 =	sor.u32 $0x2000, s3;
	[dreg:$0x7] =	wrdreg s17  }
0xf: {  	s26 =	sor.u32 $0x4000, s3;
	[dreg:$0xf] =	wrdreg s25  }
0x10: {  	s0 =	sadd.s32 s15, s0;
	s3 =	sor.u32 $0x10, s3;
	[dreg:$0x10] =	wrdreg s26  }
0x11: {  	s18 =	sadd.s32 $0x400, s0;
	[dreg:$0x11] =	wrdreg s3  }
0x12: {  	s2 =	ssub.s32 $0x2, s2;
	s19 =	sadd.s32 $0x4400, s0;
	[dreg:$0x8] =	wrdreg s18  }
0x13: {  	s5 =	sshrl.u32 s2, $0x1;
	s20 =	sadd.s32 $0x8400, s0;
	[dreg:$0x9] =	wrdreg s19  }
0x14: {  	s22 =	sadd.s32 s16, s8;
	s0 =	sadd.s32 $0xC400, s0;
	[dreg:$0xa] =	wrdreg s20  }
0x15: {  	s2 =	ssub.s32 s2, s5;
	s24 =	sadd.s32 $0x2FFC00, s22;
	[dreg:$0xb] =	wrdreg s0  }
0x16: {  	v0 =	vlaneseq.u32;
	s12 =	sadd.s32 $0x100, s29;
	s28 =	smax.u32 s2, $0x1;
	[dreg:$0xe] =	wrdreg s24  }
0x17: {  	s13 =	sadd.s32 $0x200, s29;
	v1 =	vshrl.u32 v0, $0x3;
	s0 =	sadd.s32 $0x307C00, s22;
	[dreg:$0x13] =	wrdreg s28  }
0x18: {  	vm0 =	vmmov $0xffff;
	s14 =	sadd.s32 $0x300, s29;
	v0 =	vand.u32 $0x7, v0;
	v1 =	vmul.u32 $0x8, v1;
	s2 =	simm.s32 $0x0;
	[dreg:$0x12] =	wrdreg s0  }
.LBB2_1:
0x19: {  	[dreg:$0x16] =	wrdreg s2  }
0x1a: {  	s0 =	simm.s32 $0x0;
	s1 =	rddreg [dreg:$0x7];
	s8 =	simm.s32 $0x4000  }
0x1b: {  	[tilespmem:s8], [sflag:$0x15] =	stream.linear.gather [hbm4b:s1+s0], $0x2000, $0x38;
	v63 =	vld [tilespmem:$0x0]  }
0x1c: {  	s9 =	rddreg [dreg:$0x8]  }
0x1d: {  	[tilespmem:s0], [sflag:$0x9] =	stream.linear.gather [hbm4b:s9+s0], $0x1000, $0x38;
	v63 =	vld [tilespmem:$0x0]  }
0x1e: {  	s10 =	rddreg [dreg:$0x9];
	s11 =	simm.s32 $0x1000  }
0x1f: {  	[tilespmem:s11], [sflag:$0xA] =	stream.linear.gather [hbm4b:s10+s0], $0x1000, $0x38;
	v63 =	vld [tilespmem:$0x0]  }
0x20: {  	s15 =	rddreg [dreg:$0xa];
	s16 =	simm.s32 $0x2000  }
0x21: {  	[tilespmem:s16], [sflag:$0xB] =	stream.linear.gather [hbm4b:s15+s0], $0x1000, $0x38;
	v63 =	vld [tilespmem:$0x0]  }
0x22: {  	s17 =	rddreg [dreg:$0xb];
	s18 =	simm.s32 $0x3000;
	s19 =	simm.s32 $0x9  }
0x23: {  	[tilespmem:s18], [sflag:$0xC] =	stream.linear.gather [hbm4b:s17+s0], $0x1000, $0x38;
	v63 =	vld [tilespmem:$0x0]  }
0x24: {  	_ =	swait.ge [sflag:s19], $0x1000  }
0x25: {  	[sflag:s19] =	ssyncset.done $0x0  }
0x26: {  	s20 =	simm.s32 $0xA;
	[sflag:s19] =	ssyncadd.s32 $0xFFFFF000  }
0x27: {  	_ =	swait.ge [sflag:s20], $0x1000  }
0x28: {  	[sflag:s20] =	ssyncset.done $0x0  }
0x29: {  	s21 =	simm.s32 $0xB;
	[sflag:s20] =	ssyncadd.s32 $0xFFFFF000  }
0x2a: {  	_ =	swait.ge [sflag:s21], $0x1000  }
0x2b: {  	[sflag:s21] =	ssyncset.done $0x0  }
0x2c: {  	s22 =	simm.s32 $0xC;
	[sflag:s21] =	ssyncadd.s32 $0xFFFFF000  }
0x2d: {  	_ =	swait.ge [sflag:s22], $0x1000  }
0x2e: {  	[sflag:s22] =	ssyncset.done $0x0  }
0x2f: {  	[sflag:s22] =	ssyncadd.s32 $0xFFFFF000  }
0x30: {  	v2 =	vld.msk [tilespmem:$0x0], $0xff;
	_ =	sdelay $0x4  }
0x31: {  	v3 =	vshll.u32 v2, $0x3  }
0x32: {  	v2 =	vand.u32 $0x7, v2;
	v3 =	vand.u32 $0xFFFFFFC0, v3  }
0x33: {  	v2 =	vor.u32 v2, v3  }
0x34: {  	v2 =	vperm.xlane v2, v0;
	_ =	sdelay $0x1  }
0x35: {  	v2 =	vadd.s32 v1, v2;
	_ =	sdelay $0x3  }
0x36: {  	s23 =	simm.s32 $0x8000  }
0x37: {  	[tilespmem:s23], [sflag:$0x1] =	stream.indirect_vreg.gather [hbm4b:s29+s0], $0x80, v2, vm0, $0xb8;
	v63 =	vld [tilespmem:$0x0]  }
0x38: {  	s24 =	simm.s32 $0x8800  }
0x39: {  	[tilespmem:s24], [sflag:$0x1] =	stream.indirect_vreg.gather [hbm4b:s12+s0], $0x80, v2, vm0, $0xb8;
	v63 =	vld [tilespmem:$0x0]  }
0x3a: {  	s25 =	simm.s32 $0x9000  }
0x3b: {  	[tilespmem:s25], [sflag:$0x1] =	stream.indirect_vreg.gather [hbm4b:s13+s0], $0x80, v2, vm0, $0xb8;
	v63 =	vld [tilespmem:$0x0]  }
0x3c: {  	s26 =	simm.s32 $0x9800  }
0x3d: {  	[tilespmem:s26], [sflag:$0x1] =	stream.indirect_vreg.gather [hbm4b:s14+s0], $0x80, v2, vm0, $0xb8;
	v63 =	vld [tilespmem:$0x0]  }
0x3e: {  	v2 =	vld.msk [tilespmem:$0x1000], $0xff;
	_ =	sdelay $0x4  }
0x3f: {  	v3 =	vshll.u32 v2, $0x3  }
0x40: {  	v2 =	vand.u32 $0x7, v2;
	v3 =	vand.u32 $0xFFFFFFC0, v3  }
0x41: {  	v2 =	vor.u32 v2, v3  }
0x42: {  	v2 =	vperm.xlane v2, v0;
	_ =	sdelay $0x1  }
0x43: {  	v2 =	vadd.s32 v1, v2;
	_ =	sdelay $0x3  }
0x44: {  	s28 =	simm.s32 $0xA000  }
0x45: {  	[tilespmem:s28], [sflag:$0x2] =	stream.indirect_vreg.gather [hbm4b:s29+s0], $0x80, v2, vm0, $0xb8;
	v63 =	vld [tilespmem:$0x0]  }
0x46: {  	s30 =	simm.s32 $0xA800  }
0x47: {  	[tilespmem:s30], [sflag:$0x2] =	stream.indirect_vreg.gather [hbm4b:s12+s0], $0x80, v2, vm0, $0xb8;
	v63 =	vld [tilespmem:$0x0]  }
0x48: {  	s31 =	simm.s32 $0xB000  }
0x49: {  	[tilespmem:s31], [sflag:$0x2] =	stream.indirect_vreg.gather [hbm4b:s13+s0], $0x80, v2, vm0, $0xb8;
	v63 =	vld [tilespmem:$0x0]  }
0x4a: {  	s2 =	simm.s32 $0xB800  }
0x4b: {  	[tilespmem:s2], [sflag:$0x2] =	stream.indirect_vreg.gather [hbm4b:s14+s0], $0x80, v2, vm0, $0xb8;
	v63 =	vld [tilespmem:$0x0]  }
0x4c: {  	v2 =	vld.msk [tilespmem:$0x2000], $0xff;
	_ =	sdelay $0x4  }
0x4d: {  	v3 =	vshll.u32 v2, $0x3  }
0x4e: {  	v2 =	vand.u32 $0x7, v2;
	v3 =	vand.u32 $0xFFFFFFC0, v3  }
0x4f: {  	v2 =	vor.u32 v2, v3  }
0x50: {  	v2 =	vperm.xlane v2, v0;
	_ =	sdelay $0x1  }
0x51: {  	v2 =	vadd.s32 v1, v2;
	_ =	sdelay $0x3  }
0x52: {  	s3 =	simm.s32 $0xC000  }
0x53: {  	[tilespmem:s3], [sflag:$0x3] =	stream.indirect_vreg.gather [hbm4b:s29+s0], $0x80, v2, vm0, $0xb8;
	v63 =	vld [tilespmem:$0x0]  }
0x54: {  	s4 =	simm.s32 $0xC800  }
0x55: {  	[tilespmem:s4], [sflag:$0x3] =	stream.indirect_vreg.gather [hbm4b:s12+s0], $0x80, v2, vm0, $0xb8;
	v63 =	vld [tilespmem:$0x0]  }
0x56: {  	s5 =	simm.s32 $0xD000  }
0x57: {  	[tilespmem:s5], [sflag:$0x3] =	stream.indirect_vreg.gather [hbm4b:s13+s0], $0x80, v2, vm0, $0xb8;
	v63 =	vld [tilespmem:$0x0]  }
0x58: {  	s6 =	simm.s32 $0xD800  }
0x59: {  	[tilespmem:s6], [sflag:$0x3] =	stream.indirect_vreg.gather [hbm4b:s14+s0], $0x80, v2, vm0, $0xb8;
	v63 =	vld [tilespmem:$0x0]  }
0x5a: {  	v2 =	vld.msk [tilespmem:$0x3000], $0xff;
	_ =	sdelay $0x4  }
0x5b: {  	v3 =	vshll.u32 v2, $0x3  }
0x5c: {  	v2 =	vand.u32 $0x7, v2;
	v3 =	vand.u32 $0xFFFFFFC0, v3  }
0x5d: {  	v2 =	vor.u32 v2, v3  }
0x5e: {  	v2 =	vperm.xlane v2, v0;
	_ =	sdelay $0x1  }
0x5f: {  	v2 =	vadd.s32 v1, v2;
	_ =	sdelay $0x3  }
0x60: {  	s7 =	simm.s32 $0xE000  }
0x61: {  	[tilespmem:s7], [sflag:$0x4] =	stream.indirect_vreg.gather [hbm4b:s29+s0], $0x80, v2, vm0, $0xb8;
	v63 =	vld [tilespmem:$0x0]  }
0x62: {  	s8 =	simm.s32 $0xE800  }
0x63: {  	[tilespmem:s8], [sflag:$0x4] =	stream.indirect_vreg.gather [hbm4b:s12+s0], $0x80, v2, vm0, $0xb8;
	v63 =	vld [tilespmem:$0x0]  }
0x64: {  	s9 =	simm.s32 $0xF000  }
0x65: {  	[tilespmem:s9], [sflag:$0x4] =	stream.indirect_vreg.gather [hbm4b:s13+s0], $0x80, v2, vm0, $0xb8;
	v63 =	vld [tilespmem:$0x0]  }
0x66: {  	s10 =	simm.s32 $0xF800  }
0x67: {  	[tilespmem:s10], [sflag:$0x4] =	stream.indirect_vreg.gather [hbm4b:s14+s0], $0x80, v2, vm0, $0xb8;
	v63 =	vld [tilespmem:$0x0]  }
0x68: {  	v2 =	vld.msk [tilespmem:$0x80], $0xff;
	_ =	sdelay $0x4  }
0x69: {  	v3 =	vshll.u32 v2, $0x3  }
0x6a: {  	v2 =	vand.u32 $0x7, v2;
	v3 =	vand.u32 $0xFFFFFFC0, v3  }
0x6b: {  	v2 =	vor.u32 v2, v3  }
0x6c: {  	v2 =	vperm.xlane v2, v0;
	_ =	sdelay $0x1  }
0x6d: {  	v2 =	vadd.s32 v1, v2;
	_ =	sdelay $0x3  }
0x6e: {  	s11 =	simm.s32 $0x10000  }
0x6f: {  	[tilespmem:s11], [sflag:$0x5] =	stream.indirect_vreg.gather [hbm4b:s29+s0], $0x80, v2, vm0, $0xb8;
	v63 =	vld [tilespmem:$0x0]  }
0x70: {  	s15 =	simm.s32 $0x10800  }
0x71: {  	[tilespmem:s15], [sflag:$0x5] =	stream.indirect_vreg.gather [hbm4b:s12+s0], $0x80, v2, vm0, $0xb8;
	v63 =	vld [tilespmem:$0x0]  }
0x72: {  	s16 =	simm.s32 $0x11000  }
0x73: {  	[tilespmem:s16], [sflag:$0x5] =	stream.indirect_vreg.gather [hbm4b:s13+s0], $0x80, v2, vm0, $0xb8;
	v63 =	vld [tilespmem:$0x0]  }
0x74: {  	s17 =	simm.s32 $0x11800  }
0x75: {  	[tilespmem:s17], [sflag:$0x5] =	stream.indirect_vreg.gather [hbm4b:s14+s0], $0x80, v2, vm0, $0xb8;
	v63 =	vld [tilespmem:$0x0]  }
0x76: {  	v2 =	vld.msk [tilespmem:$0x1080], $0xff;
	_ =	sdelay $0x4  }
0x77: {  	v3 =	vshll.u32 v2, $0x3  }
0x78: {  	v2 =	vand.u32 $0x7, v2;
	v3 =	vand.u32 $0xFFFFFFC0, v3  }
0x79: {  	v2 =	vor.u32 v2, v3  }
0x7a: {  	v2 =	vperm.xlane v2, v0;
	_ =	sdelay $0x1  }
0x7b: {  	v2 =	vadd.s32 v1, v2;
	_ =	sdelay $0x3  }
0x7c: {  	s18 =	simm.s32 $0x12000  }
0x7d: {  	[tilespmem:s18], [sflag:$0x6] =	stream.indirect_vreg.gather [hbm4b:s29+s0], $0x80, v2, vm0, $0xb8;
	v63 =	vld [tilespmem:$0x0]  }
0x7e: {  	s19 =	simm.s32 $0x12800  }
0x7f: {  	[tilespmem:s19], [sflag:$0x6] =	stream.indirect_vreg.gather [hbm4b:s12+s0], $0x80, v2, vm0, $0xb8;
	v63 =	vld [tilespmem:$0x0]  }
0x80: {  	s20 =	simm.s32 $0x13000  }
0x81: {  	[tilespmem:s20], [sflag:$0x6] =	stream.indirect_vreg.gather [hbm4b:s13+s0], $0x80, v2, vm0, $0xb8;
	v63 =	vld [tilespmem:$0x0]  }
0x82: {  	s21 =	simm.s32 $0x13800  }
0x83: {  	[tilespmem:s21], [sflag:$0x6] =	stream.indirect_vreg.gather [hbm4b:s14+s0], $0x80, v2, vm0, $0xb8;
	v63 =	vld [tilespmem:$0x0]  }
0x84: {  	v2 =	vld.msk [tilespmem:$0x2080], $0xff;
	_ =	sdelay $0x4  }
0x85: {  	v3 =	vshll.u32 v2, $0x3  }
0x86: {  	v2 =	vand.u32 $0x7, v2;
	v3 =	vand.u32 $0xFFFFFFC0, v3  }
0x87: {  	v2 =	vor.u32 v2, v3  }
0x88: {  	v2 =	vperm.xlane v2, v0;
	_ =	sdelay $0x1  }
0x89: {  	v2 =	vadd.s32 v1, v2;
	_ =	sdelay $0x3  }
0x8a: {  	s22 =	simm.s32 $0x14000  }
0x8b: {  	[tilespmem:s22], [sflag:$0x7] =	stream.indirect_vreg.gather [hbm4b:s29+s0], $0x80, v2, vm0, $0xb8;
	v63 =	vld [tilespmem:$0x0]  }
0x8c: {  	s23 =	simm.s32 $0x14800  }
0x8d: {  	[tilespmem:s23], [sflag:$0x7] =	stream.indirect_vreg.gather [hbm4b:s12+s0], $0x80, v2, vm0, $0xb8;
	v63 =	vld [tilespmem:$0x0]  }
0x8e: {  	s24 =	simm.s32 $0x15000  }
0x8f: {  	[tilespmem:s24], [sflag:$0x7] =	stream.indirect_vreg.gather [hbm4b:s13+s0], $0x80, v2, vm0, $0xb8;
	v63 =	vld [tilespmem:$0x0]  }
0x90: {  	s25 =	simm.s32 $0x15800  }
0x91: {  	[tilespmem:s25], [sflag:$0x7] =	stream.indirect_vreg.gather [hbm4b:s14+s0], $0x80, v2, vm0, $0xb8;
	v63 =	vld [tilespmem:$0x0]  }
0x92: {  	v2 =	vld.msk [tilespmem:$0x3080], $0xff;
	_ =	sdelay $0x4  }
0x93: {  	v3 =	vshll.u32 v2, $0x3  }
0x94: {  	v2 =	vand.u32 $0x7, v2;
	v3 =	vand.u32 $0xFFFFFFC0, v3  }
0x95: {  	v2 =	vor.u32 v2, v3  }
0x96: {  	v2 =	vperm.xlane v2, v0;
	_ =	sdelay $0x1  }
0x97: {  	v2 =	vadd.s32 v1, v2;
	_ =	sdelay $0x3  }
0x98: {  	s26 =	simm.s32 $0x16000  }
0x99: {  	[tilespmem:s26], [sflag:$0x8] =	stream.indirect_vreg.gather [hbm4b:s29+s0], $0x80, v2, vm0, $0xb8;
	v63 =	vld [tilespmem:$0x0]  }
0x9a: {  	s28 =	simm.s32 $0x16800  }
0x9b: {  	[tilespmem:s28], [sflag:$0x8] =	stream.indirect_vreg.gather [hbm4b:s12+s0], $0x80, v2, vm0, $0xb8;
	v63 =	vld [tilespmem:$0x0]  }
0x9c: {  	s30 =	simm.s32 $0x17000  }
0x9d: {  	[tilespmem:s30], [sflag:$0x8] =	stream.indirect_vreg.gather [hbm4b:s13+s0], $0x80, v2, vm0, $0xb8;
	v63 =	vld [tilespmem:$0x0]  }
0x9e: {  	s31 =	simm.s32 $0x17800;
	s21 =	simm.s32 $0x0  }
0x9f: {  	[tilespmem:s31], [sflag:$0x8] =	stream.indirect_vreg.gather [hbm4b:s14+s0], $0x80, v2, vm0, $0xb8;
	v63 =	vld [tilespmem:$0x0]  }
.LBB2_2:
0xa0: {  	s2 =	simm.s32 $0x15  }
0xa1: {  	s3 =	sshll.u32 s21, $0x4;
	s10 =	rddreg [dreg:$0x6];
	_ =	swait.ge [sflag:s2], $0x2000  }
0xa2: {  	s4 =	sshll.u32 s21, $0x1;
	s0 =	sadd.s32 s3, s10;
	[sflag:s2] =	ssyncset.done $0x0  }
0xa3: {  	s24 =	simm.s32 $0x0;
	s0 =	sshll.u32 s0, $0x7;
	s1 =	rddreg [dreg:$0x2]  }
0xa4: {  	s25 =	simm.s32 $0x6000;
	s26 =	sadd.s32 $0xFFFFFFFE, s4;
	s0 =	sadd.s32 s1, s0  }
0xa5: {  	p0 =	sgt.u32 s26, $0x1D;
	[sflag:s2] =	ssyncadd.s32 $0xFFFFE000;
	s0 =	sadd.s32 $0x400, s0  }
0xa6: {  	[tilespmem:s25], [sflag:$0x16] =	stream.linear.gather [hbm4b:s0+s24], $0x2000, $0x38;
	v63 =	vld [tilespmem:$0x0]  }
0xa7: {  	s0 =	sshll.u32 @!p0 s21, $0x8  }
0xa8: {  	s22 =	sand.u32 @!p0 $0x3FFFFF00, s0  }
0xa9: {  	s0 =	sor.u32 @!p0 $0x80, s22  }
0xaa: {  	v2 =	vld.msk @!p0 [tilespmem:s0+$0x0], $0xff;
	_ =	sdelay $0x4  }
0xab: {  	v3 =	vshll.u32 @!p0 v2, $0x3  }
0xac: {  	v4 =	vlaneseq.u32 @!p0;
	v2 =	vand.u32 @!p0 $0x7, v2;
	v3 =	vand.u32 @!p0 $0xFFFFFFC0, v3  }
0xad: {  	v2 =	vor.u32 @!p0 v2, v3;
	v3 =	vand.u32 @!p0 $0x7, v4;
	v4 =	vshrl.u32 @!p0 v4, $0x3  }
0xae: {  	v2 =	vperm.xlane @!p0 v2, v3;
	v3 =	vmul.u32 @!p0 $0x8, v4;
	_ =	sdelay $0x1  }
0xaf: {  	v2 =	vadd.s32 @!p0 v3, v2;
	_ =	sdelay $0x3  }
0xb0: {  	vm1 =	vmmov @!p0 $0xffff;
	s1 =	simm.s32 @!p0 $0x10000;
	s0 =	simm.s32 @!p0 $0x0  }
0xb1: {  	[tilespmem:s1], [sflag:$0x5] =	stream.indirect_vreg.gather @!p0 [hbm4b:s29+s0], $0x80, v2, vm1, $0xb8;
	v63 =	vld [tilespmem:$0x0]  }
0xb2: {  	s1 =	simm.s32 @!p0 $0x10800  }
0xb3: {  	[tilespmem:s1], [sflag:$0x5] =	stream.indirect_vreg.gather @!p0 [hbm4b:s12+s0], $0x80, v2, vm1, $0xb8;
	v63 =	vld [tilespmem:$0x0]  }
0xb4: {  	s1 =	simm.s32 @!p0 $0x11000  }
0xb5: {  	[tilespmem:s1], [sflag:$0x5] =	stream.indirect_vreg.gather @!p0 [hbm4b:s13+s0], $0x80, v2, vm1, $0xb8;
	v63 =	vld [tilespmem:$0x0]  }
0xb6: {  	s28 =	simm.s32 $0x1;
	[dreg:$0x1b] =	wrdreg s4;
	s1 =	simm.s32 @!p0 $0x11800  }
0xb7: {  	[tilespmem:s1], [sflag:$0x5] =	stream.indirect_vreg.gather @!p0 [hbm4b:s14+s0], $0x80, v2, vm1, $0xb8;
	v63 =	vld [tilespmem:$0x0]  }
0xb8: {  	s2 =	simm.s32 $0x0;
	_ =	swait.ge [sflag:s28], $0x2000  }
0xb9: {  	s30 =	sand.u32 $0x60, s2;
	s31 =	sand.u32 $0x1C00, s2;
	[sflag:s28] =	ssyncset.done $0x0  }
0xba: {  	s1 =	sor.u32 s30, s31;
	[sflag:s28] =	ssyncadd.s32 $0xFFFFE000  }
0xbb: {  	v2 =	vld [tilespmem:s1+$0x4010];
	_ =	sdelay $0x1  }
0xbc: {  	v3 =	vld [tilespmem:s1+$0x4000];
	_ =	sdelay $0x1  }
0xbd: {  	s0 =	sor.u32 $0x8010, s1  }
0xbe: {  	[tilespmem:s0+$0x0] =	vst.add.f32.msk $0xffff, v2  }
0xbf: {  	s19 =	sor.u32 $0x8000, s1;
	v2 =	vld [tilespmem:s1+$0x4090]  }
0xc0: {  	[tilespmem:s19+$0x0] =	vst.add.f32.msk $0xffff, v3  }
0xc1: {  	v3 =	vld [tilespmem:s1+$0x4080];
	_ =	sdelay $0x1  }
0xc2: {  	s20 =	sor.u32 $0x8090, s1  }
0xc3: {  	[tilespmem:s20+$0x0] =	vst.add.f32.msk $0xffff, v2  }
0xc4: {  	s23 =	sor.u32 $0x8080, s1;
	v2 =	vld [tilespmem:s1+$0x4110]  }
0xc5: {  	[tilespmem:s23+$0x0] =	vst.add.f32.msk $0xffff, v3  }
0xc6: {  	v3 =	vld [tilespmem:s1+$0x4100];
	_ =	sdelay $0x1  }
0xc7: {  	s24 =	sor.u32 $0x8110, s1  }
0xc8: {  	[tilespmem:s24+$0x0] =	vst.add.f32.msk $0xffff, v2  }
0xc9: {  	s25 =	sor.u32 $0x8100, s1;
	v2 =	vld [tilespmem:s1+$0x4190]  }
0xca: {  	[tilespmem:s25+$0x0] =	vst.add.f32.msk $0xffff, v3  }
0xcb: {  	v3 =	vld [tilespmem:s1+$0x4180];
	_ =	sdelay $0x1  }
0xcc: {  	s26 =	sor.u32 $0x8190, s1  }
0xcd: {  	[tilespmem:s26+$0x0] =	vst.add.f32.msk $0xffff, v2  }
0xce: {  	s28 =	sor.u32 $0x8180, s1;
	v2 =	vld [tilespmem:s1+$0x4210]  }
0xcf: {  	s5 =	simm.s32 $0x100;
	s31 =	simm.s32 $0x20;
	[tilespmem:s28+$0x0] =	vst.add.f32.msk $0xffff, v3  }
0xd0: {  	s6 =	sand.u32 $0x1C00, s5;
	s11 =	sand.u32 $0x60, s31;
	v3 =	vld [tilespmem:s1+$0x4200]  }
0xd1: {  	s0 =	sor.u32 s11, s6  }
0xd2: {  	s30 =	sor.u32 $0x8210, s1;
	v4 =	vld [tilespmem:s0+$0x4010]  }
0xd3: {  	[tilespmem:s30+$0x0] =	vst.add.f32.msk $0xffff, v2  }
0xd4: {  	s7 =	sor.u32 $0x8200, s1;
	v2 =	vld [tilespmem:s1+$0x4290]  }
0xd5: {  	s15 =	sand.u32 $0x3, s2;
	[tilespmem:s7+$0x0] =	vst.add.f32.msk $0xffff, v3  }
0xd6: {  	s6 =	sshll.u32 s15, $0x5;
	s9 =	sor.u32 $0x8010, s0;
	v3 =	vld [tilespmem:s0+$0x4000]  }
0xd7: {  	s6 =	sadd.s32 $0x0, s6;
	[tilespmem:s9+$0x0] =	vst.add.f32.msk $0xffff, v4  }
0xd8: {  	s16 =	sor.u32 $0x8290, s1;
	s8 =	sadd.s32 $0x10, s6;
	v4 =	vld [tilespmem:s0+$0x4090]  }
0xd9: {  	s17 =	sor.u32 $0x300, s8;
	[tilespmem:s16+$0x0] =	vst.add.f32.msk $0xffff, v2  }
0xda: {  	s18 =	sor.u32 $0x8000, s0;
	v2 =	vld [tilespmem:s17+$0x4000]  }
0xdb: {  	[tilespmem:s18+$0x0] =	vst.add.f32.msk $0xffff, v3  }
0xdc: {  	s20 =	sor.u32 $0x8090, s0;
	v3 =	vld [tilespmem:s0+$0x4080]  }
0xdd: {  	[tilespmem:s20+$0x0] =	vst.add.f32.msk $0xffff, v4  }
0xde: {  	v4 =	vld [tilespmem:s0+$0x4110]  }
0xdf: {  	s19 =	sor.u32 $0x380, s8;
	[tilespmem:s17+$0x8000] =	vst.add.f32.msk $0xffff, v2  }
0xe0: {  	s23 =	sor.u32 $0x8080, s0;
	v2 =	vld [tilespmem:s19+$0x4000]  }
0xe1: {  	[tilespmem:s23+$0x0] =	vst.add.f32.msk $0xffff, v3  }
0xe2: {  	s24 =	sor.u32 $0x8110, s0;
	v3 =	vld [tilespmem:s0+$0x4100]  }
0xe3: {  	[tilespmem:s24+$0x0] =	vst.add.f32.msk $0xffff, v4  }
0xe4: {  	v5 =	vld [tilespmem:s1+$0x4280]  }
0xe5: {  	[tilespmem:s19+$0x8000] =	vst.add.f32.msk $0xffff, v2  }
0xe6: {  	s25 =	sor.u32 $0x8100, s0;
	v2 =	vld [tilespmem:s0+$0x4190]  }
0xe7: {  	[tilespmem:s25+$0x0] =	vst.add.f32.msk $0xffff, v3  }
0xe8: {  	s4 =	sor.u32 $0x8280, s1;
	v3 =	vld [tilespmem:s0+$0x4180]  }
0xe9: {  	s6 =	sor.u32 $0x300, s6;
	[tilespmem:s4+$0x0] =	vst.add.f32.msk $0xffff, v5  }
0xea: {  	s26 =	sor.u32 $0x8190, s0;
	v4 =	vld [tilespmem:s6+$0x4000]  }
0xeb: {  	[tilespmem:s26+$0x0] =	vst.add.f32.msk $0xffff, v2  }
0xec: {  	s28 =	sor.u32 $0x8180, s0;
	v5 =	vld [tilespmem:s0+$0x4210]  }
0xed: {  	[tilespmem:s28+$0x0] =	vst.add.f32.msk $0xffff, v3  }
0xee: {  	s11 =	simm.s32 $0x200;
	s9 =	simm.s32 $0x2;
	s30 =	sor.u32 s2, s2;
	v3 =	vld [tilespmem:s0+$0x4200]  }
0xef: {  	s2 =	sor.u32 s10, s3;
	s7 =	sor.u32 $0x380, s30;
	s1 =	sor.u32 s5, s31;
	[tilespmem:s6+$0x8000] =	vst.add.f32.msk $0xffff, v4  }
0xf0: {  	s10 =	simm.s32 $0x1;
	s31 =	sor.u32 $0x8210, s0;
	s8 =	sor.u32 $0x380, s1;
	v2 =	vld [tilespmem:s7+$0x4000]  }
0xf1: {  	s18 =	simm.s32 $0x40;
	s17 =	sor.u32 $0x8200, s0;
	s6 =	sor.u32 $0x8280, s0;
	[tilespmem:s31+$0x0] =	vst.add.f32.msk $0xffff, v5  }
.LBB2_3:
0xf2: {  	s1 =	sand.u32 $0x60, s18;
	s4 =	sand.u32 $0x1C00, s11;
	s9 =	sadd.s32 $0x2, s9;
	v4 =	vld [tilespmem:s0+$0x4290]  }
0xf3: {  	s4 =	sor.u32 s1, s4;
	p1 =	slt.u32 s9, $0x3E;
	s1 =	sand.u32 $0x3, s10;
	[tilespmem:s17+$0x0] =	vst.add.f32.msk $0xffff, v3  }
0xf4: {  	s15 =	sor.u32 $0x8000, s4;
	s16 =	sor.u32 $0x8080, s4;
	v3 =	vld [tilespmem:s4+$0x4010];
	s17 =	sshll.u32 s1, $0x5  }
0xf5: {  	s19 =	sor.u32 $0x8100, s4;
	s1 =	sor.u32 $0x8180, s4;
	v5 =	vld [tilespmem:s4+$0x4000];
	s5 =	sadd.s32 s17, s5  }
0xf6: {  	s17 =	sor.u32 $0x8200, s4;
	v6 =	vld [tilespmem:s0+$0x4280];
	s0 =	sor.u32 $0x8290, s0;
	s23 =	sadd.s32 $0x10, s5  }
0xf7: {  	s24 =	sor.u32 $0x8280, s4;
	s25 =	sor.u32 $0x300, s5;
	[tilespmem:s0+$0x0] =	vst.add.f32.msk $0xffff, v4;
	s26 =	sor.u32 $0x300, s23  }
0xf8: {  	s28 =	sor.u32 $0x8010, s4;
	s5 =	sor.u32 s11, s18;
	s0 =	smov.u32 s4;
	v4 =	vld [tilespmem:s26+$0x4000]  }
0xf9: {  	s4 =	sor.u32 $0x380, s5;
	s5 =	smov.u32 s11;
	[tilespmem:s28+$0x0] =	vst.add.f32.msk $0xffff, v3  }
0xfa: {  	v3 =	vld [tilespmem:s0+$0x4090]  }
0xfb: {  	[tilespmem:s15+$0x0] =	vst.add.f32.msk $0xffff, v5  }
0xfc: {  	v5 =	vld [tilespmem:s0+$0x4080]  }
0xfd: {  	s15 =	sor.u32 $0x380, s23;
	[tilespmem:s26+$0x8000] =	vst.add.f32.msk $0xffff, v4  }
0xfe: {  	s23 =	sor.u32 $0x8090, s0;
	v4 =	vld [tilespmem:s15+$0x4000]  }
0xff: {  	[tilespmem:s23+$0x0] =	vst.add.f32.msk $0xffff, v3  }
0x100: {  	v3 =	vld [tilespmem:s0+$0x4110]  }
0x101: {  	[tilespmem:s16+$0x0] =	vst.add.f32.msk $0xffff, v5  }
0x102: {  	v5 =	vld [tilespmem:s0+$0x4100]  }
0x103: {  	[tilespmem:s15+$0x8000] =	vst.add.f32.msk $0xffff, v4  }
0x104: {  	s15 =	sor.u32 $0x8110, s0;
	[tilespmem:s6+$0x0] =	vst.add.f32.msk $0xffff, v6;
	s6 =	smov.u32 s24  }
0x105: {  	[tilespmem:s15+$0x0] =	vst.add.f32.msk $0xffff, v3  }
0x106: {  	v3 =	vld [tilespmem:s0+$0x4190]  }
0x107: {  	[tilespmem:s19+$0x0] =	vst.add.f32.msk $0xffff, v5  }
0x108: {  	v4 =	vld [tilespmem:s0+$0x4180]  }
0x109: {  	v5 =	vld [tilespmem:s25+$0x4000]  }
0x10a: {  	s15 =	sor.u32 $0x8190, s0;
	[tilespmem:s7+$0x8000] =	vst.add.f32.msk $0xffff, v2;
	s7 =	smov.u32 s8;
	s8 =	smov.u32 s4  }
0x10b: {  	[tilespmem:s15+$0x0] =	vst.add.f32.msk $0xffff, v3  }
0x10c: {  	v6 =	vld [tilespmem:s0+$0x4210]  }
.Ltmp0:
0x10d: {  	[tilespmem:s1+$0x0] =	vst.add.f32.msk $0xffff, v4;
	(pc) =	sbr.rel @p1 .LBB2_3-.Ltmp0, $4  }
0x10e: {  	v3 =	vld [tilespmem:s0+$0x4200]  }
0x10f: {  	[tilespmem:s25+$0x8000] =	vst.add.f32.msk $0xffff, v5  }
0x110: {  	s1 =	sor.u32 $0x8210, s0;
	v2 =	vld [tilespmem:s7+$0x4000]  }
0x111: {  	s10 =	sadd.s32 $0x1, s10;
	s18 =	sadd.s32 $0x20, s18;
	s11 =	sadd.s32 $0x100, s11;
	[tilespmem:s1+$0x0] =	vst.add.f32.msk $0xffff, v6  }
0x112: {  	v4 =	vld [tilespmem:s0+$0x4290]  }
0x113: {  	s1 =	sand.u32 $0x3, s10;
	[tilespmem:s17+$0x0] =	vst.add.f32.msk $0xffff, v3  }
0x114: {  	s1 =	sshll.u32 s1, $0x5;
	v3 =	vld [tilespmem:s0+$0x4280]  }
0x115: {  	s1 =	sadd.s32 s1, s5  }
0x116: {  	s24 =	sor.u32 $0x8290, s0;
	s4 =	sadd.s32 $0x10, s1  }
0x117: {  	s25 =	sor.u32 $0x300, s4;
	[tilespmem:s24+$0x0] =	vst.add.f32.msk $0xffff, v4  }
0x118: {  	v4 =	vld [tilespmem:s25+$0x4000]  }
0x119: {  	s1 =	sor.u32 $0x300, s1;
	[tilespmem:s6+$0x0] =	vst.add.f32.msk $0xffff, v3  }
0x11a: {  	v3 =	vld [tilespmem:s1+$0x4000];
	_ =	sdelay $0x2  }
0x11b: {  	s26 =	sor.u32 $0x380, s4;
	[tilespmem:s25+$0x8000] =	vst.add.f32.msk $0xffff, v4  }
0x11c: {  	v4 =	vld [tilespmem:s26+$0x4000]  }
0x11d: {  	[tilespmem:s1+$0x8000] =	vst.add.f32.msk $0xffff, v3  }
0x11e: {  	v3 =	vld [tilespmem:s8+$0x4000];
	_ =	sdelay $0x2  }
0x11f: {  	[tilespmem:s7+$0x8000] =	vst.add.f32.msk $0xffff, v2  }
0x120: {  	p1 =	sne.s32 s21, $0x0;
	[tilespmem:s26+$0x8000] =	vst.add.f32.msk $0xffff, v4  }
0x121: {  	s0 =	simm.s32 @p1 $0x11;
	[tilespmem:s8+$0x8000] =	vst.add.f32.msk $0xffff, v3  }
0x122: {  	_ =	swait.ge @p1 [sflag:s0], $0x400  }
0x123: {  	[sflag:s0] =	ssyncset.done @p1 $0x0  }
0x124: {  	s5 =	rddreg [dreg:$0xc];
	[sflag:s0] =	ssyncadd.s32 @p1 $0xFFFFFC00;
	s0 =	simm.s32 @p1 $0x8000  }
0x125: {  	[spmem:s5] =	stream.linear.scatter @p1 [tilespmem:s0], [sflag:$0x9], $0x2000, $0x38;
	v63 =	vld [tilespmem:$0x0]  }
0x126: {  	s0 =	simm.s32 @p1 $0x10  }
0x127: {  	_ =	swait.ge @p1 [sflag:s0], $0x2000  }
0x128: {  	s1 =	stileid.u32;
	[sflag:s0] =	ssyncset.done @p1 $0x0  }
0x129: {  	s4 =	rddreg [dreg:$0xe];
	[sflag:s0] =	ssyncadd.s32 @p1 $0xFFFFE000;
	s0 =	sshll.u32 @p1 s21, $0xB  }
0x12a: {  	s1 =	sshll.u32 @p1 s1, $0x6;
	s0 =	sadd.s32 @p1 s0, s4;
	s4 =	rddreg [dreg:$0xd]  }
0x12b: {  	s1 =	sor.u32 @p1 $0x1C14, s1;
	s4 =	sshrl.u32 @p1 s4, $0x3  }
0x12c: {  	[hbm:s0], [sflag:s1] =	dma.local @p1 [spmem:s4], $0x400  }
0x12d: {  	s0 =	simm.s32 @!p1 $0x8000  }
0x12e: {  	[spmem:s5] =	stream.linear.scatter @!p1 [tilespmem:s0], [sflag:$0x9], $0x2000, $0x38;
	v63 =	vld [tilespmem:$0x0]  }
0x12f: {  	v2 =	vld.msk @!p0 [tilespmem:s22+$0x1080], $0xff;
	_ =	sdelay $0x4  }
0x130: {  	v3 =	vshll.u32 @!p0 v2, $0x3  }
0x131: {  	v4 =	vlaneseq.u32 @!p0;
	v2 =	vand.u32 @!p0 $0x7, v2;
	v3 =	vand.u32 @!p0 $0xFFFFFFC0, v3  }
0x132: {  	v2 =	vor.u32 @!p0 v2, v3;
	v3 =	vand.u32 @!p0 $0x7, v4;
	v4 =	vshrl.u32 @!p0 v4, $0x3  }
0x133: {  	v2 =	vperm.xlane @!p0 v2, v3;
	v3 =	vmul.u32 @!p0 $0x8, v4;
	_ =	sdelay $0x1  }
0x134: {  	v2 =	vadd.s32 @!p0 v3, v2;
	_ =	sdelay $0x3  }
0x135: {  	s1 =	simm.s32 @!p0 $0x12000;
	s0 =	simm.s32 @!p0 $0x0  }
0x136: {  	[tilespmem:s1], [sflag:$0x6] =	stream.indirect_vreg.gather @!p0 [hbm4b:s29+s0], $0x80, v2, vm1, $0xb8;
	v63 =	vld [tilespmem:$0x0]  }
0x137: {  	s1 =	simm.s32 @!p0 $0x12800  }
0x138: {  	[tilespmem:s1], [sflag:$0x6] =	stream.indirect_vreg.gather @!p0 [hbm4b:s12+s0], $0x80, v2, vm1, $0xb8;
	v63 =	vld [tilespmem:$0x0]  }
0x139: {  	s1 =	simm.s32 @!p0 $0x13000  }
0x13a: {  	[tilespmem:s1], [sflag:$0x6] =	stream.indirect_vreg.gather @!p0 [hbm4b:s13+s0], $0x80, v2, vm1, $0xb8;
	v63 =	vld [tilespmem:$0x0]  }
0x13b: {  	s1 =	simm.s32 @!p0 $0x13800  }
0x13c: {  	[tilespmem:s1], [sflag:$0x6] =	stream.indirect_vreg.gather @!p0 [hbm4b:s14+s0], $0x80, v2, vm1, $0xb8;
	v63 =	vld [tilespmem:$0x0]  }
0x13d: {  	s29 =	simm.s32 $0x2;
	s0 =	simm.s32 $0x0  }
0x13e: {  	_ =	swait.ge [sflag:s29], $0x2000;
	s26 =	sand.u32 $0x60, s0;
	s5 =	sand.u32 $0x1C00, s0  }
0x13f: {  	[sflag:s29] =	ssyncset.done $0x0;
	s30 =	sor.u32 $0x4000, s5;
	s7 =	sor.u32 $0x10, s26  }
0x140: {  	[sflag:s29] =	ssyncadd.s32 $0xFFFFE000;
	s31 =	sor.u32 s7, s30  }
0x141: {  	v2 =	vld [tilespmem:s31+$0x0];
	_ =	sdelay $0x2  }
0x142: {  	s10 =	sor.u32 $0xA000, s5;
	s4 =	sor.u32 s26, s30  }
0x143: {  	s11 =	sor.u32 s7, s10;
	v3 =	vld [tilespmem:s4+$0x0]  }
0x144: {  	[tilespmem:s11+$0x0] =	vst.add.f32.msk $0xffff, v2  }
0x145: {  	v2 =	vld [tilespmem:s31+$0x80];
	_ =	sdelay $0x1  }
0x146: {  	s6 =	sor.u32 s26, s10  }
0x147: {  	s15 =	sor.u32 $0xA080, s5;
	[tilespmem:s6+$0x0] =	vst.add.f32.msk $0xffff, v3  }
0x148: {  	s9 =	sor.u32 s7, s15;
	v3 =	vld [tilespmem:s4+$0x80]  }
0x149: {  	[tilespmem:s9+$0x0] =	vst.add.f32.msk $0xffff, v2  }
0x14a: {  	v2 =	vld [tilespmem:s31+$0x100];
	_ =	sdelay $0x1  }
0x14b: {  	s1 =	sor.u32 s26, s15  }
0x14c: {  	s16 =	sor.u32 $0xA100, s5;
	[tilespmem:s1+$0x0] =	vst.add.f32.msk $0xffff, v3  }
0x14d: {  	s17 =	sor.u32 s7, s16;
	v3 =	vld [tilespmem:s4+$0x100]  }
0x14e: {  	[tilespmem:s17+$0x0] =	vst.add.f32.msk $0xffff, v2  }
0x14f: {  	v2 =	vld [tilespmem:s31+$0x180];
	_ =	sdelay $0x1  }
0x150: {  	s6 =	sor.u32 s26, s16  }
0x151: {  	s18 =	sor.u32 $0xA180, s5;
	[tilespmem:s6+$0x0] =	vst.add.f32.msk $0xffff, v3  }
0x152: {  	s19 =	sor.u32 s7, s18;
	v3 =	vld [tilespmem:s4+$0x180]  }
0x153: {  	s10 =	simm.s32 $0x100;
	[tilespmem:s19+$0x0] =	vst.add.f32.msk $0xffff, v2  }
0x154: {  	s17 =	simm.s32 $0x20;
	s6 =	sand.u32 $0x1C00, s10;
	v2 =	vld [tilespmem:s31+$0x200]  }
0x155: {  	s28 =	sand.u32 $0x60, s17;
	s15 =	sor.u32 $0x4000, s6  }
0x156: {  	s1 =	sor.u32 s26, s18;
	s18 =	sor.u32 s28, s15  }
0x157: {  	s20 =	sor.u32 $0xA200, s5;
	v5 =	vld [tilespmem:s18+$0x0]  }
0x158: {  	s11 =	sor.u32 s7, s20;
	[tilespmem:s1+$0x0] =	vst.add.f32.msk $0xffff, v3  }
0x159: {  	[tilespmem:s11+$0x0] =	vst.add.f32.msk $0xffff, v2  }
0x15a: {  	s11 =	sor.u32 $0x10, s28;
	v2 =	vld [tilespmem:s31+$0x280]  }
0x15b: {  	s25 =	sand.u32 $0x3, s0;
	s23 =	sor.u32 $0xA000, s6;
	v4 =	vld [tilespmem:s4+$0x200];
	s8 =	sor.u32 s11, s15  }
0x15c: {  	s30 =	sor.u32 s28, s23;
	s1 =	sshll.u32 s25, $0x5;
	v3 =	vld [tilespmem:s8+$0x0]  }
0x15d: {  	s1 =	sadd.s32 $0x0, s1;
	[tilespmem:s30+$0x0] =	vst.add.f32.msk $0xffff, v5;
	s15 =	sor.u32 $0xA280, s5  }
0x15e: {  	s19 =	sadd.s32 $0x10, s1;
	v5 =	vld [tilespmem:s18+$0x80];
	s16 =	sor.u32 s7, s15  }
0x15f: {  	s29 =	sor.u32 $0x300, s19;
	[tilespmem:s16+$0x0] =	vst.add.f32.msk $0xffff, v2  }
0x160: {  	s24 =	sor.u32 s11, s23;
	v2 =	vld [tilespmem:s29+$0x4000]  }
0x161: {  	[tilespmem:s24+$0x0] =	vst.add.f32.msk $0xffff, v3  }
0x162: {  	s9 =	sor.u32 s26, s20;
	s20 =	sor.u32 $0xA080, s6;
	v3 =	vld [tilespmem:s8+$0x80]  }
0x163: {  	s25 =	sor.u32 s28, s20;
	[tilespmem:s9+$0x0] =	vst.add.f32.msk $0xffff, v4  }
0x164: {  	[tilespmem:s25+$0x0] =	vst.add.f32.msk $0xffff, v5;
	s16 =	sor.u32 $0xA300, s5  }
0x165: {  	v5 =	vld [tilespmem:s4+$0x280];
	s31 =	sor.u32 s7, s16  }
0x166: {  	s24 =	sor.u32 s11, s20;
	[tilespmem:s31+$0x0] =	vst.add.f32.msk $0xffff, v2  }
0x167: {  	[tilespmem:s24+$0x0] =	vst.add.f32.msk $0xffff, v3  }
0x168: {  	v2 =	vld [tilespmem:s8+$0x100];
	_ =	sdelay $0x2  }
0x169: {  	s30 =	sor.u32 $0xA100, s6;
	s20 =	sor.u32 s26, s15;
	v3 =	vld [tilespmem:s18+$0x100]  }
0x16a: {  	[tilespmem:s20+$0x0] =	vst.add.f32.msk $0xffff, v5;
	s31 =	sor.u32 s11, s30  }
0x16b: {  	[tilespmem:s31+$0x0] =	vst.add.f32.msk $0xffff, v2  }
0x16c: {  	s1 =	sor.u32 $0x300, s1;
	v2 =	vld [tilespmem:s8+$0x180]  }
0x16d: {  	s29 =	sor.u32 $0x380, s19;
	s19 =	sor.u32 s28, s30;
	v5 =	vld [tilespmem:s1+$0x4000]  }
0x16e: {  	[tilespmem:s19+$0x0] =	vst.add.f32.msk $0xffff, v3  }
0x16f: {  	s23 =	sor.u32 $0xA180, s6;
	v3 =	vld [tilespmem:s18+$0x180]  }
0x170: {  	v4 =	vld [tilespmem:s29+$0x4000];
	s24 =	sor.u32 s11, s23  }
0x171: {  	[tilespmem:s24+$0x0] =	vst.add.f32.msk $0xffff, v2  }
0x172: {  	s30 =	sor.u32 s26, s16;
	v2 =	vld [tilespmem:s8+$0x200]  }
0x173: {  	s0 =	sor.u32 s0, s0;
	s29 =	sor.u32 s28, s23;
	[tilespmem:s30+$0x0] =	vst.add.f32.msk $0xffff, v5  }
0x174: {  	s9 =	simm.s32 $0x200;
	s20 =	sor.u32 $0x380, s0;
	s19 =	sor.u32 $0xA380, s5;
	[tilespmem:s29+$0x0] =	vst.add.f32.msk $0xffff, v3  }
0x175: {  	s1 =	simm.s32 $0x40;
	s25 =	sor.u32 s7, s19;
	s31 =	sor.u32 $0xA200, s6;
	v3 =	vld [tilespmem:s18+$0x200]  }
0x176: {  	s0 =	sand.u32 $0x60, s1;
	s5 =	sand.u32 $0x1C00, s9;
	[tilespmem:s25+$0x0] =	vst.add.f32.msk $0xffff, v4;
	s16 =	sor.u32 s11, s31  }
0x177: {  	s7 =	sor.u32 $0x10, s0;
	s24 =	sor.u32 $0x4000, s5;
	[tilespmem:s16+$0x0] =	vst.add.f32.msk $0xffff, v2  }
0x178: {  	s23 =	simm.s32 $0x1;
	s25 =	sor.u32 s7, s24;
	v4 =	vld [tilespmem:s8+$0x280]  }
0x179: {  	s4 =	sor.u32 s28, s31;
	s29 =	sand.u32 $0x3, s23;
	v5 =	vld [tilespmem:s25+$0x0]  }
0x17a: {  	s15 =	sshll.u32 s29, $0x5;
	[tilespmem:s4+$0x0] =	vst.add.f32.msk $0xffff, v3  }
0x17b: {  	s15 =	sadd.s32 $0x100, s15;
	v2 =	vld [tilespmem:s20+$0x4000];
	s16 =	sor.u32 $0xA280, s6;
	s8 =	sor.u32 s0, s24  }
0x17c: {  	s23 =	sadd.s32 $0x10, s15;
	s30 =	sor.u32 s11, s16;
	v6 =	vld [tilespmem:s8+$0x0]  }
0x17d: {  	s31 =	sor.u32 $0xA000, s5;
	s20 =	sor.u32 $0x300, s23;
	[tilespmem:s30+$0x0] =	vst.add.f32.msk $0xffff, v4  }
0x17e: {  	s29 =	sor.u32 s7, s31;
	v3 =	vld [tilespmem:s20+$0x4000]  }
0x17f: {  	[tilespmem:s29+$0x0] =	vst.add.f32.msk $0xffff, v5  }
0x180: {  	s30 =	sor.u32 s0, s31;
	v4 =	vld [tilespmem:s25+$0x80]  }
0x181: {  	s4 =	sor.u32 $0xA300, s6;
	[tilespmem:s30+$0x0] =	vst.add.f32.msk $0xffff, v6  }
0x182: {  	s31 =	sor.u32 s11, s4;
	v5 =	vld [tilespmem:s8+$0x80]  }
0x183: {  	s23 =	sor.u32 $0x380, s23;
	s20 =	sor.u32 $0xA080, s5;
	[tilespmem:s31+$0x0] =	vst.add.f32.msk $0xffff, v3  }
0x184: {  	s29 =	sor.u32 s7, s20;
	v3 =	vld [tilespmem:s23+$0x4000]  }
0x185: {  	[tilespmem:s29+$0x0] =	vst.add.f32.msk $0xffff, v4  }
0x186: {  	s30 =	sor.u32 s0, s20;
	v4 =	vld [tilespmem:s25+$0x100]  }
0x187: {  	s6 =	sor.u32 $0xA380, s6;
	[tilespmem:s30+$0x0] =	vst.add.f32.msk $0xffff, v5  }
0x188: {  	s11 =	sor.u32 s11, s6;
	v5 =	vld [tilespmem:s8+$0x100]  }
0x189: {  	s31 =	sor.u32 $0xA100, s5;
	[tilespmem:s11+$0x0] =	vst.add.f32.msk $0xffff, v3  }
0x18a: {  	s20 =	sor.u32 s7, s31;
	v3 =	vld [tilespmem:s18+$0x280]  }
0x18b: {  	[tilespmem:s20+$0x0] =	vst.add.f32.msk $0xffff, v4  }
0x18c: {  	s11 =	sor.u32 s0, s31;
	v4 =	vld [tilespmem:s25+$0x180]  }
0x18d: {  	[tilespmem:s11+$0x0] =	vst.add.f32.msk $0xffff, v5  }
0x18e: {  	s23 =	sor.u32 s28, s16;
	v6 =	vld [tilespmem:s8+$0x180]  }
0x18f: {  	s15 =	sor.u32 $0x300, s15;
	s24 =	sor.u32 $0xA180, s5;
	[tilespmem:s23+$0x0] =	vst.add.f32.msk $0xffff, v3  }
0x190: {  	s29 =	sor.u32 s7, s24;
	v3 =	vld [tilespmem:s15+$0x4000]  }
0x191: {  	[tilespmem:s29+$0x0] =	vst.add.f32.msk $0xffff, v4  }
0x192: {  	s10 =	sor.u32 s10, s17;
	s30 =	sor.u32 s0, s24;
	v5 =	vld [tilespmem:s25+$0x200]  }
0x193: {  	s17 =	simm.s32 $0x4;
	s1 =	sor.u32 s9, s1;
	s4 =	sor.u32 s28, s4;
	[tilespmem:s30+$0x0] =	vst.add.f32.msk $0xffff, v6  }
0x194: {  	s31 =	sor.u32 $0x380, s10;
	s10 =	sor.u32 $0x380, s1;
	s1 =	sor.u32 $0xA200, s5;
	v4 =	vld [tilespmem:s8+$0x200]  }
0x195: {  	s18 =	simm.s32 $0x2;
	s11 =	sor.u32 s26, s19;
	s26 =	sor.u32 s28, s6;
	[tilespmem:s4+$0x0] =	vst.add.f32.msk $0xffff, v3  }
0x196: {  	s28 =	simm.s32 $0x300;
	s19 =	simm.s32 $0x60;
	s4 =	sor.u32 s7, s1;
	v3 =	vld [tilespmem:s31+$0x4000]  }
.LBB2_5:
0x197: {  	s23 =	sand.u32 $0x60, s19;
	s15 =	sand.u32 $0x1C00, s28;
	s17 =	sadd.s32 $0x2, s17;
	[tilespmem:s4+$0x0] =	vst.add.f32.msk $0xffff, v5  }
0x198: {  	s6 =	sor.u32 $0x4000, s15;
	s4 =	sor.u32 $0x10, s23;
	p1 =	slt.u32 s17, $0x3E;
	v5 =	vld [tilespmem:s25+$0x280]  }
0x199: {  	s24 =	sor.u32 s23, s6;
	s25 =	sor.u32 s4, s6;
	s6 =	sand.u32 $0x3, s18;
	[tilespmem:s11+$0x0] =	vst.add.f32.msk $0xffff, v2  }
0x19a: {  	s1 =	sor.u32 s0, s1;
	s11 =	sor.u32 s28, s19;
	v6 =	vld [tilespmem:s25+$0x0];
	s6 =	sshll.u32 s6, $0x5  }
0x19b: {  	s16 =	sor.u32 $0xA280, s5;
	s11 =	sor.u32 $0x380, s11;
	v7 =	vld [tilespmem:s24+$0x0];
	s6 =	sadd.s32 s6, s9;
	v2 =	vmov v3  }
0x19c: {  	s9 =	sor.u32 s7, s16;
	[tilespmem:s1+$0x0] =	vst.add.f32.msk $0xffff, v4;
	s1 =	sor.u32 s0, s16;
	s29 =	sadd.s32 $0x10, s6  }
0x19d: {  	s30 =	sor.u32 $0xA000, s15;
	s16 =	sor.u32 $0x300, s6;
	[tilespmem:s9+$0x0] =	vst.add.f32.msk $0xffff, v5;
	s6 =	sor.u32 $0x300, s29  }
0x19e: {  	s31 =	sor.u32 s23, s30;
	s9 =	sor.u32 s4, s30;
	v3 =	vld [tilespmem:s6+$0x4000];
	s6 =	smov.u32 s10  }
0x19f: {  	s10 =	smov.u32 s11;
	s11 =	smov.u32 s26;
	[tilespmem:s9+$0x0] =	vst.add.f32.msk $0xffff, v6;
	s9 =	smov.u32 s28  }
0x1a0: {  	v4 =	vld [tilespmem:s25+$0x80]  }
0x1a1: {  	s26 =	sor.u32 $0xA300, s5;
	[tilespmem:s31+$0x0] =	vst.add.f32.msk $0xffff, v7  }
0x1a2: {  	s30 =	sor.u32 s0, s26;
	s26 =	sor.u32 s7, s26;
	v5 =	vld [tilespmem:s24+$0x80]  }
0x1a3: {  	s31 =	sor.u32 $0xA080, s15;
	[tilespmem:s26+$0x0] =	vst.add.f32.msk $0xffff, v3;
	s26 =	sor.u32 $0x380, s29  }
0x1a4: {  	s29 =	sor.u32 s23, s31;
	s31 =	sor.u32 s4, s31;
	v3 =	vld [tilespmem:s26+$0x4000]  }
0x1a5: {  	[tilespmem:s31+$0x0] =	vst.add.f32.msk $0xffff, v4  }
0x1a6: {  	v4 =	vld [tilespmem:s25+$0x100]  }
0x1a7: {  	[tilespmem:s29+$0x0] =	vst.add.f32.msk $0xffff, v5;
	s29 =	sor.u32 $0xA380, s5;
	s5 =	smov.u32 s15  }
0x1a8: {  	v5 =	vld [tilespmem:s24+$0x100];
	s26 =	sor.u32 s0, s29;
	s7 =	sor.u32 s7, s29;
	s0 =	smov.u32 s23  }
0x1a9: {  	s15 =	sor.u32 $0xA100, s5;
	[tilespmem:s7+$0x0] =	vst.add.f32.msk $0xffff, v3;
	s7 =	smov.u32 s4  }
0x1aa: {  	s4 =	sor.u32 s0, s15;
	s15 =	sor.u32 s7, s15;
	v3 =	vld [tilespmem:s8+$0x280];
	s8 =	smov.u32 s24  }
0x1ab: {  	[tilespmem:s15+$0x0] =	vst.add.f32.msk $0xffff, v4  }
0x1ac: {  	v4 =	vld [tilespmem:s25+$0x180]  }
0x1ad: {  	[tilespmem:s4+$0x0] =	vst.add.f32.msk $0xffff, v5  }
0x1ae: {  	v6 =	vld [tilespmem:s8+$0x180]  }
0x1af: {  	s4 =	sor.u32 $0xA180, s5;
	[tilespmem:s1+$0x0] =	vst.add.f32.msk $0xffff, v3  }
0x1b0: {  	s1 =	sor.u32 s0, s4;
	s4 =	sor.u32 s7, s4;
	v3 =	vld [tilespmem:s16+$0x4000]  }
0x1b1: {  	[tilespmem:s4+$0x0] =	vst.add.f32.msk $0xffff, v4  }
.Ltmp1:
0x1b2: {  	v5 =	vld [tilespmem:s25+$0x200];
	(pc) =	sbr.rel @p1 .LBB2_5-.Ltmp1, $4  }
0x1b3: {  	[tilespmem:s1+$0x0] =	vst.add.f32.msk $0xffff, v6  }
0x1b4: {  	v4 =	vld [tilespmem:s8+$0x200]  }
0x1b5: {  	s28 =	sadd.s32 $0x100, s28;
	s1 =	sor.u32 $0xA200, s5;
	[tilespmem:s30+$0x0] =	vst.add.f32.msk $0xffff, v3  }
0x1b6: {  	s19 =	sadd.s32 $0x20, s19;
	s18 =	sadd.s32 $0x1, s18;
	s4 =	sor.u32 s7, s1;
	v3 =	vld [tilespmem:s6+$0x4000]  }
0x1b7: {  	[tilespmem:s4+$0x0] =	vst.add.f32.msk $0xffff, v5  }
0x1b8: {  	s1 =	sor.u32 s0, s1;
	v5 =	vld [tilespmem:s25+$0x280]  }
0x1b9: {  	s18 =	sand.u32 $0x3, s18;
	[tilespmem:s1+$0x0] =	vst.add.f32.msk $0xffff, v4  }
0x1ba: {  	s19 =	sshll.u32 s18, $0x5;
	v4 =	vld [tilespmem:s8+$0x280]  }
0x1bb: {  	s20 =	sor.u32 $0xA280, s5;
	s1 =	sadd.s32 s19, s9  }
0x1bc: {  	s6 =	sor.u32 s7, s20;
	s23 =	sadd.s32 $0x10, s1  }
0x1bd: {  	s24 =	sor.u32 $0x300, s23;
	[tilespmem:s6+$0x0] =	vst.add.f32.msk $0xffff, v5  }
0x1be: {  	s4 =	sor.u32 s0, s20;
	v5 =	vld [tilespmem:s24+$0x4000]  }
0x1bf: {  	s1 =	sor.u32 $0x300, s1;
	[tilespmem:s4+$0x0] =	vst.add.f32.msk $0xffff, v4  }
0x1c0: {  	v4 =	vld [tilespmem:s1+$0x4000]  }
0x1c1: {  	s25 =	sor.u32 $0xA300, s5  }
0x1c2: {  	s6 =	sor.u32 s7, s25  }
0x1c3: {  	s9 =	sor.u32 $0x380, s23;
	[tilespmem:s6+$0x0] =	vst.add.f32.msk $0xffff, v5  }
0x1c4: {  	s1 =	sor.u32 s0, s25;
	v5 =	vld [tilespmem:s9+$0x4000]  }
0x1c5: {  	[tilespmem:s1+$0x0] =	vst.add.f32.msk $0xffff, v4  }
0x1c6: {  	v4 =	vld [tilespmem:s10+$0x4000];
	_ =	sdelay $0x1  }
0x1c7: {  	s15 =	sor.u32 $0xA380, s5;
	[tilespmem:s11+$0x0] =	vst.add.f32.msk $0xffff, v2  }
0x1c8: {  	s16 =	sor.u32 s7, s15;
	[tilespmem:s26+$0x0] =	vst.add.f32.msk $0xffff, v3  }
0x1c9: {  	p1 =	seq.s32 s21, $0x0;
	s17 =	sor.u32 s0, s15;
	[tilespmem:s16+$0x0] =	vst.add.f32.msk $0xffff, v5  }
0x1ca: {  	s0 =	simm.s32 @!p1 $0x12;
	[tilespmem:s17+$0x0] =	vst.add.f32.msk $0xffff, v4  }
0x1cb: {  	s20 =	simm.s32 $0x9;
	_ =	swait.ge @!p1 [sflag:s0], $0x400  }
0x1cc: {  	s19 =	simm.s32 $0xA000;
	s23 =	stileid.u32;
	[sflag:s0] =	ssyncset.done @!p1 $0x0  }
0x1cd: {  	s5 =	sshll.u32 s23, $0x6;
	s18 =	rddreg [dreg:$0x14];
	[sflag:s0] =	ssyncadd.s32 @!p1 $0xFFFFFC00  }
0x1ce: {  	[spmem:s18] =	stream.linear.scatter [tilespmem:s19], [sflag:$0xA], $0x2000, $0x38;
	v63 =	vld [tilespmem:$0x0]  }
0x1cf: {  	s25 =	sor.u32 $0x1C11, s5;
	_ =	swait.ge [sflag:s20], $0x2000  }
0x1d0: {  	[dreg:$0x19] =	wrdreg s25;
	[sflag:s20] =	ssyncset.done $0x0  }
0x1d1: {  	s26 =	rddreg [dreg:$0xc];
	[sflag:s20] =	ssyncadd.s32 $0xFFFFE000  }
0x1d2: {  	s30 =	sshll.u32 s2, $0x7;
	s1 =	sshrl.u32 s26, $0x3;
	s24 =	rddreg [dreg:$0x3]  }
0x1d3: {  	[dreg:$0x1a] =	wrdreg s1;
	s0 =	sadd.s32 s24, s30  }
0x1d4: {  	[hbm:s0], [sflag:s25] =	dma.local [spmem:s1], $0x400  }
0x1d5: {  	v2 =	vld.msk @!p0 [tilespmem:s22+$0x2080], $0xff;
	_ =	sdelay $0x4  }
0x1d6: {  	v3 =	vshll.u32 @!p0 v2, $0x3  }
0x1d7: {  	v4 =	vlaneseq.u32 @!p0;
	v2 =	vand.u32 @!p0 $0x7, v2;
	v3 =	vand.u32 @!p0 $0xFFFFFFC0, v3  }
0x1d8: {  	v2 =	vor.u32 @!p0 v2, v3;
	v3 =	vand.u32 @!p0 $0x7, v4;
	v4 =	vshrl.u32 @!p0 v4, $0x3  }
0x1d9: {  	v2 =	vperm.xlane @!p0 v2, v3;
	v3 =	vmul.u32 @!p0 $0x8, v4;
	_ =	sdelay $0x1  }
0x1da: {  	v2 =	vadd.s32 @!p0 v3, v2;
	_ =	sdelay $0x3  }
0x1db: {  	s0 =	simm.s32 @!p0 $0x0;
	s1 =	simm.s32 @!p0 $0x14000;
	s2 =	rddreg [dreg:$0x1]  }
0x1dc: {  	[tilespmem:s1], [sflag:$0x7] =	stream.indirect_vreg.gather @!p0 [hbm4b:s2+s0], $0x80, v2, vm1, $0xb8;
	v63 =	vld [tilespmem:$0x0]  }
0x1dd: {  	s1 =	simm.s32 @!p0 $0x14800  }
0x1de: {  	[tilespmem:s1], [sflag:$0x7] =	stream.indirect_vreg.gather @!p0 [hbm4b:s12+s0], $0x80, v2, vm1, $0xb8;
	v63 =	vld [tilespmem:$0x0]  }
0x1df: {  	s1 =	simm.s32 @!p0 $0x15000  }
0x1e0: {  	[tilespmem:s1], [sflag:$0x7] =	stream.indirect_vreg.gather @!p0 [hbm4b:s13+s0], $0x80, v2, vm1, $0xb8;
	v63 =	vld [tilespmem:$0x0]  }
0x1e1: {  	s1 =	simm.s32 @!p0 $0x15800  }
0x1e2: {  	[tilespmem:s1], [sflag:$0x7] =	stream.indirect_vreg.gather @!p0 [hbm4b:s14+s0], $0x80, v2, vm1, $0xb8;
	v63 =	vld [tilespmem:$0x0]  }
0x1e3: {  	s4 =	simm.s32 $0x3;
	s0 =	simm.s32 $0x0  }
0x1e4: {  	_ =	swait.ge [sflag:s4], $0x2000;
	s29 =	sand.u32 $0x60, s0;
	s7 =	sand.u32 $0x1C00, s0  }
0x1e5: {  	[sflag:s4] =	ssyncset.done $0x0;
	s6 =	sor.u32 $0x4000, s7;
	s8 =	sor.u32 $0x10, s29  }
0x1e6: {  	[sflag:s4] =	ssyncadd.s32 $0xFFFFE000;
	s15 =	sor.u32 s8, s6  }
0x1e7: {  	v2 =	vld [tilespmem:s15+$0x0];
	_ =	sdelay $0x2  }
0x1e8: {  	s9 =	sor.u32 $0xC000, s7;
	s4 =	sor.u32 s29, s6  }
0x1e9: {  	s11 =	sor.u32 s8, s9;
	v3 =	vld [tilespmem:s4+$0x0]  }
0x1ea: {  	[tilespmem:s11+$0x0] =	vst.add.f32.msk $0xffff, v2  }
0x1eb: {  	v2 =	vld [tilespmem:s15+$0x80];
	_ =	sdelay $0x1  }
0x1ec: {  	s6 =	sor.u32 s29, s9  }
0x1ed: {  	s16 =	sor.u32 $0xC080, s7;
	[tilespmem:s6+$0x0] =	vst.add.f32.msk $0xffff, v3  }
0x1ee: {  	s17 =	sor.u32 s8, s16;
	v3 =	vld [tilespmem:s4+$0x80]  }
0x1ef: {  	[tilespmem:s17+$0x0] =	vst.add.f32.msk $0xffff, v2  }
0x1f0: {  	v2 =	vld [tilespmem:s15+$0x100];
	_ =	sdelay $0x1  }
0x1f1: {  	s1 =	sor.u32 s29, s16  }
0x1f2: {  	s18 =	sor.u32 $0xC100, s7;
	[tilespmem:s1+$0x0] =	vst.add.f32.msk $0xffff, v3  }
0x1f3: {  	s19 =	sor.u32 s8, s18;
	v3 =	vld [tilespmem:s4+$0x100]  }
0x1f4: {  	[tilespmem:s19+$0x0] =	vst.add.f32.msk $0xffff, v2  }
0x1f5: {  	v2 =	vld [tilespmem:s15+$0x180];
	_ =	sdelay $0x1  }
0x1f6: {  	s6 =	sor.u32 s29, s18  }
0x1f7: {  	s20 =	sor.u32 $0xC180, s7;
	[tilespmem:s6+$0x0] =	vst.add.f32.msk $0xffff, v3  }
0x1f8: {  	s23 =	sor.u32 s8, s20;
	v3 =	vld [tilespmem:s4+$0x180]  }
0x1f9: {  	[tilespmem:s23+$0x0] =	vst.add.f32.msk $0xffff, v2  }
0x1fa: {  	s10 =	simm.s32 $0x100;
	s17 =	simm.s32 $0x20;
	v2 =	vld [tilespmem:s15+$0x200]  }
0x1fb: {  	s31 =	sand.u32 $0x60, s17;
	s6 =	sand.u32 $0x1C00, s10  }
0x1fc: {  	s1 =	sor.u32 s29, s20;
	s11 =	sor.u32 $0x10, s31;
	s25 =	sor.u32 $0x4000, s6  }
0x1fd: {  	s19 =	sor.u32 $0xC200, s7;
	s16 =	sor.u32 s11, s25;
	[tilespmem:s1+$0x0] =	vst.add.f32.msk $0xffff, v3  }
0x1fe: {  	s24 =	sor.u32 s8, s19;
	v3 =	vld [tilespmem:s16+$0x0]  }
0x1ff: {  	[tilespmem:s24+$0x0] =	vst.add.f32.msk $0xffff, v2  }
0x200: {  	s18 =	sor.u32 s31, s25;
	v2 =	vld [tilespmem:s15+$0x280]  }
0x201: {  	s26 =	sand.u32 $0x3, s0;
	s2 =	sor.u32 $0xC000, s6;
	v5 =	vld [tilespmem:s18+$0x0]  }
0x202: {  	s20 =	sor.u32 s11, s2;
	s1 =	sshll.u32 s26, $0x5;
	v4 =	vld [tilespmem:s4+$0x200]  }
0x203: {  	s1 =	sadd.s32 $0x0, s1;
	[tilespmem:s20+$0x0] =	vst.add.f32.msk $0xffff, v3;
	s15 =	sor.u32 $0xC280, s7  }
0x204: {  	s24 =	sadd.s32 $0x10, s1;
	v3 =	vld [tilespmem:s16+$0x80];
	s23 =	sor.u32 s8, s15  }
0x205: {  	s9 =	sor.u32 $0x300, s24;
	[tilespmem:s23+$0x0] =	vst.add.f32.msk $0xffff, v2  }
0x206: {  	s26 =	sor.u32 s31, s2;
	v2 =	vld [tilespmem:s9+$0x4000]  }
0x207: {  	[tilespmem:s26+$0x0] =	vst.add.f32.msk $0xffff, v5  }
0x208: {  	s19 =	sor.u32 s29, s19;
	v5 =	vld [tilespmem:s18+$0x80];
	s9 =	sor.u32 $0xC080, s6  }
0x209: {  	[tilespmem:s19+$0x0] =	vst.add.f32.msk $0xffff, v4;
	s23 =	sor.u32 $0xC300, s7;
	s20 =	sor.u32 s11, s9  }
0x20a: {  	s2 =	sor.u32 s8, s23;
	[tilespmem:s20+$0x0] =	vst.add.f32.msk $0xffff, v3  }
0x20b: {  	[tilespmem:s2+$0x0] =	vst.add.f32.msk $0xffff, v2  }
0x20c: {  	s26 =	sor.u32 s31, s9;
	v2 =	vld [tilespmem:s16+$0x100]  }
0x20d: {  	[tilespmem:s26+$0x0] =	vst.add.f32.msk $0xffff, v5  }
0x20e: {  	v5 =	vld [tilespmem:s4+$0x280]  }
0x20f: {  	s9 =	sor.u32 $0xC100, s6;
	v3 =	vld [tilespmem:s18+$0x100];
	s2 =	sor.u32 $0x380, s24  }
0x210: {  	s20 =	sor.u32 s11, s9;
	v4 =	vld [tilespmem:s2+$0x4000]  }
0x211: {  	[tilespmem:s20+$0x0] =	vst.add.f32.msk $0xffff, v2  }
0x212: {  	s25 =	sor.u32 s29, s15;
	v2 =	vld [tilespmem:s16+$0x180]  }
0x213: {  	s24 =	sor.u32 s31, s9;
	[tilespmem:s25+$0x0] =	vst.add.f32.msk $0xffff, v5  }
0x214: {  	s1 =	sor.u32 $0x300, s1;
	[tilespmem:s24+$0x0] =	vst.add.f32.msk $0xffff, v3  }
0x215: {  	s26 =	sor.u32 $0xC180, s6;
	v5 =	vld [tilespmem:s1+$0x4000]  }
0x216: {  	s2 =	sor.u32 s11, s26;
	v3 =	vld [tilespmem:s18+$0x180]  }
0x217: {  	s19 =	sor.u32 $0xC380, s7;
	[tilespmem:s2+$0x0] =	vst.add.f32.msk $0xffff, v2  }
0x218: {  	s9 =	sor.u32 s8, s19;
	v2 =	vld [tilespmem:s16+$0x200]  }
0x219: {  	s20 =	sor.u32 s29, s23;
	[tilespmem:s9+$0x0] =	vst.add.f32.msk $0xffff, v4  }
0x21a: {  	s0 =	sor.u32 s0, s0;
	s15 =	sor.u32 s31, s26;
	s26 =	simm.s32 $0x200;
	[tilespmem:s20+$0x0] =	vst.add.f32.msk $0xffff, v5  }
0x21b: {  	s4 =	sor.u32 $0xC200, s6;
	s7 =	sand.u32 $0x1C00, s26;
	s1 =	simm.s32 $0x40;
	[tilespmem:s15+$0x0] =	vst.add.f32.msk $0xffff, v3  }
0x21c: {  	s24 =	sor.u32 $0x380, s0;
	s0 =	sand.u32 $0x60, s1;
	s23 =	sor.u32 s11, s4;
	v3 =	vld [tilespmem:s18+$0x200]  }
0x21d: {  	s25 =	sor.u32 $0x10, s0;
	s9 =	sor.u32 $0x4000, s7;
	[tilespmem:s23+$0x0] =	vst.add.f32.msk $0xffff, v2  }
0x21e: {  	s28 =	sor.u32 s25, s9;
	s2 =	simm.s32 $0x1;
	v4 =	vld [tilespmem:s16+$0x280]  }
0x21f: {  	s8 =	sor.u32 s0, s9;
	v5 =	vld [tilespmem:s28+$0x0];
	s20 =	sand.u32 $0x3, s2  }
0x220: {  	s4 =	sor.u32 s31, s4;
	v6 =	vld [tilespmem:s8+$0x0];
	s15 =	sshll.u32 s20, $0x5  }
0x221: {  	s15 =	sadd.s32 $0x100, s15;
	[tilespmem:s4+$0x0] =	vst.add.f32.msk $0xffff, v3;
	s16 =	sor.u32 $0xC280, s6  }
0x222: {  	v2 =	vld [tilespmem:s24+$0x4000];
	s23 =	sadd.s32 $0x10, s15;
	s24 =	sor.u32 s11, s16  }
0x223: {  	s2 =	sor.u32 $0xC000, s7;
	s9 =	sor.u32 $0x300, s23;
	[tilespmem:s24+$0x0] =	vst.add.f32.msk $0xffff, v4  }
0x224: {  	s20 =	sor.u32 s25, s2;
	v3 =	vld [tilespmem:s9+$0x4000]  }
0x225: {  	[tilespmem:s20+$0x0] =	vst.add.f32.msk $0xffff, v5  }
0x226: {  	s24 =	sor.u32 s0, s2;
	v4 =	vld [tilespmem:s28+$0x80]  }
0x227: {  	s4 =	sor.u32 $0xC300, s6;
	[tilespmem:s24+$0x0] =	vst.add.f32.msk $0xffff, v6  }
0x228: {  	s2 =	sor.u32 s11, s4;
	v5 =	vld [tilespmem:s8+$0x80]  }
0x229: {  	s23 =	sor.u32 $0x380, s23;
	s9 =	sor.u32 $0xC080, s7;
	[tilespmem:s2+$0x0] =	vst.add.f32.msk $0xffff, v3  }
0x22a: {  	s20 =	sor.u32 s25, s9;
	v3 =	vld [tilespmem:s23+$0x4000]  }
0x22b: {  	[tilespmem:s20+$0x0] =	vst.add.f32.msk $0xffff, v4  }
0x22c: {  	s24 =	sor.u32 s0, s9;
	v4 =	vld [tilespmem:s28+$0x100]  }
0x22d: {  	s6 =	sor.u32 $0xC380, s6;
	[tilespmem:s24+$0x0] =	vst.add.f32.msk $0xffff, v5  }
0x22e: {  	s11 =	sor.u32 s11, s6;
	v5 =	vld [tilespmem:s8+$0x100]  }
0x22f: {  	s2 =	sor.u32 $0xC100, s7;
	[tilespmem:s11+$0x0] =	vst.add.f32.msk $0xffff, v3  }
0x230: {  	s9 =	sor.u32 s25, s2;
	v3 =	vld [tilespmem:s18+$0x280]  }
0x231: {  	[tilespmem:s9+$0x0] =	vst.add.f32.msk $0xffff, v4  }
0x232: {  	s11 =	sor.u32 s0, s2;
	v4 =	vld [tilespmem:s28+$0x180]  }
0x233: {  	[tilespmem:s11+$0x0] =	vst.add.f32.msk $0xffff, v5  }
0x234: {  	s16 =	sor.u32 s31, s16;
	v6 =	vld [tilespmem:s8+$0x180]  }
0x235: {  	s15 =	sor.u32 $0x300, s15;
	s18 =	sor.u32 $0xC180, s7;
	[tilespmem:s16+$0x0] =	vst.add.f32.msk $0xffff, v3  }
0x236: {  	s20 =	sor.u32 s25, s18;
	v3 =	vld [tilespmem:s15+$0x4000]  }
0x237: {  	[tilespmem:s20+$0x0] =	vst.add.f32.msk $0xffff, v4  }
0x238: {  	s10 =	sor.u32 s10, s17;
	s23 =	sor.u32 s0, s18;
	v5 =	vld [tilespmem:s28+$0x200]  }
0x239: {  	s17 =	simm.s32 $0x4;
	s1 =	sor.u32 s26, s1;
	s4 =	sor.u32 s31, s4;
	[tilespmem:s23+$0x0] =	vst.add.f32.msk $0xffff, v6  }
0x23a: {  	s24 =	sor.u32 $0x380, s10;
	s10 =	sor.u32 $0x380, s1;
	s1 =	sor.u32 $0xC200, s7;
	v4 =	vld [tilespmem:s8+$0x200]  }
0x23b: {  	s11 =	sor.u32 s29, s19;
	s29 =	sor.u32 s31, s6;
	s31 =	simm.s32 $0x300;
	[tilespmem:s4+$0x0] =	vst.add.f32.msk $0xffff, v3  }
0x23c: {  	s19 =	simm.s32 $0x60;
	s18 =	simm.s32 $0x2;
	s4 =	sor.u32 s25, s1;
	v3 =	vld [tilespmem:s24+$0x4000]  }
.LBB2_7:
0x23d: {  	s23 =	sand.u32 $0x60, s19;
	s15 =	sand.u32 $0x1C00, s31;
	s17 =	sadd.s32 $0x2, s17;
	[tilespmem:s4+$0x0] =	vst.add.f32.msk $0xffff, v5  }
0x23e: {  	s6 =	sor.u32 $0x4000, s15;
	s4 =	sor.u32 $0x10, s23;
	p2 =	slt.u32 s17, $0x3E;
	v5 =	vld [tilespmem:s28+$0x280]  }
0x23f: {  	s24 =	sor.u32 s23, s6;
	s28 =	sor.u32 s4, s6;
	s6 =	sand.u32 $0x3, s18;
	[tilespmem:s11+$0x0] =	vst.add.f32.msk $0xffff, v2  }
0x240: {  	s1 =	sor.u32 s0, s1;
	s11 =	sor.u32 s31, s19;
	v6 =	vld [tilespmem:s28+$0x0];
	s6 =	sshll.u32 s6, $0x5  }
0x241: {  	s16 =	sor.u32 $0xC280, s7;
	s11 =	sor.u32 $0x380, s11;
	v7 =	vld [tilespmem:s24+$0x0];
	s6 =	sadd.s32 s6, s26;
	v2 =	vmov v3  }
0x242: {  	s26 =	sor.u32 s25, s16;
	[tilespmem:s1+$0x0] =	vst.add.f32.msk $0xffff, v4;
	s1 =	sor.u32 s0, s16;
	s9 =	sadd.s32 $0x10, s6  }
0x243: {  	s2 =	sor.u32 $0xC000, s15;
	s16 =	sor.u32 $0x300, s6;
	[tilespmem:s26+$0x0] =	vst.add.f32.msk $0xffff, v5;
	s6 =	sor.u32 $0x300, s9  }
0x244: {  	s20 =	sor.u32 s23, s2;
	s2 =	sor.u32 s4, s2;
	v3 =	vld [tilespmem:s6+$0x4000];
	s6 =	smov.u32 s10  }
0x245: {  	s26 =	smov.u32 s31;
	s10 =	smov.u32 s11;
	s11 =	smov.u32 s29;
	[tilespmem:s2+$0x0] =	vst.add.f32.msk $0xffff, v6  }
0x246: {  	v4 =	vld [tilespmem:s28+$0x80]  }
0x247: {  	s2 =	sor.u32 $0xC300, s7;
	[tilespmem:s20+$0x0] =	vst.add.f32.msk $0xffff, v7  }
0x248: {  	s20 =	sor.u32 s0, s2;
	s2 =	sor.u32 s25, s2;
	v5 =	vld [tilespmem:s24+$0x80]  }
0x249: {  	s29 =	sor.u32 $0xC080, s15;
	[tilespmem:s2+$0x0] =	vst.add.f32.msk $0xffff, v3;
	s2 =	sor.u32 $0x380, s9  }
0x24a: {  	s9 =	sor.u32 s23, s29;
	s29 =	sor.u32 s4, s29;
	v3 =	vld [tilespmem:s2+$0x4000]  }
0x24b: {  	[tilespmem:s29+$0x0] =	vst.add.f32.msk $0xffff, v4  }
0x24c: {  	v4 =	vld [tilespmem:s28+$0x100]  }
0x24d: {  	s2 =	sor.u32 $0xC380, s7;
	s7 =	smov.u32 s15;
	[tilespmem:s9+$0x0] =	vst.add.f32.msk $0xffff, v5  }
0x24e: {  	s29 =	sor.u32 s0, s2;
	s2 =	sor.u32 s25, s2;
	s0 =	smov.u32 s23;
	v5 =	vld [tilespmem:s24+$0x100]  }
0x24f: {  	s25 =	smov.u32 s4;
	s9 =	sor.u32 $0xC100, s7;
	[tilespmem:s2+$0x0] =	vst.add.f32.msk $0xffff, v3  }
0x250: {  	s4 =	sor.u32 s25, s9;
	s2 =	sor.u32 s0, s9;
	v3 =	vld [tilespmem:s8+$0x280];
	s8 =	smov.u32 s24  }
0x251: {  	[tilespmem:s4+$0x0] =	vst.add.f32.msk $0xffff, v4  }
0x252: {  	v4 =	vld [tilespmem:s28+$0x180]  }
0x253: {  	[tilespmem:s2+$0x0] =	vst.add.f32.msk $0xffff, v5  }
0x254: {  	v6 =	vld [tilespmem:s8+$0x180]  }
0x255: {  	s2 =	sor.u32 $0xC180, s7;
	[tilespmem:s1+$0x0] =	vst.add.f32.msk $0xffff, v3  }
0x256: {  	s1 =	sor.u32 s0, s2;
	s2 =	sor.u32 s25, s2;
	v3 =	vld [tilespmem:s16+$0x4000]  }
0x257: {  	[tilespmem:s2+$0x0] =	vst.add.f32.msk $0xffff, v4  }
.Ltmp2:
0x258: {  	v5 =	vld [tilespmem:s28+$0x200];
	(pc) =	sbr.rel @p2 .LBB2_7-.Ltmp2, $4  }
0x259: {  	[tilespmem:s1+$0x0] =	vst.add.f32.msk $0xffff, v6  }
0x25a: {  	v4 =	vld [tilespmem:s8+$0x200]  }
0x25b: {  	s31 =	sadd.s32 $0x100, s31;
	s1 =	sor.u32 $0xC200, s7;
	[tilespmem:s20+$0x0] =	vst.add.f32.msk $0xffff, v3  }
0x25c: {  	s19 =	sadd.s32 $0x20, s19;
	s18 =	sadd.s32 $0x1, s18;
	s4 =	sor.u32 s25, s1;
	v3 =	vld [tilespmem:s6+$0x4000]  }
0x25d: {  	[tilespmem:s4+$0x0] =	vst.add.f32.msk $0xffff, v5  }
0x25e: {  	s1 =	sor.u32 s0, s1;
	v5 =	vld [tilespmem:s28+$0x280]  }
0x25f: {  	s2 =	sand.u32 $0x3, s18;
	[tilespmem:s1+$0x0] =	vst.add.f32.msk $0xffff, v4  }
0x260: {  	s23 =	sshll.u32 s2, $0x5;
	v4 =	vld [tilespmem:s8+$0x280]  }
0x261: {  	s24 =	sor.u32 $0xC280, s7;
	s1 =	sadd.s32 s23, s26  }
0x262: {  	s26 =	sor.u32 s25, s24;
	s6 =	sadd.s32 $0x10, s1  }
0x263: {  	s8 =	sor.u32 $0x300, s6;
	[tilespmem:s26+$0x0] =	vst.add.f32.msk $0xffff, v5  }
0x264: {  	s2 =	sor.u32 s0, s24;
	v5 =	vld [tilespmem:s8+$0x4000]  }
0x265: {  	s1 =	sor.u32 $0x300, s1;
	[tilespmem:s2+$0x0] =	vst.add.f32.msk $0xffff, v4  }
0x266: {  	v4 =	vld [tilespmem:s1+$0x4000]  }
0x267: {  	s9 =	sor.u32 $0xC300, s7  }
0x268: {  	s15 =	sor.u32 s25, s9  }
0x269: {  	s16 =	sor.u32 $0x380, s6;
	[tilespmem:s15+$0x0] =	vst.add.f32.msk $0xffff, v5  }
0x26a: {  	s1 =	sor.u32 s0, s9;
	v5 =	vld [tilespmem:s16+$0x4000]  }
0x26b: {  	[tilespmem:s1+$0x0] =	vst.add.f32.msk $0xffff, v4  }
0x26c: {  	v4 =	vld [tilespmem:s10+$0x4000];
	_ =	sdelay $0x1  }
0x26d: {  	s17 =	sor.u32 $0xC380, s7;
	[tilespmem:s11+$0x0] =	vst.add.f32.msk $0xffff, v2  }
0x26e: {  	s18 =	sor.u32 s25, s17;
	[tilespmem:s29+$0x0] =	vst.add.f32.msk $0xffff, v3  }
0x26f: {  	s19 =	sor.u32 s0, s17;
	[tilespmem:s18+$0x0] =	vst.add.f32.msk $0xffff, v5  }
0x270: {  	s0 =	simm.s32 @!p1 $0x13;
	[tilespmem:s19+$0x0] =	vst.add.f32.msk $0xffff, v4  }
0x271: {  	_ =	swait.ge @!p1 [sflag:s0], $0x400  }
0x272: {  	s23 =	simm.s32 $0xC000;
	[sflag:s0] =	ssyncset.done @!p1 $0x0  }
0x273: {  	s24 =	simm.s32 $0xA;
	s20 =	rddreg [dreg:$0x15];
	[sflag:s0] =	ssyncadd.s32 @!p1 $0xFFFFFC00  }
0x274: {  	[spmem:s20] =	stream.linear.scatter [tilespmem:s23], [sflag:$0xB], $0x2000, $0x38;
	v63 =	vld [tilespmem:$0x0]  }
0x275: {  	_ =	swait.ge [sflag:s24], $0x2000  }
0x276: {  	[sflag:s24] =	ssyncset.done $0x0;
	s25 =	rddreg [dreg:$0xf]  }
0x277: {  	s29 =	rddreg [dreg:$0x14];
	s0 =	sadd.s32 s25, s3;
	[sflag:s24] =	ssyncadd.s32 $0xFFFFE000  }
0x278: {  	s26 =	sor.u32 $0x1C12, s5;
	s0 =	sshll.u32 s0, $0x7;
	s1 =	rddreg [dreg:$0x3]  }
0x279: {  	[dreg:$0x17] =	wrdreg s26;
	s0 =	sadd.s32 s1, s0;
	s1 =	sshrl.u32 s29, $0x3  }
0x27a: {  	[dreg:$0x18] =	wrdreg s1  }
0x27b: {  	[hbm:s0], [sflag:s26] =	dma.local [spmem:s1], $0x400  }
0x27c: {  	v2 =	vld.msk @!p0 [tilespmem:s22+$0x3080], $0xff;
	_ =	sdelay $0x4  }
0x27d: {  	v3 =	vshll.u32 @!p0 v2, $0x3  }
0x27e: {  	v4 =	vlaneseq.u32 @!p0;
	v2 =	vand.u32 @!p0 $0x7, v2;
	v3 =	vand.u32 @!p0 $0xFFFFFFC0, v3  }
0x27f: {  	v2 =	vor.u32 @!p0 v2, v3;
	v3 =	vand.u32 @!p0 $0x7, v4;
	v4 =	vshrl.u32 @!p0 v4, $0x3  }
0x280: {  	v2 =	vperm.xlane @!p0 v2, v3;
	v3 =	vmul.u32 @!p0 $0x8, v4;
	_ =	sdelay $0x1  }
0x281: {  	v2 =	vadd.s32 @!p0 v3, v2;
	_ =	sdelay $0x3  }
0x282: {  	s0 =	simm.s32 @!p0 $0x0;
	s1 =	simm.s32 @!p0 $0x16000;
	s2 =	rddreg [dreg:$0x1]  }
0x283: {  	[tilespmem:s1], [sflag:$0x8] =	stream.indirect_vreg.gather @!p0 [hbm4b:s2+s0], $0x80, v2, vm1, $0xb8;
	v63 =	vld [tilespmem:$0x0]  }
0x284: {  	s1 =	simm.s32 @!p0 $0x16800  }
0x285: {  	[tilespmem:s1], [sflag:$0x8] =	stream.indirect_vreg.gather @!p0 [hbm4b:s12+s0], $0x80, v2, vm1, $0xb8;
	v63 =	vld [tilespmem:$0x0]  }
0x286: {  	s1 =	simm.s32 @!p0 $0x17000  }
0x287: {  	[tilespmem:s1], [sflag:$0x8] =	stream.indirect_vreg.gather @!p0 [hbm4b:s13+s0], $0x80, v2, vm1, $0xb8;
	v63 =	vld [tilespmem:$0x0]  }
0x288: {  	s1 =	simm.s32 @!p0 $0x17800  }
0x289: {  	[tilespmem:s1], [sflag:$0x8] =	stream.indirect_vreg.gather @!p0 [hbm4b:s14+s0], $0x80, v2, vm1, $0xb8;
	v63 =	vld [tilespmem:$0x0]  }
0x28a: {  	s4 =	simm.s32 $0x4;
	s0 =	simm.s32 $0x0  }
0x28b: {  	_ =	swait.ge [sflag:s4], $0x2000;
	s31 =	sand.u32 $0x60, s0;
	s8 =	sand.u32 $0x1C00, s0  }
0x28c: {  	[sflag:s4] =	ssyncset.done $0x0;
	s6 =	sor.u32 $0x4000, s8;
	s22 =	sor.u32 $0x10, s31  }
0x28d: {  	[sflag:s4] =	ssyncadd.s32 $0xFFFFE000;
	s7 =	sor.u32 s22, s6  }
0x28e: {  	v2 =	vld [tilespmem:s7+$0x0];
	_ =	sdelay $0x2  }
0x28f: {  	s15 =	sor.u32 $0xE000, s8;
	s4 =	sor.u32 s31, s6  }
0x290: {  	s16 =	sor.u32 s22, s15;
	v3 =	vld [tilespmem:s4+$0x0]  }
0x291: {  	[tilespmem:s16+$0x0] =	vst.add.f32.msk $0xffff, v2  }
0x292: {  	v2 =	vld [tilespmem:s7+$0x80];
	_ =	sdelay $0x1  }
0x293: {  	s6 =	sor.u32 s31, s15  }
0x294: {  	s17 =	sor.u32 $0xE080, s8;
	[tilespmem:s6+$0x0] =	vst.add.f32.msk $0xffff, v3  }
0x295: {  	s9 =	sor.u32 s22, s17;
	v3 =	vld [tilespmem:s4+$0x80]  }
0x296: {  	[tilespmem:s9+$0x0] =	vst.add.f32.msk $0xffff, v2  }
0x297: {  	v2 =	vld [tilespmem:s7+$0x100];
	_ =	sdelay $0x1  }
0x298: {  	s1 =	sor.u32 s31, s17  }
0x299: {  	s18 =	sor.u32 $0xE100, s8;
	[tilespmem:s1+$0x0] =	vst.add.f32.msk $0xffff, v3  }
0x29a: {  	s19 =	sor.u32 s22, s18;
	v3 =	vld [tilespmem:s4+$0x100]  }
0x29b: {  	[tilespmem:s19+$0x0] =	vst.add.f32.msk $0xffff, v2  }
0x29c: {  	v2 =	vld [tilespmem:s7+$0x180];
	_ =	sdelay $0x1  }
0x29d: {  	s6 =	sor.u32 s31, s18  }
0x29e: {  	s20 =	sor.u32 $0xE180, s8;
	[tilespmem:s6+$0x0] =	vst.add.f32.msk $0xffff, v3  }
0x29f: {  	s23 =	sor.u32 s22, s20;
	v3 =	vld [tilespmem:s4+$0x180]  }
0x2a0: {  	[tilespmem:s23+$0x0] =	vst.add.f32.msk $0xffff, v2  }
0x2a1: {  	s11 =	simm.s32 $0x20;
	s10 =	simm.s32 $0x100;
	v2 =	vld [tilespmem:s7+$0x200]  }
0x2a2: {  	s17 =	sand.u32 $0x60, s11;
	s6 =	sand.u32 $0x1C00, s10  }
0x2a3: {  	s18 =	sor.u32 $0x10, s17;
	s1 =	sor.u32 s31, s20;
	s24 =	sor.u32 $0x4000, s6  }
0x2a4: {  	s9 =	sor.u32 $0xE200, s8;
	s16 =	sor.u32 s18, s24;
	[tilespmem:s1+$0x0] =	vst.add.f32.msk $0xffff, v3  }
0x2a5: {  	s15 =	sor.u32 s22, s9;
	v3 =	vld [tilespmem:s16+$0x0]  }
0x2a6: {  	[tilespmem:s15+$0x0] =	vst.add.f32.msk $0xffff, v2  }
0x2a7: {  	s19 =	sor.u32 s17, s24;
	v2 =	vld [tilespmem:s7+$0x280]  }
0x2a8: {  	s25 =	sand.u32 $0x3, s0;
	v5 =	vld [tilespmem:s19+$0x0];
	s23 =	sor.u32 $0xE000, s6  }
0x2a9: {  	s1 =	sshll.u32 s25, $0x5;
	v4 =	vld [tilespmem:s4+$0x200];
	s24 =	sor.u32 s18, s23  }
0x2aa: {  	s2 =	sor.u32 $0xE280, s8;
	s1 =	sadd.s32 $0x0, s1;
	[tilespmem:s24+$0x0] =	vst.add.f32.msk $0xffff, v3  }
0x2ab: {  	s26 =	sor.u32 s22, s2;
	s20 =	sadd.s32 $0x10, s1;
	v3 =	vld [tilespmem:s16+$0x80]  }
0x2ac: {  	s29 =	sor.u32 $0x300, s20;
	[tilespmem:s26+$0x0] =	vst.add.f32.msk $0xffff, v2  }
0x2ad: {  	s7 =	sor.u32 s17, s23;
	v2 =	vld [tilespmem:s29+$0x4000]  }
0x2ae: {  	[tilespmem:s7+$0x0] =	vst.add.f32.msk $0xffff, v5  }
0x2af: {  	s9 =	sor.u32 s31, s9;
	s24 =	sor.u32 $0xE080, s6;
	v5 =	vld [tilespmem:s19+$0x80]  }
0x2b0: {  	s15 =	sor.u32 $0xE300, s8;
	[tilespmem:s9+$0x0] =	vst.add.f32.msk $0xffff, v4;
	s25 =	sor.u32 s18, s24  }
0x2b1: {  	s23 =	sor.u32 s22, s15;
	[tilespmem:s25+$0x0] =	vst.add.f32.msk $0xffff, v3  }
0x2b2: {  	[tilespmem:s23+$0x0] =	vst.add.f32.msk $0xffff, v2  }
0x2b3: {  	s26 =	sor.u32 s17, s24;
	v2 =	vld [tilespmem:s16+$0x100]  }
0x2b4: {  	[tilespmem:s26+$0x0] =	vst.add.f32.msk $0xffff, v5  }
0x2b5: {  	v3 =	vld [tilespmem:s19+$0x100]  }
0x2b6: {  	s7 =	sor.u32 $0xE100, s6;
	s29 =	sor.u32 $0x380, s20;
	v5 =	vld [tilespmem:s4+$0x280]  }
0x2b7: {  	s23 =	sor.u32 s18, s7;
	v4 =	vld [tilespmem:s29+$0x4000]  }
0x2b8: {  	[tilespmem:s23+$0x0] =	vst.add.f32.msk $0xffff, v2  }
0x2b9: {  	s24 =	sor.u32 s17, s7;
	v2 =	vld [tilespmem:s16+$0x180]  }
0x2ba: {  	[tilespmem:s24+$0x0] =	vst.add.f32.msk $0xffff, v3  }
0x2bb: {  	s2 =	sor.u32 s31, s2;
	v3 =	vld [tilespmem:s19+$0x180]  }
0x2bc: {  	s1 =	sor.u32 $0x300, s1;
	s25 =	sor.u32 $0xE180, s6;
	[tilespmem:s2+$0x0] =	vst.add.f32.msk $0xffff, v5  }
0x2bd: {  	s26 =	sor.u32 s18, s25;
	v5 =	vld [tilespmem:s1+$0x4000]  }
0x2be: {  	[tilespmem:s26+$0x0] =	vst.add.f32.msk $0xffff, v2  }
0x2bf: {  	s2 =	sor.u32 s17, s25;
	v2 =	vld [tilespmem:s16+$0x200]  }
0x2c0: {  	s23 =	sor.u32 $0xE380, s8;
	[tilespmem:s2+$0x0] =	vst.add.f32.msk $0xffff, v3  }
0x2c1: {  	s0 =	sor.u32 s0, s0;
	s29 =	sor.u32 s22, s23;
	v3 =	vld [tilespmem:s19+$0x200]  }
0x2c2: {  	s9 =	sor.u32 $0x380, s0;
	s4 =	sor.u32 s31, s15;
	s7 =	sor.u32 $0xE200, s6;
	[tilespmem:s29+$0x0] =	vst.add.f32.msk $0xffff, v4  }
0x2c3: {  	s1 =	simm.s32 $0x40;
	s8 =	sor.u32 s18, s7;
	[tilespmem:s4+$0x0] =	vst.add.f32.msk $0xffff, v5;
	s26 =	simm.s32 $0x200  }
0x2c4: {  	s15 =	simm.s32 $0x1;
	s0 =	sand.u32 $0x60, s1;
	s22 =	sand.u32 $0x1C00, s26;
	[tilespmem:s8+$0x0] =	vst.add.f32.msk $0xffff, v2  }
0x2c5: {  	s25 =	sor.u32 $0x10, s0;
	s2 =	sor.u32 s17, s7;
	s20 =	sor.u32 $0x4000, s22;
	v4 =	vld [tilespmem:s16+$0x280]  }
0x2c6: {  	s4 =	sand.u32 $0x3, s15;
	s28 =	sor.u32 s25, s20;
	[tilespmem:s2+$0x0] =	vst.add.f32.msk $0xffff, v3  }
0x2c7: {  	s4 =	sshll.u32 s4, $0x5;
	v5 =	vld [tilespmem:s28+$0x0]  }
0x2c8: {  	s4 =	sadd.s32 $0x100, s4;
	v2 =	vld [tilespmem:s9+$0x4000];
	s8 =	sor.u32 s0, s20;
	s9 =	sor.u32 $0xE280, s6  }
0x2c9: {  	s15 =	sadd.s32 $0x10, s4;
	v6 =	vld [tilespmem:s8+$0x0];
	s24 =	sor.u32 s18, s9  }
0x2ca: {  	s7 =	sor.u32 $0x300, s15;
	s29 =	sor.u32 $0xE000, s22;
	[tilespmem:s24+$0x0] =	vst.add.f32.msk $0xffff, v4  }
0x2cb: {  	s20 =	sor.u32 s25, s29;
	v3 =	vld [tilespmem:s7+$0x4000]  }
0x2cc: {  	[tilespmem:s20+$0x0] =	vst.add.f32.msk $0xffff, v5  }
0x2cd: {  	s24 =	sor.u32 s0, s29;
	v4 =	vld [tilespmem:s28+$0x80]  }
0x2ce: {  	s2 =	sor.u32 $0xE300, s6;
	[tilespmem:s24+$0x0] =	vst.add.f32.msk $0xffff, v6  }
0x2cf: {  	s29 =	sor.u32 s18, s2;
	v5 =	vld [tilespmem:s8+$0x80]  }
0x2d0: {  	s15 =	sor.u32 $0x380, s15;
	s7 =	sor.u32 $0xE080, s22;
	[tilespmem:s29+$0x0] =	vst.add.f32.msk $0xffff, v3  }
0x2d1: {  	s20 =	sor.u32 s25, s7;
	v3 =	vld [tilespmem:s15+$0x4000]  }
0x2d2: {  	[tilespmem:s20+$0x0] =	vst.add.f32.msk $0xffff, v4  }
0x2d3: {  	s24 =	sor.u32 s0, s7;
	v4 =	vld [tilespmem:s28+$0x100]  }
0x2d4: {  	s6 =	sor.u32 $0xE380, s6;
	[tilespmem:s24+$0x0] =	vst.add.f32.msk $0xffff, v5  }
0x2d5: {  	s29 =	sor.u32 s18, s6;
	v5 =	vld [tilespmem:s8+$0x100]  }
0x2d6: {  	s7 =	sor.u32 $0xE100, s22;
	[tilespmem:s29+$0x0] =	vst.add.f32.msk $0xffff, v3  }
0x2d7: {  	s18 =	sor.u32 s25, s7;
	v3 =	vld [tilespmem:s19+$0x280]  }
0x2d8: {  	[tilespmem:s18+$0x0] =	vst.add.f32.msk $0xffff, v4  }
0x2d9: {  	s15 =	sor.u32 s0, s7;
	v4 =	vld [tilespmem:s28+$0x180]  }
0x2da: {  	[tilespmem:s15+$0x0] =	vst.add.f32.msk $0xffff, v5  }
0x2db: {  	s9 =	sor.u32 s17, s9;
	v6 =	vld [tilespmem:s8+$0x180]  }
0x2dc: {  	s4 =	sor.u32 $0x300, s4;
	s19 =	sor.u32 $0xE180, s22;
	[tilespmem:s9+$0x0] =	vst.add.f32.msk $0xffff, v3  }
0x2dd: {  	s20 =	sor.u32 s25, s19;
	v3 =	vld [tilespmem:s4+$0x4000]  }
0x2de: {  	[tilespmem:s20+$0x0] =	vst.add.f32.msk $0xffff, v4  }
0x2df: {  	s1 =	sor.u32 s26, s1;
	s9 =	sor.u32 s0, s19;
	v5 =	vld [tilespmem:s28+$0x200]  }
0x2e0: {  	s2 =	sor.u32 s17, s2;
	s17 =	sor.u32 s17, s6;
	s6 =	simm.s32 $0x60;
	[tilespmem:s9+$0x0] =	vst.add.f32.msk $0xffff, v6  }
0x2e1: {  	s24 =	sor.u32 s10, s11;
	s11 =	sor.u32 s31, s23;
	s31 =	simm.s32 $0x4;
	v4 =	vld [tilespmem:s8+$0x200]  }
0x2e2: {  	s10 =	sor.u32 $0x380, s1;
	s1 =	sor.u32 $0xE200, s22;
	s29 =	sor.u32 $0x380, s24;
	[tilespmem:s2+$0x0] =	vst.add.f32.msk $0xffff, v3  }
0x2e3: {  	s18 =	simm.s32 $0x300;
	s19 =	simm.s32 $0x2;
	s4 =	sor.u32 s25, s1;
	v3 =	vld [tilespmem:s29+$0x4000]  }
.LBB2_9:
0x2e4: {  	s24 =	sand.u32 $0x60, s6;
	s15 =	sand.u32 $0x1C00, s18;
	s31 =	sadd.s32 $0x2, s31;
	[tilespmem:s4+$0x0] =	vst.add.f32.msk $0xffff, v5  }
0x2e5: {  	s2 =	sor.u32 $0x4000, s15;
	s16 =	sor.u32 $0x10, s24;
	p0 =	slt.u32 s31, $0x3E;
	v5 =	vld [tilespmem:s28+$0x280]  }
0x2e6: {  	s4 =	sor.u32 s24, s2;
	s28 =	sor.u32 s16, s2;
	s2 =	sand.u32 $0x3, s19;
	[tilespmem:s11+$0x0] =	vst.add.f32.msk $0xffff, v2  }
0x2e7: {  	s9 =	sor.u32 s18, s6;
	s1 =	sor.u32 s0, s1;
	v6 =	vld [tilespmem:s28+$0x0];
	s2 =	sshll.u32 s2, $0x5  }
0x2e8: {  	s9 =	sor.u32 $0x380, s9;
	s11 =	sor.u32 $0xE280, s22;
	v7 =	vld [tilespmem:s4+$0x0];
	s2 =	sadd.s32 s2, s26;
	v2 =	vmov v3  }
0x2e9: {  	[tilespmem:s1+$0x0] =	vst.add.f32.msk $0xffff, v4;
	s1 =	sor.u32 s0, s11;
	s11 =	sor.u32 s25, s11;
	s20 =	sadd.s32 $0x10, s2  }
0x2ea: {  	s23 =	sor.u32 $0xE000, s15;
	s29 =	sor.u32 $0x300, s2;
	[tilespmem:s11+$0x0] =	vst.add.f32.msk $0xffff, v5;
	s2 =	sor.u32 $0x300, s20  }
0x2eb: {  	s7 =	sor.u32 s24, s23;
	s11 =	sor.u32 s16, s23;
	s23 =	smov.u32 s10;
	v3 =	vld [tilespmem:s2+$0x4000]  }
0x2ec: {  	s26 =	smov.u32 s18;
	s10 =	smov.u32 s9;
	[tilespmem:s11+$0x0] =	vst.add.f32.msk $0xffff, v6;
	s11 =	smov.u32 s17  }
0x2ed: {  	v4 =	vld [tilespmem:s28+$0x80]  }
0x2ee: {  	s2 =	sor.u32 $0xE300, s22;
	[tilespmem:s7+$0x0] =	vst.add.f32.msk $0xffff, v7  }
0x2ef: {  	s7 =	sor.u32 s0, s2;
	s2 =	sor.u32 s25, s2;
	v5 =	vld [tilespmem:s4+$0x80]  }
0x2f0: {  	s9 =	sor.u32 $0xE080, s15;
	[tilespmem:s2+$0x0] =	vst.add.f32.msk $0xffff, v3;
	s2 =	sor.u32 $0x380, s20  }
0x2f1: {  	s17 =	sor.u32 s24, s9;
	s9 =	sor.u32 s16, s9;
	v3 =	vld [tilespmem:s2+$0x4000]  }
0x2f2: {  	[tilespmem:s9+$0x0] =	vst.add.f32.msk $0xffff, v4  }
0x2f3: {  	v4 =	vld [tilespmem:s28+$0x100]  }
0x2f4: {  	s2 =	sor.u32 $0xE380, s22;
	s22 =	smov.u32 s15;
	[tilespmem:s17+$0x0] =	vst.add.f32.msk $0xffff, v5  }
0x2f5: {  	s17 =	sor.u32 s0, s2;
	s2 =	sor.u32 s25, s2;
	s0 =	smov.u32 s24;
	v5 =	vld [tilespmem:s4+$0x100]  }
0x2f6: {  	s9 =	sor.u32 $0xE100, s22;
	s25 =	smov.u32 s16;
	[tilespmem:s2+$0x0] =	vst.add.f32.msk $0xffff, v3  }
0x2f7: {  	s2 =	sor.u32 s0, s9;
	s9 =	sor.u32 s25, s9;
	v3 =	vld [tilespmem:s8+$0x280];
	s8 =	smov.u32 s4  }
0x2f8: {  	[tilespmem:s9+$0x0] =	vst.add.f32.msk $0xffff, v4  }
0x2f9: {  	v4 =	vld [tilespmem:s28+$0x180]  }
0x2fa: {  	[tilespmem:s2+$0x0] =	vst.add.f32.msk $0xffff, v5  }
0x2fb: {  	v6 =	vld [tilespmem:s8+$0x180]  }
0x2fc: {  	s2 =	sor.u32 $0xE180, s22;
	[tilespmem:s1+$0x0] =	vst.add.f32.msk $0xffff, v3  }
0x2fd: {  	s1 =	sor.u32 s0, s2;
	s2 =	sor.u32 s25, s2;
	v3 =	vld [tilespmem:s29+$0x4000]  }
0x2fe: {  	[tilespmem:s2+$0x0] =	vst.add.f32.msk $0xffff, v4  }
.Ltmp3:
0x2ff: {  	v5 =	vld [tilespmem:s28+$0x200];
	(pc) =	sbr.rel @p0 .LBB2_9-.Ltmp3, $4  }
0x300: {  	[tilespmem:s1+$0x0] =	vst.add.f32.msk $0xffff, v6  }
0x301: {  	v4 =	vld [tilespmem:s8+$0x200]  }
0x302: {  	s18 =	sadd.s32 $0x100, s18;
	s1 =	sor.u32 $0xE200, s22;
	[tilespmem:s7+$0x0] =	vst.add.f32.msk $0xffff, v3  }
0x303: {  	s6 =	sadd.s32 $0x20, s6;
	s19 =	sadd.s32 $0x1, s19;
	s4 =	sor.u32 s25, s1;
	v3 =	vld [tilespmem:s23+$0x4000]  }
0x304: {  	[tilespmem:s4+$0x0] =	vst.add.f32.msk $0xffff, v5  }
0x305: {  	s1 =	sor.u32 s0, s1;
	v5 =	vld [tilespmem:s28+$0x280]  }
0x306: {  	s2 =	sand.u32 $0x3, s19;
	[tilespmem:s1+$0x0] =	vst.add.f32.msk $0xffff, v4  }
0x307: {  	s19 =	sshll.u32 s2, $0x5;
	v4 =	vld [tilespmem:s8+$0x280]  }
0x308: {  	s20 =	sor.u32 $0xE280, s22;
	s1 =	sadd.s32 s19, s26  }
0x309: {  	s23 =	sor.u32 s25, s20;
	s6 =	sadd.s32 $0x10, s1  }
0x30a: {  	s24 =	sor.u32 $0x300, s6;
	[tilespmem:s23+$0x0] =	vst.add.f32.msk $0xffff, v5  }
0x30b: {  	s2 =	sor.u32 s0, s20;
	v5 =	vld [tilespmem:s24+$0x4000]  }
0x30c: {  	s1 =	sor.u32 $0x300, s1;
	[tilespmem:s2+$0x0] =	vst.add.f32.msk $0xffff, v4  }
0x30d: {  	v4 =	vld [tilespmem:s1+$0x4000]  }
0x30e: {  	s26 =	sor.u32 $0xE300, s22  }
0x30f: {  	s4 =	sor.u32 s25, s26  }
0x310: {  	s7 =	sor.u32 $0x380, s6;
	[tilespmem:s4+$0x0] =	vst.add.f32.msk $0xffff, v5  }
0x311: {  	s1 =	sor.u32 s0, s26;
	v5 =	vld [tilespmem:s7+$0x4000]  }
0x312: {  	[tilespmem:s1+$0x0] =	vst.add.f32.msk $0xffff, v4  }
0x313: {  	v4 =	vld [tilespmem:s10+$0x4000];
	_ =	sdelay $0x1  }
0x314: {  	[tilespmem:s11+$0x0] =	vst.add.f32.msk $0xffff, v2;
	s8 =	sor.u32 $0xE380, s22  }
0x315: {  	s9 =	sor.u32 s25, s8;
	[tilespmem:s17+$0x0] =	vst.add.f32.msk $0xffff, v3  }
0x316: {  	s10 =	sor.u32 s0, s8;
	[tilespmem:s9+$0x0] =	vst.add.f32.msk $0xffff, v5  }
0x317: {  	s0 =	simm.s32 @!p1 $0x14;
	[tilespmem:s10+$0x0] =	vst.add.f32.msk $0xffff, v4  }
0x318: {  	_ =	swait.ge @!p1 [sflag:s0], $0x400  }
0x319: {  	s15 =	simm.s32 $0xE000;
	[sflag:s0] =	ssyncset.done @!p1 $0x0  }
0x31a: {  	s16 =	simm.s32 $0xB;
	s11 =	rddreg [dreg:$0xd];
	[sflag:s0] =	ssyncadd.s32 @!p1 $0xFFFFFC00  }
0x31b: {  	[spmem:s11] =	stream.linear.scatter [tilespmem:s15], [sflag:$0xC], $0x2000, $0x38;
	v63 =	vld [tilespmem:$0x0]  }
0x31c: {  	_ =	swait.ge [sflag:s16], $0x2000  }
0x31d: {  	[sflag:s16] =	ssyncset.done $0x0;
	s17 =	rddreg [dreg:$0x10]  }
0x31e: {  	s18 =	rddreg [dreg:$0x15];
	s0 =	sadd.s32 s17, s3;
	[sflag:s16] =	ssyncadd.s32 $0xFFFFE000  }
0x31f: {  	s0 =	sshll.u32 s0, $0x7;
	s1 =	rddreg [dreg:$0x3]  }
0x320: {  	s28 =	sor.u32 $0x1C13, s5;
	s26 =	sshrl.u32 s18, $0x3;
	s0 =	sadd.s32 s1, s0  }
0x321: {  	[hbm:s0], [sflag:s28] =	dma.local [spmem:s26], $0x400  }
0x322: {  	s19 =	simm.s32 $0x16;
	s0 =	rddreg [dreg:$0x1b]  }
0x323: {  	_ =	swait.ge [sflag:s19], $0x2000;
	s31 =	sor.u32 $0x1, s0  }
0x324: {  	[sflag:s19] =	ssyncset.done $0x0;
	s0 =	rddreg [dreg:$0x11];
	p0 =	sgt.u32 s31, $0x1E  }
0x325: {  	[sflag:s19] =	ssyncadd.s32 $0xFFFFE000;
	s0 =	sadd.s32 @!p0 s3, s0  }
0x326: {  	s1 =	rddreg [dreg:$0x2];
	s0 =	sshll.u32 @!p0 s0, $0x7  }
0x327: {  	s2 =	simm.s32 @!p0 $0x4000;
	s0 =	sadd.s32 @!p0 s1, s0;
	s1 =	simm.s32 @!p0 $0x0  }
0x328: {  	[tilespmem:s2], [sflag:$0x15] =	stream.linear.gather @!p0 [hbm4b:s0+s1], $0x2000, $0x38;
	v63 =	vld [tilespmem:$0x0]  }
0x329: {  	s0 =	sshll.u32 @!p0 s21, $0x8  }
0x32a: {  	s22 =	sand.u32 @!p0 $0x3FFFFF00, s0  }
0x32b: {  	v2 =	vld.msk @!p0 [tilespmem:s22+$0x100], $0xff;
	_ =	sdelay $0x4  }
0x32c: {  	v3 =	vshll.u32 @!p0 v2, $0x3  }
0x32d: {  	v4 =	vlaneseq.u32 @!p0;
	v2 =	vand.u32 @!p0 $0x7, v2;
	v3 =	vand.u32 @!p0 $0xFFFFFFC0, v3  }
0x32e: {  	v2 =	vor.u32 @!p0 v2, v3;
	v3 =	vand.u32 @!p0 $0x7, v4;
	v4 =	vshrl.u32 @!p0 v4, $0x3  }
0x32f: {  	v2 =	vperm.xlane @!p0 v2, v3;
	v3 =	vmul.u32 @!p0 $0x8, v4;
	_ =	sdelay $0x1  }
0x330: {  	v2 =	vadd.s32 @!p0 v3, v2;
	_ =	sdelay $0x3  }
0x331: {  	vm1 =	vmmov @!p0 $0xffff;
	s29 =	rddreg [dreg:$0x1];
	s0 =	simm.s32 @!p0 $0x8000  }
0x332: {  	[tilespmem:s0], [sflag:$0x1] =	stream.indirect_vreg.gather @!p0 [hbm4b:s29+s1], $0x80, v2, vm1, $0xb8;
	v63 =	vld [tilespmem:$0x0]  }
0x333: {  	s0 =	simm.s32 @!p0 $0x8800  }
0x334: {  	[tilespmem:s0], [sflag:$0x1] =	stream.indirect_vreg.gather @!p0 [hbm4b:s12+s1], $0x80, v2, vm1, $0xb8;
	v63 =	vld [tilespmem:$0x0]  }
0x335: {  	s0 =	simm.s32 @!p0 $0x9000  }
0x336: {  	[tilespmem:s0], [sflag:$0x1] =	stream.indirect_vreg.gather @!p0 [hbm4b:s13+s1], $0x80, v2, vm1, $0xb8;
	v63 =	vld [tilespmem:$0x0]  }
0x337: {  	s20 =	simm.s32 $0x0;
	s23 =	simm.s32 $0x5;
	s0 =	simm.s32 @!p0 $0x9800  }
0x338: {  	[tilespmem:s0], [sflag:$0x1] =	stream.indirect_vreg.gather @!p0 [hbm4b:s14+s1], $0x80, v2, vm1, $0xb8;
	v63 =	vld [tilespmem:$0x0]  }
0x339: {  	s3 =	sand.u32 $0x60, s20;
	s0 =	sand.u32 $0x1C00, s20;
	_ =	swait.ge [sflag:s23], $0x2000  }
0x33a: {  	s6 =	sor.u32 $0x10, s3;
	s24 =	sor.u32 $0x6000, s0;
	[sflag:s23] =	ssyncset.done $0x0  }
0x33b: {  	s25 =	sor.u32 s6, s24;
	[sflag:s23] =	ssyncadd.s32 $0xFFFFE000  }
0x33c: {  	v2 =	vld [tilespmem:s25+$0x0];
	_ =	sdelay $0x2  }
0x33d: {  	s4 =	sor.u32 $0x10000, s0;
	s1 =	sor.u32 s3, s24  }
0x33e: {  	s9 =	sor.u32 $0x6080, s0;
	s7 =	sor.u32 s6, s4;
	v3 =	vld [tilespmem:s1+$0x0]  }
0x33f: {  	s10 =	sor.u32 s6, s9;
	[tilespmem:s7+$0x0] =	vst.add.f32.msk $0xffff, v2  }
0x340: {  	v2 =	vld [tilespmem:s10+$0x0];
	_ =	sdelay $0x1  }
0x341: {  	s2 =	sor.u32 s3, s4  }
0x342: {  	s11 =	sor.u32 $0x10080, s0;
	s4 =	sor.u32 s3, s9;
	[tilespmem:s2+$0x0] =	vst.add.f32.msk $0xffff, v3  }
0x343: {  	s15 =	sor.u32 $0x6100, s0;
	s16 =	sor.u32 s6, s11;
	v3 =	vld [tilespmem:s4+$0x0]  }
0x344: {  	s17 =	sor.u32 s6, s15;
	[tilespmem:s16+$0x0] =	vst.add.f32.msk $0xffff, v2  }
0x345: {  	v2 =	vld [tilespmem:s17+$0x0];
	_ =	sdelay $0x1  }
0x346: {  	s1 =	sor.u32 s3, s11  }
0x347: {  	s18 =	sor.u32 $0x10100, s0;
	s7 =	sor.u32 s3, s15;
	[tilespmem:s1+$0x0] =	vst.add.f32.msk $0xffff, v3  }
0x348: {  	s19 =	sor.u32 $0x6180, s0;
	s20 =	sor.u32 s6, s18;
	v3 =	vld [tilespmem:s7+$0x0]  }
0x349: {  	s23 =	sor.u32 s6, s19;
	[tilespmem:s20+$0x0] =	vst.add.f32.msk $0xffff, v2  }
0x34a: {  	v2 =	vld [tilespmem:s23+$0x0];
	_ =	sdelay $0x1  }
0x34b: {  	s2 =	sor.u32 s3, s18  }
0x34c: {  	s24 =	sor.u32 $0x10180, s0;
	s4 =	sor.u32 s3, s19;
	[tilespmem:s2+$0x0] =	vst.add.f32.msk $0xffff, v3  }
0x34d: {  	s25 =	sor.u32 $0x6200, s0;
	s10 =	sor.u32 s6, s24;
	v3 =	vld [tilespmem:s4+$0x0]  }
0x34e: {  	s11 =	sor.u32 s6, s25;
	[tilespmem:s10+$0x0] =	vst.add.f32.msk $0xffff, v2  }
0x34f: {  	s15 =	simm.s32 $0x100;
	s16 =	simm.s32 $0x20;
	v2 =	vld [tilespmem:s11+$0x0]  }
0x350: {  	s8 =	sand.u32 $0x1C00, s15;
	s10 =	sand.u32 $0x60, s16  }
0x351: {  	s15 =	sor.u32 $0x6000, s8;
	s1 =	sor.u32 s3, s24;
	s11 =	sor.u32 $0x10, s10  }
0x352: {  	s2 =	sor.u32 $0x10200, s0;
	[tilespmem:s1+$0x0] =	vst.add.f32.msk $0xffff, v3;
	s19 =	sor.u32 s11, s15  }
0x353: {  	s9 =	sor.u32 $0x6280, s0;
	s17 =	sor.u32 s6, s2;
	v3 =	vld [tilespmem:s19+$0x0]  }
0x354: {  	s18 =	sor.u32 s6, s9;
	[tilespmem:s17+$0x0] =	vst.add.f32.msk $0xffff, v2  }
0x355: {  	s20 =	sor.u32 s3, s25;
	v2 =	vld [tilespmem:s18+$0x0]  }
0x356: {  	s25 =	sor.u32 $0x10000, s8;
	v4 =	vld [tilespmem:s20+$0x0];
	s23 =	sor.u32 s10, s15  }
0x357: {  	s16 =	sor.u32 $0x6080, s8;
	v5 =	vld [tilespmem:s23+$0x0];
	s18 =	sor.u32 s11, s25  }
0x358: {  	s4 =	sor.u32 $0x10280, s0;
	s19 =	sor.u32 s11, s16;
	[tilespmem:s18+$0x0] =	vst.add.f32.msk $0xffff, v3  }
0x359: {  	s24 =	sor.u32 s6, s4;
	s1 =	sor.u32 $0x6300, s0;
	v3 =	vld [tilespmem:s19+$0x0]  }
0x35a: {  	s17 =	sor.u32 s6, s1;
	[tilespmem:s24+$0x0] =	vst.add.f32.msk $0xffff, v2  }
0x35b: {  	s15 =	sor.u32 s10, s25;
	v2 =	vld [tilespmem:s17+$0x0]  }
0x35c: {  	s20 =	sor.u32 s10, s16;
	[tilespmem:s15+$0x0] =	vst.add.f32.msk $0xffff, v5  }
0x35d: {  	s2 =	sor.u32 s3, s2;
	v5 =	vld [tilespmem:s20+$0x0];
	s24 =	sor.u32 $0x10080, s8  }
0x35e: {  	[tilespmem:s2+$0x0] =	vst.add.f32.msk $0xffff, v4;
	s15 =	sor.u32 $0x10300, s0;
	s17 =	sor.u32 s11, s24  }
0x35f: {  	s25 =	sor.u32 $0x6100, s8;
	s23 =	sor.u32 s6, s15;
	[tilespmem:s17+$0x0] =	vst.add.f32.msk $0xffff, v3  }
0x360: {  	s18 =	sor.u32 s11, s25;
	[tilespmem:s23+$0x0] =	vst.add.f32.msk $0xffff, v2  }
0x361: {  	s7 =	sor.u32 s10, s24;
	v2 =	vld [tilespmem:s18+$0x0]  }
0x362: {  	s20 =	sor.u32 s3, s9;
	[tilespmem:s7+$0x0] =	vst.add.f32.msk $0xffff, v5  }
0x363: {  	s16 =	sor.u32 $0x6380, s0;
	s2 =	sor.u32 s10, s25;
	v5 =	vld [tilespmem:s20+$0x0]  }
0x364: {  	s19 =	sor.u32 s6, s16;
	v3 =	vld [tilespmem:s2+$0x0];
	s23 =	sor.u32 $0x10100, s8  }
0x365: {  	s24 =	sor.u32 $0x6180, s8;
	v4 =	vld [tilespmem:s19+$0x0];
	s25 =	sor.u32 s11, s23  }
0x366: {  	s17 =	sor.u32 s11, s24;
	[tilespmem:s25+$0x0] =	vst.add.f32.msk $0xffff, v2  }
0x367: {  	s4 =	sor.u32 s3, s4;
	v2 =	vld [tilespmem:s17+$0x0]  }
0x368: {  	s1 =	sor.u32 s3, s1;
	[tilespmem:s4+$0x0] =	vst.add.f32.msk $0xffff, v5  }
0x369: {  	s7 =	sor.u32 s10, s23;
	v5 =	vld [tilespmem:s1+$0x0]  }
0x36a: {  	s18 =	sor.u32 s10, s24;
	s19 =	sor.u32 $0x10180, s8;
	[tilespmem:s7+$0x0] =	vst.add.f32.msk $0xffff, v3  }
0x36b: {  	s20 =	sor.u32 $0x6200, s8;
	s23 =	sor.u32 s11, s19;
	v3 =	vld [tilespmem:s18+$0x0]  }
0x36c: {  	s24 =	sor.u32 s11, s20;
	[tilespmem:s23+$0x0] =	vst.add.f32.msk $0xffff, v2  }
0x36d: {  	s7 =	sor.u32 s3, s15;
	s17 =	sor.u32 $0x10380, s0;
	v2 =	vld [tilespmem:s24+$0x0]  }
0x36e: {  	s25 =	sor.u32 s6, s17;
	[tilespmem:s7+$0x0] =	vst.add.f32.msk $0xffff, v5  }
0x36f: {  	s9 =	simm.s32 $0x200;
	s2 =	sor.u32 s10, s19;
	s1 =	sor.u32 $0x10200, s8;
	[tilespmem:s25+$0x0] =	vst.add.f32.msk $0xffff, v4  }
0x370: {  	s15 =	simm.s32 $0x40;
	s18 =	sor.u32 s11, s1;
	s6 =	sor.u32 s10, s20;
	[tilespmem:s2+$0x0] =	vst.add.f32.msk $0xffff, v3  }
0x371: {  	s0 =	sand.u32 $0x1C00, s9;
	s20 =	sand.u32 $0x60, s15;
	v3 =	vld [tilespmem:s6+$0x0];
	s6 =	sor.u32 $0x6280, s8  }
0x372: {  	s25 =	sor.u32 $0x10, s20;
	s19 =	sor.u32 s11, s6;
	s24 =	sor.u32 $0x6000, s0;
	[tilespmem:s18+$0x0] =	vst.add.f32.msk $0xffff, v2  }
0x373: {  	s4 =	sor.u32 s25, s24;
	v4 =	vld [tilespmem:s19+$0x0]  }
0x374: {  	s9 =	sor.u32 s20, s24;
	v5 =	vld [tilespmem:s4+$0x0]  }
0x375: {  	s1 =	sor.u32 s10, s1;
	v6 =	vld [tilespmem:s9+$0x0]  }
0x376: {  	s2 =	sor.u32 $0x10280, s8;
	s23 =	sor.u32 s3, s16;
	[tilespmem:s1+$0x0] =	vst.add.f32.msk $0xffff, v3  }
0x377: {  	s15 =	sor.u32 s11, s2;
	s1 =	sor.u32 $0x6300, s8;
	v2 =	vld [tilespmem:s23+$0x0]  }
0x378: {  	s16 =	sor.u32 $0x10000, s0;
	s18 =	sor.u32 s11, s1;
	[tilespmem:s15+$0x0] =	vst.add.f32.msk $0xffff, v4  }
0x379: {  	s23 =	sor.u32 s25, s16;
	s19 =	sor.u32 $0x6080, s0;
	v3 =	vld [tilespmem:s18+$0x0]  }
0x37a: {  	[tilespmem:s23+$0x0] =	vst.add.f32.msk $0xffff, v5;
	s24 =	sor.u32 s25, s19  }
0x37b: {  	s7 =	sor.u32 s20, s16;
	v4 =	vld [tilespmem:s24+$0x0]  }
0x37c: {  	s9 =	sor.u32 s20, s19;
	[tilespmem:s7+$0x0] =	vst.add.f32.msk $0xffff, v6;
	s7 =	sor.u32 $0x10300, s8  }
0x37d: {  	s4 =	sor.u32 $0x6380, s8;
	v5 =	vld [tilespmem:s9+$0x0];
	s15 =	sor.u32 s11, s7  }
0x37e: {  	s16 =	sor.u32 $0x10080, s0;
	s23 =	sor.u32 s11, s4;
	[tilespmem:s15+$0x0] =	vst.add.f32.msk $0xffff, v3  }
0x37f: {  	s24 =	sor.u32 $0x6100, s0;
	s18 =	sor.u32 s25, s16;
	v3 =	vld [tilespmem:s23+$0x0]  }
0x380: {  	s19 =	sor.u32 s25, s24;
	[tilespmem:s18+$0x0] =	vst.add.f32.msk $0xffff, v4  }
0x381: {  	v4 =	vld [tilespmem:s19+$0x0];
	s23 =	sor.u32 s20, s16  }
0x382: {  	s24 =	sor.u32 s20, s24;
	s15 =	sor.u32 $0x10380, s8;
	[tilespmem:s23+$0x0] =	vst.add.f32.msk $0xffff, v5  }
0x383: {  	s8 =	sor.u32 s11, s15;
	v5 =	vld [tilespmem:s24+$0x0]  }
0x384: {  	s6 =	sor.u32 s10, s6;
	s16 =	sor.u32 $0x10100, s0;
	[tilespmem:s8+$0x0] =	vst.add.f32.msk $0xffff, v3  }
0x385: {  	s18 =	sor.u32 $0x6180, s0;
	s19 =	sor.u32 s25, s16;
	v3 =	vld [tilespmem:s6+$0x0]  }
0x386: {  	s23 =	sor.u32 s25, s18;
	[tilespmem:s19+$0x0] =	vst.add.f32.msk $0xffff, v4  }
0x387: {  	s24 =	sor.u32 s20, s16;
	v4 =	vld [tilespmem:s23+$0x0]  }
0x388: {  	s8 =	sor.u32 s20, s18;
	[tilespmem:s24+$0x0] =	vst.add.f32.msk $0xffff, v5  }
0x389: {  	s2 =	sor.u32 s10, s2;
	v5 =	vld [tilespmem:s8+$0x0]  }
0x38a: {  	s1 =	sor.u32 s10, s1;
	s9 =	sor.u32 $0x10180, s0;
	[tilespmem:s2+$0x0] =	vst.add.f32.msk $0xffff, v3  }
0x38b: {  	s11 =	sor.u32 $0x6200, s0;
	s16 =	sor.u32 s25, s9;
	v6 =	vld [tilespmem:s1+$0x0]  }
0x38c: {  	s18 =	sor.u32 s25, s11;
	s6 =	sor.u32 s20, s9;
	[tilespmem:s16+$0x0] =	vst.add.f32.msk $0xffff, v4  }
0x38d: {  	s23 =	sor.u32 s20, s11;
	s11 =	simm.s32 $0x60;
	s24 =	sor.u32 s10, s7;
	v4 =	vld [tilespmem:s18+$0x0]  }
0x38e: {  	s8 =	sor.u32 s3, s17;
	s3 =	sshll.u32 s31, $0x3;
	s19 =	rddreg [dreg:$0x6];
	[tilespmem:s6+$0x0] =	vst.add.f32.msk $0xffff, v5  }
0x38f: {  	s17 =	simm.s32 $0x4;
	s18 =	sor.u32 s10, s4;
	s1 =	sor.u32 $0x10200, s0;
	v3 =	vld [tilespmem:s23+$0x0]  }
0x390: {  	s31 =	sadd.s32 s19, s3;
	s6 =	sor.u32 s10, s15;
	s10 =	simm.s32 $0x300;
	[tilespmem:s24+$0x0] =	vst.add.f32.msk $0xffff, v6  }
.LBB2_11:
0x391: {  	s19 =	sand.u32 $0x60, s11;
	s2 =	sor.u32 $0x6280, s0;
	s4 =	sor.u32 s25, s1;
	v5 =	vld [tilespmem:s18+$0x0]  }
0x392: {  	s16 =	sand.u32 $0x1C00, s10;
	s17 =	sadd.s32 $0x2, s17;
	[tilespmem:s4+$0x0] =	vst.add.f32.msk $0xffff, v4;
	s4 =	sor.u32 s25, s2  }
0x393: {  	s7 =	sor.u32 $0x6000, s16;
	s24 =	sor.u32 $0x10, s19;
	p1 =	slt.u32 s17, $0x3E;
	v4 =	vld [tilespmem:s4+$0x0]  }
0x394: {  	s9 =	sor.u32 s20, s1;
	s4 =	sor.u32 s19, s7;
	s7 =	sor.u32 s24, s7;
	[tilespmem:s8+$0x0] =	vst.add.f32.msk $0xffff, v2  }
0x395: {  	s1 =	sor.u32 s20, s2;
	s8 =	smov.u32 s6;
	v6 =	vld [tilespmem:s7+$0x0]  }
0x396: {  	s2 =	sor.u32 $0x10280, s0;
	v7 =	vld [tilespmem:s4+$0x0];
	v2 =	vmov v5  }
0x397: {  	s6 =	sor.u32 $0x6300, s0;
	s4 =	sor.u32 s20, s2;
	s2 =	sor.u32 s25, s2;
	[tilespmem:s9+$0x0] =	vst.add.f32.msk $0xffff, v3  }
0x398: {  	s7 =	sor.u32 $0x10000, s16;
	s23 =	sor.u32 s20, s6;
	[tilespmem:s2+$0x0] =	vst.add.f32.msk $0xffff, v4;
	s2 =	sor.u32 s25, s6  }
0x399: {  	s9 =	sor.u32 $0x6080, s16;
	s6 =	sor.u32 s19, s7;
	s7 =	sor.u32 s24, s7;
	v3 =	vld [tilespmem:s2+$0x0]  }
0x39a: {  	s2 =	sor.u32 s19, s9;
	[tilespmem:s7+$0x0] =	vst.add.f32.msk $0xffff, v6;
	s7 =	sor.u32 s24, s9  }
0x39b: {  	v4 =	vld [tilespmem:s7+$0x0]  }
0x39c: {  	[tilespmem:s6+$0x0] =	vst.add.f32.msk $0xffff, v7;
	s6 =	sor.u32 $0x10300, s0  }
0x39d: {  	v5 =	vld [tilespmem:s2+$0x0];
	s15 =	sor.u32 s20, s6;
	s2 =	sor.u32 $0x6380, s0;
	s6 =	sor.u32 s25, s6  }
0x39e: {  	s7 =	sor.u32 $0x10080, s16;
	s18 =	sor.u32 s20, s2;
	[tilespmem:s6+$0x0] =	vst.add.f32.msk $0xffff, v3;
	s2 =	sor.u32 s25, s2  }
0x39f: {  	s9 =	sor.u32 $0x6100, s16;
	s6 =	sor.u32 s19, s7;
	s7 =	sor.u32 s24, s7;
	v3 =	vld [tilespmem:s2+$0x0]  }
0x3a0: {  	s2 =	sor.u32 s19, s9;
	[tilespmem:s7+$0x0] =	vst.add.f32.msk $0xffff, v4;
	s7 =	sor.u32 s24, s9  }
0x3a1: {  	v4 =	vld [tilespmem:s7+$0x0]  }
0x3a2: {  	s7 =	sor.u32 $0x10380, s0;
	s0 =	smov.u32 s16;
	[tilespmem:s6+$0x0] =	vst.add.f32.msk $0xffff, v5  }
0x3a3: {  	s6 =	sor.u32 s20, s7;
	s20 =	smov.u32 s19;
	v5 =	vld [tilespmem:s2+$0x0];
	s2 =	sor.u32 s25, s7  }
0x3a4: {  	s7 =	sor.u32 $0x10100, s0;
	s25 =	smov.u32 s24;
	[tilespmem:s2+$0x0] =	vst.add.f32.msk $0xffff, v3  }
0x3a5: {  	s9 =	sor.u32 $0x6180, s0;
	s2 =	sor.u32 s20, s7;
	s7 =	sor.u32 s25, s7;
	v3 =	vld [tilespmem:s1+$0x0]  }
0x3a6: {  	s1 =	sor.u32 s20, s9;
	[tilespmem:s7+$0x0] =	vst.add.f32.msk $0xffff, v4;
	s7 =	sor.u32 s25, s9  }
0x3a7: {  	v4 =	vld [tilespmem:s7+$0x0]  }
0x3a8: {  	[tilespmem:s2+$0x0] =	vst.add.f32.msk $0xffff, v5  }
0x3a9: {  	v5 =	vld [tilespmem:s1+$0x0]  }
0x3aa: {  	s1 =	sor.u32 $0x10180, s0;
	[tilespmem:s4+$0x0] =	vst.add.f32.msk $0xffff, v3  }
0x3ab: {  	s2 =	sor.u32 s20, s1;
	s4 =	sor.u32 $0x6200, s0;
	s1 =	sor.u32 s25, s1;
	v6 =	vld [tilespmem:s23+$0x0]  }
.Ltmp4:
0x3ac: {  	s7 =	sor.u32 s20, s4;
	[tilespmem:s1+$0x0] =	vst.add.f32.msk $0xffff, v4;
	s1 =	sor.u32 s25, s4;
	(pc) =	sbr.rel @p1 .LBB2_11-.Ltmp4, $4  }
0x3ad: {  	v4 =	vld [tilespmem:s1+$0x0]  }
0x3ae: {  	[tilespmem:s2+$0x0] =	vst.add.f32.msk $0xffff, v5  }
0x3af: {  	v3 =	vld [tilespmem:s7+$0x0]  }
0x3b0: {  	s10 =	sadd.s32 $0x100, s10;
	s11 =	sadd.s32 $0x20, s11;
	s1 =	sor.u32 $0x10200, s0;
	[tilespmem:s15+$0x0] =	vst.add.f32.msk $0xffff, v6  }
0x3b1: {  	s2 =	sor.u32 $0x6280, s0;
	s4 =	sor.u32 s25, s1  }
0x3b2: {  	[tilespmem:s4+$0x0] =	vst.add.f32.msk $0xffff, v4;
	s7 =	sor.u32 s25, s2  }
0x3b3: {  	s9 =	sor.u32 s20, s1;
	v4 =	vld [tilespmem:s7+$0x0]  }
0x3b4: {  	s2 =	sor.u32 s20, s2;
	[tilespmem:s9+$0x0] =	vst.add.f32.msk $0xffff, v3  }
0x3b5: {  	v3 =	vld [tilespmem:s2+$0x0]  }
0x3b6: {  	s10 =	sor.u32 $0x10280, s0  }
0x3b7: {  	s11 =	sor.u32 $0x6300, s0;
	s15 =	sor.u32 s25, s10  }
0x3b8: {  	s16 =	sor.u32 s25, s11;
	[tilespmem:s15+$0x0] =	vst.add.f32.msk $0xffff, v4  }
0x3b9: {  	s1 =	sor.u32 s20, s10;
	v4 =	vld [tilespmem:s16+$0x0]  }
0x3ba: {  	s2 =	sor.u32 s20, s11;
	[tilespmem:s1+$0x0] =	vst.add.f32.msk $0xffff, v3  }
0x3bb: {  	v3 =	vld [tilespmem:s2+$0x0]  }
0x3bc: {  	s17 =	sor.u32 $0x10300, s0  }
0x3bd: {  	v5 =	vld [tilespmem:s18+$0x0];
	s19 =	sor.u32 $0x6380, s0;
	s23 =	sor.u32 s25, s17  }
0x3be: {  	s24 =	sor.u32 s25, s19;
	[tilespmem:s23+$0x0] =	vst.add.f32.msk $0xffff, v4  }
0x3bf: {  	s1 =	sor.u32 s20, s17;
	v4 =	vld [tilespmem:s24+$0x0]  }
0x3c0: {  	s2 =	sor.u32 s20, s19;
	[tilespmem:s1+$0x0] =	vst.add.f32.msk $0xffff, v3  }
0x3c1: {  	v3 =	vld [tilespmem:s2+$0x0];
	_ =	sdelay $0x1  }
0x3c2: {  	[tilespmem:s8+$0x0] =	vst.add.f32.msk $0xffff, v2;
	s2 =	sor.u32 $0x10380, s0  }
0x3c3: {  	[tilespmem:s6+$0x0] =	vst.add.f32.msk $0xffff, v5;
	s4 =	sor.u32 s25, s2  }
0x3c4: {  	s0 =	sor.u32 s20, s2;
	[tilespmem:s4+$0x0] =	vst.add.f32.msk $0xffff, v4  }
0x3c5: {  	s7 =	simm.s32 $0x11;
	[tilespmem:s0+$0x0] =	vst.add.f32.msk $0xffff, v3  }
0x3c6: {  	_ =	swait.ge [sflag:s7], $0x400  }
0x3c7: {  	s10 =	simm.s32 $0xC;
	[sflag:s7] =	ssyncset.done $0x0  }
0x3c8: {  	s9 =	simm.s32 $0x10000;
	s8 =	rddreg [dreg:$0xc];
	[sflag:s7] =	ssyncadd.s32 $0xFFFFFC00  }
0x3c9: {  	[spmem:s8] =	stream.linear.scatter [tilespmem:s9], [sflag:$0xD], $0x2000, $0x38;
	v63 =	vld [tilespmem:$0x0]  }
0x3ca: {  	_ =	swait.ge [sflag:s10], $0x2000  }
0x3cb: {  	[sflag:s10] =	ssyncset.done $0x0  }
0x3cc: {  	s16 =	rddreg [dreg:$0xd];
	[sflag:s10] =	ssyncadd.s32 $0xFFFFE000  }
0x3cd: {  	s11 =	sor.u32 $0x300000, s30;
	s15 =	rddreg [dreg:$0x3]  }
0x3ce: {  	s20 =	sor.u32 $0x1C14, s5;
	s5 =	sshrl.u32 s16, $0x3;
	s0 =	sadd.s32 s15, s11  }
0x3cf: {  	[hbm:s0], [sflag:s20] =	dma.local [spmem:s5], $0x400  }
0x3d0: {  	v2 =	vld.msk @!p0 [tilespmem:s22+$0x1100], $0xff;
	_ =	sdelay $0x4  }
0x3d1: {  	v3 =	vshll.u32 @!p0 v2, $0x3  }
0x3d2: {  	v4 =	vlaneseq.u32 @!p0;
	v2 =	vand.u32 @!p0 $0x7, v2;
	v3 =	vand.u32 @!p0 $0xFFFFFFC0, v3  }
0x3d3: {  	v2 =	vor.u32 @!p0 v2, v3;
	v3 =	vand.u32 @!p0 $0x7, v4;
	v4 =	vshrl.u32 @!p0 v4, $0x3  }
0x3d4: {  	v2 =	vperm.xlane @!p0 v2, v3;
	v3 =	vmul.u32 @!p0 $0x8, v4;
	_ =	sdelay $0x1  }
0x3d5: {  	v2 =	vadd.s32 @!p0 v3, v2;
	_ =	sdelay $0x3  }
0x3d6: {  	s1 =	simm.s32 @!p0 $0xA000;
	s0 =	simm.s32 @!p0 $0x0  }
0x3d7: {  	[tilespmem:s1], [sflag:$0x2] =	stream.indirect_vreg.gather @!p0 [hbm4b:s29+s0], $0x80, v2, vm1, $0xb8;
	v63 =	vld [tilespmem:$0x0]  }
0x3d8: {  	s1 =	simm.s32 @!p0 $0xA800  }
0x3d9: {  	[tilespmem:s1], [sflag:$0x2] =	stream.indirect_vreg.gather @!p0 [hbm4b:s12+s0], $0x80, v2, vm1, $0xb8;
	v63 =	vld [tilespmem:$0x0]  }
0x3da: {  	s1 =	simm.s32 @!p0 $0xB000  }
0x3db: {  	[tilespmem:s1], [sflag:$0x2] =	stream.indirect_vreg.gather @!p0 [hbm4b:s13+s0], $0x80, v2, vm1, $0xb8;
	v63 =	vld [tilespmem:$0x0]  }
0x3dc: {  	s18 =	simm.s32 $0x6;
	s17 =	simm.s32 $0x0;
	s1 =	simm.s32 @!p0 $0xB800  }
0x3dd: {  	[tilespmem:s1], [sflag:$0x2] =	stream.indirect_vreg.gather @!p0 [hbm4b:s14+s0], $0x80, v2, vm1, $0xb8;
	v63 =	vld [tilespmem:$0x0]  }
0x3de: {  	s8 =	sand.u32 $0x60, s17;
	s0 =	sand.u32 $0x1C00, s17;
	_ =	swait.ge [sflag:s18], $0x2000  }
0x3df: {  	s6 =	sor.u32 $0x10, s8;
	s19 =	sor.u32 $0x6000, s0;
	[sflag:s18] =	ssyncset.done $0x0  }
0x3e0: {  	s23 =	sor.u32 s6, s19;
	[sflag:s18] =	ssyncadd.s32 $0xFFFFE000  }
0x3e1: {  	v2 =	vld [tilespmem:s23+$0x0];
	_ =	sdelay $0x2  }
0x3e2: {  	s24 =	sor.u32 $0x12000, s0;
	s1 =	sor.u32 s8, s19  }
0x3e3: {  	s25 =	sor.u32 $0x6080, s0;
	s7 =	sor.u32 s6, s24;
	v3 =	vld [tilespmem:s1+$0x0]  }
0x3e4: {  	s10 =	sor.u32 s6, s25;
	[tilespmem:s7+$0x0] =	vst.add.f32.msk $0xffff, v2  }
0x3e5: {  	v2 =	vld [tilespmem:s10+$0x0];
	_ =	sdelay $0x1  }
0x3e6: {  	s2 =	sor.u32 s8, s24  }
0x3e7: {  	s11 =	sor.u32 $0x12080, s0;
	s4 =	sor.u32 s8, s25;
	[tilespmem:s2+$0x0] =	vst.add.f32.msk $0xffff, v3  }
0x3e8: {  	s15 =	sor.u32 $0x6100, s0;
	s9 =	sor.u32 s6, s11;
	v3 =	vld [tilespmem:s4+$0x0]  }
0x3e9: {  	s16 =	sor.u32 s6, s15;
	[tilespmem:s9+$0x0] =	vst.add.f32.msk $0xffff, v2  }
0x3ea: {  	v2 =	vld [tilespmem:s16+$0x0];
	_ =	sdelay $0x1  }
0x3eb: {  	s1 =	sor.u32 s8, s11  }
0x3ec: {  	s17 =	sor.u32 $0x12100, s0;
	s7 =	sor.u32 s8, s15;
	[tilespmem:s1+$0x0] =	vst.add.f32.msk $0xffff, v3  }
0x3ed: {  	s19 =	sor.u32 s6, s17;
	s18 =	sor.u32 $0x6180, s0;
	v3 =	vld [tilespmem:s7+$0x0]  }
0x3ee: {  	s23 =	sor.u32 s6, s18;
	[tilespmem:s19+$0x0] =	vst.add.f32.msk $0xffff, v2  }
0x3ef: {  	v2 =	vld [tilespmem:s23+$0x0];
	_ =	sdelay $0x1  }
0x3f0: {  	s2 =	sor.u32 s8, s17  }
0x3f1: {  	s24 =	sor.u32 $0x12180, s0;
	s4 =	sor.u32 s8, s18;
	[tilespmem:s2+$0x0] =	vst.add.f32.msk $0xffff, v3  }
0x3f2: {  	s25 =	sor.u32 $0x6200, s0;
	s15 =	sor.u32 s6, s24;
	v3 =	vld [tilespmem:s4+$0x0]  }
0x3f3: {  	s16 =	sor.u32 s6, s25;
	[tilespmem:s15+$0x0] =	vst.add.f32.msk $0xffff, v2  }
0x3f4: {  	s17 =	simm.s32 $0x100;
	s18 =	simm.s32 $0x20;
	v2 =	vld [tilespmem:s16+$0x0]  }
0x3f5: {  	s11 =	sand.u32 $0x1C00, s17;
	s10 =	sand.u32 $0x60, s18  }
0x3f6: {  	s17 =	sor.u32 $0x10, s10;
	s1 =	sor.u32 s8, s24;
	s23 =	sor.u32 $0x6000, s11  }
0x3f7: {  	s2 =	sor.u32 $0x12200, s0;
	s24 =	sor.u32 s17, s23;
	[tilespmem:s1+$0x0] =	vst.add.f32.msk $0xffff, v3  }
0x3f8: {  	s15 =	sor.u32 $0x6280, s0;
	v3 =	vld [tilespmem:s24+$0x0];
	s16 =	sor.u32 s6, s2  }
0x3f9: {  	s19 =	sor.u32 s6, s15;
	[tilespmem:s16+$0x0] =	vst.add.f32.msk $0xffff, v2  }
0x3fa: {  	s7 =	sor.u32 s10, s23;
	v2 =	vld [tilespmem:s19+$0x0]  }
0x3fb: {  	s25 =	sor.u32 s8, s25;
	v5 =	vld [tilespmem:s7+$0x0];
	s16 =	sor.u32 $0x12000, s11  }
0x3fc: {  	s23 =	sor.u32 $0x6080, s11;
	v4 =	vld [tilespmem:s25+$0x0];
	s24 =	sor.u32 s17, s16  }
0x3fd: {  	s4 =	sor.u32 $0x12280, s0;
	s25 =	sor.u32 s17, s23;
	[tilespmem:s24+$0x0] =	vst.add.f32.msk $0xffff, v3  }
0x3fe: {  	s9 =	sor.u32 s6, s4;
	s1 =	sor.u32 $0x6300, s0;
	v3 =	vld [tilespmem:s25+$0x0]  }
0x3ff: {  	s19 =	sor.u32 s6, s1;
	[tilespmem:s9+$0x0] =	vst.add.f32.msk $0xffff, v2  }
0x400: {  	s9 =	sor.u32 s10, s16;
	v2 =	vld [tilespmem:s19+$0x0]  }
0x401: {  	s16 =	sor.u32 s10, s23;
	[tilespmem:s9+$0x0] =	vst.add.f32.msk $0xffff, v5  }
0x402: {  	s2 =	sor.u32 s8, s2;
	s19 =	sor.u32 $0x12080, s11;
	v5 =	vld [tilespmem:s16+$0x0]  }
0x403: {  	[tilespmem:s2+$0x0] =	vst.add.f32.msk $0xffff, v4;
	s9 =	sor.u32 $0x12300, s0;
	s24 =	sor.u32 s17, s19  }
0x404: {  	s23 =	sor.u32 $0x6100, s11;
	s18 =	sor.u32 s6, s9;
	[tilespmem:s24+$0x0] =	vst.add.f32.msk $0xffff, v3  }
0x405: {  	s25 =	sor.u32 s17, s23;
	[tilespmem:s18+$0x0] =	vst.add.f32.msk $0xffff, v2  }
0x406: {  	s7 =	sor.u32 s10, s19;
	v2 =	vld [tilespmem:s25+$0x0]  }
0x407: {  	s19 =	sor.u32 s8, s15;
	[tilespmem:s7+$0x0] =	vst.add.f32.msk $0xffff, v5  }
0x408: {  	s2 =	sor.u32 s10, s23;
	s16 =	sor.u32 $0x6380, s0;
	v5 =	vld [tilespmem:s19+$0x0]  }
0x409: {  	s23 =	sor.u32 $0x12100, s11;
	s18 =	sor.u32 s6, s16;
	v3 =	vld [tilespmem:s2+$0x0]  }
0x40a: {  	s24 =	sor.u32 $0x6180, s11;
	s25 =	sor.u32 s17, s23;
	v4 =	vld [tilespmem:s18+$0x0]  }
0x40b: {  	s18 =	sor.u32 s17, s24;
	[tilespmem:s25+$0x0] =	vst.add.f32.msk $0xffff, v2  }
0x40c: {  	s4 =	sor.u32 s8, s4;
	v2 =	vld [tilespmem:s18+$0x0]  }
0x40d: {  	s7 =	sor.u32 s10, s23;
	[tilespmem:s4+$0x0] =	vst.add.f32.msk $0xffff, v5  }
0x40e: {  	s1 =	sor.u32 s8, s1;
	[tilespmem:s7+$0x0] =	vst.add.f32.msk $0xffff, v3  }
0x40f: {  	s19 =	sor.u32 s10, s24;
	s23 =	sor.u32 $0x12180, s11;
	v5 =	vld [tilespmem:s1+$0x0]  }
0x410: {  	s24 =	sor.u32 $0x6200, s11;
	s25 =	sor.u32 s17, s23;
	v3 =	vld [tilespmem:s19+$0x0]  }
0x411: {  	s18 =	sor.u32 $0x12380, s0;
	s7 =	sor.u32 s17, s24;
	[tilespmem:s25+$0x0] =	vst.add.f32.msk $0xffff, v2  }
0x412: {  	s15 =	sor.u32 s6, s18;
	v2 =	vld [tilespmem:s7+$0x0]  }
0x413: {  	[tilespmem:s15+$0x0] =	vst.add.f32.msk $0xffff, v4;
	s19 =	sor.u32 s10, s23;
	s23 =	sor.u32 s10, s24;
	s24 =	sor.u32 s8, s9  }
0x414: {  	[tilespmem:s24+$0x0] =	vst.add.f32.msk $0xffff, v5  }
0x415: {  	s1 =	sor.u32 $0x12200, s11;
	s6 =	sor.u32 $0x6280, s11;
	s25 =	simm.s32 $0x200;
	[tilespmem:s19+$0x0] =	vst.add.f32.msk $0xffff, v3  }
0x416: {  	s9 =	sor.u32 s17, s1;
	s7 =	simm.s32 $0x40;
	s0 =	sand.u32 $0x1C00, s25;
	v3 =	vld [tilespmem:s23+$0x0]  }
0x417: {  	s15 =	sor.u32 s17, s6;
	s30 =	sand.u32 $0x60, s7;
	s19 =	sor.u32 $0x6000, s0;
	[tilespmem:s9+$0x0] =	vst.add.f32.msk $0xffff, v2  }
0x418: {  	s25 =	sor.u32 $0x10, s30;
	s24 =	sor.u32 s30, s19;
	v4 =	vld [tilespmem:s15+$0x0]  }
0x419: {  	s23 =	sor.u32 s25, s19;
	v6 =	vld [tilespmem:s24+$0x0]  }
0x41a: {  	s16 =	sor.u32 s8, s16;
	v5 =	vld [tilespmem:s23+$0x0]  }
0x41b: {  	s2 =	sor.u32 $0x12280, s11;
	s1 =	sor.u32 s10, s1;
	v2 =	vld [tilespmem:s16+$0x0]  }
0x41c: {  	s7 =	sor.u32 s17, s2;
	[tilespmem:s1+$0x0] =	vst.add.f32.msk $0xffff, v3;
	s1 =	sor.u32 $0x6300, s11  }
0x41d: {  	s9 =	sor.u32 $0x12000, s0;
	s23 =	sor.u32 s17, s1;
	[tilespmem:s7+$0x0] =	vst.add.f32.msk $0xffff, v4  }
0x41e: {  	s24 =	sor.u32 $0x6080, s0;
	s16 =	sor.u32 s25, s9;
	v3 =	vld [tilespmem:s23+$0x0]  }
0x41f: {  	s19 =	sor.u32 s25, s24;
	[tilespmem:s16+$0x0] =	vst.add.f32.msk $0xffff, v5  }
0x420: {  	s7 =	sor.u32 s30, s9;
	v4 =	vld [tilespmem:s19+$0x0]  }
0x421: {  	s23 =	sor.u32 s30, s24;
	[tilespmem:s7+$0x0] =	vst.add.f32.msk $0xffff, v6;
	s7 =	sor.u32 $0x12300, s11  }
0x422: {  	s4 =	sor.u32 $0x6380, s11;
	v5 =	vld [tilespmem:s23+$0x0];
	s24 =	sor.u32 s17, s7  }
0x423: {  	s15 =	sor.u32 $0x12080, s0;
	s16 =	sor.u32 s17, s4;
	[tilespmem:s24+$0x0] =	vst.add.f32.msk $0xffff, v3  }
0x424: {  	s19 =	sor.u32 $0x6100, s0;
	s23 =	sor.u32 s25, s15;
	v3 =	vld [tilespmem:s16+$0x0]  }
0x425: {  	[tilespmem:s23+$0x0] =	vst.add.f32.msk $0xffff, v4;
	s24 =	sor.u32 s25, s19  }
0x426: {  	s15 =	sor.u32 s30, s15;
	v4 =	vld [tilespmem:s24+$0x0]  }
0x427: {  	s11 =	sor.u32 $0x12380, s11;
	s19 =	sor.u32 s30, s19;
	[tilespmem:s15+$0x0] =	vst.add.f32.msk $0xffff, v5  }
0x428: {  	s23 =	sor.u32 s17, s11;
	v5 =	vld [tilespmem:s19+$0x0]  }
0x429: {  	s6 =	sor.u32 s10, s6;
	s24 =	sor.u32 $0x12100, s0;
	[tilespmem:s23+$0x0] =	vst.add.f32.msk $0xffff, v3  }
0x42a: {  	s16 =	sor.u32 $0x6180, s0;
	s17 =	sor.u32 s25, s24;
	v3 =	vld [tilespmem:s6+$0x0]  }
0x42b: {  	s19 =	sor.u32 s25, s16;
	[tilespmem:s17+$0x0] =	vst.add.f32.msk $0xffff, v4  }
0x42c: {  	s23 =	sor.u32 s30, s24;
	v4 =	vld [tilespmem:s19+$0x0]  }
0x42d: {  	s24 =	sor.u32 s30, s16;
	[tilespmem:s23+$0x0] =	vst.add.f32.msk $0xffff, v5  }
0x42e: {  	s2 =	sor.u32 s10, s2;
	v5 =	vld [tilespmem:s24+$0x0]  }
0x42f: {  	s1 =	sor.u32 s10, s1;
	s9 =	sor.u32 $0x12180, s0;
	[tilespmem:s2+$0x0] =	vst.add.f32.msk $0xffff, v3  }
0x430: {  	s15 =	sor.u32 $0x6200, s0;
	s16 =	sor.u32 s25, s9;
	v6 =	vld [tilespmem:s1+$0x0]  }
0x431: {  	s17 =	sor.u32 s25, s15;
	[tilespmem:s16+$0x0] =	vst.add.f32.msk $0xffff, v4  }
0x432: {  	s19 =	sor.u32 s30, s9;
	v4 =	vld [tilespmem:s17+$0x0]  }
0x433: {  	s8 =	sor.u32 s8, s18;
	s18 =	sor.u32 s10, s4;
	s23 =	sor.u32 s30, s15;
	[tilespmem:s19+$0x0] =	vst.add.f32.msk $0xffff, v5  }
0x434: {  	s6 =	sor.u32 s10, s11;
	s11 =	simm.s32 $0x60;
	s24 =	sor.u32 s10, s7;
	v3 =	vld [tilespmem:s23+$0x0]  }
0x435: {  	s10 =	simm.s32 $0x300;
	s1 =	sor.u32 $0x12200, s0;
	s17 =	simm.s32 $0x4;
	[tilespmem:s24+$0x0] =	vst.add.f32.msk $0xffff, v6  }
.LBB2_13:
0x436: {  	s19 =	sand.u32 $0x60, s11;
	s2 =	sor.u32 $0x6280, s0;
	s4 =	sor.u32 s25, s1;
	v5 =	vld [tilespmem:s18+$0x0]  }
0x437: {  	s16 =	sand.u32 $0x1C00, s10;
	s17 =	sadd.s32 $0x2, s17;
	[tilespmem:s4+$0x0] =	vst.add.f32.msk $0xffff, v4;
	s4 =	sor.u32 s25, s2  }
0x438: {  	s7 =	sor.u32 $0x6000, s16;
	s24 =	sor.u32 $0x10, s19;
	p1 =	slt.u32 s17, $0x3E;
	v4 =	vld [tilespmem:s4+$0x0]  }
0x439: {  	s9 =	sor.u32 s30, s1;
	s4 =	sor.u32 s19, s7;
	s7 =	sor.u32 s24, s7;
	[tilespmem:s8+$0x0] =	vst.add.f32.msk $0xffff, v2  }
0x43a: {  	s1 =	sor.u32 s30, s2;
	s8 =	smov.u32 s6;
	v6 =	vld [tilespmem:s7+$0x0]  }
0x43b: {  	s2 =	sor.u32 $0x12280, s0;
	v7 =	vld [tilespmem:s4+$0x0];
	v2 =	vmov v5  }
0x43c: {  	s6 =	sor.u32 $0x6300, s0;
	s4 =	sor.u32 s30, s2;
	s2 =	sor.u32 s25, s2;
	[tilespmem:s9+$0x0] =	vst.add.f32.msk $0xffff, v3  }
0x43d: {  	s7 =	sor.u32 $0x12000, s16;
	s23 =	sor.u32 s30, s6;
	[tilespmem:s2+$0x0] =	vst.add.f32.msk $0xffff, v4;
	s2 =	sor.u32 s25, s6  }
0x43e: {  	s9 =	sor.u32 $0x6080, s16;
	s6 =	sor.u32 s19, s7;
	s7 =	sor.u32 s24, s7;
	v3 =	vld [tilespmem:s2+$0x0]  }
0x43f: {  	s2 =	sor.u32 s19, s9;
	[tilespmem:s7+$0x0] =	vst.add.f32.msk $0xffff, v6;
	s7 =	sor.u32 s24, s9  }
0x440: {  	v4 =	vld [tilespmem:s7+$0x0]  }
0x441: {  	[tilespmem:s6+$0x0] =	vst.add.f32.msk $0xffff, v7;
	s6 =	sor.u32 $0x12300, s0  }
0x442: {  	v5 =	vld [tilespmem:s2+$0x0];
	s15 =	sor.u32 s30, s6;
	s2 =	sor.u32 $0x6380, s0;
	s6 =	sor.u32 s25, s6  }
0x443: {  	s7 =	sor.u32 $0x12080, s16;
	s18 =	sor.u32 s30, s2;
	[tilespmem:s6+$0x0] =	vst.add.f32.msk $0xffff, v3;
	s2 =	sor.u32 s25, s2  }
0x444: {  	s9 =	sor.u32 $0x6100, s16;
	s6 =	sor.u32 s19, s7;
	s7 =	sor.u32 s24, s7;
	v3 =	vld [tilespmem:s2+$0x0]  }
0x445: {  	s2 =	sor.u32 s19, s9;
	[tilespmem:s7+$0x0] =	vst.add.f32.msk $0xffff, v4;
	s7 =	sor.u32 s24, s9  }
0x446: {  	v4 =	vld [tilespmem:s7+$0x0]  }
0x447: {  	s7 =	sor.u32 $0x12380, s0;
	s0 =	smov.u32 s16;
	[tilespmem:s6+$0x0] =	vst.add.f32.msk $0xffff, v5  }
0x448: {  	s6 =	sor.u32 s30, s7;
	s30 =	smov.u32 s19;
	v5 =	vld [tilespmem:s2+$0x0];
	s2 =	sor.u32 s25, s7  }
0x449: {  	s7 =	sor.u32 $0x12100, s0;
	s25 =	smov.u32 s24;
	[tilespmem:s2+$0x0] =	vst.add.f32.msk $0xffff, v3  }
0x44a: {  	s9 =	sor.u32 $0x6180, s0;
	s2 =	sor.u32 s30, s7;
	s7 =	sor.u32 s25, s7;
	v3 =	vld [tilespmem:s1+$0x0]  }
0x44b: {  	s1 =	sor.u32 s30, s9;
	[tilespmem:s7+$0x0] =	vst.add.f32.msk $0xffff, v4;
	s7 =	sor.u32 s25, s9  }
0x44c: {  	v4 =	vld [tilespmem:s7+$0x0]  }
0x44d: {  	[tilespmem:s2+$0x0] =	vst.add.f32.msk $0xffff, v5  }
0x44e: {  	v5 =	vld [tilespmem:s1+$0x0]  }
0x44f: {  	s1 =	sor.u32 $0x12180, s0;
	[tilespmem:s4+$0x0] =	vst.add.f32.msk $0xffff, v3  }
0x450: {  	s2 =	sor.u32 s30, s1;
	s4 =	sor.u32 $0x6200, s0;
	s1 =	sor.u32 s25, s1;
	v6 =	vld [tilespmem:s23+$0x0]  }
.Ltmp5:
0x451: {  	s7 =	sor.u32 s30, s4;
	[tilespmem:s1+$0x0] =	vst.add.f32.msk $0xffff, v4;
	s1 =	sor.u32 s25, s4;
	(pc) =	sbr.rel @p1 .LBB2_13-.Ltmp5, $4  }
0x452: {  	v4 =	vld [tilespmem:s1+$0x0]  }
0x453: {  	[tilespmem:s2+$0x0] =	vst.add.f32.msk $0xffff, v5  }
0x454: {  	v3 =	vld [tilespmem:s7+$0x0]  }
0x455: {  	s10 =	sadd.s32 $0x100, s10;
	s11 =	sadd.s32 $0x20, s11;
	s1 =	sor.u32 $0x12200, s0;
	[tilespmem:s15+$0x0] =	vst.add.f32.msk $0xffff, v6  }
0x456: {  	s2 =	sor.u32 $0x6280, s0;
	s4 =	sor.u32 s25, s1  }
0x457: {  	[tilespmem:s4+$0x0] =	vst.add.f32.msk $0xffff, v4;
	s7 =	sor.u32 s25, s2  }
0x458: {  	s9 =	sor.u32 s30, s1;
	v4 =	vld [tilespmem:s7+$0x0]  }
0x459: {  	s2 =	sor.u32 s30, s2;
	[tilespmem:s9+$0x0] =	vst.add.f32.msk $0xffff, v3  }
0x45a: {  	v3 =	vld [tilespmem:s2+$0x0]  }
0x45b: {  	s10 =	sor.u32 $0x12280, s0  }
0x45c: {  	s11 =	sor.u32 $0x6300, s0;
	s15 =	sor.u32 s25, s10  }
0x45d: {  	s16 =	sor.u32 s25, s11;
	[tilespmem:s15+$0x0] =	vst.add.f32.msk $0xffff, v4  }
0x45e: {  	s1 =	sor.u32 s30, s10;
	v4 =	vld [tilespmem:s16+$0x0]  }
0x45f: {  	s2 =	sor.u32 s30, s11;
	[tilespmem:s1+$0x0] =	vst.add.f32.msk $0xffff, v3  }
0x460: {  	v3 =	vld [tilespmem:s2+$0x0]  }
0x461: {  	s17 =	sor.u32 $0x12300, s0  }
0x462: {  	v5 =	vld [tilespmem:s18+$0x0];
	s19 =	sor.u32 $0x6380, s0;
	s23 =	sor.u32 s25, s17  }
0x463: {  	s24 =	sor.u32 s25, s19;
	[tilespmem:s23+$0x0] =	vst.add.f32.msk $0xffff, v4  }
0x464: {  	s1 =	sor.u32 s30, s17;
	v4 =	vld [tilespmem:s24+$0x0]  }
0x465: {  	s2 =	sor.u32 s30, s19;
	[tilespmem:s1+$0x0] =	vst.add.f32.msk $0xffff, v3  }
0x466: {  	v3 =	vld [tilespmem:s2+$0x0];
	_ =	sdelay $0x1  }
0x467: {  	[tilespmem:s8+$0x0] =	vst.add.f32.msk $0xffff, v2;
	s2 =	sor.u32 $0x12380, s0  }
0x468: {  	[tilespmem:s6+$0x0] =	vst.add.f32.msk $0xffff, v5;
	s4 =	sor.u32 s25, s2  }
0x469: {  	s0 =	sor.u32 s30, s2;
	[tilespmem:s4+$0x0] =	vst.add.f32.msk $0xffff, v4  }
0x46a: {  	s7 =	simm.s32 $0x12;
	[tilespmem:s0+$0x0] =	vst.add.f32.msk $0xffff, v3  }
0x46b: {  	_ =	swait.ge [sflag:s7], $0x400  }
0x46c: {  	s10 =	simm.s32 $0xD;
	[sflag:s7] =	ssyncset.done $0x0  }
0x46d: {  	s9 =	simm.s32 $0x12000;
	s8 =	rddreg [dreg:$0x14];
	[sflag:s7] =	ssyncadd.s32 $0xFFFFFC00  }
0x46e: {  	[spmem:s8] =	stream.linear.scatter [tilespmem:s9], [sflag:$0xE], $0x2000, $0x38;
	v63 =	vld [tilespmem:$0x0]  }
0x46f: {  	_ =	swait.ge [sflag:s10], $0x2000  }
0x470: {  	[sflag:s10] =	ssyncset.done $0x0  }
0x471: {  	s15 =	rddreg [dreg:$0x19];
	[sflag:s10] =	ssyncadd.s32 $0xFFFFE000  }
0x472: {  	s11 =	sshll.u32 s31, $0x7;
	s1 =	rddreg [dreg:$0x3]  }
0x473: {  	s16 =	rddreg [dreg:$0x1a];
	s0 =	sadd.s32 s1, s11  }
0x474: {  	[hbm:s0], [sflag:s15] =	dma.local [spmem:s16], $0x400  }
0x475: {  	v2 =	vld.msk @!p0 [tilespmem:s22+$0x2100], $0xff;
	_ =	sdelay $0x4  }
0x476: {  	v3 =	vshll.u32 @!p0 v2, $0x3  }
0x477: {  	v4 =	vlaneseq.u32 @!p0;
	v2 =	vand.u32 @!p0 $0x7, v2;
	v3 =	vand.u32 @!p0 $0xFFFFFFC0, v3  }
0x478: {  	v2 =	vor.u32 @!p0 v2, v3;
	v3 =	vand.u32 @!p0 $0x7, v4;
	v4 =	vshrl.u32 @!p0 v4, $0x3  }
0x479: {  	v2 =	vperm.xlane @!p0 v2, v3;
	v3 =	vmul.u32 @!p0 $0x8, v4;
	_ =	sdelay $0x1  }
0x47a: {  	v2 =	vadd.s32 @!p0 v3, v2;
	_ =	sdelay $0x3  }
0x47b: {  	s1 =	simm.s32 @!p0 $0xC000;
	s0 =	simm.s32 @!p0 $0x0  }
0x47c: {  	[tilespmem:s1], [sflag:$0x3] =	stream.indirect_vreg.gather @!p0 [hbm4b:s29+s0], $0x80, v2, vm1, $0xb8;
	v63 =	vld [tilespmem:$0x0]  }
0x47d: {  	s1 =	simm.s32 @!p0 $0xC800  }
0x47e: {  	[tilespmem:s1], [sflag:$0x3] =	stream.indirect_vreg.gather @!p0 [hbm4b:s12+s0], $0x80, v2, vm1, $0xb8;
	v63 =	vld [tilespmem:$0x0]  }
0x47f: {  	s1 =	simm.s32 @!p0 $0xD000  }
0x480: {  	[tilespmem:s1], [sflag:$0x3] =	stream.indirect_vreg.gather @!p0 [hbm4b:s13+s0], $0x80, v2, vm1, $0xb8;
	v63 =	vld [tilespmem:$0x0]  }
0x481: {  	s18 =	simm.s32 $0x7;
	s17 =	simm.s32 $0x0;
	s1 =	simm.s32 @!p0 $0xD800  }
0x482: {  	[tilespmem:s1], [sflag:$0x3] =	stream.indirect_vreg.gather @!p0 [hbm4b:s14+s0], $0x80, v2, vm1, $0xb8;
	v63 =	vld [tilespmem:$0x0]  }
0x483: {  	s8 =	sand.u32 $0x60, s17;
	s0 =	sand.u32 $0x1C00, s17;
	_ =	swait.ge [sflag:s18], $0x2000  }
0x484: {  	s2 =	sor.u32 $0x10, s8;
	s19 =	sor.u32 $0x6000, s0;
	[sflag:s18] =	ssyncset.done $0x0  }
0x485: {  	s23 =	sor.u32 s2, s19;
	[sflag:s18] =	ssyncadd.s32 $0xFFFFE000  }
0x486: {  	v2 =	vld [tilespmem:s23+$0x0];
	_ =	sdelay $0x2  }
0x487: {  	s24 =	sor.u32 $0x14000, s0;
	s1 =	sor.u32 s8, s19  }
0x488: {  	s25 =	sor.u32 $0x6080, s0;
	s7 =	sor.u32 s2, s24;
	v3 =	vld [tilespmem:s1+$0x0]  }
0x489: {  	s29 =	sor.u32 s2, s25;
	[tilespmem:s7+$0x0] =	vst.add.f32.msk $0xffff, v2  }
0x48a: {  	v2 =	vld [tilespmem:s29+$0x0];
	_ =	sdelay $0x1  }
0x48b: {  	s4 =	sor.u32 s8, s24  }
0x48c: {  	s30 =	sor.u32 $0x14080, s0;
	s6 =	sor.u32 s8, s25;
	[tilespmem:s4+$0x0] =	vst.add.f32.msk $0xffff, v3  }
0x48d: {  	s31 =	sor.u32 $0x6100, s0;
	s9 =	sor.u32 s2, s30;
	v3 =	vld [tilespmem:s6+$0x0]  }
0x48e: {  	s10 =	sor.u32 s2, s31;
	[tilespmem:s9+$0x0] =	vst.add.f32.msk $0xffff, v2  }
0x48f: {  	v2 =	vld [tilespmem:s10+$0x0];
	_ =	sdelay $0x1  }
0x490: {  	s1 =	sor.u32 s8, s30  }
0x491: {  	s11 =	sor.u32 $0x14100, s0;
	s7 =	sor.u32 s8, s31;
	[tilespmem:s1+$0x0] =	vst.add.f32.msk $0xffff, v3  }
0x492: {  	s15 =	sor.u32 $0x6180, s0;
	s16 =	sor.u32 s2, s11;
	v3 =	vld [tilespmem:s7+$0x0]  }
0x493: {  	s17 =	sor.u32 s2, s15;
	[tilespmem:s16+$0x0] =	vst.add.f32.msk $0xffff, v2  }
0x494: {  	v2 =	vld [tilespmem:s17+$0x0];
	_ =	sdelay $0x1  }
0x495: {  	s4 =	sor.u32 s8, s11  }
0x496: {  	s18 =	sor.u32 $0x14180, s0;
	s6 =	sor.u32 s8, s15;
	[tilespmem:s4+$0x0] =	vst.add.f32.msk $0xffff, v3  }
0x497: {  	s19 =	sor.u32 $0x6200, s0;
	s23 =	sor.u32 s2, s18;
	v3 =	vld [tilespmem:s6+$0x0]  }
0x498: {  	s24 =	sor.u32 s2, s19;
	[tilespmem:s23+$0x0] =	vst.add.f32.msk $0xffff, v2  }
0x499: {  	v2 =	vld [tilespmem:s24+$0x0]  }
0x49a: {  	s25 =	simm.s32 $0x100  }
0x49b: {  	s11 =	sand.u32 $0x1C00, s25  }
0x49c: {  	s29 =	simm.s32 $0x20;
	s1 =	sor.u32 s8, s18;
	s4 =	sor.u32 $0x14200, s0  }
0x49d: {  	s15 =	sor.u32 $0x6280, s0;
	s10 =	sand.u32 $0x60, s29;
	s16 =	sor.u32 s2, s4;
	[tilespmem:s1+$0x0] =	vst.add.f32.msk $0xffff, v3  }
0x49e: {  	s31 =	sor.u32 $0x6000, s11;
	s30 =	sor.u32 s2, s15;
	s17 =	sor.u32 $0x10, s10;
	[tilespmem:s16+$0x0] =	vst.add.f32.msk $0xffff, v2  }
0x49f: {  	s16 =	sor.u32 s17, s31;
	v2 =	vld [tilespmem:s30+$0x0]  }
0x4a0: {  	v3 =	vld [tilespmem:s16+$0x0]  }
0x4a1: {  	s18 =	sor.u32 s8, s19;
	s19 =	sor.u32 s10, s31  }
0x4a2: {  	v5 =	vld [tilespmem:s19+$0x0];
	s6 =	sor.u32 $0x14280, s0  }
0x4a3: {  	s23 =	sor.u32 s2, s6;
	v4 =	vld [tilespmem:s18+$0x0];
	s24 =	sor.u32 $0x14000, s11  }
0x4a4: {  	s1 =	sor.u32 $0x6300, s0;
	s30 =	sor.u32 s17, s24;
	[tilespmem:s23+$0x0] =	vst.add.f32.msk $0xffff, v2  }
0x4a5: {  	s29 =	sor.u32 $0x6080, s11;
	s25 =	sor.u32 s2, s1;
	[tilespmem:s30+$0x0] =	vst.add.f32.msk $0xffff, v3  }
0x4a6: {  	s31 =	sor.u32 s17, s29;
	v2 =	vld [tilespmem:s25+$0x0]  }
0x4a7: {  	s9 =	sor.u32 s10, s24;
	v3 =	vld [tilespmem:s31+$0x0]  }
0x4a8: {  	s18 =	sor.u32 s10, s29;
	[tilespmem:s9+$0x0] =	vst.add.f32.msk $0xffff, v5  }
0x4a9: {  	s4 =	sor.u32 s8, s4;
	s9 =	sor.u32 $0x14300, s0;
	v5 =	vld [tilespmem:s18+$0x0]  }
0x4aa: {  	s19 =	sor.u32 s2, s9;
	[tilespmem:s4+$0x0] =	vst.add.f32.msk $0xffff, v4;
	s23 =	sor.u32 $0x14080, s11  }
0x4ab: {  	s24 =	sor.u32 $0x6100, s11;
	s25 =	sor.u32 s17, s23;
	[tilespmem:s19+$0x0] =	vst.add.f32.msk $0xffff, v2  }
0x4ac: {  	s29 =	sor.u32 s17, s24;
	[tilespmem:s25+$0x0] =	vst.add.f32.msk $0xffff, v3  }
0x4ad: {  	s7 =	sor.u32 s10, s23;
	v2 =	vld [tilespmem:s29+$0x0]  }
0x4ae: {  	s31 =	sor.u32 s8, s15;
	[tilespmem:s7+$0x0] =	vst.add.f32.msk $0xffff, v5  }
0x4af: {  	s16 =	sor.u32 $0x6380, s0;
	s4 =	sor.u32 s10, s24;
	v5 =	vld [tilespmem:s31+$0x0]  }
0x4b0: {  	s30 =	sor.u32 s2, s16;
	s15 =	sor.u32 $0x14100, s11;
	v3 =	vld [tilespmem:s4+$0x0]  }
0x4b1: {  	s23 =	sor.u32 s17, s15;
	s19 =	sor.u32 $0x6180, s11;
	v4 =	vld [tilespmem:s30+$0x0]  }
0x4b2: {  	s24 =	sor.u32 s17, s19;
	[tilespmem:s23+$0x0] =	vst.add.f32.msk $0xffff, v2  }
0x4b3: {  	s6 =	sor.u32 s8, s6;
	v2 =	vld [tilespmem:s24+$0x0]  }
0x4b4: {  	s1 =	sor.u32 s8, s1;
	[tilespmem:s6+$0x0] =	vst.add.f32.msk $0xffff, v5  }
0x4b5: {  	s7 =	sor.u32 s10, s15;
	v5 =	vld [tilespmem:s1+$0x0]  }
0x4b6: {  	s25 =	sor.u32 s10, s19;
	s29 =	sor.u32 $0x14180, s11;
	[tilespmem:s7+$0x0] =	vst.add.f32.msk $0xffff, v3  }
0x4b7: {  	s30 =	sor.u32 $0x6200, s11;
	s31 =	sor.u32 s17, s29;
	v3 =	vld [tilespmem:s25+$0x0]  }
0x4b8: {  	s6 =	sor.u32 $0x14380, s0;
	s15 =	sor.u32 s17, s30;
	[tilespmem:s31+$0x0] =	vst.add.f32.msk $0xffff, v2  }
0x4b9: {  	s18 =	sor.u32 s2, s6;
	v2 =	vld [tilespmem:s15+$0x0]  }
0x4ba: {  	s19 =	sor.u32 s10, s29;
	s29 =	simm.s32 $0x200;
	[tilespmem:s18+$0x0] =	vst.add.f32.msk $0xffff, v4;
	s24 =	sor.u32 s8, s9  }
0x4bb: {  	s0 =	sand.u32 $0x1C00, s29;
	[tilespmem:s24+$0x0] =	vst.add.f32.msk $0xffff, v5  }
0x4bc: {  	s23 =	sor.u32 s10, s30;
	s25 =	sor.u32 $0x14200, s11;
	s30 =	simm.s32 $0x40;
	[tilespmem:s19+$0x0] =	vst.add.f32.msk $0xffff, v3  }
0x4bd: {  	s7 =	sor.u32 $0x6280, s11;
	s2 =	sand.u32 $0x60, s30;
	v3 =	vld [tilespmem:s23+$0x0];
	s31 =	sor.u32 s17, s25  }
0x4be: {  	s9 =	sor.u32 $0x10, s2;
	s19 =	sor.u32 $0x6000, s0;
	s15 =	sor.u32 s17, s7;
	[tilespmem:s31+$0x0] =	vst.add.f32.msk $0xffff, v2  }
0x4bf: {  	s23 =	sor.u32 s9, s19;
	v4 =	vld [tilespmem:s15+$0x0]  }
0x4c0: {  	s24 =	sor.u32 s2, s19;
	v5 =	vld [tilespmem:s23+$0x0]  }
0x4c1: {  	s1 =	sor.u32 s10, s25;
	v6 =	vld [tilespmem:s24+$0x0]  }
0x4c2: {  	s4 =	sor.u32 $0x14280, s11;
	s18 =	sor.u32 s8, s16;
	[tilespmem:s1+$0x0] =	vst.add.f32.msk $0xffff, v3  }
0x4c3: {  	s25 =	sor.u32 s17, s4;
	s1 =	sor.u32 $0x6300, s11;
	v2 =	vld [tilespmem:s18+$0x0]  }
0x4c4: {  	s29 =	sor.u32 $0x14000, s0;
	s30 =	sor.u32 s17, s1;
	[tilespmem:s25+$0x0] =	vst.add.f32.msk $0xffff, v4  }
0x4c5: {  	s19 =	sor.u32 s9, s29;
	s31 =	sor.u32 $0x6080, s0;
	v3 =	vld [tilespmem:s30+$0x0]  }
0x4c6: {  	[tilespmem:s19+$0x0] =	vst.add.f32.msk $0xffff, v5;
	s19 =	sor.u32 s9, s31  }
0x4c7: {  	s16 =	sor.u32 s2, s29;
	v4 =	vld [tilespmem:s19+$0x0]  }
0x4c8: {  	[tilespmem:s16+$0x0] =	vst.add.f32.msk $0xffff, v6;
	s16 =	sor.u32 $0x14300, s11;
	s23 =	sor.u32 s2, s31  }
0x4c9: {  	s15 =	sor.u32 $0x6380, s11;
	s24 =	sor.u32 s17, s16;
	v5 =	vld [tilespmem:s23+$0x0]  }
0x4ca: {  	s29 =	sor.u32 s17, s15;
	s25 =	sor.u32 $0x14080, s0;
	[tilespmem:s24+$0x0] =	vst.add.f32.msk $0xffff, v3  }
0x4cb: {  	s23 =	sor.u32 $0x6100, s0;
	s30 =	sor.u32 s9, s25;
	v3 =	vld [tilespmem:s29+$0x0]  }
0x4cc: {  	s31 =	sor.u32 s9, s23;
	[tilespmem:s30+$0x0] =	vst.add.f32.msk $0xffff, v4  }
0x4cd: {  	s19 =	sor.u32 s2, s25;
	v4 =	vld [tilespmem:s31+$0x0]  }
0x4ce: {  	s11 =	sor.u32 $0x14380, s11;
	s23 =	sor.u32 s2, s23;
	[tilespmem:s19+$0x0] =	vst.add.f32.msk $0xffff, v5  }
0x4cf: {  	s17 =	sor.u32 s17, s11;
	v5 =	vld [tilespmem:s23+$0x0]  }
0x4d0: {  	s7 =	sor.u32 s10, s7;
	s24 =	sor.u32 $0x14100, s0;
	[tilespmem:s17+$0x0] =	vst.add.f32.msk $0xffff, v3  }
0x4d1: {  	s25 =	sor.u32 $0x6180, s0;
	s29 =	sor.u32 s9, s24;
	v3 =	vld [tilespmem:s7+$0x0]  }
0x4d2: {  	s30 =	sor.u32 s9, s25;
	[tilespmem:s29+$0x0] =	vst.add.f32.msk $0xffff, v4  }
0x4d3: {  	s31 =	sor.u32 s2, s24;
	v4 =	vld [tilespmem:s30+$0x0]  }
0x4d4: {  	s18 =	sor.u32 s2, s25;
	[tilespmem:s31+$0x0] =	vst.add.f32.msk $0xffff, v5  }
0x4d5: {  	s4 =	sor.u32 s10, s4;
	v5 =	vld [tilespmem:s18+$0x0]  }
0x4d6: {  	s1 =	sor.u32 s10, s1;
	s19 =	sor.u32 $0x14180, s0;
	[tilespmem:s4+$0x0] =	vst.add.f32.msk $0xffff, v3  }
0x4d7: {  	s23 =	sor.u32 $0x6200, s0;
	s24 =	sor.u32 s9, s19;
	v6 =	vld [tilespmem:s1+$0x0]  }
0x4d8: {  	s25 =	sor.u32 s9, s23;
	[tilespmem:s24+$0x0] =	vst.add.f32.msk $0xffff, v4  }
0x4d9: {  	s29 =	sor.u32 s2, s19;
	v4 =	vld [tilespmem:s25+$0x0]  }
0x4da: {  	s8 =	sor.u32 s8, s6;
	s6 =	sor.u32 s10, s11;
	s30 =	sor.u32 s2, s23;
	[tilespmem:s29+$0x0] =	vst.add.f32.msk $0xffff, v5  }
0x4db: {  	s11 =	simm.s32 $0x60;
	s31 =	sor.u32 s10, s16;
	s18 =	sor.u32 s10, s15;
	v3 =	vld [tilespmem:s30+$0x0]  }
0x4dc: {  	s10 =	simm.s32 $0x300;
	s17 =	simm.s32 $0x4;
	s1 =	sor.u32 $0x14200, s0;
	[tilespmem:s31+$0x0] =	vst.add.f32.msk $0xffff, v6  }
.LBB2_15:
0x4dd: {  	s19 =	sand.u32 $0x60, s11;
	s4 =	sor.u32 $0x6280, s0;
	s7 =	sor.u32 s9, s1;
	v5 =	vld [tilespmem:s18+$0x0]  }
0x4de: {  	s16 =	sand.u32 $0x1C00, s10;
	s17 =	sadd.s32 $0x2, s17;
	[tilespmem:s7+$0x0] =	vst.add.f32.msk $0xffff, v4;
	s7 =	sor.u32 s9, s4  }
0x4df: {  	s15 =	sor.u32 $0x6000, s16;
	s24 =	sor.u32 $0x10, s19;
	p1 =	slt.u32 s17, $0x3E;
	v4 =	vld [tilespmem:s7+$0x0]  }
0x4e0: {  	s18 =	sor.u32 s2, s1;
	s7 =	sor.u32 s19, s15;
	s15 =	sor.u32 s24, s15;
	[tilespmem:s8+$0x0] =	vst.add.f32.msk $0xffff, v2  }
0x4e1: {  	s1 =	sor.u32 s2, s4;
	s8 =	smov.u32 s6;
	v6 =	vld [tilespmem:s15+$0x0]  }
0x4e2: {  	s6 =	sor.u32 $0x14280, s0;
	v7 =	vld [tilespmem:s7+$0x0];
	v2 =	vmov v5  }
0x4e3: {  	s4 =	sor.u32 s2, s6;
	s6 =	sor.u32 s9, s6;
	s7 =	sor.u32 $0x6300, s0;
	[tilespmem:s18+$0x0] =	vst.add.f32.msk $0xffff, v3  }
0x4e4: {  	s15 =	sor.u32 $0x14000, s16;
	s23 =	sor.u32 s2, s7;
	[tilespmem:s6+$0x0] =	vst.add.f32.msk $0xffff, v4;
	s6 =	sor.u32 s9, s7  }
0x4e5: {  	s18 =	sor.u32 $0x6080, s16;
	s7 =	sor.u32 s19, s15;
	s15 =	sor.u32 s24, s15;
	v3 =	vld [tilespmem:s6+$0x0]  }
0x4e6: {  	s6 =	sor.u32 s19, s18;
	[tilespmem:s15+$0x0] =	vst.add.f32.msk $0xffff, v6;
	s15 =	sor.u32 s24, s18  }
0x4e7: {  	v4 =	vld [tilespmem:s15+$0x0]  }
0x4e8: {  	[tilespmem:s7+$0x0] =	vst.add.f32.msk $0xffff, v7;
	s7 =	sor.u32 $0x14300, s0  }
0x4e9: {  	v5 =	vld [tilespmem:s6+$0x0];
	s15 =	sor.u32 s2, s7;
	s6 =	sor.u32 $0x6380, s0;
	s7 =	sor.u32 s9, s7  }
0x4ea: {  	s25 =	sor.u32 $0x14080, s16;
	s18 =	sor.u32 s2, s6;
	[tilespmem:s7+$0x0] =	vst.add.f32.msk $0xffff, v3;
	s6 =	sor.u32 s9, s6  }
0x4eb: {  	s29 =	sor.u32 $0x6100, s16;
	s7 =	sor.u32 s19, s25;
	s25 =	sor.u32 s24, s25;
	v3 =	vld [tilespmem:s6+$0x0]  }
0x4ec: {  	s6 =	sor.u32 s19, s29;
	[tilespmem:s25+$0x0] =	vst.add.f32.msk $0xffff, v4;
	s25 =	sor.u32 s24, s29  }
0x4ed: {  	v4 =	vld [tilespmem:s25+$0x0]  }
0x4ee: {  	[tilespmem:s7+$0x0] =	vst.add.f32.msk $0xffff, v5;
	s7 =	sor.u32 $0x14380, s0;
	s0 =	smov.u32 s16  }
0x4ef: {  	v5 =	vld [tilespmem:s6+$0x0];
	s6 =	sor.u32 s2, s7;
	s7 =	sor.u32 s9, s7;
	s2 =	smov.u32 s19  }
0x4f0: {  	s16 =	sor.u32 $0x14100, s0;
	s9 =	smov.u32 s24;
	[tilespmem:s7+$0x0] =	vst.add.f32.msk $0xffff, v3  }
0x4f1: {  	s19 =	sor.u32 $0x6180, s0;
	s7 =	sor.u32 s2, s16;
	s16 =	sor.u32 s9, s16;
	v3 =	vld [tilespmem:s1+$0x0]  }
0x4f2: {  	s1 =	sor.u32 s2, s19;
	[tilespmem:s16+$0x0] =	vst.add.f32.msk $0xffff, v4;
	s16 =	sor.u32 s9, s19  }
0x4f3: {  	v4 =	vld [tilespmem:s16+$0x0]  }
0x4f4: {  	[tilespmem:s7+$0x0] =	vst.add.f32.msk $0xffff, v5  }
0x4f5: {  	v5 =	vld [tilespmem:s1+$0x0]  }
0x4f6: {  	s1 =	sor.u32 $0x14180, s0;
	[tilespmem:s4+$0x0] =	vst.add.f32.msk $0xffff, v3  }
0x4f7: {  	s7 =	sor.u32 $0x6200, s0;
	s4 =	sor.u32 s2, s1;
	s1 =	sor.u32 s9, s1;
	v6 =	vld [tilespmem:s23+$0x0]  }
.Ltmp6:
0x4f8: {  	s16 =	sor.u32 s2, s7;
	[tilespmem:s1+$0x0] =	vst.add.f32.msk $0xffff, v4;
	s1 =	sor.u32 s9, s7;
	(pc) =	sbr.rel @p1 .LBB2_15-.Ltmp6, $4  }
0x4f9: {  	v4 =	vld [tilespmem:s1+$0x0]  }
0x4fa: {  	[tilespmem:s4+$0x0] =	vst.add.f32.msk $0xffff, v5  }
0x4fb: {  	v3 =	vld [tilespmem:s16+$0x0]  }
0x4fc: {  	s10 =	sadd.s32 $0x100, s10;
	s11 =	sadd.s32 $0x20, s11;
	s1 =	sor.u32 $0x14200, s0;
	[tilespmem:s15+$0x0] =	vst.add.f32.msk $0xffff, v6  }
0x4fd: {  	s4 =	sor.u32 $0x6280, s0;
	s7 =	sor.u32 s9, s1  }
0x4fe: {  	[tilespmem:s7+$0x0] =	vst.add.f32.msk $0xffff, v4;
	s11 =	sor.u32 s9, s4  }
0x4ff: {  	s15 =	sor.u32 s2, s1;
	v4 =	vld [tilespmem:s11+$0x0]  }
0x500: {  	s4 =	sor.u32 s2, s4;
	[tilespmem:s15+$0x0] =	vst.add.f32.msk $0xffff, v3  }
0x501: {  	v3 =	vld [tilespmem:s4+$0x0]  }
0x502: {  	s16 =	sor.u32 $0x14280, s0  }
0x503: {  	s17 =	sor.u32 $0x6300, s0;
	s19 =	sor.u32 s9, s16  }
0x504: {  	s23 =	sor.u32 s9, s17;
	[tilespmem:s19+$0x0] =	vst.add.f32.msk $0xffff, v4  }
0x505: {  	s1 =	sor.u32 s2, s16;
	v4 =	vld [tilespmem:s23+$0x0]  }
0x506: {  	s4 =	sor.u32 s2, s17;
	[tilespmem:s1+$0x0] =	vst.add.f32.msk $0xffff, v3  }
0x507: {  	v3 =	vld [tilespmem:s4+$0x0]  }
0x508: {  	s24 =	sor.u32 $0x14300, s0  }
0x509: {  	v5 =	vld [tilespmem:s18+$0x0];
	s25 =	sor.u32 $0x6380, s0;
	s30 =	sor.u32 s9, s24  }
0x50a: {  	s31 =	sor.u32 s9, s25;
	[tilespmem:s30+$0x0] =	vst.add.f32.msk $0xffff, v4  }
0x50b: {  	s1 =	sor.u32 s2, s24;
	v4 =	vld [tilespmem:s31+$0x0]  }
0x50c: {  	s4 =	sor.u32 s2, s25;
	[tilespmem:s1+$0x0] =	vst.add.f32.msk $0xffff, v3  }
0x50d: {  	v3 =	vld [tilespmem:s4+$0x0];
	_ =	sdelay $0x1  }
0x50e: {  	[tilespmem:s8+$0x0] =	vst.add.f32.msk $0xffff, v2;
	s7 =	sor.u32 $0x14380, s0  }
0x50f: {  	s9 =	sor.u32 s9, s7;
	[tilespmem:s6+$0x0] =	vst.add.f32.msk $0xffff, v5  }
0x510: {  	s0 =	sor.u32 s2, s7;
	[tilespmem:s9+$0x0] =	vst.add.f32.msk $0xffff, v4  }
0x511: {  	s10 =	simm.s32 $0x13;
	[tilespmem:s0+$0x0] =	vst.add.f32.msk $0xffff, v3  }
0x512: {  	_ =	swait.ge [sflag:s10], $0x400  }
0x513: {  	s16 =	simm.s32 $0xE;
	[sflag:s10] =	ssyncset.done $0x0  }
0x514: {  	s15 =	simm.s32 $0x14000;
	s11 =	rddreg [dreg:$0x15];
	[sflag:s10] =	ssyncadd.s32 $0xFFFFFC00  }
0x515: {  	[spmem:s11] =	stream.linear.scatter [tilespmem:s15], [sflag:$0xF], $0x2000, $0x38;
	v63 =	vld [tilespmem:$0x0]  }
0x516: {  	_ =	swait.ge [sflag:s16], $0x2000  }
0x517: {  	s17 =	rddreg [dreg:$0xf];
	[sflag:s16] =	ssyncset.done $0x0  }
0x518: {  	s18 =	rddreg [dreg:$0x17];
	s0 =	sadd.s32 s17, s3;
	[sflag:s16] =	ssyncadd.s32 $0xFFFFE000  }
0x519: {  	s0 =	sshll.u32 s0, $0x7;
	s1 =	rddreg [dreg:$0x3]  }
0x51a: {  	s19 =	rddreg [dreg:$0x18];
	s0 =	sadd.s32 s1, s0  }
0x51b: {  	[hbm:s0], [sflag:s18] =	dma.local [spmem:s19], $0x400  }
0x51c: {  	v2 =	vld.msk @!p0 [tilespmem:s22+$0x3100], $0xff;
	_ =	sdelay $0x4  }
0x51d: {  	v3 =	vshll.u32 @!p0 v2, $0x3  }
0x51e: {  	v4 =	vlaneseq.u32 @!p0;
	v2 =	vand.u32 @!p0 $0x7, v2;
	v3 =	vand.u32 @!p0 $0xFFFFFFC0, v3  }
0x51f: {  	v2 =	vor.u32 @!p0 v2, v3;
	v3 =	vand.u32 @!p0 $0x7, v4;
	v4 =	vshrl.u32 @!p0 v4, $0x3  }
0x520: {  	v2 =	vperm.xlane @!p0 v2, v3;
	v3 =	vmul.u32 @!p0 $0x8, v4;
	_ =	sdelay $0x1  }
0x521: {  	v2 =	vadd.s32 @!p0 v3, v2;
	_ =	sdelay $0x3  }
0x522: {  	s1 =	simm.s32 @!p0 $0xE000;
	s0 =	simm.s32 @!p0 $0x0;
	s29 =	rddreg [dreg:$0x1]  }
0x523: {  	[tilespmem:s1], [sflag:$0x4] =	stream.indirect_vreg.gather @!p0 [hbm4b:s29+s0], $0x80, v2, vm1, $0xb8;
	v63 =	vld [tilespmem:$0x0]  }
0x524: {  	s1 =	simm.s32 @!p0 $0xE800  }
0x525: {  	[tilespmem:s1], [sflag:$0x4] =	stream.indirect_vreg.gather @!p0 [hbm4b:s12+s0], $0x80, v2, vm1, $0xb8;
	v63 =	vld [tilespmem:$0x0]  }
0x526: {  	s1 =	simm.s32 @!p0 $0xF000  }
0x527: {  	[tilespmem:s1], [sflag:$0x4] =	stream.indirect_vreg.gather @!p0 [hbm4b:s13+s0], $0x80, v2, vm1, $0xb8;
	v63 =	vld [tilespmem:$0x0]  }
0x528: {  	s23 =	simm.s32 $0x8;
	s22 =	simm.s32 $0x0;
	s1 =	simm.s32 @!p0 $0xF800  }
0x529: {  	[tilespmem:s1], [sflag:$0x4] =	stream.indirect_vreg.gather @!p0 [hbm4b:s14+s0], $0x80, v2, vm1, $0xb8;
	v63 =	vld [tilespmem:$0x0]  }
0x52a: {  	s8 =	sand.u32 $0x60, s22;
	s0 =	sand.u32 $0x1C00, s22;
	_ =	swait.ge [sflag:s23], $0x2000  }
0x52b: {  	s2 =	sor.u32 $0x10, s8;
	s24 =	sor.u32 $0x6000, s0;
	[sflag:s23] =	ssyncset.done $0x0  }
0x52c: {  	s25 =	sor.u32 s2, s24;
	[sflag:s23] =	ssyncadd.s32 $0xFFFFE000  }
0x52d: {  	v2 =	vld [tilespmem:s25+$0x0];
	_ =	sdelay $0x2  }
0x52e: {  	s30 =	sor.u32 $0x16000, s0;
	s1 =	sor.u32 s8, s24  }
0x52f: {  	s31 =	sor.u32 $0x6080, s0;
	s9 =	sor.u32 s2, s30;
	v3 =	vld [tilespmem:s1+$0x0]  }
0x530: {  	s10 =	sor.u32 s2, s31;
	[tilespmem:s9+$0x0] =	vst.add.f32.msk $0xffff, v2  }
0x531: {  	v2 =	vld [tilespmem:s10+$0x0];
	_ =	sdelay $0x1  }
0x532: {  	s4 =	sor.u32 s8, s30  }
0x533: {  	s11 =	sor.u32 $0x16080, s0;
	s6 =	sor.u32 s8, s31;
	[tilespmem:s4+$0x0] =	vst.add.f32.msk $0xffff, v3  }
0x534: {  	s15 =	sor.u32 $0x6100, s0;
	s16 =	sor.u32 s2, s11;
	v3 =	vld [tilespmem:s6+$0x0]  }
0x535: {  	s17 =	sor.u32 s2, s15;
	[tilespmem:s16+$0x0] =	vst.add.f32.msk $0xffff, v2  }
0x536: {  	v2 =	vld [tilespmem:s17+$0x0];
	_ =	sdelay $0x1  }
0x537: {  	s1 =	sor.u32 s8, s11  }
0x538: {  	s18 =	sor.u32 $0x16100, s0;
	s7 =	sor.u32 s8, s15;
	[tilespmem:s1+$0x0] =	vst.add.f32.msk $0xffff, v3  }
0x539: {  	s19 =	sor.u32 $0x6180, s0;
	s22 =	sor.u32 s2, s18;
	v3 =	vld [tilespmem:s7+$0x0]  }
0x53a: {  	s23 =	sor.u32 s2, s19;
	[tilespmem:s22+$0x0] =	vst.add.f32.msk $0xffff, v2  }
0x53b: {  	v2 =	vld [tilespmem:s23+$0x0];
	_ =	sdelay $0x1  }
0x53c: {  	s4 =	sor.u32 s8, s18  }
0x53d: {  	s24 =	sor.u32 $0x16180, s0;
	s6 =	sor.u32 s8, s19;
	[tilespmem:s4+$0x0] =	vst.add.f32.msk $0xffff, v3  }
0x53e: {  	s30 =	sor.u32 s2, s24;
	s25 =	sor.u32 $0x6200, s0;
	v3 =	vld [tilespmem:s6+$0x0]  }
0x53f: {  	s31 =	sor.u32 s2, s25;
	s10 =	simm.s32 $0x100;
	[tilespmem:s30+$0x0] =	vst.add.f32.msk $0xffff, v2  }
0x540: {  	s10 =	sand.u32 $0x1C00, s10;
	s16 =	simm.s32 $0x20;
	v2 =	vld [tilespmem:s31+$0x0]  }
0x541: {  	s9 =	sand.u32 $0x60, s16;
	s16 =	sor.u32 $0x6000, s10  }
0x542: {  	s22 =	sor.u32 s9, s16  }
0x543: {  	s1 =	sor.u32 s8, s24;
	s4 =	sor.u32 $0x16200, s0;
	v5 =	vld [tilespmem:s22+$0x0]  }
0x544: {  	s15 =	sor.u32 $0x6280, s0;
	s11 =	sor.u32 s2, s4;
	[tilespmem:s1+$0x0] =	vst.add.f32.msk $0xffff, v3  }
0x545: {  	s17 =	sor.u32 s2, s15;
	[tilespmem:s11+$0x0] =	vst.add.f32.msk $0xffff, v2  }
0x546: {  	s19 =	sor.u32 s8, s25;
	s11 =	sor.u32 $0x10, s9;
	v2 =	vld [tilespmem:s17+$0x0]  }
0x547: {  	s24 =	sor.u32 $0x16000, s10;
	v4 =	vld [tilespmem:s19+$0x0];
	s18 =	sor.u32 s11, s16  }
0x548: {  	s17 =	sor.u32 $0x6080, s10;
	s16 =	sor.u32 s9, s24;
	v3 =	vld [tilespmem:s18+$0x0]  }
0x549: {  	s6 =	sor.u32 $0x16280, s0;
	s18 =	sor.u32 s9, s17;
	[tilespmem:s16+$0x0] =	vst.add.f32.msk $0xffff, v5  }
0x54a: {  	s23 =	sor.u32 s2, s6;
	s1 =	sor.u32 $0x6300, s0;
	v5 =	vld [tilespmem:s18+$0x0]  }
0x54b: {  	s25 =	sor.u32 s2, s1;
	[tilespmem:s23+$0x0] =	vst.add.f32.msk $0xffff, v2  }
0x54c: {  	s30 =	sor.u32 s11, s24;
	v2 =	vld [tilespmem:s25+$0x0]  }
0x54d: {  	s31 =	sor.u32 s11, s17;
	[tilespmem:s30+$0x0] =	vst.add.f32.msk $0xffff, v3  }
0x54e: {  	s4 =	sor.u32 s8, s4;
	s22 =	sor.u32 $0x16080, s10;
	v3 =	vld [tilespmem:s31+$0x0]  }
0x54f: {  	s7 =	sor.u32 s9, s22;
	[tilespmem:s4+$0x0] =	vst.add.f32.msk $0xffff, v4  }
0x550: {  	s16 =	sor.u32 $0x16300, s0;
	[tilespmem:s7+$0x0] =	vst.add.f32.msk $0xffff, v5;
	s31 =	sor.u32 s8, s15  }
0x551: {  	s19 =	sor.u32 s2, s16;
	v5 =	vld [tilespmem:s31+$0x0]  }
0x552: {  	s24 =	sor.u32 s11, s22;
	s23 =	sor.u32 $0x6100, s10;
	[tilespmem:s19+$0x0] =	vst.add.f32.msk $0xffff, v2  }
0x553: {  	s25 =	sor.u32 s11, s23;
	[tilespmem:s24+$0x0] =	vst.add.f32.msk $0xffff, v3  }
0x554: {  	v2 =	vld [tilespmem:s25+$0x0]  }
0x555: {  	s17 =	sor.u32 $0x6380, s0;
	s4 =	sor.u32 s9, s23  }
0x556: {  	s30 =	sor.u32 s2, s17;
	v3 =	vld [tilespmem:s4+$0x0]  }
0x557: {  	s6 =	sor.u32 s8, s6;
	s15 =	sor.u32 $0x16100, s10;
	v4 =	vld [tilespmem:s30+$0x0]  }
0x558: {  	s22 =	sor.u32 s11, s15;
	s19 =	sor.u32 $0x6180, s10;
	[tilespmem:s6+$0x0] =	vst.add.f32.msk $0xffff, v5  }
0x559: {  	s23 =	sor.u32 s11, s19;
	[tilespmem:s22+$0x0] =	vst.add.f32.msk $0xffff, v2  }
0x55a: {  	s1 =	sor.u32 s8, s1;
	v2 =	vld [tilespmem:s23+$0x0]  }
0x55b: {  	s7 =	sor.u32 s9, s15;
	v5 =	vld [tilespmem:s1+$0x0]  }
0x55c: {  	s24 =	sor.u32 s9, s19;
	s6 =	sor.u32 $0x16380, s0;
	[tilespmem:s7+$0x0] =	vst.add.f32.msk $0xffff, v3  }
0x55d: {  	s25 =	sor.u32 $0x16180, s10;
	s18 =	sor.u32 s2, s6;
	v3 =	vld [tilespmem:s24+$0x0]  }
0x55e: {  	s30 =	sor.u32 $0x6200, s10;
	s31 =	sor.u32 s11, s25;
	[tilespmem:s18+$0x0] =	vst.add.f32.msk $0xffff, v4  }
0x55f: {  	s15 =	sor.u32 s11, s30;
	s19 =	sor.u32 s9, s25;
	s25 =	simm.s32 $0x200;
	[tilespmem:s31+$0x0] =	vst.add.f32.msk $0xffff, v2  }
0x560: {  	s22 =	sor.u32 s9, s30;
	s30 =	simm.s32 $0x40;
	s23 =	sor.u32 s8, s16;
	v2 =	vld [tilespmem:s15+$0x0]  }
0x561: {  	s0 =	sand.u32 $0x1C00, s25;
	s2 =	sand.u32 $0x60, s30;
	[tilespmem:s23+$0x0] =	vst.add.f32.msk $0xffff, v5  }
0x562: {  	s18 =	sor.u32 $0x6000, s0;
	s7 =	sor.u32 $0x10, s2;
	[tilespmem:s19+$0x0] =	vst.add.f32.msk $0xffff, v3  }
0x563: {  	s24 =	sor.u32 $0x16200, s10;
	s19 =	sor.u32 s7, s18;
	v3 =	vld [tilespmem:s22+$0x0]  }
0x564: {  	s31 =	sor.u32 s11, s24;
	v5 =	vld [tilespmem:s19+$0x0];
	s15 =	sor.u32 $0x6280, s10  }
0x565: {  	s16 =	sor.u32 s11, s15;
	[tilespmem:s31+$0x0] =	vst.add.f32.msk $0xffff, v2  }
0x566: {  	v4 =	vld [tilespmem:s16+$0x0]  }
0x567: {  	s22 =	sor.u32 s2, s18  }
0x568: {  	s1 =	sor.u32 s9, s24;
	s24 =	sor.u32 $0x16000, s0;
	v6 =	vld [tilespmem:s22+$0x0]  }
0x569: {  	s4 =	sor.u32 $0x16280, s10;
	s19 =	sor.u32 s7, s24;
	[tilespmem:s1+$0x0] =	vst.add.f32.msk $0xffff, v3  }
0x56a: {  	s23 =	sor.u32 s11, s4;
	s1 =	sor.u32 $0x6300, s10;
	[tilespmem:s19+$0x0] =	vst.add.f32.msk $0xffff, v5  }
0x56b: {  	s25 =	sor.u32 s11, s1;
	[tilespmem:s23+$0x0] =	vst.add.f32.msk $0xffff, v4  }
0x56c: {  	s17 =	sor.u32 s8, s17;
	s30 =	sor.u32 $0x6080, s0;
	v3 =	vld [tilespmem:s25+$0x0]  }
0x56d: {  	v2 =	vld [tilespmem:s17+$0x0];
	s31 =	sor.u32 s7, s30  }
0x56e: {  	s17 =	sor.u32 s2, s24;
	v4 =	vld [tilespmem:s31+$0x0]  }
0x56f: {  	s19 =	sor.u32 s2, s30;
	[tilespmem:s17+$0x0] =	vst.add.f32.msk $0xffff, v6;
	s17 =	sor.u32 $0x16300, s10  }
0x570: {  	s16 =	sor.u32 $0x6380, s10;
	v5 =	vld [tilespmem:s19+$0x0];
	s22 =	sor.u32 s11, s17  }
0x571: {  	s24 =	sor.u32 s11, s16;
	s23 =	sor.u32 $0x16080, s0;
	[tilespmem:s22+$0x0] =	vst.add.f32.msk $0xffff, v3  }
0x572: {  	s25 =	sor.u32 $0x6100, s0;
	s30 =	sor.u32 s7, s23;
	v3 =	vld [tilespmem:s24+$0x0]  }
0x573: {  	s31 =	sor.u32 s7, s25;
	[tilespmem:s30+$0x0] =	vst.add.f32.msk $0xffff, v4  }
0x574: {  	s19 =	sor.u32 s2, s23;
	v4 =	vld [tilespmem:s31+$0x0]  }
0x575: {  	[tilespmem:s19+$0x0] =	vst.add.f32.msk $0xffff, v5;
	s19 =	sor.u32 $0x16380, s10;
	s22 =	sor.u32 s2, s25  }
0x576: {  	s10 =	sor.u32 s11, s19;
	v5 =	vld [tilespmem:s22+$0x0]  }
0x577: {  	s23 =	sor.u32 s9, s15;
	s24 =	sor.u32 $0x16100, s0;
	[tilespmem:s10+$0x0] =	vst.add.f32.msk $0xffff, v3  }
0x578: {  	s25 =	sor.u32 $0x6180, s0;
	s30 =	sor.u32 s7, s24;
	v3 =	vld [tilespmem:s23+$0x0]  }
0x579: {  	s31 =	sor.u32 s7, s25;
	[tilespmem:s30+$0x0] =	vst.add.f32.msk $0xffff, v4  }
0x57a: {  	s15 =	sor.u32 s2, s24;
	v4 =	vld [tilespmem:s31+$0x0]  }
0x57b: {  	[tilespmem:s15+$0x0] =	vst.add.f32.msk $0xffff, v5;
	s10 =	sor.u32 s2, s25  }
0x57c: {  	s4 =	sor.u32 s9, s4;
	v5 =	vld [tilespmem:s10+$0x0]  }
0x57d: {  	s18 =	sor.u32 $0x16180, s0;
	s1 =	sor.u32 s9, s1;
	[tilespmem:s4+$0x0] =	vst.add.f32.msk $0xffff, v3  }
0x57e: {  	s22 =	sor.u32 $0x6200, s0;
	s23 =	sor.u32 s7, s18;
	v6 =	vld [tilespmem:s1+$0x0]  }
0x57f: {  	s24 =	sor.u32 s7, s22;
	[tilespmem:s23+$0x0] =	vst.add.f32.msk $0xffff, v4  }
0x580: {  	s25 =	sor.u32 s2, s18;
	v4 =	vld [tilespmem:s24+$0x0]  }
0x581: {  	s8 =	sor.u32 s8, s6;
	s6 =	sor.u32 s9, s19;
	s30 =	sor.u32 s2, s22;
	[tilespmem:s25+$0x0] =	vst.add.f32.msk $0xffff, v5  }
0x582: {  	s11 =	simm.s32 $0x60;
	s31 =	sor.u32 s9, s17;
	s17 =	sor.u32 s9, s16;
	v3 =	vld [tilespmem:s30+$0x0]  }
0x583: {  	s9 =	simm.s32 $0x300;
	s10 =	simm.s32 $0x4;
	s1 =	sor.u32 $0x16200, s0;
	[tilespmem:s31+$0x0] =	vst.add.f32.msk $0xffff, v6  }
.LBB2_17:
0x584: {  	s18 =	sand.u32 $0x60, s11;
	s4 =	sor.u32 $0x6280, s0;
	s15 =	sor.u32 s7, s1;
	v5 =	vld [tilespmem:s17+$0x0]  }
0x585: {  	s16 =	sand.u32 $0x1C00, s9;
	s10 =	sadd.s32 $0x2, s10;
	[tilespmem:s15+$0x0] =	vst.add.f32.msk $0xffff, v4;
	s15 =	sor.u32 s7, s4  }
0x586: {  	s17 =	sor.u32 $0x6000, s16;
	s22 =	sor.u32 $0x10, s18;
	p0 =	slt.u32 s10, $0x3E;
	v4 =	vld [tilespmem:s15+$0x0]  }
0x587: {  	s19 =	sor.u32 s2, s1;
	s15 =	sor.u32 s18, s17;
	s17 =	sor.u32 s22, s17;
	[tilespmem:s8+$0x0] =	vst.add.f32.msk $0xffff, v2  }
0x588: {  	s1 =	sor.u32 s2, s4;
	s8 =	smov.u32 s6;
	v6 =	vld [tilespmem:s17+$0x0]  }
0x589: {  	s6 =	sor.u32 $0x16280, s0;
	v7 =	vld [tilespmem:s15+$0x0];
	v2 =	vmov v5  }
0x58a: {  	s4 =	sor.u32 s2, s6;
	s6 =	sor.u32 s7, s6;
	s15 =	sor.u32 $0x6300, s0;
	[tilespmem:s19+$0x0] =	vst.add.f32.msk $0xffff, v3  }
0x58b: {  	s17 =	sor.u32 $0x16000, s16;
	s19 =	sor.u32 s2, s15;
	[tilespmem:s6+$0x0] =	vst.add.f32.msk $0xffff, v4;
	s6 =	sor.u32 s7, s15  }
0x58c: {  	s23 =	sor.u32 $0x6080, s16;
	s15 =	sor.u32 s18, s17;
	s17 =	sor.u32 s22, s17;
	v3 =	vld [tilespmem:s6+$0x0]  }
0x58d: {  	s6 =	sor.u32 s18, s23;
	[tilespmem:s17+$0x0] =	vst.add.f32.msk $0xffff, v6;
	s17 =	sor.u32 s22, s23  }
0x58e: {  	v4 =	vld [tilespmem:s17+$0x0]  }
0x58f: {  	s17 =	sor.u32 $0x16300, s0;
	[tilespmem:s15+$0x0] =	vst.add.f32.msk $0xffff, v7  }
0x590: {  	s15 =	sor.u32 s2, s17;
	s23 =	sor.u32 s7, s17;
	v5 =	vld [tilespmem:s6+$0x0];
	s6 =	sor.u32 $0x6380, s0  }
0x591: {  	s24 =	sor.u32 $0x16080, s16;
	s17 =	sor.u32 s2, s6;
	[tilespmem:s23+$0x0] =	vst.add.f32.msk $0xffff, v3;
	s6 =	sor.u32 s7, s6  }
0x592: {  	s25 =	sor.u32 $0x6100, s16;
	s23 =	sor.u32 s18, s24;
	s24 =	sor.u32 s22, s24;
	v3 =	vld [tilespmem:s6+$0x0]  }
0x593: {  	s6 =	sor.u32 s18, s25;
	[tilespmem:s24+$0x0] =	vst.add.f32.msk $0xffff, v4;
	s24 =	sor.u32 s22, s25  }
0x594: {  	v4 =	vld [tilespmem:s24+$0x0]  }
0x595: {  	[tilespmem:s23+$0x0] =	vst.add.f32.msk $0xffff, v5;
	s23 =	sor.u32 $0x16380, s0;
	s0 =	smov.u32 s16  }
0x596: {  	v5 =	vld [tilespmem:s6+$0x0];
	s6 =	sor.u32 s2, s23;
	s7 =	sor.u32 s7, s23;
	s2 =	smov.u32 s18  }
0x597: {  	s16 =	sor.u32 $0x16100, s0;
	[tilespmem:s7+$0x0] =	vst.add.f32.msk $0xffff, v3;
	s7 =	smov.u32 s22  }
0x598: {  	s18 =	sor.u32 s2, s16;
	s22 =	sor.u32 $0x6180, s0;
	s16 =	sor.u32 s7, s16;
	v3 =	vld [tilespmem:s1+$0x0]  }
0x599: {  	s1 =	sor.u32 s2, s22;
	[tilespmem:s16+$0x0] =	vst.add.f32.msk $0xffff, v4;
	s16 =	sor.u32 s7, s22  }
0x59a: {  	v4 =	vld [tilespmem:s16+$0x0]  }
0x59b: {  	[tilespmem:s18+$0x0] =	vst.add.f32.msk $0xffff, v5  }
0x59c: {  	v5 =	vld [tilespmem:s1+$0x0]  }
0x59d: {  	s1 =	sor.u32 $0x16180, s0;
	[tilespmem:s4+$0x0] =	vst.add.f32.msk $0xffff, v3  }
0x59e: {  	s16 =	sor.u32 $0x6200, s0;
	s4 =	sor.u32 s2, s1;
	s1 =	sor.u32 s7, s1;
	v6 =	vld [tilespmem:s19+$0x0]  }
.Ltmp7:
0x59f: {  	s18 =	sor.u32 s2, s16;
	[tilespmem:s1+$0x0] =	vst.add.f32.msk $0xffff, v4;
	s1 =	sor.u32 s7, s16;
	(pc) =	sbr.rel @p0 .LBB2_17-.Ltmp7, $4  }
0x5a0: {  	v4 =	vld [tilespmem:s1+$0x0]  }
0x5a1: {  	[tilespmem:s4+$0x0] =	vst.add.f32.msk $0xffff, v5  }
0x5a2: {  	v3 =	vld [tilespmem:s18+$0x0]  }
0x5a3: {  	s9 =	sadd.s32 $0x100, s9;
	s11 =	sadd.s32 $0x20, s11;
	s1 =	sor.u32 $0x16200, s0;
	[tilespmem:s15+$0x0] =	vst.add.f32.msk $0xffff, v6  }
0x5a4: {  	s4 =	sor.u32 $0x6280, s0;
	s9 =	sor.u32 s7, s1  }
0x5a5: {  	[tilespmem:s9+$0x0] =	vst.add.f32.msk $0xffff, v4;
	s24 =	sor.u32 s7, s4  }
0x5a6: {  	s25 =	sor.u32 s2, s1;
	v4 =	vld [tilespmem:s24+$0x0]  }
0x5a7: {  	s4 =	sor.u32 s2, s4;
	[tilespmem:s25+$0x0] =	vst.add.f32.msk $0xffff, v3  }
0x5a8: {  	v3 =	vld [tilespmem:s4+$0x0]  }
0x5a9: {  	s30 =	sor.u32 $0x16280, s0  }
0x5aa: {  	s31 =	sor.u32 $0x6300, s0;
	s10 =	sor.u32 s7, s30  }
0x5ab: {  	s11 =	sor.u32 s7, s31;
	[tilespmem:s10+$0x0] =	vst.add.f32.msk $0xffff, v4  }
0x5ac: {  	s1 =	sor.u32 s2, s30;
	v4 =	vld [tilespmem:s11+$0x0]  }
0x5ad: {  	s4 =	sor.u32 s2, s31;
	[tilespmem:s1+$0x0] =	vst.add.f32.msk $0xffff, v3  }
0x5ae: {  	v3 =	vld [tilespmem:s4+$0x0]  }
0x5af: {  	s15 =	sor.u32 $0x16300, s0  }
0x5b0: {  	v5 =	vld [tilespmem:s17+$0x0];
	s16 =	sor.u32 $0x6380, s0;
	s17 =	sor.u32 s7, s15  }
0x5b1: {  	s18 =	sor.u32 s7, s16;
	[tilespmem:s17+$0x0] =	vst.add.f32.msk $0xffff, v4  }
0x5b2: {  	s1 =	sor.u32 s2, s15;
	v4 =	vld [tilespmem:s18+$0x0]  }
0x5b3: {  	s4 =	sor.u32 s2, s16;
	[tilespmem:s1+$0x0] =	vst.add.f32.msk $0xffff, v3  }
0x5b4: {  	v3 =	vld [tilespmem:s4+$0x0];
	_ =	sdelay $0x1  }
0x5b5: {  	s19 =	sor.u32 $0x16380, s0;
	[tilespmem:s8+$0x0] =	vst.add.f32.msk $0xffff, v2  }
0x5b6: {  	s22 =	sor.u32 s7, s19;
	[tilespmem:s6+$0x0] =	vst.add.f32.msk $0xffff, v5  }
0x5b7: {  	s0 =	sor.u32 s2, s19;
	[tilespmem:s22+$0x0] =	vst.add.f32.msk $0xffff, v4  }
0x5b8: {  	s23 =	simm.s32 $0x14;
	[tilespmem:s0+$0x0] =	vst.add.f32.msk $0xffff, v3  }
0x5b9: {  	_ =	swait.ge [sflag:s23], $0x400  }
0x5ba: {  	s21 =	sadd.s32 $0x1, s21;
	s30 =	simm.s32 $0xF;
	[sflag:s23] =	ssyncset.done $0x0  }
0x5bb: {  	s25 =	simm.s32 $0x16000;
	s24 =	rddreg [dreg:$0xd];
	[sflag:s23] =	ssyncadd.s32 $0xFFFFFC00  }
0x5bc: {  	[spmem:s24] =	stream.linear.scatter [tilespmem:s25], [sflag:$0x10], $0x2000, $0x38;
	v63 =	vld [tilespmem:$0x0]  }
0x5bd: {  	p0 =	sne.s32 s21, $0x10;
	_ =	swait.ge [sflag:s30], $0x2000  }
.Ltmp8:
0x5be: {  	s31 =	rddreg [dreg:$0x10];
	[sflag:s30] =	ssyncset.done $0x0;
	(pc) =	sbr.rel @p0 .LBB2_2-.Ltmp8, $4  }
0x5bf: {  	s0 =	sadd.s32 s31, s3;
	[sflag:s30] =	ssyncadd.s32 $0xFFFFE000  }
0x5c0: {  	s0 =	sshll.u32 s0, $0x7;
	s1 =	rddreg [dreg:$0x3]  }
0x5c1: {  	s0 =	sadd.s32 s1, s0  }
0x5c2: {  	[hbm:s0], [sflag:s28] =	dma.local [spmem:s26], $0x400  }
0x5c3: {  	s0 =	simm.s32 $0x10  }
0x5c4: {  	_ =	swait.ge [sflag:s0], $0x2000  }
0x5c5: {  	[sflag:s0] =	ssyncset.done $0x0  }
0x5c6: {  	s26 =	simm.s32 $0x11;
	s25 =	rddreg [dreg:$0x12];
	[sflag:s0] =	ssyncadd.s32 $0xFFFFE000  }
0x5c7: {  	[hbm:s25], [sflag:s20] =	dma.local [spmem:s5], $0x400  }
0x5c8: {  	_ =	swait.ge [sflag:s26], $0x400  }
0x5c9: {  	[sflag:s26] =	ssyncset.done $0x0  }
0x5ca: {  	s28 =	simm.s32 $0x12;
	[sflag:s26] =	ssyncadd.s32 $0xFFFFFC00  }
0x5cb: {  	_ =	swait.ge [sflag:s28], $0x400  }
0x5cc: {  	[sflag:s28] =	ssyncset.done $0x0  }
0x5cd: {  	s30 =	simm.s32 $0x13;
	[sflag:s28] =	ssyncadd.s32 $0xFFFFFC00  }
0x5ce: {  	_ =	swait.ge [sflag:s30], $0x400  }
0x5cf: {  	[sflag:s30] =	ssyncset.done $0x0  }
0x5d0: {  	s1 =	simm.s32 $0x14;
	[sflag:s30] =	ssyncadd.s32 $0xFFFFFC00  }
0x5d1: {  	_ =	swait.ge [sflag:s1], $0x400  }
0x5d2: {  	s2 =	rddreg [dreg:$0x16]  }
0x5d3: {  	s31 =	rddreg [dreg:$0x13];
	s2 =	sadd.s32 $0x1, s2  }
0x5d4: {  	p0 =	sne.s32 s2, s31  }
.Ltmp9:
0x5d5: {  	_ = 	snop;
	(pc) =	sbr.rel @p0 .LBB2_1-.Ltmp9, $3  }
0x5d6: {  	_ =	sdelay $0x1  }
0x5d7: {  	[sflag:s1] =	ssyncset.done $0x0  }
0x5d8: {  	[sflag:s1] =	ssyncadd.s32 $0xFFFFFC00  }
0x5d9: {  	_ =	sfence.sel $0x180000  }
0x5da: {  	[bflag:$0x0] =	sbarrier.arrive $0xFFFF  }
0x5db: {  	_ =	strace $0x90000047  }
0x5dc: {  	s0 =	stileid.u32;
	[bflag:$0x2] =	sbarrier.arrive $0xFFFF  }
0x5dd: {  	p0 =	sne.s32 s0, $0x0;
	s0 =	rddreg [dreg:$0x5]  }
0x5de: {  	s0 =	sadd.s32 @!p0 $0x100000, s0  }
0x5df: {  	[sflag:s0] =	ssyncadd.tile.s32 @!p0 $0x1;
	_ =	shalt  }
.Lfunc_end2:
_tile_overlayer_lowered:
.L_overlay_start_2:
0x5e0: {  	(tag) =	ssettag $0x2  }
0x5e1: {  	s0 =	rddreg [dreg:$0x0];
	s2 =	stileid.u32  }
0x5e2: {  	s1 =	rddreg [dreg:$0x1];
	p0 =	sne.s32 s2, $0x0  }
0x5e3: {  	s3 =	rddreg [dreg:$0x2];
	[bflag:$0x3] =	sbarrier.arrive $0xFFFF;
	s2 =	simm.s32 @!p0 $0x1C17  }
0x5e4: {  	[timem:s3], [sflag:s2] =	dma.local @!p0 [hbm:s0], s1  }
0x5e5: {  	s0 =	simm.s32 @!p0 $0x17  }
0x5e6: {  	_ =	swait.ge @!p0 [sflag:s0], s1  }
0x5e7: {  	s1 =	ssub.s32 @!p0 $0x0, s1;
	[sflag:s0] =	ssyncset.done @!p0 $0x0  }
0x5e8: {  	[sflag:s0] =	ssyncadd.s32 @!p0 s1  }
0x5e9: {  	[bflag:$0x3] =	sbarrier.arrive $0xFFFF  }
0x5ea: {  	_ =	shalt  }

</sc_bundles>
